<compile_context>
chip_gen: v7x
topology: tpu7x:2x2x1
jax: 0.10.2.dev20260603
libtpu: 0.0.44.dev20260713+nightly
codegen_flags: <defaults>
</compile_context>

<pallas_src>
import functools

import jax
import jax.numpy as jnp
from jax import lax
from jax.experimental import pallas as pl
from jax.experimental.pallas import tpu as pltpu
from jax.experimental.pallas import tpu_sc as plsc

B = 16384
L = 200
D = 32
NC = 2
NS = 16
NW = NC * NS
ROWS_PER_W = B // NW
G = 8
CHUNKS = ROWS_PER_W // G
IDX_SPLITS = ((0, 104), (104, 96))
INV_L = 1.0 / L

_mesh = plsc.VectorSubcoreMesh(core_axis_name="c", subcore_axis_name="s")


@functools.partial(
    pl.kernel,
    out_type=jax.ShapeDtypeStruct((B, D), jnp.float32),
    mesh=_mesh,
    compiler_params=pltpu.CompilerParams(use_tc_tiling_on_sc=False),
    scratch_types=[
        pltpu.VMEM((2, G, L), jnp.int32),
        pltpu.VMEM((G * L, D), jnp.float32),
        pltpu.VMEM((G * L, D), jnp.float32),
        pltpu.VMEM((G, D), jnp.float32),
        pltpu.SemaphoreType.DMA,
        pltpu.SemaphoreType.DMA,
    ],
)
def _pooled_gather(table_hbm, idx_hbm, out_hbm, idx_v, rows0_v, rows1_v,
                   out_v, sem0, sem1):
    wid = lax.axis_index("s") * NC + lax.axis_index("c")
    row_base = wid * ROWS_PER_W
    rows_bufs = (rows0_v, rows1_v)
    sems = (sem0, sem1)

    def start(c, buf):
        out_base = pl.multiple_of(row_base + c * G, G)
        pltpu.sync_copy(idx_hbm.at[pl.ds(out_base, G)], idx_v.at[buf])
        for g in range(G):
            for off, size in IDX_SPLITS:
                pltpu.async_copy(
                    table_hbm.at[idx_v.at[buf, g, pl.ds(off, size)]],
                    rows_bufs[buf].at[pl.ds(g * L + off, size)],
                    sems[buf],
                )

    def drain(buf):
        pltpu.make_async_copy(
            table_hbm.at[pl.ds(0, G * L)], rows_bufs[buf], sems[buf]
        ).wait()

    def reduce_store(c, buf):
        rows_v = rows_bufs[buf]
        out_base = pl.multiple_of(row_base + c * G, G)
        for g in range(G):
            def red_body(i, accs):
                a0, a1, a2, a3 = accs
                base = g * L + i * 8
                for r in range(0, 8, 2):
                    a0 = a0 + rows_v[base + r, pl.ds(0, 16)]
                    a1 = a1 + rows_v[base + r, pl.ds(16, 16)]
                    a2 = a2 + rows_v[base + r + 1, pl.ds(0, 16)]
                    a3 = a3 + rows_v[base + r + 1, pl.ds(16, 16)]
                return a0, a1, a2, a3

            zero = jnp.zeros((16,), jnp.float32)
            a0, a1, a2, a3 = lax.fori_loop(
                0, L // 8, red_body, (zero, zero, zero, zero))
            out_v[g, pl.ds(0, 16)] = (a0 + a2) * INV_L
            out_v[g, pl.ds(16, 16)] = (a1 + a3) * INV_L
        pltpu.sync_copy(out_v, out_hbm.at[pl.ds(out_base, G)])

    start(0, 0)

    def pair_body(i, _):
        c0 = i * 2
        c1 = c0 + 1
        start(c1, 1)
        drain(0)
        reduce_store(c0, 0)

        @pl.when(c1 + 1 < CHUNKS)
        def _():
            start(c1 + 1, 0)

        drain(1)
        reduce_store(c1, 1)
        return ()

    lax.fori_loop(0, CHUNKS // 2, pair_body, ())


def kernel(state_tensor, table):
    if state_tensor.dtype != jnp.int32:
        state_tensor = state_tensor.astype(jnp.int32)
    return _pooled_gather(table, state_tensor)

# --- scband reference (transcript-rebuilt; emitter-appended) ---
"""Pipeline reference for scband-tensor-logic-engine-47158740910624 (READ-ONLY COPY).

The authoritative reference and input builder live on the scoring server;
editing this copy changes nothing except your own understanding.
"""

import jax, jax.numpy as jnp
import numpy as np

VOCAB = 1000000
DIM = 32
B = 16384
L = 200


def setup_inputs(seed: int = 0) -> dict:
    key = jax.random.key(seed)
    k1, k2 = jax.random.split(key)
    state_tensor = jax.random.randint(k1, (B, L), 0, VOCAB)
    table = jax.random.normal(k2, (VOCAB, DIM), dtype=jnp.float32)
    # padding_idx=0 in nn.Embedding -> row 0 initialized to zeros
    table = table.at[0].set(0.0)
    return {"state_tensor": state_tensor, "table": table}


def reference(state_tensor, table):
    # embedded = self.embeddings(state_tensor)  -> gather rows
    embedded = jnp.take(table, state_tensor, axis=0)  # [B, L, D]
    # state_tensor is 2D so embedded.dim() == 3 -> mean over seq dim
    state_vector = embedded.mean(axis=1)  # [B, D]
    return state_vector

if __name__ == "__main__":
    import jax
    _d = setup_inputs()
    print(jax.jit(kernel)(*tuple(_d.values())))

</pallas_src>

<mosaic_0001>
#map = affine_map<(d0, d1) -> (0, 0)>
module attributes {stable_mosaic.version = 14 : i64} {
  func.func @_pooled_gather(%arg0: i32, %arg1: i32, %arg2: memref<1000000x32xf32, #tpu.memory_space<hbm>>, %arg3: memref<16384x200xi32, #tpu.memory_space<hbm>>, %arg4: memref<16384x32xf32, #tpu.memory_space<hbm>>, %arg5: memref<2x8x200xi32, #tpu.memory_space<vmem>>, %arg6: memref<1600x32xf32, #tpu.memory_space<vmem>>, %arg7: memref<1600x32xf32, #tpu.memory_space<vmem>>, %arg8: memref<8x32xf32, #tpu.memory_space<vmem>>, %arg9: memref<!tpu.dma_semaphore, #tpu.memory_space<semaphore_mem>>, %arg10: memref<!tpu.dma_semaphore, #tpu.memory_space<semaphore_mem>>) attributes {dimension_semantics = [#tpu.dimension_semantics<core_parallel>, #tpu.dimension_semantics<subcore_parallel>], iteration_bounds = array<i64: 2, 16>, scalar_prefetch = 0 : i64, scratch_operands = 6 : i64, tpu.core_type = #tpu.core_type<sc_vector_subcore>, window_params = [{transform_indices = #map}, {transform_indices = #map}, {transform_indices = #map}]} {
    %mul3A = arith.constant 2 : i32
    %mul3A_0 = arith.muli %arg1, %mul3A : i32
    %add3A = arith.addi %mul3A_0, %arg0 : i32
    %mul3A_1 = arith.constant 512 : i32
    %mul3A_2 = arith.muli %add3A, %mul3A_1 : i32
    %add3A_3 = arith.constant 0 : i32
    %add3A_4 = arith.addi %mul3A_2, %add3A_3 : i32
    %multiple_of3A = tpu.assume_multiple %add3A_4, 8 : i32
    %run_scoped3A = arith.constant 0 : i32
    "tpu.region"() ({
      %run_scoped3A_184 = tpu.sem_alloc : memref<!tpu.dma_semaphore, #tpu.memory_space<semaphore_mem>>
      %dma_start3A_185 = arith.constant 0 : i32
      %dma_start3A_186 = arith.constant 0 : i32
      %dma_start3A_187 = tpu.memref_slice %arg5[%run_scoped3A, %dma_start3A_185, %dma_start3A_186] : memref<2x8x200xi32, #tpu.memory_space<vmem>> -> memref<1x8x200xi32, #tpu.memory_space<vmem>>
      %dma_start3A_188 = tpu.memref_squeeze %dma_start3A_187 : memref<1x8x200xi32, #tpu.memory_space<vmem>> -> memref<8x200xi32, #tpu.memory_space<vmem>>
      %dma_start3A_189 = arith.constant 0 : i32
      %dma_start3A_190 = tpu.memref_slice %arg3[%multiple_of3A, %dma_start3A_189] : memref<16384x200xi32, #tpu.memory_space<hbm>> -> memref<8x200xi32, #tpu.memory_space<hbm>>
      %dma_start3A_191 = arith.constant 0 : i32
      %dma_start3A_192 = arith.constant 0 : i32
      %dma_start3A_193 = tpu.memref_slice %arg5[%run_scoped3A, %dma_start3A_191, %dma_start3A_192] : memref<2x8x200xi32, #tpu.memory_space<vmem>> -> memref<1x8x200xi32, #tpu.memory_space<vmem>>
      %dma_start3A_194 = tpu.memref_squeeze %dma_start3A_193 : memref<1x8x200xi32, #tpu.memory_space<vmem>> -> memref<8x200xi32, #tpu.memory_space<vmem>>
      %dma_start3A_195 = arith.constant 0 : i32
      %dma_start3A_196 = tpu.memref_slice %arg3[%multiple_of3A, %dma_start3A_195] : memref<16384x200xi32, #tpu.memory_space<hbm>> -> memref<8x200xi32, #tpu.memory_space<hbm>>
      tpu.enqueue_dma source(%dma_start3A_196 : memref<8x200xi32, #tpu.memory_space<hbm>>) target(%dma_start3A_194 : memref<8x200xi32, #tpu.memory_space<vmem>>) target_semaphore(%run_scoped3A_184 : memref<!tpu.dma_semaphore, #tpu.memory_space<semaphore_mem>>)
      %dma_wait3A = arith.constant 0 : i32
      %dma_wait3A_197 = arith.constant 0 : i32
      %dma_wait3A_198 = tpu.memref_slice %arg5[%run_scoped3A, %dma_wait3A, %dma_wait3A_197] : memref<2x8x200xi32, #tpu.memory_space<vmem>> -> memref<1x8x200xi32, #tpu.memory_space<vmem>>
      %dma_wait3A_199 = tpu.memref_squeeze %dma_wait3A_198 : memref<1x8x200xi32, #tpu.memory_space<vmem>> -> memref<8x200xi32, #tpu.memory_space<vmem>>
      %dma_wait3A_200 = arith.constant 0 : i32
      %dma_wait3A_201 = tpu.memref_slice %arg3[%multiple_of3A, %dma_wait3A_200] : memref<16384x200xi32, #tpu.memory_space<hbm>> -> memref<8x200xi32, #tpu.memory_space<hbm>>
      %dma_wait3A_202 = arith.constant 0 : i32
      %dma_wait3A_203 = arith.constant 0 : i32
      %dma_wait3A_204 = tpu.memref_slice %arg5[%run_scoped3A, %dma_wait3A_202, %dma_wait3A_203] : memref<2x8x200xi32, #tpu.memory_space<vmem>> -> memref<1x8x200xi32, #tpu.memory_space<vmem>>
      %dma_wait3A_205 = tpu.memref_squeeze %dma_wait3A_204 : memref<1x8x200xi32, #tpu.memory_space<vmem>> -> memref<8x200xi32, #tpu.memory_space<vmem>>
      %dma_wait3A_206 = arith.constant 0 : i32
      %dma_wait3A_207 = tpu.memref_slice %arg3[%multiple_of3A, %dma_wait3A_206] : memref<16384x200xi32, #tpu.memory_space<hbm>> -> memref<8x200xi32, #tpu.memory_space<hbm>>
      tpu.wait_dma2 semaphore(%run_scoped3A_184 : memref<!tpu.dma_semaphore, #tpu.memory_space<semaphore_mem>>) src(%dma_wait3A_207 : memref<8x200xi32, #tpu.memory_space<hbm>>) dst(%dma_wait3A_205 : memref<8x200xi32, #tpu.memory_space<vmem>>)
      tpu.yield
    }) : () -> ()
    %dma_start3A = arith.constant 0 : i32
    %dma_start3A_5 = arith.constant 0 : i32
    %dma_start3A_6 = arith.constant 0 : i32
    %dma_start3A_7 = arith.constant 0 : i32
    %dma_start3A_8 = tpu.memref_slice %arg6[%dma_start3A_6, %dma_start3A_7] : memref<1600x32xf32, #tpu.memory_space<vmem>> -> memref<104x32xf32, #tpu.memory_space<vmem>>
    %dma_start3A_9 = arith.constant 0 : i32
    %dma_start3A_10 = tpu.memref_slice %arg5[%dma_start3A, %dma_start3A_5, %dma_start3A_9] : memref<2x8x200xi32, #tpu.memory_space<vmem>> -> memref<1x1x104xi32, #tpu.memory_space<vmem>>
    %dma_start3A_11 = tpu.memref_squeeze %dma_start3A_10 : memref<1x1x104xi32, #tpu.memory_space<vmem>> -> memref<104xi32, #tpu.memory_space<vmem>>
    %dma_start3A_12 = arith.constant 0 : i32
    %dma_start3A_13 = arith.constant 0 : i32
    %dma_start3A_14 = tpu.memref_slice %arg2[%dma_start3A_12, %dma_start3A_13] : memref<1000000x32xf32, #tpu.memory_space<hbm>> -> memref<1000000x32xf32, #tpu.memory_space<hbm>>
    tpu.enqueue_indirect_dma source(%dma_start3A_14 : memref<1000000x32xf32, #tpu.memory_space<hbm>>) target(%dma_start3A_8 : memref<104x32xf32, #tpu.memory_space<vmem>>) offsets(%dma_start3A_11 : memref<104xi32, #tpu.memory_space<vmem>>) semaphore(%arg9 : memref<!tpu.dma_semaphore, #tpu.memory_space<semaphore_mem>>)
    %dma_start3A_15 = arith.constant 0 : i32
    %dma_start3A_16 = arith.constant 0 : i32
    %dma_start3A_17 = arith.constant 104 : i32
    %dma_start3A_18 = arith.constant 0 : i32
    %dma_start3A_19 = tpu.memref_slice %arg6[%dma_start3A_17, %dma_start3A_18] : memref<1600x32xf32, #tpu.memory_space<vmem>> -> memref<96x32xf32, #tpu.memory_space<vmem>>
    %dma_start3A_20 = arith.constant 104 : i32
    %dma_start3A_21 = tpu.memref_slice %arg5[%dma_start3A_15, %dma_start3A_16, %dma_start3A_20] : memref<2x8x200xi32, #tpu.memory_space<vmem>> -> memref<1x1x96xi32, #tpu.memory_space<vmem>>
    %dma_start3A_22 = tpu.memref_squeeze %dma_start3A_21 : memref<1x1x96xi32, #tpu.memory_space<vmem>> -> memref<96xi32, #tpu.memory_space<vmem>>
    %dma_start3A_23 = arith.constant 0 : i32
    %dma_start3A_24 = arith.constant 0 : i32
    %dma_start3A_25 = tpu.memref_slice %arg2[%dma_start3A_23, %dma_start3A_24] : memref<1000000x32xf32, #tpu.memory_space<hbm>> -> memref<1000000x32xf32, #tpu.memory_space<hbm>>
    tpu.enqueue_indirect_dma source(%dma_start3A_25 : memref<1000000x32xf32, #tpu.memory_space<hbm>>) target(%dma_start3A_19 : memref<96x32xf32, #tpu.memory_space<vmem>>) offsets(%dma_start3A_22 : memref<96xi32, #tpu.memory_space<vmem>>) semaphore(%arg9 : memref<!tpu.dma_semaphore, #tpu.memory_space<semaphore_mem>>)
    %dma_start3A_26 = arith.constant 0 : i32
    %dma_start3A_27 = arith.constant 1 : i32
    %dma_start3A_28 = arith.constant 200 : i32
    %dma_start3A_29 = arith.constant 0 : i32
    %dma_start3A_30 = tpu.memref_slice %arg6[%dma_start3A_28, %dma_start3A_29] : memref<1600x32xf32, #tpu.memory_space<vmem>> -> memref<104x32xf32, #tpu.memory_space<vmem>>
    %dma_start3A_31 = arith.constant 0 : i32
    %dma_start3A_32 = tpu.memref_slice %arg5[%dma_start3A_26, %dma_start3A_27, %dma_start3A_31] : memref<2x8x200xi32, #tpu.memory_space<vmem>> -> memref<1x1x104xi32, #tpu.memory_space<vmem>>
    %dma_start3A_33 = tpu.memref_squeeze %dma_start3A_32 : memref<1x1x104xi32, #tpu.memory_space<vmem>> -> memref<104xi32, #tpu.memory_space<vmem>>
    %dma_start3A_34 = arith.constant 0 : i32
    %dma_start3A_35 = arith.constant 0 : i32
    %dma_start3A_36 = tpu.memref_slice %arg2[%dma_start3A_34, %dma_start3A_35] : memref<1000000x32xf32, #tpu.memory_space<hbm>> -> memref<1000000x32xf32, #tpu.memory_space<hbm>>
    tpu.enqueue_indirect_dma source(%dma_start3A_36 : memref<1000000x32xf32, #tpu.memory_space<hbm>>) target(%dma_start3A_30 : memref<104x32xf32, #tpu.memory_space<vmem>>) offsets(%dma_start3A_33 : memref<104xi32, #tpu.memory_space<vmem>>) semaphore(%arg9 : memref<!tpu.dma_semaphore, #tpu.memory_space<semaphore_mem>>)
    %dma_start3A_37 = arith.constant 0 : i32
    %dma_start3A_38 = arith.constant 1 : i32
    %dma_start3A_39 = arith.constant 304 : i32
    %dma_start3A_40 = arith.constant 0 : i32
    %dma_start3A_41 = tpu.memref_slice %arg6[%dma_start3A_39, %dma_start3A_40] : memref<1600x32xf32, #tpu.memory_space<vmem>> -> memref<96x32xf32, #tpu.memory_space<vmem>>
    %dma_start3A_42 = arith.constant 104 : i32
    %dma_start3A_43 = tpu.memref_slice %arg5[%dma_start3A_37, %dma_start3A_38, %dma_start3A_42] : memref<2x8x200xi32, #tpu.memory_space<vmem>> -> memref<1x1x96xi32, #tpu.memory_space<vmem>>
    %dma_start3A_44 = tpu.memref_squeeze %dma_start3A_43 : memref<1x1x96xi32, #tpu.memory_space<vmem>> -> memref<96xi32, #tpu.memory_space<vmem>>
    %dma_start3A_45 = arith.constant 0 : i32
    %dma_start3A_46 = arith.constant 0 : i32
    %dma_start3A_47 = tpu.memref_slice %arg2[%dma_start3A_45, %dma_start3A_46] : memref<1000000x32xf32, #tpu.memory_space<hbm>> -> memref<1000000x32xf32, #tpu.memory_space<hbm>>
    tpu.enqueue_indirect_dma source(%dma_start3A_47 : memref<1000000x32xf32, #tpu.memory_space<hbm>>) target(%dma_start3A_41 : memref<96x32xf32, #tpu.memory_space<vmem>>) offsets(%dma_start3A_44 : memref<96xi32, #tpu.memory_space<vmem>>) semaphore(%arg9 : memref<!tpu.dma_semaphore, #tpu.memory_space<semaphore_mem>>)
    %dma_start3A_48 = arith.constant 0 : i32
    %dma_start3A_49 = arith.constant 2 : i32
    %dma_start3A_50 = arith.constant 400 : i32
    %dma_start3A_51 = arith.constant 0 : i32
    %dma_start3A_52 = tpu.memref_slice %arg6[%dma_start3A_50, %dma_start3A_51] : memref<1600x32xf32, #tpu.memory_space<vmem>> -> memref<104x32xf32, #tpu.memory_space<vmem>>
    %dma_start3A_53 = arith.constant 0 : i32
    %dma_start3A_54 = tpu.memref_slice %arg5[%dma_start3A_48, %dma_start3A_49, %dma_start3A_53] : memref<2x8x200xi32, #tpu.memory_space<vmem>> -> memref<1x1x104xi32, #tpu.memory_space<vmem>>
    %dma_start3A_55 = tpu.memref_squeeze %dma_start3A_54 : memref<1x1x104xi32, #tpu.memory_space<vmem>> -> memref<104xi32, #tpu.memory_space<vmem>>
    %dma_start3A_56 = arith.constant 0 : i32
    %dma_start3A_57 = arith.constant 0 : i32
    %dma_start3A_58 = tpu.memref_slice %arg2[%dma_start3A_56, %dma_start3A_57] : memref<1000000x32xf32, #tpu.memory_space<hbm>> -> memref<1000000x32xf32, #tpu.memory_space<hbm>>
    tpu.enqueue_indirect_dma source(%dma_start3A_58 : memref<1000000x32xf32, #tpu.memory_space<hbm>>) target(%dma_start3A_52 : memref<104x32xf32, #tpu.memory_space<vmem>>) offsets(%dma_start3A_55 : memref<104xi32, #tpu.memory_space<vmem>>) semaphore(%arg9 : memref<!tpu.dma_semaphore, #tpu.memory_space<semaphore_mem>>)
    %dma_start3A_59 = arith.constant 0 : i32
    %dma_start3A_60 = arith.constant 2 : i32
    %dma_start3A_61 = arith.constant 504 : i32
    %dma_start3A_62 = arith.constant 0 : i32
    %dma_start3A_63 = tpu.memref_slice %arg6[%dma_start3A_61, %dma_start3A_62] : memref<1600x32xf32, #tpu.memory_space<vmem>> -> memref<96x32xf32, #tpu.memory_space<vmem>>
    %dma_start3A_64 = arith.constant 104 : i32
    %dma_start3A_65 = tpu.memref_slice %arg5[%dma_start3A_59, %dma_start3A_60, %dma_start3A_64] : memref<2x8x200xi32, #tpu.memory_space<vmem>> -> memref<1x1x96xi32, #tpu.memory_space<vmem>>
    %dma_start3A_66 = tpu.memref_squeeze %dma_start3A_65 : memref<1x1x96xi32, #tpu.memory_space<vmem>> -> memref<96xi32, #tpu.memory_space<vmem>>
    %dma_start3A_67 = arith.constant 0 : i32
    %dma_start3A_68 = arith.constant 0 : i32
    %dma_start3A_69 = tpu.memref_slice %arg2[%dma_start3A_67, %dma_start3A_68] : memref<1000000x32xf32, #tpu.memory_space<hbm>> -> memref<1000000x32xf32, #tpu.memory_space<hbm>>
    tpu.enqueue_indirect_dma source(%dma_start3A_69 : memref<1000000x32xf32, #tpu.memory_space<hbm>>) target(%dma_start3A_63 : memref<96x32xf32, #tpu.memory_space<vmem>>) offsets(%dma_start3A_66 : memref<96xi32, #tpu.memory_space<vmem>>) semaphore(%arg9 : memref<!tpu.dma_semaphore, #tpu.memory_space<semaphore_mem>>)
    %dma_start3A_70 = arith.constant 0 : i32
    %dma_start3A_71 = arith.constant 3 : i32
    %dma_start3A_72 = arith.constant 600 : i32
    %dma_start3A_73 = arith.constant 0 : i32
    %dma_start3A_74 = tpu.memref_slice %arg6[%dma_start3A_72, %dma_start3A_73] : memref<1600x32xf32, #tpu.memory_space<vmem>> -> memref<104x32xf32, #tpu.memory_space<vmem>>
    %dma_start3A_75 = arith.constant 0 : i32
    %dma_start3A_76 = tpu.memref_slice %arg5[%dma_start3A_70, %dma_start3A_71, %dma_start3A_75] : memref<2x8x200xi32, #tpu.memory_space<vmem>> -> memref<1x1x104xi32, #tpu.memory_space<vmem>>
    %dma_start3A_77 = tpu.memref_squeeze %dma_start3A_76 : memref<1x1x104xi32, #tpu.memory_space<vmem>> -> memref<104xi32, #tpu.memory_space<vmem>>
    %dma_start3A_78 = arith.constant 0 : i32
    %dma_start3A_79 = arith.constant 0 : i32
    %dma_start3A_80 = tpu.memref_slice %arg2[%dma_start3A_78, %dma_start3A_79] : memref<1000000x32xf32, #tpu.memory_space<hbm>> -> memref<1000000x32xf32, #tpu.memory_space<hbm>>
    tpu.enqueue_indirect_dma source(%dma_start3A_80 : memref<1000000x32xf32, #tpu.memory_space<hbm>>) target(%dma_start3A_74 : memref<104x32xf32, #tpu.memory_space<vmem>>) offsets(%dma_start3A_77 : memref<104xi32, #tpu.memory_space<vmem>>) semaphore(%arg9 : memref<!tpu.dma_semaphore, #tpu.memory_space<semaphore_mem>>)
    %dma_start3A_81 = arith.constant 0 : i32
    %dma_start3A_82 = arith.constant 3 : i32
    %dma_start3A_83 = arith.constant 704 : i32
    %dma_start3A_84 = arith.constant 0 : i32
    %dma_start3A_85 = tpu.memref_slice %arg6[%dma_start3A_83, %dma_start3A_84] : memref<1600x32xf32, #tpu.memory_space<vmem>> -> memref<96x32xf32, #tpu.memory_space<vmem>>
    %dma_start3A_86 = arith.constant 104 : i32
    %dma_start3A_87 = tpu.memref_slice %arg5[%dma_start3A_81, %dma_start3A_82, %dma_start3A_86] : memref<2x8x200xi32, #tpu.memory_space<vmem>> -> memref<1x1x96xi32, #tpu.memory_space<vmem>>
    %dma_start3A_88 = tpu.memref_squeeze %dma_start3A_87 : memref<1x1x96xi32, #tpu.memory_space<vmem>> -> memref<96xi32, #tpu.memory_space<vmem>>
    %dma_start3A_89 = arith.constant 0 : i32
    %dma_start3A_90 = arith.constant 0 : i32
    %dma_start3A_91 = tpu.memref_slice %arg2[%dma_start3A_89, %dma_start3A_90] : memref<1000000x32xf32, #tpu.memory_space<hbm>> -> memref<1000000x32xf32, #tpu.memory_space<hbm>>
    tpu.enqueue_indirect_dma source(%dma_start3A_91 : memref<1000000x32xf32, #tpu.memory_space<hbm>>) target(%dma_start3A_85 : memref<96x32xf32, #tpu.memory_space<vmem>>) offsets(%dma_start3A_88 : memref<96xi32, #tpu.memory_space<vmem>>) semaphore(%arg9 : memref<!tpu.dma_semaphore, #tpu.memory_space<semaphore_mem>>)
    %dma_start3A_92 = arith.constant 0 : i32
    %dma_start3A_93 = arith.constant 4 : i32
    %dma_start3A_94 = arith.constant 800 : i32
    %dma_start3A_95 = arith.constant 0 : i32
    %dma_start3A_96 = tpu.memref_slice %arg6[%dma_start3A_94, %dma_start3A_95] : memref<1600x32xf32, #tpu.memory_space<vmem>> -> memref<104x32xf32, #tpu.memory_space<vmem>>
    %dma_start3A_97 = arith.constant 0 : i32
    %dma_start3A_98 = tpu.memref_slice %arg5[%dma_start3A_92, %dma_start3A_93, %dma_start3A_97] : memref<2x8x200xi32, #tpu.memory_space<vmem>> -> memref<1x1x104xi32, #tpu.memory_space<vmem>>
    %dma_start3A_99 = tpu.memref_squeeze %dma_start3A_98 : memref<1x1x104xi32, #tpu.memory_space<vmem>> -> memref<104xi32, #tpu.memory_space<vmem>>
    %dma_start3A_100 = arith.constant 0 : i32
    %dma_start3A_101 = arith.constant 0 : i32
    %dma_start3A_102 = tpu.memref_slice %arg2[%dma_start3A_100, %dma_start3A_101] : memref<1000000x32xf32, #tpu.memory_space<hbm>> -> memref<1000000x32xf32, #tpu.memory_space<hbm>>
    tpu.enqueue_indirect_dma source(%dma_start3A_102 : memref<1000000x32xf32, #tpu.memory_space<hbm>>) target(%dma_start3A_96 : memref<104x32xf32, #tpu.memory_space<vmem>>) offsets(%dma_start3A_99 : memref<104xi32, #tpu.memory_space<vmem>>) semaphore(%arg9 : memref<!tpu.dma_semaphore, #tpu.memory_space<semaphore_mem>>)
    %dma_start3A_103 = arith.constant 0 : i32
    %dma_start3A_104 = arith.constant 4 : i32
    %dma_start3A_105 = arith.constant 904 : i32
    %dma_start3A_106 = arith.constant 0 : i32
    %dma_start3A_107 = tpu.memref_slice %arg6[%dma_start3A_105, %dma_start3A_106] : memref<1600x32xf32, #tpu.memory_space<vmem>> -> memref<96x32xf32, #tpu.memory_space<vmem>>
    %dma_start3A_108 = arith.constant 104 : i32
    %dma_start3A_109 = tpu.memref_slice %arg5[%dma_start3A_103, %dma_start3A_104, %dma_start3A_108] : memref<2x8x200xi32, #tpu.memory_space<vmem>> -> memref<1x1x96xi32, #tpu.memory_space<vmem>>
    %dma_start3A_110 = tpu.memref_squeeze %dma_start3A_109 : memref<1x1x96xi32, #tpu.memory_space<vmem>> -> memref<96xi32, #tpu.memory_space<vmem>>
    %dma_start3A_111 = arith.constant 0 : i32
    %dma_start3A_112 = arith.constant 0 : i32
    %dma_start3A_113 = tpu.memref_slice %arg2[%dma_start3A_111, %dma_start3A_112] : memref<1000000x32xf32, #tpu.memory_space<hbm>> -> memref<1000000x32xf32, #tpu.memory_space<hbm>>
    tpu.enqueue_indirect_dma source(%dma_start3A_113 : memref<1000000x32xf32, #tpu.memory_space<hbm>>) target(%dma_start3A_107 : memref<96x32xf32, #tpu.memory_space<vmem>>) offsets(%dma_start3A_110 : memref<96xi32, #tpu.memory_space<vmem>>) semaphore(%arg9 : memref<!tpu.dma_semaphore, #tpu.memory_space<semaphore_mem>>)
    %dma_start3A_114 = arith.constant 0 : i32
    %dma_start3A_115 = arith.constant 5 : i32
    %dma_start3A_116 = arith.constant 1000 : i32
    %dma_start3A_117 = arith.constant 0 : i32
    %dma_start3A_118 = tpu.memref_slice %arg6[%dma_start3A_116, %dma_start3A_117] : memref<1600x32xf32, #tpu.memory_space<vmem>> -> memref<104x32xf32, #tpu.memory_space<vmem>>
    %dma_start3A_119 = arith.constant 0 : i32
    %dma_start3A_120 = tpu.memref_slice %arg5[%dma_start3A_114, %dma_start3A_115, %dma_start3A_119] : memref<2x8x200xi32, #tpu.memory_space<vmem>> -> memref<1x1x104xi32, #tpu.memory_space<vmem>>
    %dma_start3A_121 = tpu.memref_squeeze %dma_start3A_120 : memref<1x1x104xi32, #tpu.memory_space<vmem>> -> memref<104xi32, #tpu.memory_space<vmem>>
    %dma_start3A_122 = arith.constant 0 : i32
    %dma_start3A_123 = arith.constant 0 : i32
    %dma_start3A_124 = tpu.memref_slice %arg2[%dma_start3A_122, %dma_start3A_123] : memref<1000000x32xf32, #tpu.memory_space<hbm>> -> memref<1000000x32xf32, #tpu.memory_space<hbm>>
    tpu.enqueue_indirect_dma source(%dma_start3A_124 : memref<1000000x32xf32, #tpu.memory_space<hbm>>) target(%dma_start3A_118 : memref<104x32xf32, #tpu.memory_space<vmem>>) offsets(%dma_start3A_121 : memref<104xi32, #tpu.memory_space<vmem>>) semaphore(%arg9 : memref<!tpu.dma_semaphore, #tpu.memory_space<semaphore_mem>>)
    %dma_start3A_125 = arith.constant 0 : i32
    %dma_start3A_126 = arith.constant 5 : i32
    %dma_start3A_127 = arith.constant 1104 : i32
    %dma_start3A_128 = arith.constant 0 : i32
    %dma_start3A_129 = tpu.memref_slice %arg6[%dma_start3A_127, %dma_start3A_128] : memref<1600x32xf32, #tpu.memory_space<vmem>> -> memref<96x32xf32, #tpu.memory_space<vmem>>
    %dma_start3A_130 = arith.constant 104 : i32
    %dma_start3A_131 = tpu.memref_slice %arg5[%dma_start3A_125, %dma_start3A_126, %dma_start3A_130] : memref<2x8x200xi32, #tpu.memory_space<vmem>> -> memref<1x1x96xi32, #tpu.memory_space<vmem>>
    %dma_start3A_132 = tpu.memref_squeeze %dma_start3A_131 : memref<1x1x96xi32, #tpu.memory_space<vmem>> -> memref<96xi32, #tpu.memory_space<vmem>>
    %dma_start3A_133 = arith.constant 0 : i32
    %dma_start3A_134 = arith.constant 0 : i32
    %dma_start3A_135 = tpu.memref_slice %arg2[%dma_start3A_133, %dma_start3A_134] : memref<1000000x32xf32, #tpu.memory_space<hbm>> -> memref<1000000x32xf32, #tpu.memory_space<hbm>>
    tpu.enqueue_indirect_dma source(%dma_start3A_135 : memref<1000000x32xf32, #tpu.memory_space<hbm>>) target(%dma_start3A_129 : memref<96x32xf32, #tpu.memory_space<vmem>>) offsets(%dma_start3A_132 : memref<96xi32, #tpu.memory_space<vmem>>) semaphore(%arg9 : memref<!tpu.dma_semaphore, #tpu.memory_space<semaphore_mem>>)
    %dma_start3A_136 = arith.constant 0 : i32
    %dma_start3A_137 = arith.constant 6 : i32
    %dma_start3A_138 = arith.constant 1200 : i32
    %dma_start3A_139 = arith.constant 0 : i32
    %dma_start3A_140 = tpu.memref_slice %arg6[%dma_start3A_138, %dma_start3A_139] : memref<1600x32xf32, #tpu.memory_space<vmem>> -> memref<104x32xf32, #tpu.memory_space<vmem>>
    %dma_start3A_141 = arith.constant 0 : i32
    %dma_start3A_142 = tpu.memref_slice %arg5[%dma_start3A_136, %dma_start3A_137, %dma_start3A_141] : memref<2x8x200xi32, #tpu.memory_space<vmem>> -> memref<1x1x104xi32, #tpu.memory_space<vmem>>
    %dma_start3A_143 = tpu.memref_squeeze %dma_start3A_142 : memref<1x1x104xi32, #tpu.memory_space<vmem>> -> memref<104xi32, #tpu.memory_space<vmem>>
    %dma_start3A_144 = arith.constant 0 : i32
    %dma_start3A_145 = arith.constant 0 : i32
    %dma_start3A_146 = tpu.memref_slice %arg2[%dma_start3A_144, %dma_start3A_145] : memref<1000000x32xf32, #tpu.memory_space<hbm>> -> memref<1000000x32xf32, #tpu.memory_space<hbm>>
    tpu.enqueue_indirect_dma source(%dma_start3A_146 : memref<1000000x32xf32, #tpu.memory_space<hbm>>) target(%dma_start3A_140 : memref<104x32xf32, #tpu.memory_space<vmem>>) offsets(%dma_start3A_143 : memref<104xi32, #tpu.memory_space<vmem>>) semaphore(%arg9 : memref<!tpu.dma_semaphore, #tpu.memory_space<semaphore_mem>>)
    %dma_start3A_147 = arith.constant 0 : i32
    %dma_start3A_148 = arith.constant 6 : i32
    %dma_start3A_149 = arith.constant 1304 : i32
    %dma_start3A_150 = arith.constant 0 : i32
    %dma_start3A_151 = tpu.memref_slice %arg6[%dma_start3A_149, %dma_start3A_150] : memref<1600x32xf32, #tpu.memory_space<vmem>> -> memref<96x32xf32, #tpu.memory_space<vmem>>
    %dma_start3A_152 = arith.constant 104 : i32
    %dma_start3A_153 = tpu.memref_slice %arg5[%dma_start3A_147, %dma_start3A_148, %dma_start3A_152] : memref<2x8x200xi32, #tpu.memory_space<vmem>> -> memref<1x1x96xi32, #tpu.memory_space<vmem>>
    %dma_start3A_154 = tpu.memref_squeeze %dma_start3A_153 : memref<1x1x96xi32, #tpu.memory_space<vmem>> -> memref<96xi32, #tpu.memory_space<vmem>>
    %dma_start3A_155 = arith.constant 0 : i32
    %dma_start3A_156 = arith.constant 0 : i32
    %dma_start3A_157 = tpu.memref_slice %arg2[%dma_start3A_155, %dma_start3A_156] : memref<1000000x32xf32, #tpu.memory_space<hbm>> -> memref<1000000x32xf32, #tpu.memory_space<hbm>>
    tpu.enqueue_indirect_dma source(%dma_start3A_157 : memref<1000000x32xf32, #tpu.memory_space<hbm>>) target(%dma_start3A_151 : memref<96x32xf32, #tpu.memory_space<vmem>>) offsets(%dma_start3A_154 : memref<96xi32, #tpu.memory_space<vmem>>) semaphore(%arg9 : memref<!tpu.dma_semaphore, #tpu.memory_space<semaphore_mem>>)
    %dma_start3A_158 = arith.constant 0 : i32
    %dma_start3A_159 = arith.constant 7 : i32
    %dma_start3A_160 = arith.constant 1400 : i32
    %dma_start3A_161 = arith.constant 0 : i32
    %dma_start3A_162 = tpu.memref_slice %arg6[%dma_start3A_160, %dma_start3A_161] : memref<1600x32xf32, #tpu.memory_space<vmem>> -> memref<104x32xf32, #tpu.memory_space<vmem>>
    %dma_start3A_163 = arith.constant 0 : i32
    %dma_start3A_164 = tpu.memref_slice %arg5[%dma_start3A_158, %dma_start3A_159, %dma_start3A_163] : memref<2x8x200xi32, #tpu.memory_space<vmem>> -> memref<1x1x104xi32, #tpu.memory_space<vmem>>
    %dma_start3A_165 = tpu.memref_squeeze %dma_start3A_164 : memref<1x1x104xi32, #tpu.memory_space<vmem>> -> memref<104xi32, #tpu.memory_space<vmem>>
    %dma_start3A_166 = arith.constant 0 : i32
    %dma_start3A_167 = arith.constant 0 : i32
    %dma_start3A_168 = tpu.memref_slice %arg2[%dma_start3A_166, %dma_start3A_167] : memref<1000000x32xf32, #tpu.memory_space<hbm>> -> memref<1000000x32xf32, #tpu.memory_space<hbm>>
    tpu.enqueue_indirect_dma source(%dma_start3A_168 : memref<1000000x32xf32, #tpu.memory_space<hbm>>) target(%dma_start3A_162 : memref<104x32xf32, #tpu.memory_space<vmem>>) offsets(%dma_start3A_165 : memref<104xi32, #tpu.memory_space<vmem>>) semaphore(%arg9 : memref<!tpu.dma_semaphore, #tpu.memory_space<semaphore_mem>>)
    %dma_start3A_169 = arith.constant 0 : i32
    %dma_start3A_170 = arith.constant 7 : i32
    %dma_start3A_171 = arith.constant 1504 : i32
    %dma_start3A_172 = arith.constant 0 : i32
    %dma_start3A_173 = tpu.memref_slice %arg6[%dma_start3A_171, %dma_start3A_172] : memref<1600x32xf32, #tpu.memory_space<vmem>> -> memref<96x32xf32, #tpu.memory_space<vmem>>
    %dma_start3A_174 = arith.constant 104 : i32
    %dma_start3A_175 = tpu.memref_slice %arg5[%dma_start3A_169, %dma_start3A_170, %dma_start3A_174] : memref<2x8x200xi32, #tpu.memory_space<vmem>> -> memref<1x1x96xi32, #tpu.memory_space<vmem>>
    %dma_start3A_176 = tpu.memref_squeeze %dma_start3A_175 : memref<1x1x96xi32, #tpu.memory_space<vmem>> -> memref<96xi32, #tpu.memory_space<vmem>>
    %dma_start3A_177 = arith.constant 0 : i32
    %dma_start3A_178 = arith.constant 0 : i32
    %dma_start3A_179 = tpu.memref_slice %arg2[%dma_start3A_177, %dma_start3A_178] : memref<1000000x32xf32, #tpu.memory_space<hbm>> -> memref<1000000x32xf32, #tpu.memory_space<hbm>>
    tpu.enqueue_indirect_dma source(%dma_start3A_179 : memref<1000000x32xf32, #tpu.memory_space<hbm>>) target(%dma_start3A_173 : memref<96x32xf32, #tpu.memory_space<vmem>>) offsets(%dma_start3A_176 : memref<96xi32, #tpu.memory_space<vmem>>) semaphore(%arg9 : memref<!tpu.dma_semaphore, #tpu.memory_space<semaphore_mem>>)
    %scan3A = arith.constant 0 : i32
    %scan3A_180 = arith.constant 32 : i32
    %scan3A_181 = arith.addi %scan3A, %scan3A_180 : i32
    %scan3A_182 = arith.constant 1 : i32
    scf.for %scan3A_184 = %scan3A to %scan3A_181 step %scan3A_182  : i32 {
      %mul3A_185 = arith.constant 2 : i32
      %mul3A_186 = arith.muli %scan3A_184, %mul3A_185 : i32
      %add3A_187 = arith.constant 1 : i32
      %add3A_188 = arith.addi %mul3A_186, %add3A_187 : i32
      %mul3A_189 = arith.constant 8 : i32
      %mul3A_190 = arith.muli %add3A_188, %mul3A_189 : i32
      %add3A_191 = arith.addi %mul3A_2, %mul3A_190 : i32
      %multiple_of3A_192 = tpu.assume_multiple %add3A_191, 8 : i32
      %run_scoped3A_193 = arith.constant 1 : i32
      "tpu.region"() ({
        %run_scoped3A_839 = tpu.sem_alloc : memref<!tpu.dma_semaphore, #tpu.memory_space<semaphore_mem>>
        %dma_start3A_840 = arith.constant 0 : i32
        %dma_start3A_841 = arith.constant 0 : i32
        %dma_start3A_842 = tpu.memref_slice %arg5[%run_scoped3A_193, %dma_start3A_840, %dma_start3A_841] : memref<2x8x200xi32, #tpu.memory_space<vmem>> -> memref<1x8x200xi32, #tpu.memory_space<vmem>>
        %dma_start3A_843 = tpu.memref_squeeze %dma_start3A_842 : memref<1x8x200xi32, #tpu.memory_space<vmem>> -> memref<8x200xi32, #tpu.memory_space<vmem>>
        %dma_start3A_844 = arith.constant 0 : i32
        %dma_start3A_845 = tpu.memref_slice %arg3[%multiple_of3A_192, %dma_start3A_844] : memref<16384x200xi32, #tpu.memory_space<hbm>> -> memref<8x200xi32, #tpu.memory_space<hbm>>
        %dma_start3A_846 = arith.constant 0 : i32
        %dma_start3A_847 = arith.constant 0 : i32
        %dma_start3A_848 = tpu.memref_slice %arg5[%run_scoped3A_193, %dma_start3A_846, %dma_start3A_847] : memref<2x8x200xi32, #tpu.memory_space<vmem>> -> memref<1x8x200xi32, #tpu.memory_space<vmem>>
        %dma_start3A_849 = tpu.memref_squeeze %dma_start3A_848 : memref<1x8x200xi32, #tpu.memory_space<vmem>> -> memref<8x200xi32, #tpu.memory_space<vmem>>
        %dma_start3A_850 = arith.constant 0 : i32
        %dma_start3A_851 = tpu.memref_slice %arg3[%multiple_of3A_192, %dma_start3A_850] : memref<16384x200xi32, #tpu.memory_space<hbm>> -> memref<8x200xi32, #tpu.memory_space<hbm>>
        tpu.enqueue_dma source(%dma_start3A_851 : memref<8x200xi32, #tpu.memory_space<hbm>>) target(%dma_start3A_849 : memref<8x200xi32, #tpu.memory_space<vmem>>) target_semaphore(%run_scoped3A_839 : memref<!tpu.dma_semaphore, #tpu.memory_space<semaphore_mem>>)
        %dma_wait3A_852 = arith.constant 0 : i32
        %dma_wait3A_853 = arith.constant 0 : i32
        %dma_wait3A_854 = tpu.memref_slice %arg5[%run_scoped3A_193, %dma_wait3A_852, %dma_wait3A_853] : memref<2x8x200xi32, #tpu.memory_space<vmem>> -> memref<1x8x200xi32, #tpu.memory_space<vmem>>
        %dma_wait3A_855 = tpu.memref_squeeze %dma_wait3A_854 : memref<1x8x200xi32, #tpu.memory_space<vmem>> -> memref<8x200xi32, #tpu.memory_space<vmem>>
        %dma_wait3A_856 = arith.constant 0 : i32
        %dma_wait3A_857 = tpu.memref_slice %arg3[%multiple_of3A_192, %dma_wait3A_856] : memref<16384x200xi32, #tpu.memory_space<hbm>> -> memref<8x200xi32, #tpu.memory_space<hbm>>
        %dma_wait3A_858 = arith.constant 0 : i32
        %dma_wait3A_859 = arith.constant 0 : i32
        %dma_wait3A_860 = tpu.memref_slice %arg5[%run_scoped3A_193, %dma_wait3A_858, %dma_wait3A_859] : memref<2x8x200xi32, #tpu.memory_space<vmem>> -> memref<1x8x200xi32, #tpu.memory_space<vmem>>
        %dma_wait3A_861 = tpu.memref_squeeze %dma_wait3A_860 : memref<1x8x200xi32, #tpu.memory_space<vmem>> -> memref<8x200xi32, #tpu.memory_space<vmem>>
        %dma_wait3A_862 = arith.constant 0 : i32
        %dma_wait3A_863 = tpu.memref_slice %arg3[%multiple_of3A_192, %dma_wait3A_862] : memref<16384x200xi32, #tpu.memory_space<hbm>> -> memref<8x200xi32, #tpu.memory_space<hbm>>
        tpu.wait_dma2 semaphore(%run_scoped3A_839 : memref<!tpu.dma_semaphore, #tpu.memory_space<semaphore_mem>>) src(%dma_wait3A_863 : memref<8x200xi32, #tpu.memory_space<hbm>>) dst(%dma_wait3A_861 : memref<8x200xi32, #tpu.memory_space<vmem>>)
        tpu.yield
      }) : () -> ()
      %dma_start3A_194 = arith.constant 1 : i32
      %dma_start3A_195 = arith.constant 0 : i32
      %dma_start3A_196 = arith.constant 0 : i32
      %dma_start3A_197 = arith.constant 0 : i32
      %dma_start3A_198 = tpu.memref_slice %arg7[%dma_start3A_196, %dma_start3A_197] : memref<1600x32xf32, #tpu.memory_space<vmem>> -> memref<104x32xf32, #tpu.memory_space<vmem>>
      %dma_start3A_199 = arith.constant 0 : i32
      %dma_start3A_200 = tpu.memref_slice %arg5[%dma_start3A_194, %dma_start3A_195, %dma_start3A_199] : memref<2x8x200xi32, #tpu.memory_space<vmem>> -> memref<1x1x104xi32, #tpu.memory_space<vmem>>
      %dma_start3A_201 = tpu.memref_squeeze %dma_start3A_200 : memref<1x1x104xi32, #tpu.memory_space<vmem>> -> memref<104xi32, #tpu.memory_space<vmem>>
      %dma_start3A_202 = arith.constant 0 : i32
      %dma_start3A_203 = arith.constant 0 : i32
      %dma_start3A_204 = tpu.memref_slice %arg2[%dma_start3A_202, %dma_start3A_203] : memref<1000000x32xf32, #tpu.memory_space<hbm>> -> memref<1000000x32xf32, #tpu.memory_space<hbm>>
      tpu.enqueue_indirect_dma source(%dma_start3A_204 : memref<1000000x32xf32, #tpu.memory_space<hbm>>) target(%dma_start3A_198 : memref<104x32xf32, #tpu.memory_space<vmem>>) offsets(%dma_start3A_201 : memref<104xi32, #tpu.memory_space<vmem>>) semaphore(%arg10 : memref<!tpu.dma_semaphore, #tpu.memory_space<semaphore_mem>>)
      %dma_start3A_205 = arith.constant 1 : i32
      %dma_start3A_206 = arith.constant 0 : i32
      %dma_start3A_207 = arith.constant 104 : i32
      %dma_start3A_208 = arith.constant 0 : i32
      %dma_start3A_209 = tpu.memref_slice %arg7[%dma_start3A_207, %dma_start3A_208] : memref<1600x32xf32, #tpu.memory_space<vmem>> -> memref<96x32xf32, #tpu.memory_space<vmem>>
      %dma_start3A_210 = arith.constant 104 : i32
      %dma_start3A_211 = tpu.memref_slice %arg5[%dma_start3A_205, %dma_start3A_206, %dma_start3A_210] : memref<2x8x200xi32, #tpu.memory_space<vmem>> -> memref<1x1x96xi32, #tpu.memory_space<vmem>>
      %dma_start3A_212 = tpu.memref_squeeze %dma_start3A_211 : memref<1x1x96xi32, #tpu.memory_space<vmem>> -> memref<96xi32, #tpu.memory_space<vmem>>
      %dma_start3A_213 = arith.constant 0 : i32
      %dma_start3A_214 = arith.constant 0 : i32
      %dma_start3A_215 = tpu.memref_slice %arg2[%dma_start3A_213, %dma_start3A_214] : memref<1000000x32xf32, #tpu.memory_space<hbm>> -> memref<1000000x32xf32, #tpu.memory_space<hbm>>
      tpu.enqueue_indirect_dma source(%dma_start3A_215 : memref<1000000x32xf32, #tpu.memory_space<hbm>>) target(%dma_start3A_209 : memref<96x32xf32, #tpu.memory_space<vmem>>) offsets(%dma_start3A_212 : memref<96xi32, #tpu.memory_space<vmem>>) semaphore(%arg10 : memref<!tpu.dma_semaphore, #tpu.memory_space<semaphore_mem>>)
      %dma_start3A_216 = arith.constant 1 : i32
      %dma_start3A_217 = arith.constant 1 : i32
      %dma_start3A_218 = arith.constant 200 : i32
      %dma_start3A_219 = arith.constant 0 : i32
      %dma_start3A_220 = tpu.memref_slice %arg7[%dma_start3A_218, %dma_start3A_219] : memref<1600x32xf32, #tpu.memory_space<vmem>> -> memref<104x32xf32, #tpu.memory_space<vmem>>
      %dma_start3A_221 = arith.constant 0 : i32
      %dma_start3A_222 = tpu.memref_slice %arg5[%dma_start3A_216, %dma_start3A_217, %dma_start3A_221] : memref<2x8x200xi32, #tpu.memory_space<vmem>> -> memref<1x1x104xi32, #tpu.memory_space<vmem>>
      %dma_start3A_223 = tpu.memref_squeeze %dma_start3A_222 : memref<1x1x104xi32, #tpu.memory_space<vmem>> -> memref<104xi32, #tpu.memory_space<vmem>>
      %dma_start3A_224 = arith.constant 0 : i32
      %dma_start3A_225 = arith.constant 0 : i32
      %dma_start3A_226 = tpu.memref_slice %arg2[%dma_start3A_224, %dma_start3A_225] : memref<1000000x32xf32, #tpu.memory_space<hbm>> -> memref<1000000x32xf32, #tpu.memory_space<hbm>>
      tpu.enqueue_indirect_dma source(%dma_start3A_226 : memref<1000000x32xf32, #tpu.memory_space<hbm>>) target(%dma_start3A_220 : memref<104x32xf32, #tpu.memory_space<vmem>>) offsets(%dma_start3A_223 : memref<104xi32, #tpu.memory_space<vmem>>) semaphore(%arg10 : memref<!tpu.dma_semaphore, #tpu.memory_space<semaphore_mem>>)
      %dma_start3A_227 = arith.constant 1 : i32
      %dma_start3A_228 = arith.constant 1 : i32
      %dma_start3A_229 = arith.constant 304 : i32
      %dma_start3A_230 = arith.constant 0 : i32
      %dma_start3A_231 = tpu.memref_slice %arg7[%dma_start3A_229, %dma_start3A_230] : memref<1600x32xf32, #tpu.memory_space<vmem>> -> memref<96x32xf32, #tpu.memory_space<vmem>>
      %dma_start3A_232 = arith.constant 104 : i32
      %dma_start3A_233 = tpu.memref_slice %arg5[%dma_start3A_227, %dma_start3A_228, %dma_start3A_232] : memref<2x8x200xi32, #tpu.memory_space<vmem>> -> memref<1x1x96xi32, #tpu.memory_space<vmem>>
      %dma_start3A_234 = tpu.memref_squeeze %dma_start3A_233 : memref<1x1x96xi32, #tpu.memory_space<vmem>> -> memref<96xi32, #tpu.memory_space<vmem>>
      %dma_start3A_235 = arith.constant 0 : i32
      %dma_start3A_236 = arith.constant 0 : i32
      %dma_start3A_237 = tpu.memref_slice %arg2[%dma_start3A_235, %dma_start3A_236] : memref<1000000x32xf32, #tpu.memory_space<hbm>> -> memref<1000000x32xf32, #tpu.memory_space<hbm>>
      tpu.enqueue_indirect_dma source(%dma_start3A_237 : memref<1000000x32xf32, #tpu.memory_space<hbm>>) target(%dma_start3A_231 : memref<96x32xf32, #tpu.memory_space<vmem>>) offsets(%dma_start3A_234 : memref<96xi32, #tpu.memory_space<vmem>>) semaphore(%arg10 : memref<!tpu.dma_semaphore, #tpu.memory_space<semaphore_mem>>)
      %dma_start3A_238 = arith.constant 1 : i32
      %dma_start3A_239 = arith.constant 2 : i32
      %dma_start3A_240 = arith.constant 400 : i32
      %dma_start3A_241 = arith.constant 0 : i32
      %dma_start3A_242 = tpu.memref_slice %arg7[%dma_start3A_240, %dma_start3A_241] : memref<1600x32xf32, #tpu.memory_space<vmem>> -> memref<104x32xf32, #tpu.memory_space<vmem>>
      %dma_start3A_243 = arith.constant 0 : i32
      %dma_start3A_244 = tpu.memref_slice %arg5[%dma_start3A_238, %dma_start3A_239, %dma_start3A_243] : memref<2x8x200xi32, #tpu.memory_space<vmem>> -> memref<1x1x104xi32, #tpu.memory_space<vmem>>
      %dma_start3A_245 = tpu.memref_squeeze %dma_start3A_244 : memref<1x1x104xi32, #tpu.memory_space<vmem>> -> memref<104xi32, #tpu.memory_space<vmem>>
      %dma_start3A_246 = arith.constant 0 : i32
      %dma_start3A_247 = arith.constant 0 : i32
      %dma_start3A_248 = tpu.memref_slice %arg2[%dma_start3A_246, %dma_start3A_247] : memref<1000000x32xf32, #tpu.memory_space<hbm>> -> memref<1000000x32xf32, #tpu.memory_space<hbm>>
      tpu.enqueue_indirect_dma source(%dma_start3A_248 : memref<1000000x32xf32, #tpu.memory_space<hbm>>) target(%dma_start3A_242 : memref<104x32xf32, #tpu.memory_space<vmem>>) offsets(%dma_start3A_245 : memref<104xi32, #tpu.memory_space<vmem>>) semaphore(%arg10 : memref<!tpu.dma_semaphore, #tpu.memory_space<semaphore_mem>>)
      %dma_start3A_249 = arith.constant 1 : i32
      %dma_start3A_250 = arith.constant 2 : i32
      %dma_start3A_251 = arith.constant 504 : i32
      %dma_start3A_252 = arith.constant 0 : i32
      %dma_start3A_253 = tpu.memref_slice %arg7[%dma_start3A_251, %dma_start3A_252] : memref<1600x32xf32, #tpu.memory_space<vmem>> -> memref<96x32xf32, #tpu.memory_space<vmem>>
      %dma_start3A_254 = arith.constant 104 : i32
      %dma_start3A_255 = tpu.memref_slice %arg5[%dma_start3A_249, %dma_start3A_250, %dma_start3A_254] : memref<2x8x200xi32, #tpu.memory_space<vmem>> -> memref<1x1x96xi32, #tpu.memory_space<vmem>>
      %dma_start3A_256 = tpu.memref_squeeze %dma_start3A_255 : memref<1x1x96xi32, #tpu.memory_space<vmem>> -> memref<96xi32, #tpu.memory_space<vmem>>
      %dma_start3A_257 = arith.constant 0 : i32
      %dma_start3A_258 = arith.constant 0 : i32
      %dma_start3A_259 = tpu.memref_slice %arg2[%dma_start3A_257, %dma_start3A_258] : memref<1000000x32xf32, #tpu.memory_space<hbm>> -> memref<1000000x32xf32, #tpu.memory_space<hbm>>
      tpu.enqueue_indirect_dma source(%dma_start3A_259 : memref<1000000x32xf32, #tpu.memory_space<hbm>>) target(%dma_start3A_253 : memref<96x32xf32, #tpu.memory_space<vmem>>) offsets(%dma_start3A_256 : memref<96xi32, #tpu.memory_space<vmem>>) semaphore(%arg10 : memref<!tpu.dma_semaphore, #tpu.memory_space<semaphore_mem>>)
      %dma_start3A_260 = arith.constant 1 : i32
      %dma_start3A_261 = arith.constant 3 : i32
      %dma_start3A_262 = arith.constant 600 : i32
      %dma_start3A_263 = arith.constant 0 : i32
      %dma_start3A_264 = tpu.memref_slice %arg7[%dma_start3A_262, %dma_start3A_263] : memref<1600x32xf32, #tpu.memory_space<vmem>> -> memref<104x32xf32, #tpu.memory_space<vmem>>
      %dma_start3A_265 = arith.constant 0 : i32
      %dma_start3A_266 = tpu.memref_slice %arg5[%dma_start3A_260, %dma_start3A_261, %dma_start3A_265] : memref<2x8x200xi32, #tpu.memory_space<vmem>> -> memref<1x1x104xi32, #tpu.memory_space<vmem>>
      %dma_start3A_267 = tpu.memref_squeeze %dma_start3A_266 : memref<1x1x104xi32, #tpu.memory_space<vmem>> -> memref<104xi32, #tpu.memory_space<vmem>>
      %dma_start3A_268 = arith.constant 0 : i32
      %dma_start3A_269 = arith.constant 0 : i32
      %dma_start3A_270 = tpu.memref_slice %arg2[%dma_start3A_268, %dma_start3A_269] : memref<1000000x32xf32, #tpu.memory_space<hbm>> -> memref<1000000x32xf32, #tpu.memory_space<hbm>>
      tpu.enqueue_indirect_dma source(%dma_start3A_270 : memref<1000000x32xf32, #tpu.memory_space<hbm>>) target(%dma_start3A_264 : memref<104x32xf32, #tpu.memory_space<vmem>>) offsets(%dma_start3A_267 : memref<104xi32, #tpu.memory_space<vmem>>) semaphore(%arg10 : memref<!tpu.dma_semaphore, #tpu.memory_space<semaphore_mem>>)
      %dma_start3A_271 = arith.constant 1 : i32
      %dma_start3A_272 = arith.constant 3 : i32
      %dma_start3A_273 = arith.constant 704 : i32
      %dma_start3A_274 = arith.constant 0 : i32
      %dma_start3A_275 = tpu.memref_slice %arg7[%dma_start3A_273, %dma_start3A_274] : memref<1600x32xf32, #tpu.memory_space<vmem>> -> memref<96x32xf32, #tpu.memory_space<vmem>>
      %dma_start3A_276 = arith.constant 104 : i32
      %dma_start3A_277 = tpu.memref_slice %arg5[%dma_start3A_271, %dma_start3A_272, %dma_start3A_276] : memref<2x8x200xi32, #tpu.memory_space<vmem>> -> memref<1x1x96xi32, #tpu.memory_space<vmem>>
      %dma_start3A_278 = tpu.memref_squeeze %dma_start3A_277 : memref<1x1x96xi32, #tpu.memory_space<vmem>> -> memref<96xi32, #tpu.memory_space<vmem>>
      %dma_start3A_279 = arith.constant 0 : i32
      %dma_start3A_280 = arith.constant 0 : i32
      %dma_start3A_281 = tpu.memref_slice %arg2[%dma_start3A_279, %dma_start3A_280] : memref<1000000x32xf32, #tpu.memory_space<hbm>> -> memref<1000000x32xf32, #tpu.memory_space<hbm>>
      tpu.enqueue_indirect_dma source(%dma_start3A_281 : memref<1000000x32xf32, #tpu.memory_space<hbm>>) target(%dma_start3A_275 : memref<96x32xf32, #tpu.memory_space<vmem>>) offsets(%dma_start3A_278 : memref<96xi32, #tpu.memory_space<vmem>>) semaphore(%arg10 : memref<!tpu.dma_semaphore, #tpu.memory_space<semaphore_mem>>)
      %dma_start3A_282 = arith.constant 1 : i32
      %dma_start3A_283 = arith.constant 4 : i32
      %dma_start3A_284 = arith.constant 800 : i32
      %dma_start3A_285 = arith.constant 0 : i32
      %dma_start3A_286 = tpu.memref_slice %arg7[%dma_start3A_284, %dma_start3A_285] : memref<1600x32xf32, #tpu.memory_space<vmem>> -> memref<104x32xf32, #tpu.memory_space<vmem>>
      %dma_start3A_287 = arith.constant 0 : i32
      %dma_start3A_288 = tpu.memref_slice %arg5[%dma_start3A_282, %dma_start3A_283, %dma_start3A_287] : memref<2x8x200xi32, #tpu.memory_space<vmem>> -> memref<1x1x104xi32, #tpu.memory_space<vmem>>
      %dma_start3A_289 = tpu.memref_squeeze %dma_start3A_288 : memref<1x1x104xi32, #tpu.memory_space<vmem>> -> memref<104xi32, #tpu.memory_space<vmem>>
      %dma_start3A_290 = arith.constant 0 : i32
      %dma_start3A_291 = arith.constant 0 : i32
      %dma_start3A_292 = tpu.memref_slice %arg2[%dma_start3A_290, %dma_start3A_291] : memref<1000000x32xf32, #tpu.memory_space<hbm>> -> memref<1000000x32xf32, #tpu.memory_space<hbm>>
      tpu.enqueue_indirect_dma source(%dma_start3A_292 : memref<1000000x32xf32, #tpu.memory_space<hbm>>) target(%dma_start3A_286 : memref<104x32xf32, #tpu.memory_space<vmem>>) offsets(%dma_start3A_289 : memref<104xi32, #tpu.memory_space<vmem>>) semaphore(%arg10 : memref<!tpu.dma_semaphore, #tpu.memory_space<semaphore_mem>>)
      %dma_start3A_293 = arith.constant 1 : i32
      %dma_start3A_294 = arith.constant 4 : i32
      %dma_start3A_295 = arith.constant 904 : i32
      %dma_start3A_296 = arith.constant 0 : i32
      %dma_start3A_297 = tpu.memref_slice %arg7[%dma_start3A_295, %dma_start3A_296] : memref<1600x32xf32, #tpu.memory_space<vmem>> -> memref<96x32xf32, #tpu.memory_space<vmem>>
      %dma_start3A_298 = arith.constant 104 : i32
      %dma_start3A_299 = tpu.memref_slice %arg5[%dma_start3A_293, %dma_start3A_294, %dma_start3A_298] : memref<2x8x200xi32, #tpu.memory_space<vmem>> -> memref<1x1x96xi32, #tpu.memory_space<vmem>>
      %dma_start3A_300 = tpu.memref_squeeze %dma_start3A_299 : memref<1x1x96xi32, #tpu.memory_space<vmem>> -> memref<96xi32, #tpu.memory_space<vmem>>
      %dma_start3A_301 = arith.constant 0 : i32
      %dma_start3A_302 = arith.constant 0 : i32
      %dma_start3A_303 = tpu.memref_slice %arg2[%dma_start3A_301, %dma_start3A_302] : memref<1000000x32xf32, #tpu.memory_space<hbm>> -> memref<1000000x32xf32, #tpu.memory_space<hbm>>
      tpu.enqueue_indirect_dma source(%dma_start3A_303 : memref<1000000x32xf32, #tpu.memory_space<hbm>>) target(%dma_start3A_297 : memref<96x32xf32, #tpu.memory_space<vmem>>) offsets(%dma_start3A_300 : memref<96xi32, #tpu.memory_space<vmem>>) semaphore(%arg10 : memref<!tpu.dma_semaphore, #tpu.memory_space<semaphore_mem>>)
      %dma_start3A_304 = arith.constant 1 : i32
      %dma_start3A_305 = arith.constant 5 : i32
      %dma_start3A_306 = arith.constant 1000 : i32
      %dma_start3A_307 = arith.constant 0 : i32
      %dma_start3A_308 = tpu.memref_slice %arg7[%dma_start3A_306, %dma_start3A_307] : memref<1600x32xf32, #tpu.memory_space<vmem>> -> memref<104x32xf32, #tpu.memory_space<vmem>>
      %dma_start3A_309 = arith.constant 0 : i32
      %dma_start3A_310 = tpu.memref_slice %arg5[%dma_start3A_304, %dma_start3A_305, %dma_start3A_309] : memref<2x8x200xi32, #tpu.memory_space<vmem>> -> memref<1x1x104xi32, #tpu.memory_space<vmem>>
      %dma_start3A_311 = tpu.memref_squeeze %dma_start3A_310 : memref<1x1x104xi32, #tpu.memory_space<vmem>> -> memref<104xi32, #tpu.memory_space<vmem>>
      %dma_start3A_312 = arith.constant 0 : i32
      %dma_start3A_313 = arith.constant 0 : i32
      %dma_start3A_314 = tpu.memref_slice %arg2[%dma_start3A_312, %dma_start3A_313] : memref<1000000x32xf32, #tpu.memory_space<hbm>> -> memref<1000000x32xf32, #tpu.memory_space<hbm>>
      tpu.enqueue_indirect_dma source(%dma_start3A_314 : memref<1000000x32xf32, #tpu.memory_space<hbm>>) target(%dma_start3A_308 : memref<104x32xf32, #tpu.memory_space<vmem>>) offsets(%dma_start3A_311 : memref<104xi32, #tpu.memory_space<vmem>>) semaphore(%arg10 : memref<!tpu.dma_semaphore, #tpu.memory_space<semaphore_mem>>)
      %dma_start3A_315 = arith.constant 1 : i32
      %dma_start3A_316 = arith.constant 5 : i32
      %dma_start3A_317 = arith.constant 1104 : i32
      %dma_start3A_318 = arith.constant 0 : i32
      %dma_start3A_319 = tpu.memref_slice %arg7[%dma_start3A_317, %dma_start3A_318] : memref<1600x32xf32, #tpu.memory_space<vmem>> -> memref<96x32xf32, #tpu.memory_space<vmem>>
      %dma_start3A_320 = arith.constant 104 : i32
      %dma_start3A_321 = tpu.memref_slice %arg5[%dma_start3A_315, %dma_start3A_316, %dma_start3A_320] : memref<2x8x200xi32, #tpu.memory_space<vmem>> -> memref<1x1x96xi32, #tpu.memory_space<vmem>>
      %dma_start3A_322 = tpu.memref_squeeze %dma_start3A_321 : memref<1x1x96xi32, #tpu.memory_space<vmem>> -> memref<96xi32, #tpu.memory_space<vmem>>
      %dma_start3A_323 = arith.constant 0 : i32
      %dma_start3A_324 = arith.constant 0 : i32
      %dma_start3A_325 = tpu.memref_slice %arg2[%dma_start3A_323, %dma_start3A_324] : memref<1000000x32xf32, #tpu.memory_space<hbm>> -> memref<1000000x32xf32, #tpu.memory_space<hbm>>
      tpu.enqueue_indirect_dma source(%dma_start3A_325 : memref<1000000x32xf32, #tpu.memory_space<hbm>>) target(%dma_start3A_319 : memref<96x32xf32, #tpu.memory_space<vmem>>) offsets(%dma_start3A_322 : memref<96xi32, #tpu.memory_space<vmem>>) semaphore(%arg10 : memref<!tpu.dma_semaphore, #tpu.memory_space<semaphore_mem>>)
      %dma_start3A_326 = arith.constant 1 : i32
      %dma_start3A_327 = arith.constant 6 : i32
      %dma_start3A_328 = arith.constant 1200 : i32
      %dma_start3A_329 = arith.constant 0 : i32
      %dma_start3A_330 = tpu.memref_slice %arg7[%dma_start3A_328, %dma_start3A_329] : memref<1600x32xf32, #tpu.memory_space<vmem>> -> memref<104x32xf32, #tpu.memory_space<vmem>>
      %dma_start3A_331 = arith.constant 0 : i32
      %dma_start3A_332 = tpu.memref_slice %arg5[%dma_start3A_326, %dma_start3A_327, %dma_start3A_331] : memref<2x8x200xi32, #tpu.memory_space<vmem>> -> memref<1x1x104xi32, #tpu.memory_space<vmem>>
      %dma_start3A_333 = tpu.memref_squeeze %dma_start3A_332 : memref<1x1x104xi32, #tpu.memory_space<vmem>> -> memref<104xi32, #tpu.memory_space<vmem>>
      %dma_start3A_334 = arith.constant 0 : i32
      %dma_start3A_335 = arith.constant 0 : i32
      %dma_start3A_336 = tpu.memref_slice %arg2[%dma_start3A_334, %dma_start3A_335] : memref<1000000x32xf32, #tpu.memory_space<hbm>> -> memref<1000000x32xf32, #tpu.memory_space<hbm>>
      tpu.enqueue_indirect_dma source(%dma_start3A_336 : memref<1000000x32xf32, #tpu.memory_space<hbm>>) target(%dma_start3A_330 : memref<104x32xf32, #tpu.memory_space<vmem>>) offsets(%dma_start3A_333 : memref<104xi32, #tpu.memory_space<vmem>>) semaphore(%arg10 : memref<!tpu.dma_semaphore, #tpu.memory_space<semaphore_mem>>)
      %dma_start3A_337 = arith.constant 1 : i32
      %dma_start3A_338 = arith.constant 6 : i32
      %dma_start3A_339 = arith.constant 1304 : i32
      %dma_start3A_340 = arith.constant 0 : i32
      %dma_start3A_341 = tpu.memref_slice %arg7[%dma_start3A_339, %dma_start3A_340] : memref<1600x32xf32, #tpu.memory_space<vmem>> -> memref<96x32xf32, #tpu.memory_space<vmem>>
      %dma_start3A_342 = arith.constant 104 : i32
      %dma_start3A_343 = tpu.memref_slice %arg5[%dma_start3A_337, %dma_start3A_338, %dma_start3A_342] : memref<2x8x200xi32, #tpu.memory_space<vmem>> -> memref<1x1x96xi32, #tpu.memory_space<vmem>>
      %dma_start3A_344 = tpu.memref_squeeze %dma_start3A_343 : memref<1x1x96xi32, #tpu.memory_space<vmem>> -> memref<96xi32, #tpu.memory_space<vmem>>
      %dma_start3A_345 = arith.constant 0 : i32
      %dma_start3A_346 = arith.constant 0 : i32
      %dma_start3A_347 = tpu.memref_slice %arg2[%dma_start3A_345, %dma_start3A_346] : memref<1000000x32xf32, #tpu.memory_space<hbm>> -> memref<1000000x32xf32, #tpu.memory_space<hbm>>
      tpu.enqueue_indirect_dma source(%dma_start3A_347 : memref<1000000x32xf32, #tpu.memory_space<hbm>>) target(%dma_start3A_341 : memref<96x32xf32, #tpu.memory_space<vmem>>) offsets(%dma_start3A_344 : memref<96xi32, #tpu.memory_space<vmem>>) semaphore(%arg10 : memref<!tpu.dma_semaphore, #tpu.memory_space<semaphore_mem>>)
      %dma_start3A_348 = arith.constant 1 : i32
      %dma_start3A_349 = arith.constant 7 : i32
      %dma_start3A_350 = arith.constant 1400 : i32
      %dma_start3A_351 = arith.constant 0 : i32
      %dma_start3A_352 = tpu.memref_slice %arg7[%dma_start3A_350, %dma_start3A_351] : memref<1600x32xf32, #tpu.memory_space<vmem>> -> memref<104x32xf32, #tpu.memory_space<vmem>>
      %dma_start3A_353 = arith.constant 0 : i32
      %dma_start3A_354 = tpu.memref_slice %arg5[%dma_start3A_348, %dma_start3A_349, %dma_start3A_353] : memref<2x8x200xi32, #tpu.memory_space<vmem>> -> memref<1x1x104xi32, #tpu.memory_space<vmem>>
      %dma_start3A_355 = tpu.memref_squeeze %dma_start3A_354 : memref<1x1x104xi32, #tpu.memory_space<vmem>> -> memref<104xi32, #tpu.memory_space<vmem>>
      %dma_start3A_356 = arith.constant 0 : i32
      %dma_start3A_357 = arith.constant 0 : i32
      %dma_start3A_358 = tpu.memref_slice %arg2[%dma_start3A_356, %dma_start3A_357] : memref<1000000x32xf32, #tpu.memory_space<hbm>> -> memref<1000000x32xf32, #tpu.memory_space<hbm>>
      tpu.enqueue_indirect_dma source(%dma_start3A_358 : memref<1000000x32xf32, #tpu.memory_space<hbm>>) target(%dma_start3A_352 : memref<104x32xf32, #tpu.memory_space<vmem>>) offsets(%dma_start3A_355 : memref<104xi32, #tpu.memory_space<vmem>>) semaphore(%arg10 : memref<!tpu.dma_semaphore, #tpu.memory_space<semaphore_mem>>)
      %dma_start3A_359 = arith.constant 1 : i32
      %dma_start3A_360 = arith.constant 7 : i32
      %dma_start3A_361 = arith.constant 1504 : i32
      %dma_start3A_362 = arith.constant 0 : i32
      %dma_start3A_363 = tpu.memref_slice %arg7[%dma_start3A_361, %dma_start3A_362] : memref<1600x32xf32, #tpu.memory_space<vmem>> -> memref<96x32xf32, #tpu.memory_space<vmem>>
      %dma_start3A_364 = arith.constant 104 : i32
      %dma_start3A_365 = tpu.memref_slice %arg5[%dma_start3A_359, %dma_start3A_360, %dma_start3A_364] : memref<2x8x200xi32, #tpu.memory_space<vmem>> -> memref<1x1x96xi32, #tpu.memory_space<vmem>>
      %dma_start3A_366 = tpu.memref_squeeze %dma_start3A_365 : memref<1x1x96xi32, #tpu.memory_space<vmem>> -> memref<96xi32, #tpu.memory_space<vmem>>
      %dma_start3A_367 = arith.constant 0 : i32
      %dma_start3A_368 = arith.constant 0 : i32
      %dma_start3A_369 = tpu.memref_slice %arg2[%dma_start3A_367, %dma_start3A_368] : memref<1000000x32xf32, #tpu.memory_space<hbm>> -> memref<1000000x32xf32, #tpu.memory_space<hbm>>
      tpu.enqueue_indirect_dma source(%dma_start3A_369 : memref<1000000x32xf32, #tpu.memory_space<hbm>>) target(%dma_start3A_363 : memref<96x32xf32, #tpu.memory_space<vmem>>) offsets(%dma_start3A_366 : memref<96xi32, #tpu.memory_space<vmem>>) semaphore(%arg10 : memref<!tpu.dma_semaphore, #tpu.memory_space<semaphore_mem>>)
      %dma_wait3A = arith.constant 0 : i32
      %dma_wait3A_370 = arith.constant 0 : i32
      %dma_wait3A_371 = tpu.memref_slice %arg2[%dma_wait3A, %dma_wait3A_370] : memref<1000000x32xf32, #tpu.memory_space<hbm>> -> memref<1600x32xf32, #tpu.memory_space<hbm>>
      %dma_wait3A_372 = arith.constant 0 : i32
      %dma_wait3A_373 = arith.constant 0 : i32
      %dma_wait3A_374 = tpu.memref_slice %arg2[%dma_wait3A_372, %dma_wait3A_373] : memref<1000000x32xf32, #tpu.memory_space<hbm>> -> memref<1600x32xf32, #tpu.memory_space<hbm>>
      tpu.wait_dma2 semaphore(%arg9 : memref<!tpu.dma_semaphore, #tpu.memory_space<semaphore_mem>>) src(%dma_wait3A_374 : memref<1600x32xf32, #tpu.memory_space<hbm>>) dst(%arg6 : memref<1600x32xf32, #tpu.memory_space<vmem>>)
      %mul3A_375 = arith.constant 8 : i32
      %mul3A_376 = arith.muli %mul3A_186, %mul3A_375 : i32
      %add3A_377 = arith.addi %mul3A_2, %mul3A_376 : i32
      %multiple_of3A_378 = tpu.assume_multiple %add3A_377, 8 : i32
      %broadcast_in_dim3A = arith.constant 0.000000e+00 : f32
      %broadcast_in_dim3A_379 = vector.broadcast %broadcast_in_dim3A : f32 to vector<16xf32>
      %scan3A_380 = arith.constant 0 : i32
      %scan3A_381 = arith.constant 25 : i32
      %scan3A_382 = arith.addi %scan3A_380, %scan3A_381 : i32
      %scan3A_383 = arith.constant 1 : i32
      %scan3A_384:4 = scf.for %scan3A_839 = %scan3A_380 to %scan3A_382 step %scan3A_383 iter_args(%scan3A_840 = %broadcast_in_dim3A_379, %scan3A_841 = %broadcast_in_dim3A_379, %scan3A_842 = %broadcast_in_dim3A_379, %scan3A_843 = %broadcast_in_dim3A_379) -> (vector<16xf32>, vector<16xf32>, vector<16xf32>, vector<16xf32>)  : i32 {
        %mul3A_844 = arith.constant 8 : i32
        %mul3A_845 = arith.muli %scan3A_839, %mul3A_844 : i32
        %add3A_846 = arith.constant 0 : i32
        %add3A_847 = arith.addi %add3A_846, %mul3A_845 : i32
        %add3A_848 = arith.constant 0 : i32
        %add3A_849 = arith.addi %add3A_847, %add3A_848 : i32
        %get3A = arith.index_cast %add3A_849 : i32 to index
        %get3A_850 = arith.constant 0 : index
        %get3A_851 = tpu.vector_load %arg6[%get3A, %get3A_850] {strides = array<i32>} : memref<1600x32xf32, #tpu.memory_space<vmem>>, vector<1x16xf32>,
        %get3A_852 = vector.shape_cast %get3A_851 : vector<1x16xf32> to vector<16xf32>
        %add3A_853 = arith.addf %scan3A_840, %get3A_852 : vector<16xf32>
        %add3A_854 = arith.constant 0 : i32
        %add3A_855 = arith.addi %add3A_847, %add3A_854 : i32
        %get3A_856 = arith.index_cast %add3A_855 : i32 to index
        %get3A_857 = arith.constant 16 : index
        %get3A_858 = tpu.vector_load %arg6[%get3A_856, %get3A_857] {strides = array<i32>} : memref<1600x32xf32, #tpu.memory_space<vmem>>, vector<1x16xf32>,
        %get3A_859 = vector.shape_cast %get3A_858 : vector<1x16xf32> to vector<16xf32>
        %add3A_860 = arith.addf %scan3A_841, %get3A_859 : vector<16xf32>
        %add3A_861 = arith.constant 0 : i32
        %add3A_862 = arith.addi %add3A_847, %add3A_861 : i32
        %add3A_863 = arith.constant 1 : i32
        %add3A_864 = arith.addi %add3A_862, %add3A_863 : i32
        %get3A_865 = arith.index_cast %add3A_864 : i32 to index
        %get3A_866 = arith.constant 0 : index
        %get3A_867 = tpu.vector_load %arg6[%get3A_865, %get3A_866] {strides = array<i32>} : memref<1600x32xf32, #tpu.memory_space<vmem>>, vector<1x16xf32>,
        %get3A_868 = vector.shape_cast %get3A_867 : vector<1x16xf32> to vector<16xf32>
        %add3A_869 = arith.addf %scan3A_842, %get3A_868 : vector<16xf32>
        %add3A_870 = arith.constant 0 : i32
        %add3A_871 = arith.addi %add3A_847, %add3A_870 : i32
        %add3A_872 = arith.constant 1 : i32
        %add3A_873 = arith.addi %add3A_871, %add3A_872 : i32
        %get3A_874 = arith.index_cast %add3A_873 : i32 to index
        %get3A_875 = arith.constant 16 : index
        %get3A_876 = tpu.vector_load %arg6[%get3A_874, %get3A_875] {strides = array<i32>} : memref<1600x32xf32, #tpu.memory_space<vmem>>, vector<1x16xf32>,
        %get3A_877 = vector.shape_cast %get3A_876 : vector<1x16xf32> to vector<16xf32>
        %add3A_878 = arith.addf %scan3A_843, %get3A_877 : vector<16xf32>
        %add3A_879 = arith.constant 2 : i32
        %add3A_880 = arith.addi %add3A_847, %add3A_879 : i32
        %get3A_881 = arith.index_cast %add3A_880 : i32 to index
        %get3A_882 = arith.constant 0 : index
        %get3A_883 = tpu.vector_load %arg6[%get3A_881, %get3A_882] {strides = array<i32>} : memref<1600x32xf32, #tpu.memory_space<vmem>>, vector<1x16xf32>,
        %get3A_884 = vector.shape_cast %get3A_883 : vector<1x16xf32> to vector<16xf32>
        %add3A_885 = arith.addf %add3A_853, %get3A_884 : vector<16xf32>
        %add3A_886 = arith.constant 2 : i32
        %add3A_887 = arith.addi %add3A_847, %add3A_886 : i32
        %get3A_888 = arith.index_cast %add3A_887 : i32 to index
        %get3A_889 = arith.constant 16 : index
        %get3A_890 = tpu.vector_load %arg6[%get3A_888, %get3A_889] {strides = array<i32>} : memref<1600x32xf32, #tpu.memory_space<vmem>>, vector<1x16xf32>,
        %get3A_891 = vector.shape_cast %get3A_890 : vector<1x16xf32> to vector<16xf32>
        %add3A_892 = arith.addf %add3A_860, %get3A_891 : vector<16xf32>
        %add3A_893 = arith.constant 2 : i32
        %add3A_894 = arith.addi %add3A_847, %add3A_893 : i32
        %add3A_895 = arith.constant 1 : i32
        %add3A_896 = arith.addi %add3A_894, %add3A_895 : i32
        %get3A_897 = arith.index_cast %add3A_896 : i32 to index
        %get3A_898 = arith.constant 0 : index
        %get3A_899 = tpu.vector_load %arg6[%get3A_897, %get3A_898] {strides = array<i32>} : memref<1600x32xf32, #tpu.memory_space<vmem>>, vector<1x16xf32>,
        %get3A_900 = vector.shape_cast %get3A_899 : vector<1x16xf32> to vector<16xf32>
        %add3A_901 = arith.addf %add3A_869, %get3A_900 : vector<16xf32>
        %add3A_902 = arith.constant 2 : i32
        %add3A_903 = arith.addi %add3A_847, %add3A_902 : i32
        %add3A_904 = arith.constant 1 : i32
        %add3A_905 = arith.addi %add3A_903, %add3A_904 : i32
        %get3A_906 = arith.index_cast %add3A_905 : i32 to index
        %get3A_907 = arith.constant 16 : index
        %get3A_908 = tpu.vector_load %arg6[%get3A_906, %get3A_907] {strides = array<i32>} : memref<1600x32xf32, #tpu.memory_space<vmem>>, vector<1x16xf32>,
        %get3A_909 = vector.shape_cast %get3A_908 : vector<1x16xf32> to vector<16xf32>
        %add3A_910 = arith.addf %add3A_878, %get3A_909 : vector<16xf32>
        %add3A_911 = arith.constant 4 : i32
        %add3A_912 = arith.addi %add3A_847, %add3A_911 : i32
        %get3A_913 = arith.index_cast %add3A_912 : i32 to index
        %get3A_914 = arith.constant 0 : index
        %get3A_915 = tpu.vector_load %arg6[%get3A_913, %get3A_914] {strides = array<i32>} : memref<1600x32xf32, #tpu.memory_space<vmem>>, vector<1x16xf32>,
        %get3A_916 = vector.shape_cast %get3A_915 : vector<1x16xf32> to vector<16xf32>
        %add3A_917 = arith.addf %add3A_885, %get3A_916 : vector<16xf32>
        %add3A_918 = arith.constant 4 : i32
        %add3A_919 = arith.addi %add3A_847, %add3A_918 : i32
        %get3A_920 = arith.index_cast %add3A_919 : i32 to index
        %get3A_921 = arith.constant 16 : index
        %get3A_922 = tpu.vector_load %arg6[%get3A_920, %get3A_921] {strides = array<i32>} : memref<1600x32xf32, #tpu.memory_space<vmem>>, vector<1x16xf32>,
        %get3A_923 = vector.shape_cast %get3A_922 : vector<1x16xf32> to vector<16xf32>
        %add3A_924 = arith.addf %add3A_892, %get3A_923 : vector<16xf32>
        %add3A_925 = arith.constant 4 : i32
        %add3A_926 = arith.addi %add3A_847, %add3A_925 : i32
        %add3A_927 = arith.constant 1 : i32
        %add3A_928 = arith.addi %add3A_926, %add3A_927 : i32
        %get3A_929 = arith.index_cast %add3A_928 : i32 to index
        %get3A_930 = arith.constant 0 : index
        %get3A_931 = tpu.vector_load %arg6[%get3A_929, %get3A_930] {strides = array<i32>} : memref<1600x32xf32, #tpu.memory_space<vmem>>, vector<1x16xf32>,
        %get3A_932 = vector.shape_cast %get3A_931 : vector<1x16xf32> to vector<16xf32>
        %add3A_933 = arith.addf %add3A_901, %get3A_932 : vector<16xf32>
        %add3A_934 = arith.constant 4 : i32
        %add3A_935 = arith.addi %add3A_847, %add3A_934 : i32
        %add3A_936 = arith.constant 1 : i32
        %add3A_937 = arith.addi %add3A_935, %add3A_936 : i32
        %get3A_938 = arith.index_cast %add3A_937 : i32 to index
        %get3A_939 = arith.constant 16 : index
        %get3A_940 = tpu.vector_load %arg6[%get3A_938, %get3A_939] {strides = array<i32>} : memref<1600x32xf32, #tpu.memory_space<vmem>>, vector<1x16xf32>,
        %get3A_941 = vector.shape_cast %get3A_940 : vector<1x16xf32> to vector<16xf32>
        %add3A_942 = arith.addf %add3A_910, %get3A_941 : vector<16xf32>
        %add3A_943 = arith.constant 6 : i32
        %add3A_944 = arith.addi %add3A_847, %add3A_943 : i32
        %get3A_945 = arith.index_cast %add3A_944 : i32 to index
        %get3A_946 = arith.constant 0 : index
        %get3A_947 = tpu.vector_load %arg6[%get3A_945, %get3A_946] {strides = array<i32>} : memref<1600x32xf32, #tpu.memory_space<vmem>>, vector<1x16xf32>,
        %get3A_948 = vector.shape_cast %get3A_947 : vector<1x16xf32> to vector<16xf32>
        %add3A_949 = arith.addf %add3A_917, %get3A_948 : vector<16xf32>
        %add3A_950 = arith.constant 6 : i32
        %add3A_951 = arith.addi %add3A_847, %add3A_950 : i32
        %get3A_952 = arith.index_cast %add3A_951 : i32 to index
        %get3A_953 = arith.constant 16 : index
        %get3A_954 = tpu.vector_load %arg6[%get3A_952, %get3A_953] {strides = array<i32>} : memref<1600x32xf32, #tpu.memory_space<vmem>>, vector<1x16xf32>,
        %get3A_955 = vector.shape_cast %get3A_954 : vector<1x16xf32> to vector<16xf32>
        %add3A_956 = arith.addf %add3A_924, %get3A_955 : vector<16xf32>
        %add3A_957 = arith.constant 6 : i32
        %add3A_958 = arith.addi %add3A_847, %add3A_957 : i32
        %add3A_959 = arith.constant 1 : i32
        %add3A_960 = arith.addi %add3A_958, %add3A_959 : i32
        %get3A_961 = arith.index_cast %add3A_960 : i32 to index
        %get3A_962 = arith.constant 0 : index
        %get3A_963 = tpu.vector_load %arg6[%get3A_961, %get3A_962] {strides = array<i32>} : memref<1600x32xf32, #tpu.memory_space<vmem>>, vector<1x16xf32>,
        %get3A_964 = vector.shape_cast %get3A_963 : vector<1x16xf32> to vector<16xf32>
        %add3A_965 = arith.addf %add3A_933, %get3A_964 : vector<16xf32>
        %add3A_966 = arith.constant 6 : i32
        %add3A_967 = arith.addi %add3A_847, %add3A_966 : i32
        %add3A_968 = arith.constant 1 : i32
        %add3A_969 = arith.addi %add3A_967, %add3A_968 : i32
        %get3A_970 = arith.index_cast %add3A_969 : i32 to index
        %get3A_971 = arith.constant 16 : index
        %get3A_972 = tpu.vector_load %arg6[%get3A_970, %get3A_971] {strides = array<i32>} : memref<1600x32xf32, #tpu.memory_space<vmem>>, vector<1x16xf32>,
        %get3A_973 = vector.shape_cast %get3A_972 : vector<1x16xf32> to vector<16xf32>
        %add3A_974 = arith.addf %add3A_942, %get3A_973 : vector<16xf32>
        scf.yield %add3A_949, %add3A_956, %add3A_965, %add3A_974 : vector<16xf32>, vector<16xf32>, vector<16xf32>, vector<16xf32>
      }
      %scan3A_385 = arith.constant 25 : i32
      %add3A_386 = arith.addf %scan3A_384#0, %scan3A_384#2 : vector<16xf32>
      %mul3A_387 = arith.constant 5.000000e-03 : f32
      %mul3A_388 = vector.broadcast %mul3A_387 : f32 to vector<16xf32>
      %mul3A_389 = arith.mulf %add3A_386, %mul3A_388 : vector<16xf32>
      %swap3A = arith.constant 0 : i32
      %swap3A_390 = arith.index_cast %swap3A : i32 to index
      %swap3A_391 = arith.constant 0 : index
      %swap3A_392 = tpu.vector_load %arg8[%swap3A_390, %swap3A_391] {strides = array<i32>} : memref<8x32xf32, #tpu.memory_space<vmem>>, vector<1x16xf32>,
      %swap3A_393 = vector.shape_cast %swap3A_392 : vector<1x16xf32> to vector<16xf32>
      %swap3A_394 = vector.shape_cast %mul3A_389 : vector<16xf32> to vector<1x16xf32>
      tpu.vector_store %arg8[%swap3A_390, %swap3A_391], %swap3A_394 {strides = array<i32>} : memref<8x32xf32, #tpu.memory_space<vmem>>, vector<1x16xf32>,
      %add3A_395 = arith.addf %scan3A_384#1, %scan3A_384#3 : vector<16xf32>
      %mul3A_396 = arith.constant 5.000000e-03 : f32
      %mul3A_397 = vector.broadcast %mul3A_396 : f32 to vector<16xf32>
      %mul3A_398 = arith.mulf %add3A_395, %mul3A_397 : vector<16xf32>
      %swap3A_399 = arith.constant 0 : i32
      %swap3A_400 = arith.index_cast %swap3A_399 : i32 to index
      %swap3A_401 = arith.constant 16 : index
      %swap3A_402 = tpu.vector_load %arg8[%swap3A_400, %swap3A_401] {strides = array<i32>} : memref<8x32xf32, #tpu.memory_space<vmem>>, vector<1x16xf32>,
      %swap3A_403 = vector.shape_cast %swap3A_402 : vector<1x16xf32> to vector<16xf32>
      %swap3A_404 = vector.shape_cast %mul3A_398 : vector<16xf32> to vector<1x16xf32>
      tpu.vector_store %arg8[%swap3A_400, %swap3A_401], %swap3A_404 {strides = array<i32>} : memref<8x32xf32, #tpu.memory_space<vmem>>, vector<1x16xf32>,
      %broadcast_in_dim3A_405 = arith.constant 0.000000e+00 : f32
      %broadcast_in_dim3A_406 = vector.broadcast %broadcast_in_dim3A_405 : f32 to vector<16xf32>
      %scan3A_407 = arith.constant 0 : i32
      %scan3A_408 = arith.constant 25 : i32
      %scan3A_409 = arith.addi %scan3A_407, %scan3A_408 : i32
      %scan3A_410 = arith.constant 1 : i32
      %scan3A_411:4 = scf.for %scan3A_839 = %scan3A_407 to %scan3A_409 step %scan3A_410 iter_args(%scan3A_840 = %broadcast_in_dim3A_406, %scan3A_841 = %broadcast_in_dim3A_406, %scan3A_842 = %broadcast_in_dim3A_406, %scan3A_843 = %broadcast_in_dim3A_406) -> (vector<16xf32>, vector<16xf32>, vector<16xf32>, vector<16xf32>)  : i32 {
        %mul3A_844 = arith.constant 8 : i32
        %mul3A_845 = arith.muli %scan3A_839, %mul3A_844 : i32
        %add3A_846 = arith.constant 200 : i32
        %add3A_847 = arith.addi %add3A_846, %mul3A_845 : i32
        %add3A_848 = arith.constant 0 : i32
        %add3A_849 = arith.addi %add3A_847, %add3A_848 : i32
        %get3A = arith.index_cast %add3A_849 : i32 to index
        %get3A_850 = arith.constant 0 : index
        %get3A_851 = tpu.vector_load %arg6[%get3A, %get3A_850] {strides = array<i32>} : memref<1600x32xf32, #tpu.memory_space<vmem>>, vector<1x16xf32>,
        %get3A_852 = vector.shape_cast %get3A_851 : vector<1x16xf32> to vector<16xf32>
        %add3A_853 = arith.addf %scan3A_840, %get3A_852 : vector<16xf32>
        %add3A_854 = arith.constant 0 : i32
        %add3A_855 = arith.addi %add3A_847, %add3A_854 : i32
        %get3A_856 = arith.index_cast %add3A_855 : i32 to index
        %get3A_857 = arith.constant 16 : index
        %get3A_858 = tpu.vector_load %arg6[%get3A_856, %get3A_857] {strides = array<i32>} : memref<1600x32xf32, #tpu.memory_space<vmem>>, vector<1x16xf32>,
        %get3A_859 = vector.shape_cast %get3A_858 : vector<1x16xf32> to vector<16xf32>
        %add3A_860 = arith.addf %scan3A_841, %get3A_859 : vector<16xf32>
        %add3A_861 = arith.constant 0 : i32
        %add3A_862 = arith.addi %add3A_847, %add3A_861 : i32
        %add3A_863 = arith.constant 1 : i32
        %add3A_864 = arith.addi %add3A_862, %add3A_863 : i32
        %get3A_865 = arith.index_cast %add3A_864 : i32 to index
        %get3A_866 = arith.constant 0 : index
        %get3A_867 = tpu.vector_load %arg6[%get3A_865, %get3A_866] {strides = array<i32>} : memref<1600x32xf32, #tpu.memory_space<vmem>>, vector<1x16xf32>,
        %get3A_868 = vector.shape_cast %get3A_867 : vector<1x16xf32> to vector<16xf32>
        %add3A_869 = arith.addf %scan3A_842, %get3A_868 : vector<16xf32>
        %add3A_870 = arith.constant 0 : i32
        %add3A_871 = arith.addi %add3A_847, %add3A_870 : i32
        %add3A_872 = arith.constant 1 : i32
        %add3A_873 = arith.addi %add3A_871, %add3A_872 : i32
        %get3A_874 = arith.index_cast %add3A_873 : i32 to index
        %get3A_875 = arith.constant 16 : index
        %get3A_876 = tpu.vector_load %arg6[%get3A_874, %get3A_875] {strides = array<i32>} : memref<1600x32xf32, #tpu.memory_space<vmem>>, vector<1x16xf32>,
        %get3A_877 = vector.shape_cast %get3A_876 : vector<1x16xf32> to vector<16xf32>
        %add3A_878 = arith.addf %scan3A_843, %get3A_877 : vector<16xf32>
        %add3A_879 = arith.constant 2 : i32
        %add3A_880 = arith.addi %add3A_847, %add3A_879 : i32
        %get3A_881 = arith.index_cast %add3A_880 : i32 to index
        %get3A_882 = arith.constant 0 : index
        %get3A_883 = tpu.vector_load %arg6[%get3A_881, %get3A_882] {strides = array<i32>} : memref<1600x32xf32, #tpu.memory_space<vmem>>, vector<1x16xf32>,
        %get3A_884 = vector.shape_cast %get3A_883 : vector<1x16xf32> to vector<16xf32>
        %add3A_885 = arith.addf %add3A_853, %get3A_884 : vector<16xf32>
        %add3A_886 = arith.constant 2 : i32
        %add3A_887 = arith.addi %add3A_847, %add3A_886 : i32
        %get3A_888 = arith.index_cast %add3A_887 : i32 to index
        %get3A_889 = arith.constant 16 : index
        %get3A_890 = tpu.vector_load %arg6[%get3A_888, %get3A_889] {strides = array<i32>} : memref<1600x32xf32, #tpu.memory_space<vmem>>, vector<1x16xf32>,
        %get3A_891 = vector.shape_cast %get3A_890 : vector<1x16xf32> to vector<16xf32>
        %add3A_892 = arith.addf %add3A_860, %get3A_891 : vector<16xf32>
        %add3A_893 = arith.constant 2 : i32
        %add3A_894 = arith.addi %add3A_847, %add3A_893 : i32
        %add3A_895 = arith.constant 1 : i32
        %add3A_896 = arith.addi %add3A_894, %add3A_895 : i32
        %get3A_897 = arith.index_cast %add3A_896 : i32 to index
        %get3A_898 = arith.constant 0 : index
        %get3A_899 = tpu.vector_load %arg6[%get3A_897, %get3A_898] {strides = array<i32>} : memref<1600x32xf32, #tpu.memory_space<vmem>>, vector<1x16xf32>,
        %get3A_900 = vector.shape_cast %get3A_899 : vector<1x16xf32> to vector<16xf32>
        %add3A_901 = arith.addf %add3A_869, %get3A_900 : vector<16xf32>
        %add3A_902 = arith.constant 2 : i32
        %add3A_903 = arith.addi %add3A_847, %add3A_902 : i32
        %add3A_904 = arith.constant 1 : i32
        %add3A_905 = arith.addi %add3A_903, %add3A_904 : i32
        %get3A_906 = arith.index_cast %add3A_905 : i32 to index
        %get3A_907 = arith.constant 16 : index
        %get3A_908 = tpu.vector_load %arg6[%get3A_906, %get3A_907] {strides = array<i32>} : memref<1600x32xf32, #tpu.memory_space<vmem>>, vector<1x16xf32>,
        %get3A_909 = vector.shape_cast %get3A_908 : vector<1x16xf32> to vector<16xf32>
        %add3A_910 = arith.addf %add3A_878, %get3A_909 : vector<16xf32>
        %add3A_911 = arith.constant 4 : i32
        %add3A_912 = arith.addi %add3A_847, %add3A_911 : i32
        %get3A_913 = arith.index_cast %add3A_912 : i32 to index
        %get3A_914 = arith.constant 0 : index
        %get3A_915 = tpu.vector_load %arg6[%get3A_913, %get3A_914] {strides = array<i32>} : memref<1600x32xf32, #tpu.memory_space<vmem>>, vector<1x16xf32>,
        %get3A_916 = vector.shape_cast %get3A_915 : vector<1x16xf32> to vector<16xf32>
        %add3A_917 = arith.addf %add3A_885, %get3A_916 : vector<16xf32>
        %add3A_918 = arith.constant 4 : i32
        %add3A_919 = arith.addi %add3A_847, %add3A_918 : i32
        %get3A_920 = arith.index_cast %add3A_919 : i32 to index
        %get3A_921 = arith.constant 16 : index
        %get3A_922 = tpu.vector_load %arg6[%get3A_920, %get3A_921] {strides = array<i32>} : memref<1600x32xf32, #tpu.memory_space<vmem>>, vector<1x16xf32>,
        %get3A_923 = vector.shape_cast %get3A_922 : vector<1x16xf32> to vector<16xf32>
        %add3A_924 = arith.addf %add3A_892, %get3A_923 : vector<16xf32>
        %add3A_925 = arith.constant 4 : i32
        %add3A_926 = arith.addi %add3A_847, %add3A_925 : i32
        %add3A_927 = arith.constant 1 : i32
        %add3A_928 = arith.addi %add3A_926, %add3A_927 : i32
        %get3A_929 = arith.index_cast %add3A_928 : i32 to index
        %get3A_930 = arith.constant 0 : index
        %get3A_931 = tpu.vector_load %arg6[%get3A_929, %get3A_930] {strides = array<i32>} : memref<1600x32xf32, #tpu.memory_space<vmem>>, vector<1x16xf32>,
        %get3A_932 = vector.shape_cast %get3A_931 : vector<1x16xf32> to vector<16xf32>
        %add3A_933 = arith.addf %add3A_901, %get3A_932 : vector<16xf32>
        %add3A_934 = arith.constant 4 : i32
        %add3A_935 = arith.addi %add3A_847, %add3A_934 : i32
        %add3A_936 = arith.constant 1 : i32
        %add3A_937 = arith.addi %add3A_935, %add3A_936 : i32
        %get3A_938 = arith.index_cast %add3A_937 : i32 to index
        %get3A_939 = arith.constant 16 : index
        %get3A_940 = tpu.vector_load %arg6[%get3A_938, %get3A_939] {strides = array<i32>} : memref<1600x32xf32, #tpu.memory_space<vmem>>, vector<1x16xf32>,
        %get3A_941 = vector.shape_cast %get3A_940 : vector<1x16xf32> to vector<16xf32>
        %add3A_942 = arith.addf %add3A_910, %get3A_941 : vector<16xf32>
        %add3A_943 = arith.constant 6 : i32
        %add3A_944 = arith.addi %add3A_847, %add3A_943 : i32
        %get3A_945 = arith.index_cast %add3A_944 : i32 to index
        %get3A_946 = arith.constant 0 : index
        %get3A_947 = tpu.vector_load %arg6[%get3A_945, %get3A_946] {strides = array<i32>} : memref<1600x32xf32, #tpu.memory_space<vmem>>, vector<1x16xf32>,
        %get3A_948 = vector.shape_cast %get3A_947 : vector<1x16xf32> to vector<16xf32>
        %add3A_949 = arith.addf %add3A_917, %get3A_948 : vector<16xf32>
        %add3A_950 = arith.constant 6 : i32
        %add3A_951 = arith.addi %add3A_847, %add3A_950 : i32
        %get3A_952 = arith.index_cast %add3A_951 : i32 to index
        %get3A_953 = arith.constant 16 : index
        %get3A_954 = tpu.vector_load %arg6[%get3A_952, %get3A_953] {strides = array<i32>} : memref<1600x32xf32, #tpu.memory_space<vmem>>, vector<1x16xf32>,
        %get3A_955 = vector.shape_cast %get3A_954 : vector<1x16xf32> to vector<16xf32>
        %add3A_956 = arith.addf %add3A_924, %get3A_955 : vector<16xf32>
        %add3A_957 = arith.constant 6 : i32
        %add3A_958 = arith.addi %add3A_847, %add3A_957 : i32
        %add3A_959 = arith.constant 1 : i32
        %add3A_960 = arith.addi %add3A_958, %add3A_959 : i32
        %get3A_961 = arith.index_cast %add3A_960 : i32 to index
        %get3A_962 = arith.constant 0 : index
        %get3A_963 = tpu.vector_load %arg6[%get3A_961, %get3A_962] {strides = array<i32>} : memref<1600x32xf32, #tpu.memory_space<vmem>>, vector<1x16xf32>,
        %get3A_964 = vector.shape_cast %get3A_963 : vector<1x16xf32> to vector<16xf32>
        %add3A_965 = arith.addf %add3A_933, %get3A_964 : vector<16xf32>
        %add3A_966 = arith.constant 6 : i32
        %add3A_967 = arith.addi %add3A_847, %add3A_966 : i32
        %add3A_968 = arith.constant 1 : i32
        %add3A_969 = arith.addi %add3A_967, %add3A_968 : i32
        %get3A_970 = arith.index_cast %add3A_969 : i32 to index
        %get3A_971 = arith.constant 16 : index
        %get3A_972 = tpu.vector_load %arg6[%get3A_970, %get3A_971] {strides = array<i32>} : memref<1600x32xf32, #tpu.memory_space<vmem>>, vector<1x16xf32>,
        %get3A_973 = vector.shape_cast %get3A_972 : vector<1x16xf32> to vector<16xf32>
        %add3A_974 = arith.addf %add3A_942, %get3A_973 : vector<16xf32>
        scf.yield %add3A_949, %add3A_956, %add3A_965, %add3A_974 : vector<16xf32>, vector<16xf32>, vector<16xf32>, vector<16xf32>
      }
      %scan3A_412 = arith.constant 25 : i32
      %add3A_413 = arith.addf %scan3A_411#0, %scan3A_411#2 : vector<16xf32>
      %mul3A_414 = arith.constant 5.000000e-03 : f32
      %mul3A_415 = vector.broadcast %mul3A_414 : f32 to vector<16xf32>
      %mul3A_416 = arith.mulf %add3A_413, %mul3A_415 : vector<16xf32>
      %swap3A_417 = arith.constant 1 : i32
      %swap3A_418 = arith.index_cast %swap3A_417 : i32 to index
      %swap3A_419 = arith.constant 0 : index
      %swap3A_420 = tpu.vector_load %arg8[%swap3A_418, %swap3A_419] {strides = array<i32>} : memref<8x32xf32, #tpu.memory_space<vmem>>, vector<1x16xf32>,
      %swap3A_421 = vector.shape_cast %swap3A_420 : vector<1x16xf32> to vector<16xf32>
      %swap3A_422 = vector.shape_cast %mul3A_416 : vector<16xf32> to vector<1x16xf32>
      tpu.vector_store %arg8[%swap3A_418, %swap3A_419], %swap3A_422 {strides = array<i32>} : memref<8x32xf32, #tpu.memory_space<vmem>>, vector<1x16xf32>,
      %add3A_423 = arith.addf %scan3A_411#1, %scan3A_411#3 : vector<16xf32>
      %mul3A_424 = arith.constant 5.000000e-03 : f32
      %mul3A_425 = vector.broadcast %mul3A_424 : f32 to vector<16xf32>
      %mul3A_426 = arith.mulf %add3A_423, %mul3A_425 : vector<16xf32>
      %swap3A_427 = arith.constant 1 : i32
      %swap3A_428 = arith.index_cast %swap3A_427 : i32 to index
      %swap3A_429 = arith.constant 16 : index
      %swap3A_430 = tpu.vector_load %arg8[%swap3A_428, %swap3A_429] {strides = array<i32>} : memref<8x32xf32, #tpu.memory_space<vmem>>, vector<1x16xf32>,
      %swap3A_431 = vector.shape_cast %swap3A_430 : vector<1x16xf32> to vector<16xf32>
      %swap3A_432 = vector.shape_cast %mul3A_426 : vector<16xf32> to vector<1x16xf32>
      tpu.vector_store %arg8[%swap3A_428, %swap3A_429], %swap3A_432 {strides = array<i32>} : memref<8x32xf32, #tpu.memory_space<vmem>>, vector<1x16xf32>,
      %broadcast_in_dim3A_433 = arith.constant 0.000000e+00 : f32
      %broadcast_in_dim3A_434 = vector.broadcast %broadcast_in_dim3A_433 : f32 to vector<16xf32>
      %scan3A_435 = arith.constant 0 : i32
      %scan3A_436 = arith.constant 25 : i32
      %scan3A_437 = arith.addi %scan3A_435, %scan3A_436 : i32
      %scan3A_438 = arith.constant 1 : i32
      %scan3A_439:4 = scf.for %scan3A_839 = %scan3A_435 to %scan3A_437 step %scan3A_438 iter_args(%scan3A_840 = %broadcast_in_dim3A_434, %scan3A_841 = %broadcast_in_dim3A_434, %scan3A_842 = %broadcast_in_dim3A_434, %scan3A_843 = %broadcast_in_dim3A_434) -> (vector<16xf32>, vector<16xf32>, vector<16xf32>, vector<16xf32>)  : i32 {
        %mul3A_844 = arith.constant 8 : i32
        %mul3A_845 = arith.muli %scan3A_839, %mul3A_844 : i32
        %add3A_846 = arith.constant 400 : i32
        %add3A_847 = arith.addi %add3A_846, %mul3A_845 : i32
        %add3A_848 = arith.constant 0 : i32
        %add3A_849 = arith.addi %add3A_847, %add3A_848 : i32
        %get3A = arith.index_cast %add3A_849 : i32 to index
        %get3A_850 = arith.constant 0 : index
        %get3A_851 = tpu.vector_load %arg6[%get3A, %get3A_850] {strides = array<i32>} : memref<1600x32xf32, #tpu.memory_space<vmem>>, vector<1x16xf32>,
        %get3A_852 = vector.shape_cast %get3A_851 : vector<1x16xf32> to vector<16xf32>
        %add3A_853 = arith.addf %scan3A_840, %get3A_852 : vector<16xf32>
        %add3A_854 = arith.constant 0 : i32
        %add3A_855 = arith.addi %add3A_847, %add3A_854 : i32
        %get3A_856 = arith.index_cast %add3A_855 : i32 to index
        %get3A_857 = arith.constant 16 : index
        %get3A_858 = tpu.vector_load %arg6[%get3A_856, %get3A_857] {strides = array<i32>} : memref<1600x32xf32, #tpu.memory_space<vmem>>, vector<1x16xf32>,
        %get3A_859 = vector.shape_cast %get3A_858 : vector<1x16xf32> to vector<16xf32>
        %add3A_860 = arith.addf %scan3A_841, %get3A_859 : vector<16xf32>
        %add3A_861 = arith.constant 0 : i32
        %add3A_862 = arith.addi %add3A_847, %add3A_861 : i32
        %add3A_863 = arith.constant 1 : i32
        %add3A_864 = arith.addi %add3A_862, %add3A_863 : i32
        %get3A_865 = arith.index_cast %add3A_864 : i32 to index
        %get3A_866 = arith.constant 0 : index
        %get3A_867 = tpu.vector_load %arg6[%get3A_865, %get3A_866] {strides = array<i32>} : memref<1600x32xf32, #tpu.memory_space<vmem>>, vector<1x16xf32>,
        %get3A_868 = vector.shape_cast %get3A_867 : vector<1x16xf32> to vector<16xf32>
        %add3A_869 = arith.addf %scan3A_842, %get3A_868 : vector<16xf32>
        %add3A_870 = arith.constant 0 : i32
        %add3A_871 = arith.addi %add3A_847, %add3A_870 : i32
        %add3A_872 = arith.constant 1 : i32
        %add3A_873 = arith.addi %add3A_871, %add3A_872 : i32
        %get3A_874 = arith.index_cast %add3A_873 : i32 to index
        %get3A_875 = arith.constant 16 : index
        %get3A_876 = tpu.vector_load %arg6[%get3A_874, %get3A_875] {strides = array<i32>} : memref<1600x32xf32, #tpu.memory_space<vmem>>, vector<1x16xf32>,
        %get3A_877 = vector.shape_cast %get3A_876 : vector<1x16xf32> to vector<16xf32>
        %add3A_878 = arith.addf %scan3A_843, %get3A_877 : vector<16xf32>
        %add3A_879 = arith.constant 2 : i32
        %add3A_880 = arith.addi %add3A_847, %add3A_879 : i32
        %get3A_881 = arith.index_cast %add3A_880 : i32 to index
        %get3A_882 = arith.constant 0 : index
        %get3A_883 = tpu.vector_load %arg6[%get3A_881, %get3A_882] {strides = array<i32>} : memref<1600x32xf32, #tpu.memory_space<vmem>>, vector<1x16xf32>,
        %get3A_884 = vector.shape_cast %get3A_883 : vector<1x16xf32> to vector<16xf32>
        %add3A_885 = arith.addf %add3A_853, %get3A_884 : vector<16xf32>
        %add3A_886 = arith.constant 2 : i32
        %add3A_887 = arith.addi %add3A_847, %add3A_886 : i32
        %get3A_888 = arith.index_cast %add3A_887 : i32 to index
        %get3A_889 = arith.constant 16 : index
        %get3A_890 = tpu.vector_load %arg6[%get3A_888, %get3A_889] {strides = array<i32>} : memref<1600x32xf32, #tpu.memory_space<vmem>>, vector<1x16xf32>,
        %get3A_891 = vector.shape_cast %get3A_890 : vector<1x16xf32> to vector<16xf32>
        %add3A_892 = arith.addf %add3A_860, %get3A_891 : vector<16xf32>
        %add3A_893 = arith.constant 2 : i32
        %add3A_894 = arith.addi %add3A_847, %add3A_893 : i32
        %add3A_895 = arith.constant 1 : i32
        %add3A_896 = arith.addi %add3A_894, %add3A_895 : i32
        %get3A_897 = arith.index_cast %add3A_896 : i32 to index
        %get3A_898 = arith.constant 0 : index
        %get3A_899 = tpu.vector_load %arg6[%get3A_897, %get3A_898] {strides = array<i32>} : memref<1600x32xf32, #tpu.memory_space<vmem>>, vector<1x16xf32>,
        %get3A_900 = vector.shape_cast %get3A_899 : vector<1x16xf32> to vector<16xf32>
        %add3A_901 = arith.addf %add3A_869, %get3A_900 : vector<16xf32>
        %add3A_902 = arith.constant 2 : i32
        %add3A_903 = arith.addi %add3A_847, %add3A_902 : i32
        %add3A_904 = arith.constant 1 : i32
        %add3A_905 = arith.addi %add3A_903, %add3A_904 : i32
        %get3A_906 = arith.index_cast %add3A_905 : i32 to index
        %get3A_907 = arith.constant 16 : index
        %get3A_908 = tpu.vector_load %arg6[%get3A_906, %get3A_907] {strides = array<i32>} : memref<1600x32xf32, #tpu.memory_space<vmem>>, vector<1x16xf32>,
        %get3A_909 = vector.shape_cast %get3A_908 : vector<1x16xf32> to vector<16xf32>
        %add3A_910 = arith.addf %add3A_878, %get3A_909 : vector<16xf32>
        %add3A_911 = arith.constant 4 : i32
        %add3A_912 = arith.addi %add3A_847, %add3A_911 : i32
        %get3A_913 = arith.index_cast %add3A_912 : i32 to index
        %get3A_914 = arith.constant 0 : index
        %get3A_915 = tpu.vector_load %arg6[%get3A_913, %get3A_914] {strides = array<i32>} : memref<1600x32xf32, #tpu.memory_space<vmem>>, vector<1x16xf32>,
        %get3A_916 = vector.shape_cast %get3A_915 : vector<1x16xf32> to vector<16xf32>
        %add3A_917 = arith.addf %add3A_885, %get3A_916 : vector<16xf32>
        %add3A_918 = arith.constant 4 : i32
        %add3A_919 = arith.addi %add3A_847, %add3A_918 : i32
        %get3A_920 = arith.index_cast %add3A_919 : i32 to index
        %get3A_921 = arith.constant 16 : index
        %get3A_922 = tpu.vector_load %arg6[%get3A_920, %get3A_921] {strides = array<i32>} : memref<1600x32xf32, #tpu.memory_space<vmem>>, vector<1x16xf32>,
        %get3A_923 = vector.shape_cast %get3A_922 : vector<1x16xf32> to vector<16xf32>
        %add3A_924 = arith.addf %add3A_892, %get3A_923 : vector<16xf32>
        %add3A_925 = arith.constant 4 : i32
        %add3A_926 = arith.addi %add3A_847, %add3A_925 : i32
        %add3A_927 = arith.constant 1 : i32
        %add3A_928 = arith.addi %add3A_926, %add3A_927 : i32
        %get3A_929 = arith.index_cast %add3A_928 : i32 to index
        %get3A_930 = arith.constant 0 : index
        %get3A_931 = tpu.vector_load %arg6[%get3A_929, %get3A_930] {strides = array<i32>} : memref<1600x32xf32, #tpu.memory_space<vmem>>, vector<1x16xf32>,
        %get3A_932 = vector.shape_cast %get3A_931 : vector<1x16xf32> to vector<16xf32>
        %add3A_933 = arith.addf %add3A_901, %get3A_932 : vector<16xf32>
        %add3A_934 = arith.constant 4 : i32
        %add3A_935 = arith.addi %add3A_847, %add3A_934 : i32
        %add3A_936 = arith.constant 1 : i32
        %add3A_937 = arith.addi %add3A_935, %add3A_936 : i32
        %get3A_938 = arith.index_cast %add3A_937 : i32 to index
        %get3A_939 = arith.constant 16 : index
        %get3A_940 = tpu.vector_load %arg6[%get3A_938, %get3A_939] {strides = array<i32>} : memref<1600x32xf32, #tpu.memory_space<vmem>>, vector<1x16xf32>,
        %get3A_941 = vector.shape_cast %get3A_940 : vector<1x16xf32> to vector<16xf32>
        %add3A_942 = arith.addf %add3A_910, %get3A_941 : vector<16xf32>
        %add3A_943 = arith.constant 6 : i32
        %add3A_944 = arith.addi %add3A_847, %add3A_943 : i32
        %get3A_945 = arith.index_cast %add3A_944 : i32 to index
        %get3A_946 = arith.constant 0 : index
        %get3A_947 = tpu.vector_load %arg6[%get3A_945, %get3A_946] {strides = array<i32>} : memref<1600x32xf32, #tpu.memory_space<vmem>>, vector<1x16xf32>,
        %get3A_948 = vector.shape_cast %get3A_947 : vector<1x16xf32> to vector<16xf32>
        %add3A_949 = arith.addf %add3A_917, %get3A_948 : vector<16xf32>
        %add3A_950 = arith.constant 6 : i32
        %add3A_951 = arith.addi %add3A_847, %add3A_950 : i32
        %get3A_952 = arith.index_cast %add3A_951 : i32 to index
        %get3A_953 = arith.constant 16 : index
        %get3A_954 = tpu.vector_load %arg6[%get3A_952, %get3A_953] {strides = array<i32>} : memref<1600x32xf32, #tpu.memory_space<vmem>>, vector<1x16xf32>,
        %get3A_955 = vector.shape_cast %get3A_954 : vector<1x16xf32> to vector<16xf32>
        %add3A_956 = arith.addf %add3A_924, %get3A_955 : vector<16xf32>
        %add3A_957 = arith.constant 6 : i32
        %add3A_958 = arith.addi %add3A_847, %add3A_957 : i32
        %add3A_959 = arith.constant 1 : i32
        %add3A_960 = arith.addi %add3A_958, %add3A_959 : i32
        %get3A_961 = arith.index_cast %add3A_960 : i32 to index
        %get3A_962 = arith.constant 0 : index
        %get3A_963 = tpu.vector_load %arg6[%get3A_961, %get3A_962] {strides = array<i32>} : memref<1600x32xf32, #tpu.memory_space<vmem>>, vector<1x16xf32>,
        %get3A_964 = vector.shape_cast %get3A_963 : vector<1x16xf32> to vector<16xf32>
        %add3A_965 = arith.addf %add3A_933, %get3A_964 : vector<16xf32>
        %add3A_966 = arith.constant 6 : i32
        %add3A_967 = arith.addi %add3A_847, %add3A_966 : i32
        %add3A_968 = arith.constant 1 : i32
        %add3A_969 = arith.addi %add3A_967, %add3A_968 : i32
        %get3A_970 = arith.index_cast %add3A_969 : i32 to index
        %get3A_971 = arith.constant 16 : index
        %get3A_972 = tpu.vector_load %arg6[%get3A_970, %get3A_971] {strides = array<i32>} : memref<1600x32xf32, #tpu.memory_space<vmem>>, vector<1x16xf32>,
        %get3A_973 = vector.shape_cast %get3A_972 : vector<1x16xf32> to vector<16xf32>
        %add3A_974 = arith.addf %add3A_942, %get3A_973 : vector<16xf32>
        scf.yield %add3A_949, %add3A_956, %add3A_965, %add3A_974 : vector<16xf32>, vector<16xf32>, vector<16xf32>, vector<16xf32>
      }
      %scan3A_440 = arith.constant 25 : i32
      %add3A_441 = arith.addf %scan3A_439#0, %scan3A_439#2 : vector<16xf32>
      %mul3A_442 = arith.constant 5.000000e-03 : f32
      %mul3A_443 = vector.broadcast %mul3A_442 : f32 to vector<16xf32>
      %mul3A_444 = arith.mulf %add3A_441, %mul3A_443 : vector<16xf32>
      %swap3A_445 = arith.constant 2 : i32
      %swap3A_446 = arith.index_cast %swap3A_445 : i32 to index
      %swap3A_447 = arith.constant 0 : index
      %swap3A_448 = tpu.vector_load %arg8[%swap3A_446, %swap3A_447] {strides = array<i32>} : memref<8x32xf32, #tpu.memory_space<vmem>>, vector<1x16xf32>,
      %swap3A_449 = vector.shape_cast %swap3A_448 : vector<1x16xf32> to vector<16xf32>
      %swap3A_450 = vector.shape_cast %mul3A_444 : vector<16xf32> to vector<1x16xf32>
      tpu.vector_store %arg8[%swap3A_446, %swap3A_447], %swap3A_450 {strides = array<i32>} : memref<8x32xf32, #tpu.memory_space<vmem>>, vector<1x16xf32>,
      %add3A_451 = arith.addf %scan3A_439#1, %scan3A_439#3 : vector<16xf32>
      %mul3A_452 = arith.constant 5.000000e-03 : f32
      %mul3A_453 = vector.broadcast %mul3A_452 : f32 to vector<16xf32>
      %mul3A_454 = arith.mulf %add3A_451, %mul3A_453 : vector<16xf32>
      %swap3A_455 = arith.constant 2 : i32
      %swap3A_456 = arith.index_cast %swap3A_455 : i32 to index
      %swap3A_457 = arith.constant 16 : index
      %swap3A_458 = tpu.vector_load %arg8[%swap3A_456, %swap3A_457] {strides = array<i32>} : memref<8x32xf32, #tpu.memory_space<vmem>>, vector<1x16xf32>,
      %swap3A_459 = vector.shape_cast %swap3A_458 : vector<1x16xf32> to vector<16xf32>
      %swap3A_460 = vector.shape_cast %mul3A_454 : vector<16xf32> to vector<1x16xf32>
      tpu.vector_store %arg8[%swap3A_456, %swap3A_457], %swap3A_460 {strides = array<i32>} : memref<8x32xf32, #tpu.memory_space<vmem>>, vector<1x16xf32>,
      %broadcast_in_dim3A_461 = arith.constant 0.000000e+00 : f32
      %broadcast_in_dim3A_462 = vector.broadcast %broadcast_in_dim3A_461 : f32 to vector<16xf32>
      %scan3A_463 = arith.constant 0 : i32
      %scan3A_464 = arith.constant 25 : i32
      %scan3A_465 = arith.addi %scan3A_463, %scan3A_464 : i32
      %scan3A_466 = arith.constant 1 : i32
      %scan3A_467:4 = scf.for %scan3A_839 = %scan3A_463 to %scan3A_465 step %scan3A_466 iter_args(%scan3A_840 = %broadcast_in_dim3A_462, %scan3A_841 = %broadcast_in_dim3A_462, %scan3A_842 = %broadcast_in_dim3A_462, %scan3A_843 = %broadcast_in_dim3A_462) -> (vector<16xf32>, vector<16xf32>, vector<16xf32>, vector<16xf32>)  : i32 {
        %mul3A_844 = arith.constant 8 : i32
        %mul3A_845 = arith.muli %scan3A_839, %mul3A_844 : i32
        %add3A_846 = arith.constant 600 : i32
        %add3A_847 = arith.addi %add3A_846, %mul3A_845 : i32
        %add3A_848 = arith.constant 0 : i32
        %add3A_849 = arith.addi %add3A_847, %add3A_848 : i32
        %get3A = arith.index_cast %add3A_849 : i32 to index
        %get3A_850 = arith.constant 0 : index
        %get3A_851 = tpu.vector_load %arg6[%get3A, %get3A_850] {strides = array<i32>} : memref<1600x32xf32, #tpu.memory_space<vmem>>, vector<1x16xf32>,
        %get3A_852 = vector.shape_cast %get3A_851 : vector<1x16xf32> to vector<16xf32>
        %add3A_853 = arith.addf %scan3A_840, %get3A_852 : vector<16xf32>
        %add3A_854 = arith.constant 0 : i32
        %add3A_855 = arith.addi %add3A_847, %add3A_854 : i32
        %get3A_856 = arith.index_cast %add3A_855 : i32 to index
        %get3A_857 = arith.constant 16 : index
        %get3A_858 = tpu.vector_load %arg6[%get3A_856, %get3A_857] {strides = array<i32>} : memref<1600x32xf32, #tpu.memory_space<vmem>>, vector<1x16xf32>,
        %get3A_859 = vector.shape_cast %get3A_858 : vector<1x16xf32> to vector<16xf32>
        %add3A_860 = arith.addf %scan3A_841, %get3A_859 : vector<16xf32>
        %add3A_861 = arith.constant 0 : i32
        %add3A_862 = arith.addi %add3A_847, %add3A_861 : i32
        %add3A_863 = arith.constant 1 : i32
        %add3A_864 = arith.addi %add3A_862, %add3A_863 : i32
        %get3A_865 = arith.index_cast %add3A_864 : i32 to index
        %get3A_866 = arith.constant 0 : index
        %get3A_867 = tpu.vector_load %arg6[%get3A_865, %get3A_866] {strides = array<i32>} : memref<1600x32xf32, #tpu.memory_space<vmem>>, vector<1x16xf32>,
        %get3A_868 = vector.shape_cast %get3A_867 : vector<1x16xf32> to vector<16xf32>
        %add3A_869 = arith.addf %scan3A_842, %get3A_868 : vector<16xf32>
        %add3A_870 = arith.constant 0 : i32
        %add3A_871 = arith.addi %add3A_847, %add3A_870 : i32
        %add3A_872 = arith.constant 1 : i32
        %add3A_873 = arith.addi %add3A_871, %add3A_872 : i32
        %get3A_874 = arith.index_cast %add3A_873 : i32 to index
        %get3A_875 = arith.constant 16 : index
        %get3A_876 = tpu.vector_load %arg6[%get3A_874, %get3A_875] {strides = array<i32>} : memref<1600x32xf32, #tpu.memory_space<vmem>>, vector<1x16xf32>,
        %get3A_877 = vector.shape_cast %get3A_876 : vector<1x16xf32> to vector<16xf32>
        %add3A_878 = arith.addf %scan3A_843, %get3A_877 : vector<16xf32>
        %add3A_879 = arith.constant 2 : i32
        %add3A_880 = arith.addi %add3A_847, %add3A_879 : i32
        %get3A_881 = arith.index_cast %add3A_880 : i32 to index
        %get3A_882 = arith.constant 0 : index
        %get3A_883 = tpu.vector_load %arg6[%get3A_881, %get3A_882] {strides = array<i32>} : memref<1600x32xf32, #tpu.memory_space<vmem>>, vector<1x16xf32>,
        %get3A_884 = vector.shape_cast %get3A_883 : vector<1x16xf32> to vector<16xf32>
        %add3A_885 = arith.addf %add3A_853, %get3A_884 : vector<16xf32>
        %add3A_886 = arith.constant 2 : i32
        %add3A_887 = arith.addi %add3A_847, %add3A_886 : i32
        %get3A_888 = arith.index_cast %add3A_887 : i32 to index
        %get3A_889 = arith.constant 16 : index
        %get3A_890 = tpu.vector_load %arg6[%get3A_888, %get3A_889] {strides = array<i32>} : memref<1600x32xf32, #tpu.memory_space<vmem>>, vector<1x16xf32>,
        %get3A_891 = vector.shape_cast %get3A_890 : vector<1x16xf32> to vector<16xf32>
        %add3A_892 = arith.addf %add3A_860, %get3A_891 : vector<16xf32>
        %add3A_893 = arith.constant 2 : i32
        %add3A_894 = arith.addi %add3A_847, %add3A_893 : i32
        %add3A_895 = arith.constant 1 : i32
        %add3A_896 = arith.addi %add3A_894, %add3A_895 : i32
        %get3A_897 = arith.index_cast %add3A_896 : i32 to index
        %get3A_898 = arith.constant 0 : index
        %get3A_899 = tpu.vector_load %arg6[%get3A_897, %get3A_898] {strides = array<i32>} : memref<1600x32xf32, #tpu.memory_space<vmem>>, vector<1x16xf32>,
        %get3A_900 = vector.shape_cast %get3A_899 : vector<1x16xf32> to vector<16xf32>
        %add3A_901 = arith.addf %add3A_869, %get3A_900 : vector<16xf32>
        %add3A_902 = arith.constant 2 : i32
        %add3A_903 = arith.addi %add3A_847, %add3A_902 : i32
        %add3A_904 = arith.constant 1 : i32
        %add3A_905 = arith.addi %add3A_903, %add3A_904 : i32
        %get3A_906 = arith.index_cast %add3A_905 : i32 to index
        %get3A_907 = arith.constant 16 : index
        %get3A_908 = tpu.vector_load %arg6[%get3A_906, %get3A_907] {strides = array<i32>} : memref<1600x32xf32, #tpu.memory_space<vmem>>, vector<1x16xf32>,
        %get3A_909 = vector.shape_cast %get3A_908 : vector<1x16xf32> to vector<16xf32>
        %add3A_910 = arith.addf %add3A_878, %get3A_909 : vector<16xf32>
        %add3A_911 = arith.constant 4 : i32
        %add3A_912 = arith.addi %add3A_847, %add3A_911 : i32
        %get3A_913 = arith.index_cast %add3A_912 : i32 to index
        %get3A_914 = arith.constant 0 : index
        %get3A_915 = tpu.vector_load %arg6[%get3A_913, %get3A_914] {strides = array<i32>} : memref<1600x32xf32, #tpu.memory_space<vmem>>, vector<1x16xf32>,
        %get3A_916 = vector.shape_cast %get3A_915 : vector<1x16xf32> to vector<16xf32>
        %add3A_917 = arith.addf %add3A_885, %get3A_916 : vector<16xf32>
        %add3A_918 = arith.constant 4 : i32
        %add3A_919 = arith.addi %add3A_847, %add3A_918 : i32
        %get3A_920 = arith.index_cast %add3A_919 : i32 to index
        %get3A_921 = arith.constant 16 : index
        %get3A_922 = tpu.vector_load %arg6[%get3A_920, %get3A_921] {strides = array<i32>} : memref<1600x32xf32, #tpu.memory_space<vmem>>, vector<1x16xf32>,
        %get3A_923 = vector.shape_cast %get3A_922 : vector<1x16xf32> to vector<16xf32>
        %add3A_924 = arith.addf %add3A_892, %get3A_923 : vector<16xf32>
        %add3A_925 = arith.constant 4 : i32
        %add3A_926 = arith.addi %add3A_847, %add3A_925 : i32
        %add3A_927 = arith.constant 1 : i32
        %add3A_928 = arith.addi %add3A_926, %add3A_927 : i32
        %get3A_929 = arith.index_cast %add3A_928 : i32 to index
        %get3A_930 = arith.constant 0 : index
        %get3A_931 = tpu.vector_load %arg6[%get3A_929, %get3A_930] {strides = array<i32>} : memref<1600x32xf32, #tpu.memory_space<vmem>>, vector<1x16xf32>,
        %get3A_932 = vector.shape_cast %get3A_931 : vector<1x16xf32> to vector<16xf32>
        %add3A_933 = arith.addf %add3A_901, %get3A_932 : vector<16xf32>
        %add3A_934 = arith.constant 4 : i32
        %add3A_935 = arith.addi %add3A_847, %add3A_934 : i32
        %add3A_936 = arith.constant 1 : i32
        %add3A_937 = arith.addi %add3A_935, %add3A_936 : i32
        %get3A_938 = arith.index_cast %add3A_937 : i32 to index
        %get3A_939 = arith.constant 16 : index
        %get3A_940 = tpu.vector_load %arg6[%get3A_938, %get3A_939] {strides = array<i32>} : memref<1600x32xf32, #tpu.memory_space<vmem>>, vector<1x16xf32>,
        %get3A_941 = vector.shape_cast %get3A_940 : vector<1x16xf32> to vector<16xf32>
        %add3A_942 = arith.addf %add3A_910, %get3A_941 : vector<16xf32>
        %add3A_943 = arith.constant 6 : i32
        %add3A_944 = arith.addi %add3A_847, %add3A_943 : i32
        %get3A_945 = arith.index_cast %add3A_944 : i32 to index
        %get3A_946 = arith.constant 0 : index
        %get3A_947 = tpu.vector_load %arg6[%get3A_945, %get3A_946] {strides = array<i32>} : memref<1600x32xf32, #tpu.memory_space<vmem>>, vector<1x16xf32>,
        %get3A_948 = vector.shape_cast %get3A_947 : vector<1x16xf32> to vector<16xf32>
        %add3A_949 = arith.addf %add3A_917, %get3A_948 : vector<16xf32>
        %add3A_950 = arith.constant 6 : i32
        %add3A_951 = arith.addi %add3A_847, %add3A_950 : i32
        %get3A_952 = arith.index_cast %add3A_951 : i32 to index
        %get3A_953 = arith.constant 16 : index
        %get3A_954 = tpu.vector_load %arg6[%get3A_952, %get3A_953] {strides = array<i32>} : memref<1600x32xf32, #tpu.memory_space<vmem>>, vector<1x16xf32>,
        %get3A_955 = vector.shape_cast %get3A_954 : vector<1x16xf32> to vector<16xf32>
        %add3A_956 = arith.addf %add3A_924, %get3A_955 : vector<16xf32>
        %add3A_957 = arith.constant 6 : i32
        %add3A_958 = arith.addi %add3A_847, %add3A_957 : i32
        %add3A_959 = arith.constant 1 : i32
        %add3A_960 = arith.addi %add3A_958, %add3A_959 : i32
        %get3A_961 = arith.index_cast %add3A_960 : i32 to index
        %get3A_962 = arith.constant 0 : index
        %get3A_963 = tpu.vector_load %arg6[%get3A_961, %get3A_962] {strides = array<i32>} : memref<1600x32xf32, #tpu.memory_space<vmem>>, vector<1x16xf32>,
        %get3A_964 = vector.shape_cast %get3A_963 : vector<1x16xf32> to vector<16xf32>
        %add3A_965 = arith.addf %add3A_933, %get3A_964 : vector<16xf32>
        %add3A_966 = arith.constant 6 : i32
        %add3A_967 = arith.addi %add3A_847, %add3A_966 : i32
        %add3A_968 = arith.constant 1 : i32
        %add3A_969 = arith.addi %add3A_967, %add3A_968 : i32
        %get3A_970 = arith.index_cast %add3A_969 : i32 to index
        %get3A_971 = arith.constant 16 : index
        %get3A_972 = tpu.vector_load %arg6[%get3A_970, %get3A_971] {strides = array<i32>} : memref<1600x32xf32, #tpu.memory_space<vmem>>, vector<1x16xf32>,
        %get3A_973 = vector.shape_cast %get3A_972 : vector<1x16xf32> to vector<16xf32>
        %add3A_974 = arith.addf %add3A_942, %get3A_973 : vector<16xf32>
        scf.yield %add3A_949, %add3A_956, %add3A_965, %add3A_974 : vector<16xf32>, vector<16xf32>, vector<16xf32>, vector<16xf32>
      }
      %scan3A_468 = arith.constant 25 : i32
      %add3A_469 = arith.addf %scan3A_467#0, %scan3A_467#2 : vector<16xf32>
      %mul3A_470 = arith.constant 5.000000e-03 : f32
      %mul3A_471 = vector.broadcast %mul3A_470 : f32 to vector<16xf32>
      %mul3A_472 = arith.mulf %add3A_469, %mul3A_471 : vector<16xf32>
      %swap3A_473 = arith.constant 3 : i32
      %swap3A_474 = arith.index_cast %swap3A_473 : i32 to index
      %swap3A_475 = arith.constant 0 : index
      %swap3A_476 = tpu.vector_load %arg8[%swap3A_474, %swap3A_475] {strides = array<i32>} : memref<8x32xf32, #tpu.memory_space<vmem>>, vector<1x16xf32>,
      %swap3A_477 = vector.shape_cast %swap3A_476 : vector<1x16xf32> to vector<16xf32>
      %swap3A_478 = vector.shape_cast %mul3A_472 : vector<16xf32> to vector<1x16xf32>
      tpu.vector_store %arg8[%swap3A_474, %swap3A_475], %swap3A_478 {strides = array<i32>} : memref<8x32xf32, #tpu.memory_space<vmem>>, vector<1x16xf32>,
      %add3A_479 = arith.addf %scan3A_467#1, %scan3A_467#3 : vector<16xf32>
      %mul3A_480 = arith.constant 5.000000e-03 : f32
      %mul3A_481 = vector.broadcast %mul3A_480 : f32 to vector<16xf32>
      %mul3A_482 = arith.mulf %add3A_479, %mul3A_481 : vector<16xf32>
      %swap3A_483 = arith.constant 3 : i32
      %swap3A_484 = arith.index_cast %swap3A_483 : i32 to index
      %swap3A_485 = arith.constant 16 : index
      %swap3A_486 = tpu.vector_load %arg8[%swap3A_484, %swap3A_485] {strides = array<i32>} : memref<8x32xf32, #tpu.memory_space<vmem>>, vector<1x16xf32>,
      %swap3A_487 = vector.shape_cast %swap3A_486 : vector<1x16xf32> to vector<16xf32>
      %swap3A_488 = vector.shape_cast %mul3A_482 : vector<16xf32> to vector<1x16xf32>
      tpu.vector_store %arg8[%swap3A_484, %swap3A_485], %swap3A_488 {strides = array<i32>} : memref<8x32xf32, #tpu.memory_space<vmem>>, vector<1x16xf32>,
      %broadcast_in_dim3A_489 = arith.constant 0.000000e+00 : f32
      %broadcast_in_dim3A_490 = vector.broadcast %broadcast_in_dim3A_489 : f32 to vector<16xf32>
      %scan3A_491 = arith.constant 0 : i32
      %scan3A_492 = arith.constant 25 : i32
      %scan3A_493 = arith.addi %scan3A_491, %scan3A_492 : i32
      %scan3A_494 = arith.constant 1 : i32
      %scan3A_495:4 = scf.for %scan3A_839 = %scan3A_491 to %scan3A_493 step %scan3A_494 iter_args(%scan3A_840 = %broadcast_in_dim3A_490, %scan3A_841 = %broadcast_in_dim3A_490, %scan3A_842 = %broadcast_in_dim3A_490, %scan3A_843 = %broadcast_in_dim3A_490) -> (vector<16xf32>, vector<16xf32>, vector<16xf32>, vector<16xf32>)  : i32 {
        %mul3A_844 = arith.constant 8 : i32
        %mul3A_845 = arith.muli %scan3A_839, %mul3A_844 : i32
        %add3A_846 = arith.constant 800 : i32
        %add3A_847 = arith.addi %add3A_846, %mul3A_845 : i32
        %add3A_848 = arith.constant 0 : i32
        %add3A_849 = arith.addi %add3A_847, %add3A_848 : i32
        %get3A = arith.index_cast %add3A_849 : i32 to index
        %get3A_850 = arith.constant 0 : index
        %get3A_851 = tpu.vector_load %arg6[%get3A, %get3A_850] {strides = array<i32>} : memref<1600x32xf32, #tpu.memory_space<vmem>>, vector<1x16xf32>,
        %get3A_852 = vector.shape_cast %get3A_851 : vector<1x16xf32> to vector<16xf32>
        %add3A_853 = arith.addf %scan3A_840, %get3A_852 : vector<16xf32>
        %add3A_854 = arith.constant 0 : i32
        %add3A_855 = arith.addi %add3A_847, %add3A_854 : i32
        %get3A_856 = arith.index_cast %add3A_855 : i32 to index
        %get3A_857 = arith.constant 16 : index
        %get3A_858 = tpu.vector_load %arg6[%get3A_856, %get3A_857] {strides = array<i32>} : memref<1600x32xf32, #tpu.memory_space<vmem>>, vector<1x16xf32>,
        %get3A_859 = vector.shape_cast %get3A_858 : vector<1x16xf32> to vector<16xf32>
        %add3A_860 = arith.addf %scan3A_841, %get3A_859 : vector<16xf32>
        %add3A_861 = arith.constant 0 : i32
        %add3A_862 = arith.addi %add3A_847, %add3A_861 : i32
        %add3A_863 = arith.constant 1 : i32
        %add3A_864 = arith.addi %add3A_862, %add3A_863 : i32
        %get3A_865 = arith.index_cast %add3A_864 : i32 to index
        %get3A_866 = arith.constant 0 : index
        %get3A_867 = tpu.vector_load %arg6[%get3A_865, %get3A_866] {strides = array<i32>} : memref<1600x32xf32, #tpu.memory_space<vmem>>, vector<1x16xf32>,
        %get3A_868 = vector.shape_cast %get3A_867 : vector<1x16xf32> to vector<16xf32>
        %add3A_869 = arith.addf %scan3A_842, %get3A_868 : vector<16xf32>
        %add3A_870 = arith.constant 0 : i32
        %add3A_871 = arith.addi %add3A_847, %add3A_870 : i32
        %add3A_872 = arith.constant 1 : i32
        %add3A_873 = arith.addi %add3A_871, %add3A_872 : i32
        %get3A_874 = arith.index_cast %add3A_873 : i32 to index
        %get3A_875 = arith.constant 16 : index
        %get3A_876 = tpu.vector_load %arg6[%get3A_874, %get3A_875] {strides = array<i32>} : memref<1600x32xf32, #tpu.memory_space<vmem>>, vector<1x16xf32>,
        %get3A_877 = vector.shape_cast %get3A_876 : vector<1x16xf32> to vector<16xf32>
        %add3A_878 = arith.addf %scan3A_843, %get3A_877 : vector<16xf32>
        %add3A_879 = arith.constant 2 : i32
        %add3A_880 = arith.addi %add3A_847, %add3A_879 : i32
        %get3A_881 = arith.index_cast %add3A_880 : i32 to index
        %get3A_882 = arith.constant 0 : index
        %get3A_883 = tpu.vector_load %arg6[%get3A_881, %get3A_882] {strides = array<i32>} : memref<1600x32xf32, #tpu.memory_space<vmem>>, vector<1x16xf32>,
        %get3A_884 = vector.shape_cast %get3A_883 : vector<1x16xf32> to vector<16xf32>
        %add3A_885 = arith.addf %add3A_853, %get3A_884 : vector<16xf32>
        %add3A_886 = arith.constant 2 : i32
        %add3A_887 = arith.addi %add3A_847, %add3A_886 : i32
        %get3A_888 = arith.index_cast %add3A_887 : i32 to index
        %get3A_889 = arith.constant 16 : index
        %get3A_890 = tpu.vector_load %arg6[%get3A_888, %get3A_889] {strides = array<i32>} : memref<1600x32xf32, #tpu.memory_space<vmem>>, vector<1x16xf32>,
        %get3A_891 = vector.shape_cast %get3A_890 : vector<1x16xf32> to vector<16xf32>
        %add3A_892 = arith.addf %add3A_860, %get3A_891 : vector<16xf32>
        %add3A_893 = arith.constant 2 : i32
        %add3A_894 = arith.addi %add3A_847, %add3A_893 : i32
        %add3A_895 = arith.constant 1 : i32
        %add3A_896 = arith.addi %add3A_894, %add3A_895 : i32
        %get3A_897 = arith.index_cast %add3A_896 : i32 to index
        %get3A_898 = arith.constant 0 : index
        %get3A_899 = tpu.vector_load %arg6[%get3A_897, %get3A_898] {strides = array<i32>} : memref<1600x32xf32, #tpu.memory_space<vmem>>, vector<1x16xf32>,
        %get3A_900 = vector.shape_cast %get3A_899 : vector<1x16xf32> to vector<16xf32>
        %add3A_901 = arith.addf %add3A_869, %get3A_900 : vector<16xf32>
        %add3A_902 = arith.constant 2 : i32
        %add3A_903 = arith.addi %add3A_847, %add3A_902 : i32
        %add3A_904 = arith.constant 1 : i32
        %add3A_905 = arith.addi %add3A_903, %add3A_904 : i32
        %get3A_906 = arith.index_cast %add3A_905 : i32 to index
        %get3A_907 = arith.constant 16 : index
        %get3A_908 = tpu.vector_load %arg6[%get3A_906, %get3A_907] {strides = array<i32>} : memref<1600x32xf32, #tpu.memory_space<vmem>>, vector<1x16xf32>,
        %get3A_909 = vector.shape_cast %get3A_908 : vector<1x16xf32> to vector<16xf32>
        %add3A_910 = arith.addf %add3A_878, %get3A_909 : vector<16xf32>
        %add3A_911 = arith.constant 4 : i32
        %add3A_912 = arith.addi %add3A_847, %add3A_911 : i32
        %get3A_913 = arith.index_cast %add3A_912 : i32 to index
        %get3A_914 = arith.constant 0 : index
        %get3A_915 = tpu.vector_load %arg6[%get3A_913, %get3A_914] {strides = array<i32>} : memref<1600x32xf32, #tpu.memory_space<vmem>>, vector<1x16xf32>,
        %get3A_916 = vector.shape_cast %get3A_915 : vector<1x16xf32> to vector<16xf32>
        %add3A_917 = arith.addf %add3A_885, %get3A_916 : vector<16xf32>
        %add3A_918 = arith.constant 4 : i32
        %add3A_919 = arith.addi %add3A_847, %add3A_918 : i32
        %get3A_920 = arith.index_cast %add3A_919 : i32 to index
        %get3A_921 = arith.constant 16 : index
        %get3A_922 = tpu.vector_load %arg6[%get3A_920, %get3A_921] {strides = array<i32>} : memref<1600x32xf32, #tpu.memory_space<vmem>>, vector<1x16xf32>,
        %get3A_923 = vector.shape_cast %get3A_922 : vector<1x16xf32> to vector<16xf32>
        %add3A_924 = arith.addf %add3A_892, %get3A_923 : vector<16xf32>
        %add3A_925 = arith.constant 4 : i32
        %add3A_926 = arith.addi %add3A_847, %add3A_925 : i32
        %add3A_927 = arith.constant 1 : i32
        %add3A_928 = arith.addi %add3A_926, %add3A_927 : i32
        %get3A_929 = arith.index_cast %add3A_928 : i32 to index
        %get3A_930 = arith.constant 0 : index
        %get3A_931 = tpu.vector_load %arg6[%get3A_929, %get3A_930] {strides = array<i32>} : memref<1600x32xf32, #tpu.memory_space<vmem>>, vector<1x16xf32>,
        %get3A_932 = vector.shape_cast %get3A_931 : vector<1x16xf32> to vector<16xf32>
        %add3A_933 = arith.addf %add3A_901, %get3A_932 : vector<16xf32>
        %add3A_934 = arith.constant 4 : i32
        %add3A_935 = arith.addi %add3A_847, %add3A_934 : i32
        %add3A_936 = arith.constant 1 : i32
        %add3A_937 = arith.addi %add3A_935, %add3A_936 : i32
        %get3A_938 = arith.index_cast %add3A_937 : i32 to index
        %get3A_939 = arith.constant 16 : index
        %get3A_940 = tpu.vector_load %arg6[%get3A_938, %get3A_939] {strides = array<i32>} : memref<1600x32xf32, #tpu.memory_space<vmem>>, vector<1x16xf32>,
        %get3A_941 = vector.shape_cast %get3A_940 : vector<1x16xf32> to vector<16xf32>
        %add3A_942 = arith.addf %add3A_910, %get3A_941 : vector<16xf32>
        %add3A_943 = arith.constant 6 : i32
        %add3A_944 = arith.addi %add3A_847, %add3A_943 : i32
        %get3A_945 = arith.index_cast %add3A_944 : i32 to index
        %get3A_946 = arith.constant 0 : index
        %get3A_947 = tpu.vector_load %arg6[%get3A_945, %get3A_946] {strides = array<i32>} : memref<1600x32xf32, #tpu.memory_space<vmem>>, vector<1x16xf32>,
        %get3A_948 = vector.shape_cast %get3A_947 : vector<1x16xf32> to vector<16xf32>
        %add3A_949 = arith.addf %add3A_917, %get3A_948 : vector<16xf32>
        %add3A_950 = arith.constant 6 : i32
        %add3A_951 = arith.addi %add3A_847, %add3A_950 : i32
        %get3A_952 = arith.index_cast %add3A_951 : i32 to index
        %get3A_953 = arith.constant 16 : index
        %get3A_954 = tpu.vector_load %arg6[%get3A_952, %get3A_953] {strides = array<i32>} : memref<1600x32xf32, #tpu.memory_space<vmem>>, vector<1x16xf32>,
        %get3A_955 = vector.shape_cast %get3A_954 : vector<1x16xf32> to vector<16xf32>
        %add3A_956 = arith.addf %add3A_924, %get3A_955 : vector<16xf32>
        %add3A_957 = arith.constant 6 : i32
        %add3A_958 = arith.addi %add3A_847, %add3A_957 : i32
        %add3A_959 = arith.constant 1 : i32
        %add3A_960 = arith.addi %add3A_958, %add3A_959 : i32
        %get3A_961 = arith.index_cast %add3A_960 : i32 to index
        %get3A_962 = arith.constant 0 : index
        %get3A_963 = tpu.vector_load %arg6[%get3A_961, %get3A_962] {strides = array<i32>} : memref<1600x32xf32, #tpu.memory_space<vmem>>, vector<1x16xf32>,
        %get3A_964 = vector.shape_cast %get3A_963 : vector<1x16xf32> to vector<16xf32>
        %add3A_965 = arith.addf %add3A_933, %get3A_964 : vector<16xf32>
        %add3A_966 = arith.constant 6 : i32
        %add3A_967 = arith.addi %add3A_847, %add3A_966 : i32
        %add3A_968 = arith.constant 1 : i32
        %add3A_969 = arith.addi %add3A_967, %add3A_968 : i32
        %get3A_970 = arith.index_cast %add3A_969 : i32 to index
        %get3A_971 = arith.constant 16 : index
        %get3A_972 = tpu.vector_load %arg6[%get3A_970, %get3A_971] {strides = array<i32>} : memref<1600x32xf32, #tpu.memory_space<vmem>>, vector<1x16xf32>,
        %get3A_973 = vector.shape_cast %get3A_972 : vector<1x16xf32> to vector<16xf32>
        %add3A_974 = arith.addf %add3A_942, %get3A_973 : vector<16xf32>
        scf.yield %add3A_949, %add3A_956, %add3A_965, %add3A_974 : vector<16xf32>, vector<16xf32>, vector<16xf32>, vector<16xf32>
      }
      %scan3A_496 = arith.constant 25 : i32
      %add3A_497 = arith.addf %scan3A_495#0, %scan3A_495#2 : vector<16xf32>
      %mul3A_498 = arith.constant 5.000000e-03 : f32
      %mul3A_499 = vector.broadcast %mul3A_498 : f32 to vector<16xf32>
      %mul3A_500 = arith.mulf %add3A_497, %mul3A_499 : vector<16xf32>
      %swap3A_501 = arith.constant 4 : i32
      %swap3A_502 = arith.index_cast %swap3A_501 : i32 to index
      %swap3A_503 = arith.constant 0 : index
      %swap3A_504 = tpu.vector_load %arg8[%swap3A_502, %swap3A_503] {strides = array<i32>} : memref<8x32xf32, #tpu.memory_space<vmem>>, vector<1x16xf32>,
      %swap3A_505 = vector.shape_cast %swap3A_504 : vector<1x16xf32> to vector<16xf32>
      %swap3A_506 = vector.shape_cast %mul3A_500 : vector<16xf32> to vector<1x16xf32>
      tpu.vector_store %arg8[%swap3A_502, %swap3A_503], %swap3A_506 {strides = array<i32>} : memref<8x32xf32, #tpu.memory_space<vmem>>, vector<1x16xf32>,
      %add3A_507 = arith.addf %scan3A_495#1, %scan3A_495#3 : vector<16xf32>
      %mul3A_508 = arith.constant 5.000000e-03 : f32
      %mul3A_509 = vector.broadcast %mul3A_508 : f32 to vector<16xf32>
      %mul3A_510 = arith.mulf %add3A_507, %mul3A_509 : vector<16xf32>
      %swap3A_511 = arith.constant 4 : i32
      %swap3A_512 = arith.index_cast %swap3A_511 : i32 to index
      %swap3A_513 = arith.constant 16 : index
      %swap3A_514 = tpu.vector_load %arg8[%swap3A_512, %swap3A_513] {strides = array<i32>} : memref<8x32xf32, #tpu.memory_space<vmem>>, vector<1x16xf32>,
      %swap3A_515 = vector.shape_cast %swap3A_514 : vector<1x16xf32> to vector<16xf32>
      %swap3A_516 = vector.shape_cast %mul3A_510 : vector<16xf32> to vector<1x16xf32>
      tpu.vector_store %arg8[%swap3A_512, %swap3A_513], %swap3A_516 {strides = array<i32>} : memref<8x32xf32, #tpu.memory_space<vmem>>, vector<1x16xf32>,
      %broadcast_in_dim3A_517 = arith.constant 0.000000e+00 : f32
      %broadcast_in_dim3A_518 = vector.broadcast %broadcast_in_dim3A_517 : f32 to vector<16xf32>
      %scan3A_519 = arith.constant 0 : i32
      %scan3A_520 = arith.constant 25 : i32
      %scan3A_521 = arith.addi %scan3A_519, %scan3A_520 : i32
      %scan3A_522 = arith.constant 1 : i32
      %scan3A_523:4 = scf.for %scan3A_839 = %scan3A_519 to %scan3A_521 step %scan3A_522 iter_args(%scan3A_840 = %broadcast_in_dim3A_518, %scan3A_841 = %broadcast_in_dim3A_518, %scan3A_842 = %broadcast_in_dim3A_518, %scan3A_843 = %broadcast_in_dim3A_518) -> (vector<16xf32>, vector<16xf32>, vector<16xf32>, vector<16xf32>)  : i32 {
        %mul3A_844 = arith.constant 8 : i32
        %mul3A_845 = arith.muli %scan3A_839, %mul3A_844 : i32
        %add3A_846 = arith.constant 1000 : i32
        %add3A_847 = arith.addi %add3A_846, %mul3A_845 : i32
        %add3A_848 = arith.constant 0 : i32
        %add3A_849 = arith.addi %add3A_847, %add3A_848 : i32
        %get3A = arith.index_cast %add3A_849 : i32 to index
        %get3A_850 = arith.constant 0 : index
        %get3A_851 = tpu.vector_load %arg6[%get3A, %get3A_850] {strides = array<i32>} : memref<1600x32xf32, #tpu.memory_space<vmem>>, vector<1x16xf32>,
        %get3A_852 = vector.shape_cast %get3A_851 : vector<1x16xf32> to vector<16xf32>
        %add3A_853 = arith.addf %scan3A_840, %get3A_852 : vector<16xf32>
        %add3A_854 = arith.constant 0 : i32
        %add3A_855 = arith.addi %add3A_847, %add3A_854 : i32
        %get3A_856 = arith.index_cast %add3A_855 : i32 to index
        %get3A_857 = arith.constant 16 : index
        %get3A_858 = tpu.vector_load %arg6[%get3A_856, %get3A_857] {strides = array<i32>} : memref<1600x32xf32, #tpu.memory_space<vmem>>, vector<1x16xf32>,
        %get3A_859 = vector.shape_cast %get3A_858 : vector<1x16xf32> to vector<16xf32>
        %add3A_860 = arith.addf %scan3A_841, %get3A_859 : vector<16xf32>
        %add3A_861 = arith.constant 0 : i32
        %add3A_862 = arith.addi %add3A_847, %add3A_861 : i32
        %add3A_863 = arith.constant 1 : i32
        %add3A_864 = arith.addi %add3A_862, %add3A_863 : i32
        %get3A_865 = arith.index_cast %add3A_864 : i32 to index
        %get3A_866 = arith.constant 0 : index
        %get3A_867 = tpu.vector_load %arg6[%get3A_865, %get3A_866] {strides = array<i32>} : memref<1600x32xf32, #tpu.memory_space<vmem>>, vector<1x16xf32>,
        %get3A_868 = vector.shape_cast %get3A_867 : vector<1x16xf32> to vector<16xf32>
        %add3A_869 = arith.addf %scan3A_842, %get3A_868 : vector<16xf32>
        %add3A_870 = arith.constant 0 : i32
        %add3A_871 = arith.addi %add3A_847, %add3A_870 : i32
        %add3A_872 = arith.constant 1 : i32
        %add3A_873 = arith.addi %add3A_871, %add3A_872 : i32
        %get3A_874 = arith.index_cast %add3A_873 : i32 to index
        %get3A_875 = arith.constant 16 : index
        %get3A_876 = tpu.vector_load %arg6[%get3A_874, %get3A_875] {strides = array<i32>} : memref<1600x32xf32, #tpu.memory_space<vmem>>, vector<1x16xf32>,
        %get3A_877 = vector.shape_cast %get3A_876 : vector<1x16xf32> to vector<16xf32>
        %add3A_878 = arith.addf %scan3A_843, %get3A_877 : vector<16xf32>
        %add3A_879 = arith.constant 2 : i32
        %add3A_880 = arith.addi %add3A_847, %add3A_879 : i32
        %get3A_881 = arith.index_cast %add3A_880 : i32 to index
        %get3A_882 = arith.constant 0 : index
        %get3A_883 = tpu.vector_load %arg6[%get3A_881, %get3A_882] {strides = array<i32>} : memref<1600x32xf32, #tpu.memory_space<vmem>>, vector<1x16xf32>,
        %get3A_884 = vector.shape_cast %get3A_883 : vector<1x16xf32> to vector<16xf32>
        %add3A_885 = arith.addf %add3A_853, %get3A_884 : vector<16xf32>
        %add3A_886 = arith.constant 2 : i32
        %add3A_887 = arith.addi %add3A_847, %add3A_886 : i32
        %get3A_888 = arith.index_cast %add3A_887 : i32 to index
        %get3A_889 = arith.constant 16 : index
        %get3A_890 = tpu.vector_load %arg6[%get3A_888, %get3A_889] {strides = array<i32>} : memref<1600x32xf32, #tpu.memory_space<vmem>>, vector<1x16xf32>,
        %get3A_891 = vector.shape_cast %get3A_890 : vector<1x16xf32> to vector<16xf32>
        %add3A_892 = arith.addf %add3A_860, %get3A_891 : vector<16xf32>
        %add3A_893 = arith.constant 2 : i32
        %add3A_894 = arith.addi %add3A_847, %add3A_893 : i32
        %add3A_895 = arith.constant 1 : i32
        %add3A_896 = arith.addi %add3A_894, %add3A_895 : i32
        %get3A_897 = arith.index_cast %add3A_896 : i32 to index
        %get3A_898 = arith.constant 0 : index
        %get3A_899 = tpu.vector_load %arg6[%get3A_897, %get3A_898] {strides = array<i32>} : memref<1600x32xf32, #tpu.memory_space<vmem>>, vector<1x16xf32>,
        %get3A_900 = vector.shape_cast %get3A_899 : vector<1x16xf32> to vector<16xf32>
        %add3A_901 = arith.addf %add3A_869, %get3A_900 : vector<16xf32>
        %add3A_902 = arith.constant 2 : i32
        %add3A_903 = arith.addi %add3A_847, %add3A_902 : i32
        %add3A_904 = arith.constant 1 : i32
        %add3A_905 = arith.addi %add3A_903, %add3A_904 : i32
        %get3A_906 = arith.index_cast %add3A_905 : i32 to index
        %get3A_907 = arith.constant 16 : index
        %get3A_908 = tpu.vector_load %arg6[%get3A_906, %get3A_907] {strides = array<i32>} : memref<1600x32xf32, #tpu.memory_space<vmem>>, vector<1x16xf32>,
        %get3A_909 = vector.shape_cast %get3A_908 : vector<1x16xf32> to vector<16xf32>
        %add3A_910 = arith.addf %add3A_878, %get3A_909 : vector<16xf32>
        %add3A_911 = arith.constant 4 : i32
        %add3A_912 = arith.addi %add3A_847, %add3A_911 : i32
        %get3A_913 = arith.index_cast %add3A_912 : i32 to index
        %get3A_914 = arith.constant 0 : index
        %get3A_915 = tpu.vector_load %arg6[%get3A_913, %get3A_914] {strides = array<i32>} : memref<1600x32xf32, #tpu.memory_space<vmem>>, vector<1x16xf32>,
        %get3A_916 = vector.shape_cast %get3A_915 : vector<1x16xf32> to vector<16xf32>
        %add3A_917 = arith.addf %add3A_885, %get3A_916 : vector<16xf32>
        %add3A_918 = arith.constant 4 : i32
        %add3A_919 = arith.addi %add3A_847, %add3A_918 : i32
        %get3A_920 = arith.index_cast %add3A_919 : i32 to index
        %get3A_921 = arith.constant 16 : index
        %get3A_922 = tpu.vector_load %arg6[%get3A_920, %get3A_921] {strides = array<i32>} : memref<1600x32xf32, #tpu.memory_space<vmem>>, vector<1x16xf32>,
        %get3A_923 = vector.shape_cast %get3A_922 : vector<1x16xf32> to vector<16xf32>
        %add3A_924 = arith.addf %add3A_892, %get3A_923 : vector<16xf32>
        %add3A_925 = arith.constant 4 : i32
        %add3A_926 = arith.addi %add3A_847, %add3A_925 : i32
        %add3A_927 = arith.constant 1 : i32
        %add3A_928 = arith.addi %add3A_926, %add3A_927 : i32
        %get3A_929 = arith.index_cast %add3A_928 : i32 to index
        %get3A_930 = arith.constant 0 : index
        %get3A_931 = tpu.vector_load %arg6[%get3A_929, %get3A_930] {strides = array<i32>} : memref<1600x32xf32, #tpu.memory_space<vmem>>, vector<1x16xf32>,
        %get3A_932 = vector.shape_cast %get3A_931 : vector<1x16xf32> to vector<16xf32>
        %add3A_933 = arith.addf %add3A_901, %get3A_932 : vector<16xf32>
        %add3A_934 = arith.constant 4 : i32
        %add3A_935 = arith.addi %add3A_847, %add3A_934 : i32
        %add3A_936 = arith.constant 1 : i32
        %add3A_937 = arith.addi %add3A_935, %add3A_936 : i32
        %get3A_938 = arith.index_cast %add3A_937 : i32 to index
        %get3A_939 = arith.constant 16 : index
        %get3A_940 = tpu.vector_load %arg6[%get3A_938, %get3A_939] {strides = array<i32>} : memref<1600x32xf32, #tpu.memory_space<vmem>>, vector<1x16xf32>,
        %get3A_941 = vector.shape_cast %get3A_940 : vector<1x16xf32> to vector<16xf32>
        %add3A_942 = arith.addf %add3A_910, %get3A_941 : vector<16xf32>
        %add3A_943 = arith.constant 6 : i32
        %add3A_944 = arith.addi %add3A_847, %add3A_943 : i32
        %get3A_945 = arith.index_cast %add3A_944 : i32 to index
        %get3A_946 = arith.constant 0 : index
        %get3A_947 = tpu.vector_load %arg6[%get3A_945, %get3A_946] {strides = array<i32>} : memref<1600x32xf32, #tpu.memory_space<vmem>>, vector<1x16xf32>,
        %get3A_948 = vector.shape_cast %get3A_947 : vector<1x16xf32> to vector<16xf32>
        %add3A_949 = arith.addf %add3A_917, %get3A_948 : vector<16xf32>
        %add3A_950 = arith.constant 6 : i32
        %add3A_951 = arith.addi %add3A_847, %add3A_950 : i32
        %get3A_952 = arith.index_cast %add3A_951 : i32 to index
        %get3A_953 = arith.constant 16 : index
        %get3A_954 = tpu.vector_load %arg6[%get3A_952, %get3A_953] {strides = array<i32>} : memref<1600x32xf32, #tpu.memory_space<vmem>>, vector<1x16xf32>,
        %get3A_955 = vector.shape_cast %get3A_954 : vector<1x16xf32> to vector<16xf32>
        %add3A_956 = arith.addf %add3A_924, %get3A_955 : vector<16xf32>
        %add3A_957 = arith.constant 6 : i32
        %add3A_958 = arith.addi %add3A_847, %add3A_957 : i32
        %add3A_959 = arith.constant 1 : i32
        %add3A_960 = arith.addi %add3A_958, %add3A_959 : i32
        %get3A_961 = arith.index_cast %add3A_960 : i32 to index
        %get3A_962 = arith.constant 0 : index
        %get3A_963 = tpu.vector_load %arg6[%get3A_961, %get3A_962] {strides = array<i32>} : memref<1600x32xf32, #tpu.memory_space<vmem>>, vector<1x16xf32>,
        %get3A_964 = vector.shape_cast %get3A_963 : vector<1x16xf32> to vector<16xf32>
        %add3A_965 = arith.addf %add3A_933, %get3A_964 : vector<16xf32>
        %add3A_966 = arith.constant 6 : i32
        %add3A_967 = arith.addi %add3A_847, %add3A_966 : i32
        %add3A_968 = arith.constant 1 : i32
        %add3A_969 = arith.addi %add3A_967, %add3A_968 : i32
        %get3A_970 = arith.index_cast %add3A_969 : i32 to index
        %get3A_971 = arith.constant 16 : index
        %get3A_972 = tpu.vector_load %arg6[%get3A_970, %get3A_971] {strides = array<i32>} : memref<1600x32xf32, #tpu.memory_space<vmem>>, vector<1x16xf32>,
        %get3A_973 = vector.shape_cast %get3A_972 : vector<1x16xf32> to vector<16xf32>
        %add3A_974 = arith.addf %add3A_942, %get3A_973 : vector<16xf32>
        scf.yield %add3A_949, %add3A_956, %add3A_965, %add3A_974 : vector<16xf32>, vector<16xf32>, vector<16xf32>, vector<16xf32>
      }
      %scan3A_524 = arith.constant 25 : i32
      %add3A_525 = arith.addf %scan3A_523#0, %scan3A_523#2 : vector<16xf32>
      %mul3A_526 = arith.constant 5.000000e-03 : f32
      %mul3A_527 = vector.broadcast %mul3A_526 : f32 to vector<16xf32>
      %mul3A_528 = arith.mulf %add3A_525, %mul3A_527 : vector<16xf32>
      %swap3A_529 = arith.constant 5 : i32
      %swap3A_530 = arith.index_cast %swap3A_529 : i32 to index
      %swap3A_531 = arith.constant 0 : index
      %swap3A_532 = tpu.vector_load %arg8[%swap3A_530, %swap3A_531] {strides = array<i32>} : memref<8x32xf32, #tpu.memory_space<vmem>>, vector<1x16xf32>,
      %swap3A_533 = vector.shape_cast %swap3A_532 : vector<1x16xf32> to vector<16xf32>
      %swap3A_534 = vector.shape_cast %mul3A_528 : vector<16xf32> to vector<1x16xf32>
      tpu.vector_store %arg8[%swap3A_530, %swap3A_531], %swap3A_534 {strides = array<i32>} : memref<8x32xf32, #tpu.memory_space<vmem>>, vector<1x16xf32>,
      %add3A_535 = arith.addf %scan3A_523#1, %scan3A_523#3 : vector<16xf32>
      %mul3A_536 = arith.constant 5.000000e-03 : f32
      %mul3A_537 = vector.broadcast %mul3A_536 : f32 to vector<16xf32>
      %mul3A_538 = arith.mulf %add3A_535, %mul3A_537 : vector<16xf32>
      %swap3A_539 = arith.constant 5 : i32
      %swap3A_540 = arith.index_cast %swap3A_539 : i32 to index
      %swap3A_541 = arith.constant 16 : index
      %swap3A_542 = tpu.vector_load %arg8[%swap3A_540, %swap3A_541] {strides = array<i32>} : memref<8x32xf32, #tpu.memory_space<vmem>>, vector<1x16xf32>,
      %swap3A_543 = vector.shape_cast %swap3A_542 : vector<1x16xf32> to vector<16xf32>
      %swap3A_544 = vector.shape_cast %mul3A_538 : vector<16xf32> to vector<1x16xf32>
      tpu.vector_store %arg8[%swap3A_540, %swap3A_541], %swap3A_544 {strides = array<i32>} : memref<8x32xf32, #tpu.memory_space<vmem>>, vector<1x16xf32>,
      %broadcast_in_dim3A_545 = arith.constant 0.000000e+00 : f32
      %broadcast_in_dim3A_546 = vector.broadcast %broadcast_in_dim3A_545 : f32 to vector<16xf32>
      %scan3A_547 = arith.constant 0 : i32
      %scan3A_548 = arith.constant 25 : i32
      %scan3A_549 = arith.addi %scan3A_547, %scan3A_548 : i32
      %scan3A_550 = arith.constant 1 : i32
      %scan3A_551:4 = scf.for %scan3A_839 = %scan3A_547 to %scan3A_549 step %scan3A_550 iter_args(%scan3A_840 = %broadcast_in_dim3A_546, %scan3A_841 = %broadcast_in_dim3A_546, %scan3A_842 = %broadcast_in_dim3A_546, %scan3A_843 = %broadcast_in_dim3A_546) -> (vector<16xf32>, vector<16xf32>, vector<16xf32>, vector<16xf32>)  : i32 {
        %mul3A_844 = arith.constant 8 : i32
        %mul3A_845 = arith.muli %scan3A_839, %mul3A_844 : i32
        %add3A_846 = arith.constant 1200 : i32
        %add3A_847 = arith.addi %add3A_846, %mul3A_845 : i32
        %add3A_848 = arith.constant 0 : i32
        %add3A_849 = arith.addi %add3A_847, %add3A_848 : i32
        %get3A = arith.index_cast %add3A_849 : i32 to index
        %get3A_850 = arith.constant 0 : index
        %get3A_851 = tpu.vector_load %arg6[%get3A, %get3A_850] {strides = array<i32>} : memref<1600x32xf32, #tpu.memory_space<vmem>>, vector<1x16xf32>,
        %get3A_852 = vector.shape_cast %get3A_851 : vector<1x16xf32> to vector<16xf32>
        %add3A_853 = arith.addf %scan3A_840, %get3A_852 : vector<16xf32>
        %add3A_854 = arith.constant 0 : i32
        %add3A_855 = arith.addi %add3A_847, %add3A_854 : i32
        %get3A_856 = arith.index_cast %add3A_855 : i32 to index
        %get3A_857 = arith.constant 16 : index
        %get3A_858 = tpu.vector_load %arg6[%get3A_856, %get3A_857] {strides = array<i32>} : memref<1600x32xf32, #tpu.memory_space<vmem>>, vector<1x16xf32>,
        %get3A_859 = vector.shape_cast %get3A_858 : vector<1x16xf32> to vector<16xf32>
        %add3A_860 = arith.addf %scan3A_841, %get3A_859 : vector<16xf32>
        %add3A_861 = arith.constant 0 : i32
        %add3A_862 = arith.addi %add3A_847, %add3A_861 : i32
        %add3A_863 = arith.constant 1 : i32
        %add3A_864 = arith.addi %add3A_862, %add3A_863 : i32
        %get3A_865 = arith.index_cast %add3A_864 : i32 to index
        %get3A_866 = arith.constant 0 : index
        %get3A_867 = tpu.vector_load %arg6[%get3A_865, %get3A_866] {strides = array<i32>} : memref<1600x32xf32, #tpu.memory_space<vmem>>, vector<1x16xf32>,
        %get3A_868 = vector.shape_cast %get3A_867 : vector<1x16xf32> to vector<16xf32>
        %add3A_869 = arith.addf %scan3A_842, %get3A_868 : vector<16xf32>
        %add3A_870 = arith.constant 0 : i32
        %add3A_871 = arith.addi %add3A_847, %add3A_870 : i32
        %add3A_872 = arith.constant 1 : i32
        %add3A_873 = arith.addi %add3A_871, %add3A_872 : i32
        %get3A_874 = arith.index_cast %add3A_873 : i32 to index
        %get3A_875 = arith.constant 16 : index
        %get3A_876 = tpu.vector_load %arg6[%get3A_874, %get3A_875] {strides = array<i32>} : memref<1600x32xf32, #tpu.memory_space<vmem>>, vector<1x16xf32>,
        %get3A_877 = vector.shape_cast %get3A_876 : vector<1x16xf32> to vector<16xf32>
        %add3A_878 = arith.addf %scan3A_843, %get3A_877 : vector<16xf32>
        %add3A_879 = arith.constant 2 : i32
        %add3A_880 = arith.addi %add3A_847, %add3A_879 : i32
        %get3A_881 = arith.index_cast %add3A_880 : i32 to index
        %get3A_882 = arith.constant 0 : index
        %get3A_883 = tpu.vector_load %arg6[%get3A_881, %get3A_882] {strides = array<i32>} : memref<1600x32xf32, #tpu.memory_space<vmem>>, vector<1x16xf32>,
        %get3A_884 = vector.shape_cast %get3A_883 : vector<1x16xf32> to vector<16xf32>
        %add3A_885 = arith.addf %add3A_853, %get3A_884 : vector<16xf32>
        %add3A_886 = arith.constant 2 : i32
        %add3A_887 = arith.addi %add3A_847, %add3A_886 : i32
        %get3A_888 = arith.index_cast %add3A_887 : i32 to index
        %get3A_889 = arith.constant 16 : index
        %get3A_890 = tpu.vector_load %arg6[%get3A_888, %get3A_889] {strides = array<i32>} : memref<1600x32xf32, #tpu.memory_space<vmem>>, vector<1x16xf32>,
        %get3A_891 = vector.shape_cast %get3A_890 : vector<1x16xf32> to vector<16xf32>
        %add3A_892 = arith.addf %add3A_860, %get3A_891 : vector<16xf32>
        %add3A_893 = arith.constant 2 : i32
        %add3A_894 = arith.addi %add3A_847, %add3A_893 : i32
        %add3A_895 = arith.constant 1 : i32
        %add3A_896 = arith.addi %add3A_894, %add3A_895 : i32
        %get3A_897 = arith.index_cast %add3A_896 : i32 to index
        %get3A_898 = arith.constant 0 : index
        %get3A_899 = tpu.vector_load %arg6[%get3A_897, %get3A_898] {strides = array<i32>} : memref<1600x32xf32, #tpu.memory_space<vmem>>, vector<1x16xf32>,
        %get3A_900 = vector.shape_cast %get3A_899 : vector<1x16xf32> to vector<16xf32>
        %add3A_901 = arith.addf %add3A_869, %get3A_900 : vector<16xf32>
        %add3A_902 = arith.constant 2 : i32
        %add3A_903 = arith.addi %add3A_847, %add3A_902 : i32
        %add3A_904 = arith.constant 1 : i32
        %add3A_905 = arith.addi %add3A_903, %add3A_904 : i32
        %get3A_906 = arith.index_cast %add3A_905 : i32 to index
        %get3A_907 = arith.constant 16 : index
        %get3A_908 = tpu.vector_load %arg6[%get3A_906, %get3A_907] {strides = array<i32>} : memref<1600x32xf32, #tpu.memory_space<vmem>>, vector<1x16xf32>,
        %get3A_909 = vector.shape_cast %get3A_908 : vector<1x16xf32> to vector<16xf32>
        %add3A_910 = arith.addf %add3A_878, %get3A_909 : vector<16xf32>
        %add3A_911 = arith.constant 4 : i32
        %add3A_912 = arith.addi %add3A_847, %add3A_911 : i32
        %get3A_913 = arith.index_cast %add3A_912 : i32 to index
        %get3A_914 = arith.constant 0 : index
        %get3A_915 = tpu.vector_load %arg6[%get3A_913, %get3A_914] {strides = array<i32>} : memref<1600x32xf32, #tpu.memory_space<vmem>>, vector<1x16xf32>,
        %get3A_916 = vector.shape_cast %get3A_915 : vector<1x16xf32> to vector<16xf32>
        %add3A_917 = arith.addf %add3A_885, %get3A_916 : vector<16xf32>
        %add3A_918 = arith.constant 4 : i32
        %add3A_919 = arith.addi %add3A_847, %add3A_918 : i32
        %get3A_920 = arith.index_cast %add3A_919 : i32 to index
        %get3A_921 = arith.constant 16 : index
        %get3A_922 = tpu.vector_load %arg6[%get3A_920, %get3A_921] {strides = array<i32>} : memref<1600x32xf32, #tpu.memory_space<vmem>>, vector<1x16xf32>,
        %get3A_923 = vector.shape_cast %get3A_922 : vector<1x16xf32> to vector<16xf32>
        %add3A_924 = arith.addf %add3A_892, %get3A_923 : vector<16xf32>
        %add3A_925 = arith.constant 4 : i32
        %add3A_926 = arith.addi %add3A_847, %add3A_925 : i32
        %add3A_927 = arith.constant 1 : i32
        %add3A_928 = arith.addi %add3A_926, %add3A_927 : i32
        %get3A_929 = arith.index_cast %add3A_928 : i32 to index
        %get3A_930 = arith.constant 0 : index
        %get3A_931 = tpu.vector_load %arg6[%get3A_929, %get3A_930] {strides = array<i32>} : memref<1600x32xf32, #tpu.memory_space<vmem>>, vector<1x16xf32>,
        %get3A_932 = vector.shape_cast %get3A_931 : vector<1x16xf32> to vector<16xf32>
        %add3A_933 = arith.addf %add3A_901, %get3A_932 : vector<16xf32>
        %add3A_934 = arith.constant 4 : i32
        %add3A_935 = arith.addi %add3A_847, %add3A_934 : i32
        %add3A_936 = arith.constant 1 : i32
        %add3A_937 = arith.addi %add3A_935, %add3A_936 : i32
        %get3A_938 = arith.index_cast %add3A_937 : i32 to index
        %get3A_939 = arith.constant 16 : index
        %get3A_940 = tpu.vector_load %arg6[%get3A_938, %get3A_939] {strides = array<i32>} : memref<1600x32xf32, #tpu.memory_space<vmem>>, vector<1x16xf32>,
        %get3A_941 = vector.shape_cast %get3A_940 : vector<1x16xf32> to vector<16xf32>
        %add3A_942 = arith.addf %add3A_910, %get3A_941 : vector<16xf32>
        %add3A_943 = arith.constant 6 : i32
        %add3A_944 = arith.addi %add3A_847, %add3A_943 : i32
        %get3A_945 = arith.index_cast %add3A_944 : i32 to index
        %get3A_946 = arith.constant 0 : index
        %get3A_947 = tpu.vector_load %arg6[%get3A_945, %get3A_946] {strides = array<i32>} : memref<1600x32xf32, #tpu.memory_space<vmem>>, vector<1x16xf32>,
        %get3A_948 = vector.shape_cast %get3A_947 : vector<1x16xf32> to vector<16xf32>
        %add3A_949 = arith.addf %add3A_917, %get3A_948 : vector<16xf32>
        %add3A_950 = arith.constant 6 : i32
        %add3A_951 = arith.addi %add3A_847, %add3A_950 : i32
        %get3A_952 = arith.index_cast %add3A_951 : i32 to index
        %get3A_953 = arith.constant 16 : index
        %get3A_954 = tpu.vector_load %arg6[%get3A_952, %get3A_953] {strides = array<i32>} : memref<1600x32xf32, #tpu.memory_space<vmem>>, vector<1x16xf32>,
        %get3A_955 = vector.shape_cast %get3A_954 : vector<1x16xf32> to vector<16xf32>
        %add3A_956 = arith.addf %add3A_924, %get3A_955 : vector<16xf32>
        %add3A_957 = arith.constant 6 : i32
        %add3A_958 = arith.addi %add3A_847, %add3A_957 : i32
        %add3A_959 = arith.constant 1 : i32
        %add3A_960 = arith.addi %add3A_958, %add3A_959 : i32
        %get3A_961 = arith.index_cast %add3A_960 : i32 to index
        %get3A_962 = arith.constant 0 : index
        %get3A_963 = tpu.vector_load %arg6[%get3A_961, %get3A_962] {strides = array<i32>} : memref<1600x32xf32, #tpu.memory_space<vmem>>, vector<1x16xf32>,
        %get3A_964 = vector.shape_cast %get3A_963 : vector<1x16xf32> to vector<16xf32>
        %add3A_965 = arith.addf %add3A_933, %get3A_964 : vector<16xf32>
        %add3A_966 = arith.constant 6 : i32
        %add3A_967 = arith.addi %add3A_847, %add3A_966 : i32
        %add3A_968 = arith.constant 1 : i32
        %add3A_969 = arith.addi %add3A_967, %add3A_968 : i32
        %get3A_970 = arith.index_cast %add3A_969 : i32 to index
        %get3A_971 = arith.constant 16 : index
        %get3A_972 = tpu.vector_load %arg6[%get3A_970, %get3A_971] {strides = array<i32>} : memref<1600x32xf32, #tpu.memory_space<vmem>>, vector<1x16xf32>,
        %get3A_973 = vector.shape_cast %get3A_972 : vector<1x16xf32> to vector<16xf32>
        %add3A_974 = arith.addf %add3A_942, %get3A_973 : vector<16xf32>
        scf.yield %add3A_949, %add3A_956, %add3A_965, %add3A_974 : vector<16xf32>, vector<16xf32>, vector<16xf32>, vector<16xf32>
      }
      %scan3A_552 = arith.constant 25 : i32
      %add3A_553 = arith.addf %scan3A_551#0, %scan3A_551#2 : vector<16xf32>
      %mul3A_554 = arith.constant 5.000000e-03 : f32
      %mul3A_555 = vector.broadcast %mul3A_554 : f32 to vector<16xf32>
      %mul3A_556 = arith.mulf %add3A_553, %mul3A_555 : vector<16xf32>
      %swap3A_557 = arith.constant 6 : i32
      %swap3A_558 = arith.index_cast %swap3A_557 : i32 to index
      %swap3A_559 = arith.constant 0 : index
      %swap3A_560 = tpu.vector_load %arg8[%swap3A_558, %swap3A_559] {strides = array<i32>} : memref<8x32xf32, #tpu.memory_space<vmem>>, vector<1x16xf32>,
      %swap3A_561 = vector.shape_cast %swap3A_560 : vector<1x16xf32> to vector<16xf32>
      %swap3A_562 = vector.shape_cast %mul3A_556 : vector<16xf32> to vector<1x16xf32>
      tpu.vector_store %arg8[%swap3A_558, %swap3A_559], %swap3A_562 {strides = array<i32>} : memref<8x32xf32, #tpu.memory_space<vmem>>, vector<1x16xf32>,
      %add3A_563 = arith.addf %scan3A_551#1, %scan3A_551#3 : vector<16xf32>
      %mul3A_564 = arith.constant 5.000000e-03 : f32
      %mul3A_565 = vector.broadcast %mul3A_564 : f32 to vector<16xf32>
      %mul3A_566 = arith.mulf %add3A_563, %mul3A_565 : vector<16xf32>
      %swap3A_567 = arith.constant 6 : i32
      %swap3A_568 = arith.index_cast %swap3A_567 : i32 to index
      %swap3A_569 = arith.constant 16 : index
      %swap3A_570 = tpu.vector_load %arg8[%swap3A_568, %swap3A_569] {strides = array<i32>} : memref<8x32xf32, #tpu.memory_space<vmem>>, vector<1x16xf32>,
      %swap3A_571 = vector.shape_cast %swap3A_570 : vector<1x16xf32> to vector<16xf32>
      %swap3A_572 = vector.shape_cast %mul3A_566 : vector<16xf32> to vector<1x16xf32>
      tpu.vector_store %arg8[%swap3A_568, %swap3A_569], %swap3A_572 {strides = array<i32>} : memref<8x32xf32, #tpu.memory_space<vmem>>, vector<1x16xf32>,
      %broadcast_in_dim3A_573 = arith.constant 0.000000e+00 : f32
      %broadcast_in_dim3A_574 = vector.broadcast %broadcast_in_dim3A_573 : f32 to vector<16xf32>
      %scan3A_575 = arith.constant 0 : i32
      %scan3A_576 = arith.constant 25 : i32
      %scan3A_577 = arith.addi %scan3A_575, %scan3A_576 : i32
      %scan3A_578 = arith.constant 1 : i32
      %scan3A_579:4 = scf.for %scan3A_839 = %scan3A_575 to %scan3A_577 step %scan3A_578 iter_args(%scan3A_840 = %broadcast_in_dim3A_574, %scan3A_841 = %broadcast_in_dim3A_574, %scan3A_842 = %broadcast_in_dim3A_574, %scan3A_843 = %broadcast_in_dim3A_574) -> (vector<16xf32>, vector<16xf32>, vector<16xf32>, vector<16xf32>)  : i32 {
        %mul3A_844 = arith.constant 8 : i32
        %mul3A_845 = arith.muli %scan3A_839, %mul3A_844 : i32
        %add3A_846 = arith.constant 1400 : i32
        %add3A_847 = arith.addi %add3A_846, %mul3A_845 : i32
        %add3A_848 = arith.constant 0 : i32
        %add3A_849 = arith.addi %add3A_847, %add3A_848 : i32
        %get3A = arith.index_cast %add3A_849 : i32 to index
        %get3A_850 = arith.constant 0 : index
        %get3A_851 = tpu.vector_load %arg6[%get3A, %get3A_850] {strides = array<i32>} : memref<1600x32xf32, #tpu.memory_space<vmem>>, vector<1x16xf32>,
        %get3A_852 = vector.shape_cast %get3A_851 : vector<1x16xf32> to vector<16xf32>
        %add3A_853 = arith.addf %scan3A_840, %get3A_852 : vector<16xf32>
        %add3A_854 = arith.constant 0 : i32
        %add3A_855 = arith.addi %add3A_847, %add3A_854 : i32
        %get3A_856 = arith.index_cast %add3A_855 : i32 to index
        %get3A_857 = arith.constant 16 : index
        %get3A_858 = tpu.vector_load %arg6[%get3A_856, %get3A_857] {strides = array<i32>} : memref<1600x32xf32, #tpu.memory_space<vmem>>, vector<1x16xf32>,
        %get3A_859 = vector.shape_cast %get3A_858 : vector<1x16xf32> to vector<16xf32>
        %add3A_860 = arith.addf %scan3A_841, %get3A_859 : vector<16xf32>
        %add3A_861 = arith.constant 0 : i32
        %add3A_862 = arith.addi %add3A_847, %add3A_861 : i32
        %add3A_863 = arith.constant 1 : i32
        %add3A_864 = arith.addi %add3A_862, %add3A_863 : i32
        %get3A_865 = arith.index_cast %add3A_864 : i32 to index
        %get3A_866 = arith.constant 0 : index
        %get3A_867 = tpu.vector_load %arg6[%get3A_865, %get3A_866] {strides = array<i32>} : memref<1600x32xf32, #tpu.memory_space<vmem>>, vector<1x16xf32>,
        %get3A_868 = vector.shape_cast %get3A_867 : vector<1x16xf32> to vector<16xf32>
        %add3A_869 = arith.addf %scan3A_842, %get3A_868 : vector<16xf32>
        %add3A_870 = arith.constant 0 : i32
        %add3A_871 = arith.addi %add3A_847, %add3A_870 : i32
        %add3A_872 = arith.constant 1 : i32
        %add3A_873 = arith.addi %add3A_871, %add3A_872 : i32
        %get3A_874 = arith.index_cast %add3A_873 : i32 to index
        %get3A_875 = arith.constant 16 : index
        %get3A_876 = tpu.vector_load %arg6[%get3A_874, %get3A_875] {strides = array<i32>} : memref<1600x32xf32, #tpu.memory_space<vmem>>, vector<1x16xf32>,
        %get3A_877 = vector.shape_cast %get3A_876 : vector<1x16xf32> to vector<16xf32>
        %add3A_878 = arith.addf %scan3A_843, %get3A_877 : vector<16xf32>
        %add3A_879 = arith.constant 2 : i32
        %add3A_880 = arith.addi %add3A_847, %add3A_879 : i32
        %get3A_881 = arith.index_cast %add3A_880 : i32 to index
        %get3A_882 = arith.constant 0 : index
        %get3A_883 = tpu.vector_load %arg6[%get3A_881, %get3A_882] {strides = array<i32>} : memref<1600x32xf32, #tpu.memory_space<vmem>>, vector<1x16xf32>,
        %get3A_884 = vector.shape_cast %get3A_883 : vector<1x16xf32> to vector<16xf32>
        %add3A_885 = arith.addf %add3A_853, %get3A_884 : vector<16xf32>
        %add3A_886 = arith.constant 2 : i32
        %add3A_887 = arith.addi %add3A_847, %add3A_886 : i32
        %get3A_888 = arith.index_cast %add3A_887 : i32 to index
        %get3A_889 = arith.constant 16 : index
        %get3A_890 = tpu.vector_load %arg6[%get3A_888, %get3A_889] {strides = array<i32>} : memref<1600x32xf32, #tpu.memory_space<vmem>>, vector<1x16xf32>,
        %get3A_891 = vector.shape_cast %get3A_890 : vector<1x16xf32> to vector<16xf32>
        %add3A_892 = arith.addf %add3A_860, %get3A_891 : vector<16xf32>
        %add3A_893 = arith.constant 2 : i32
        %add3A_894 = arith.addi %add3A_847, %add3A_893 : i32
        %add3A_895 = arith.constant 1 : i32
        %add3A_896 = arith.addi %add3A_894, %add3A_895 : i32
        %get3A_897 = arith.index_cast %add3A_896 : i32 to index
        %get3A_898 = arith.constant 0 : index
        %get3A_899 = tpu.vector_load %arg6[%get3A_897, %get3A_898] {strides = array<i32>} : memref<1600x32xf32, #tpu.memory_space<vmem>>, vector<1x16xf32>,
        %get3A_900 = vector.shape_cast %get3A_899 : vector<1x16xf32> to vector<16xf32>
        %add3A_901 = arith.addf %add3A_869, %get3A_900 : vector<16xf32>
        %add3A_902 = arith.constant 2 : i32
        %add3A_903 = arith.addi %add3A_847, %add3A_902 : i32
        %add3A_904 = arith.constant 1 : i32
        %add3A_905 = arith.addi %add3A_903, %add3A_904 : i32
        %get3A_906 = arith.index_cast %add3A_905 : i32 to index
        %get3A_907 = arith.constant 16 : index
        %get3A_908 = tpu.vector_load %arg6[%get3A_906, %get3A_907] {strides = array<i32>} : memref<1600x32xf32, #tpu.memory_space<vmem>>, vector<1x16xf32>,
        %get3A_909 = vector.shape_cast %get3A_908 : vector<1x16xf32> to vector<16xf32>
        %add3A_910 = arith.addf %add3A_878, %get3A_909 : vector<16xf32>
        %add3A_911 = arith.constant 4 : i32
        %add3A_912 = arith.addi %add3A_847, %add3A_911 : i32
        %get3A_913 = arith.index_cast %add3A_912 : i32 to index
        %get3A_914 = arith.constant 0 : index
        %get3A_915 = tpu.vector_load %arg6[%get3A_913, %get3A_914] {strides = array<i32>} : memref<1600x32xf32, #tpu.memory_space<vmem>>, vector<1x16xf32>,
        %get3A_916 = vector.shape_cast %get3A_915 : vector<1x16xf32> to vector<16xf32>
        %add3A_917 = arith.addf %add3A_885, %get3A_916 : vector<16xf32>
        %add3A_918 = arith.constant 4 : i32
        %add3A_919 = arith.addi %add3A_847, %add3A_918 : i32
        %get3A_920 = arith.index_cast %add3A_919 : i32 to index
        %get3A_921 = arith.constant 16 : index
        %get3A_922 = tpu.vector_load %arg6[%get3A_920, %get3A_921] {strides = array<i32>} : memref<1600x32xf32, #tpu.memory_space<vmem>>, vector<1x16xf32>,
        %get3A_923 = vector.shape_cast %get3A_922 : vector<1x16xf32> to vector<16xf32>
        %add3A_924 = arith.addf %add3A_892, %get3A_923 : vector<16xf32>
        %add3A_925 = arith.constant 4 : i32
        %add3A_926 = arith.addi %add3A_847, %add3A_925 : i32
        %add3A_927 = arith.constant 1 : i32
        %add3A_928 = arith.addi %add3A_926, %add3A_927 : i32
        %get3A_929 = arith.index_cast %add3A_928 : i32 to index
        %get3A_930 = arith.constant 0 : index
        %get3A_931 = tpu.vector_load %arg6[%get3A_929, %get3A_930] {strides = array<i32>} : memref<1600x32xf32, #tpu.memory_space<vmem>>, vector<1x16xf32>,
        %get3A_932 = vector.shape_cast %get3A_931 : vector<1x16xf32> to vector<16xf32>
        %add3A_933 = arith.addf %add3A_901, %get3A_932 : vector<16xf32>
        %add3A_934 = arith.constant 4 : i32
        %add3A_935 = arith.addi %add3A_847, %add3A_934 : i32
        %add3A_936 = arith.constant 1 : i32
        %add3A_937 = arith.addi %add3A_935, %add3A_936 : i32
        %get3A_938 = arith.index_cast %add3A_937 : i32 to index
        %get3A_939 = arith.constant 16 : index
        %get3A_940 = tpu.vector_load %arg6[%get3A_938, %get3A_939] {strides = array<i32>} : memref<1600x32xf32, #tpu.memory_space<vmem>>, vector<1x16xf32>,
        %get3A_941 = vector.shape_cast %get3A_940 : vector<1x16xf32> to vector<16xf32>
        %add3A_942 = arith.addf %add3A_910, %get3A_941 : vector<16xf32>
        %add3A_943 = arith.constant 6 : i32
        %add3A_944 = arith.addi %add3A_847, %add3A_943 : i32
        %get3A_945 = arith.index_cast %add3A_944 : i32 to index
        %get3A_946 = arith.constant 0 : index
        %get3A_947 = tpu.vector_load %arg6[%get3A_945, %get3A_946] {strides = array<i32>} : memref<1600x32xf32, #tpu.memory_space<vmem>>, vector<1x16xf32>,
        %get3A_948 = vector.shape_cast %get3A_947 : vector<1x16xf32> to vector<16xf32>
        %add3A_949 = arith.addf %add3A_917, %get3A_948 : vector<16xf32>
        %add3A_950 = arith.constant 6 : i32
        %add3A_951 = arith.addi %add3A_847, %add3A_950 : i32
        %get3A_952 = arith.index_cast %add3A_951 : i32 to index
        %get3A_953 = arith.constant 16 : index
        %get3A_954 = tpu.vector_load %arg6[%get3A_952, %get3A_953] {strides = array<i32>} : memref<1600x32xf32, #tpu.memory_space<vmem>>, vector<1x16xf32>,
        %get3A_955 = vector.shape_cast %get3A_954 : vector<1x16xf32> to vector<16xf32>
        %add3A_956 = arith.addf %add3A_924, %get3A_955 : vector<16xf32>
        %add3A_957 = arith.constant 6 : i32
        %add3A_958 = arith.addi %add3A_847, %add3A_957 : i32
        %add3A_959 = arith.constant 1 : i32
        %add3A_960 = arith.addi %add3A_958, %add3A_959 : i32
        %get3A_961 = arith.index_cast %add3A_960 : i32 to index
        %get3A_962 = arith.constant 0 : index
        %get3A_963 = tpu.vector_load %arg6[%get3A_961, %get3A_962] {strides = array<i32>} : memref<1600x32xf32, #tpu.memory_space<vmem>>, vector<1x16xf32>,
        %get3A_964 = vector.shape_cast %get3A_963 : vector<1x16xf32> to vector<16xf32>
        %add3A_965 = arith.addf %add3A_933, %get3A_964 : vector<16xf32>
        %add3A_966 = arith.constant 6 : i32
        %add3A_967 = arith.addi %add3A_847, %add3A_966 : i32
        %add3A_968 = arith.constant 1 : i32
        %add3A_969 = arith.addi %add3A_967, %add3A_968 : i32
        %get3A_970 = arith.index_cast %add3A_969 : i32 to index
        %get3A_971 = arith.constant 16 : index
        %get3A_972 = tpu.vector_load %arg6[%get3A_970, %get3A_971] {strides = array<i32>} : memref<1600x32xf32, #tpu.memory_space<vmem>>, vector<1x16xf32>,
        %get3A_973 = vector.shape_cast %get3A_972 : vector<1x16xf32> to vector<16xf32>
        %add3A_974 = arith.addf %add3A_942, %get3A_973 : vector<16xf32>
        scf.yield %add3A_949, %add3A_956, %add3A_965, %add3A_974 : vector<16xf32>, vector<16xf32>, vector<16xf32>, vector<16xf32>
      }
      %scan3A_580 = arith.constant 25 : i32
      %add3A_581 = arith.addf %scan3A_579#0, %scan3A_579#2 : vector<16xf32>
      %mul3A_582 = arith.constant 5.000000e-03 : f32
      %mul3A_583 = vector.broadcast %mul3A_582 : f32 to vector<16xf32>
      %mul3A_584 = arith.mulf %add3A_581, %mul3A_583 : vector<16xf32>
      %swap3A_585 = arith.constant 7 : i32
      %swap3A_586 = arith.index_cast %swap3A_585 : i32 to index
      %swap3A_587 = arith.constant 0 : index
      %swap3A_588 = tpu.vector_load %arg8[%swap3A_586, %swap3A_587] {strides = array<i32>} : memref<8x32xf32, #tpu.memory_space<vmem>>, vector<1x16xf32>,
      %swap3A_589 = vector.shape_cast %swap3A_588 : vector<1x16xf32> to vector<16xf32>
      %swap3A_590 = vector.shape_cast %mul3A_584 : vector<16xf32> to vector<1x16xf32>
      tpu.vector_store %arg8[%swap3A_586, %swap3A_587], %swap3A_590 {strides = array<i32>} : memref<8x32xf32, #tpu.memory_space<vmem>>, vector<1x16xf32>,
      %add3A_591 = arith.addf %scan3A_579#1, %scan3A_579#3 : vector<16xf32>
      %mul3A_592 = arith.constant 5.000000e-03 : f32
      %mul3A_593 = vector.broadcast %mul3A_592 : f32 to vector<16xf32>
      %mul3A_594 = arith.mulf %add3A_591, %mul3A_593 : vector<16xf32>
      %swap3A_595 = arith.constant 7 : i32
      %swap3A_596 = arith.index_cast %swap3A_595 : i32 to index
      %swap3A_597 = arith.constant 16 : index
      %swap3A_598 = tpu.vector_load %arg8[%swap3A_596, %swap3A_597] {strides = array<i32>} : memref<8x32xf32, #tpu.memory_space<vmem>>, vector<1x16xf32>,
      %swap3A_599 = vector.shape_cast %swap3A_598 : vector<1x16xf32> to vector<16xf32>
      %swap3A_600 = vector.shape_cast %mul3A_594 : vector<16xf32> to vector<1x16xf32>
      tpu.vector_store %arg8[%swap3A_596, %swap3A_597], %swap3A_600 {strides = array<i32>} : memref<8x32xf32, #tpu.memory_space<vmem>>, vector<1x16xf32>,
      "tpu.region"() ({
        %run_scoped3A_839 = tpu.sem_alloc : memref<!tpu.dma_semaphore, #tpu.memory_space<semaphore_mem>>
        %dma_start3A_840 = arith.constant 0 : i32
        %dma_start3A_841 = tpu.memref_slice %arg4[%multiple_of3A_378, %dma_start3A_840] : memref<16384x32xf32, #tpu.memory_space<hbm>> -> memref<8x32xf32, #tpu.memory_space<hbm>>
        %dma_start3A_842 = arith.constant 0 : i32
        %dma_start3A_843 = tpu.memref_slice %arg4[%multiple_of3A_378, %dma_start3A_842] : memref<16384x32xf32, #tpu.memory_space<hbm>> -> memref<8x32xf32, #tpu.memory_space<hbm>>
        tpu.enqueue_dma source(%arg8 : memref<8x32xf32, #tpu.memory_space<vmem>>) target(%dma_start3A_843 : memref<8x32xf32, #tpu.memory_space<hbm>>) target_semaphore(%run_scoped3A_839 : memref<!tpu.dma_semaphore, #tpu.memory_space<semaphore_mem>>)
        %dma_wait3A_844 = arith.constant 0 : i32
        %dma_wait3A_845 = tpu.memref_slice %arg4[%multiple_of3A_378, %dma_wait3A_844] : memref<16384x32xf32, #tpu.memory_space<hbm>> -> memref<8x32xf32, #tpu.memory_space<hbm>>
        %dma_wait3A_846 = arith.constant 0 : i32
        %dma_wait3A_847 = tpu.memref_slice %arg4[%multiple_of3A_378, %dma_wait3A_846] : memref<16384x32xf32, #tpu.memory_space<hbm>> -> memref<8x32xf32, #tpu.memory_space<hbm>>
        tpu.wait_dma2 semaphore(%run_scoped3A_839 : memref<!tpu.dma_semaphore, #tpu.memory_space<semaphore_mem>>) src(%arg8 : memref<8x32xf32, #tpu.memory_space<vmem>>) dst(%dma_wait3A_847 : memref<8x32xf32, #tpu.memory_space<hbm>>)
        tpu.yield
      }) : () -> ()
      %add3A_601 = arith.constant 1 : i32
      %add3A_602 = arith.addi %add3A_188, %add3A_601 : i32
      %lt3A = arith.constant 64 : i32
      %lt3A_603 = arith.cmpi slt, %add3A_602, %lt3A : i32
      %convert_element_type3A = arith.extui %lt3A_603 : i1 to i32
      %cond3A = arith.constant 0 : i32
      %cond3A_604 = arith.cmpi ne, %convert_element_type3A, %cond3A : i32
      scf.if %cond3A_604 {
        %add3A_839 = arith.constant 1 : i32
        %add3A_840 = arith.addi %add3A_188, %add3A_839 : i32
        %mul3A_841 = arith.constant 8 : i32
        %mul3A_842 = arith.muli %add3A_840, %mul3A_841 : i32
        %add3A_843 = arith.addi %mul3A_2, %mul3A_842 : i32
        %multiple_of3A_844 = tpu.assume_multiple %add3A_843, 8 : i32
        %run_scoped3A_845 = arith.constant 0 : i32
        "tpu.region"() ({
          %run_scoped3A_1022 = tpu.sem_alloc : memref<!tpu.dma_semaphore, #tpu.memory_space<semaphore_mem>>
          %dma_start3A_1023 = arith.constant 0 : i32
          %dma_start3A_1024 = arith.constant 0 : i32
          %dma_start3A_1025 = tpu.memref_slice %arg5[%run_scoped3A_845, %dma_start3A_1023, %dma_start3A_1024] : memref<2x8x200xi32, #tpu.memory_space<vmem>> -> memref<1x8x200xi32, #tpu.memory_space<vmem>>
          %dma_start3A_1026 = tpu.memref_squeeze %dma_start3A_1025 : memref<1x8x200xi32, #tpu.memory_space<vmem>> -> memref<8x200xi32, #tpu.memory_space<vmem>>
          %dma_start3A_1027 = arith.constant 0 : i32
          %dma_start3A_1028 = tpu.memref_slice %arg3[%multiple_of3A_844, %dma_start3A_1027] : memref<16384x200xi32, #tpu.memory_space<hbm>> -> memref<8x200xi32, #tpu.memory_space<hbm>>
          %dma_start3A_1029 = arith.constant 0 : i32
          %dma_start3A_1030 = arith.constant 0 : i32
          %dma_start3A_1031 = tpu.memref_slice %arg5[%run_scoped3A_845, %dma_start3A_1029, %dma_start3A_1030] : memref<2x8x200xi32, #tpu.memory_space<vmem>> -> memref<1x8x200xi32, #tpu.memory_space<vmem>>
          %dma_start3A_1032 = tpu.memref_squeeze %dma_start3A_1031 : memref<1x8x200xi32, #tpu.memory_space<vmem>> -> memref<8x200xi32, #tpu.memory_space<vmem>>
          %dma_start3A_1033 = arith.constant 0 : i32
          %dma_start3A_1034 = tpu.memref_slice %arg3[%multiple_of3A_844, %dma_start3A_1033] : memref<16384x200xi32, #tpu.memory_space<hbm>> -> memref<8x200xi32, #tpu.memory_space<hbm>>
          tpu.enqueue_dma source(%dma_start3A_1034 : memref<8x200xi32, #tpu.memory_space<hbm>>) target(%dma_start3A_1032 : memref<8x200xi32, #tpu.memory_space<vmem>>) target_semaphore(%run_scoped3A_1022 : memref<!tpu.dma_semaphore, #tpu.memory_space<semaphore_mem>>)
          %dma_wait3A_1035 = arith.constant 0 : i32
          %dma_wait3A_1036 = arith.constant 0 : i32
          %dma_wait3A_1037 = tpu.memref_slice %arg5[%run_scoped3A_845, %dma_wait3A_1035, %dma_wait3A_1036] : memref<2x8x200xi32, #tpu.memory_space<vmem>> -> memref<1x8x200xi32, #tpu.memory_space<vmem>>
          %dma_wait3A_1038 = tpu.memref_squeeze %dma_wait3A_1037 : memref<1x8x200xi32, #tpu.memory_space<vmem>> -> memref<8x200xi32, #tpu.memory_space<vmem>>
          %dma_wait3A_1039 = arith.constant 0 : i32
          %dma_wait3A_1040 = tpu.memref_slice %arg3[%multiple_of3A_844, %dma_wait3A_1039] : memref<16384x200xi32, #tpu.memory_space<hbm>> -> memref<8x200xi32, #tpu.memory_space<hbm>>
          %dma_wait3A_1041 = arith.constant 0 : i32
          %dma_wait3A_1042 = arith.constant 0 : i32
          %dma_wait3A_1043 = tpu.memref_slice %arg5[%run_scoped3A_845, %dma_wait3A_1041, %dma_wait3A_1042] : memref<2x8x200xi32, #tpu.memory_space<vmem>> -> memref<1x8x200xi32, #tpu.memory_space<vmem>>
          %dma_wait3A_1044 = tpu.memref_squeeze %dma_wait3A_1043 : memref<1x8x200xi32, #tpu.memory_space<vmem>> -> memref<8x200xi32, #tpu.memory_space<vmem>>
          %dma_wait3A_1045 = arith.constant 0 : i32
          %dma_wait3A_1046 = tpu.memref_slice %arg3[%multiple_of3A_844, %dma_wait3A_1045] : memref<16384x200xi32, #tpu.memory_space<hbm>> -> memref<8x200xi32, #tpu.memory_space<hbm>>
          tpu.wait_dma2 semaphore(%run_scoped3A_1022 : memref<!tpu.dma_semaphore, #tpu.memory_space<semaphore_mem>>) src(%dma_wait3A_1046 : memref<8x200xi32, #tpu.memory_space<hbm>>) dst(%dma_wait3A_1044 : memref<8x200xi32, #tpu.memory_space<vmem>>)
          tpu.yield
        }) : () -> ()
        %dma_start3A_846 = arith.constant 0 : i32
        %dma_start3A_847 = arith.constant 0 : i32
        %dma_start3A_848 = arith.constant 0 : i32
        %dma_start3A_849 = arith.constant 0 : i32
        %dma_start3A_850 = tpu.memref_slice %arg6[%dma_start3A_848, %dma_start3A_849] : memref<1600x32xf32, #tpu.memory_space<vmem>> -> memref<104x32xf32, #tpu.memory_space<vmem>>
        %dma_start3A_851 = arith.constant 0 : i32
        %dma_start3A_852 = tpu.memref_slice %arg5[%dma_start3A_846, %dma_start3A_847, %dma_start3A_851] : memref<2x8x200xi32, #tpu.memory_space<vmem>> -> memref<1x1x104xi32, #tpu.memory_space<vmem>>
        %dma_start3A_853 = tpu.memref_squeeze %dma_start3A_852 : memref<1x1x104xi32, #tpu.memory_space<vmem>> -> memref<104xi32, #tpu.memory_space<vmem>>
        %dma_start3A_854 = arith.constant 0 : i32
        %dma_start3A_855 = arith.constant 0 : i32
        %dma_start3A_856 = tpu.memref_slice %arg2[%dma_start3A_854, %dma_start3A_855] : memref<1000000x32xf32, #tpu.memory_space<hbm>> -> memref<1000000x32xf32, #tpu.memory_space<hbm>>
        tpu.enqueue_indirect_dma source(%dma_start3A_856 : memref<1000000x32xf32, #tpu.memory_space<hbm>>) target(%dma_start3A_850 : memref<104x32xf32, #tpu.memory_space<vmem>>) offsets(%dma_start3A_853 : memref<104xi32, #tpu.memory_space<vmem>>) semaphore(%arg9 : memref<!tpu.dma_semaphore, #tpu.memory_space<semaphore_mem>>)
        %dma_start3A_857 = arith.constant 0 : i32
        %dma_start3A_858 = arith.constant 0 : i32
        %dma_start3A_859 = arith.constant 104 : i32
        %dma_start3A_860 = arith.constant 0 : i32
        %dma_start3A_861 = tpu.memref_slice %arg6[%dma_start3A_859, %dma_start3A_860] : memref<1600x32xf32, #tpu.memory_space<vmem>> -> memref<96x32xf32, #tpu.memory_space<vmem>>
        %dma_start3A_862 = arith.constant 104 : i32
        %dma_start3A_863 = tpu.memref_slice %arg5[%dma_start3A_857, %dma_start3A_858, %dma_start3A_862] : memref<2x8x200xi32, #tpu.memory_space<vmem>> -> memref<1x1x96xi32, #tpu.memory_space<vmem>>
        %dma_start3A_864 = tpu.memref_squeeze %dma_start3A_863 : memref<1x1x96xi32, #tpu.memory_space<vmem>> -> memref<96xi32, #tpu.memory_space<vmem>>
        %dma_start3A_865 = arith.constant 0 : i32
        %dma_start3A_866 = arith.constant 0 : i32
        %dma_start3A_867 = tpu.memref_slice %arg2[%dma_start3A_865, %dma_start3A_866] : memref<1000000x32xf32, #tpu.memory_space<hbm>> -> memref<1000000x32xf32, #tpu.memory_space<hbm>>
        tpu.enqueue_indirect_dma source(%dma_start3A_867 : memref<1000000x32xf32, #tpu.memory_space<hbm>>) target(%dma_start3A_861 : memref<96x32xf32, #tpu.memory_space<vmem>>) offsets(%dma_start3A_864 : memref<96xi32, #tpu.memory_space<vmem>>) semaphore(%arg9 : memref<!tpu.dma_semaphore, #tpu.memory_space<semaphore_mem>>)
        %dma_start3A_868 = arith.constant 0 : i32
        %dma_start3A_869 = arith.constant 1 : i32
        %dma_start3A_870 = arith.constant 200 : i32
        %dma_start3A_871 = arith.constant 0 : i32
        %dma_start3A_872 = tpu.memref_slice %arg6[%dma_start3A_870, %dma_start3A_871] : memref<1600x32xf32, #tpu.memory_space<vmem>> -> memref<104x32xf32, #tpu.memory_space<vmem>>
        %dma_start3A_873 = arith.constant 0 : i32
        %dma_start3A_874 = tpu.memref_slice %arg5[%dma_start3A_868, %dma_start3A_869, %dma_start3A_873] : memref<2x8x200xi32, #tpu.memory_space<vmem>> -> memref<1x1x104xi32, #tpu.memory_space<vmem>>
        %dma_start3A_875 = tpu.memref_squeeze %dma_start3A_874 : memref<1x1x104xi32, #tpu.memory_space<vmem>> -> memref<104xi32, #tpu.memory_space<vmem>>
        %dma_start3A_876 = arith.constant 0 : i32
        %dma_start3A_877 = arith.constant 0 : i32
        %dma_start3A_878 = tpu.memref_slice %arg2[%dma_start3A_876, %dma_start3A_877] : memref<1000000x32xf32, #tpu.memory_space<hbm>> -> memref<1000000x32xf32, #tpu.memory_space<hbm>>
        tpu.enqueue_indirect_dma source(%dma_start3A_878 : memref<1000000x32xf32, #tpu.memory_space<hbm>>) target(%dma_start3A_872 : memref<104x32xf32, #tpu.memory_space<vmem>>) offsets(%dma_start3A_875 : memref<104xi32, #tpu.memory_space<vmem>>) semaphore(%arg9 : memref<!tpu.dma_semaphore, #tpu.memory_space<semaphore_mem>>)
        %dma_start3A_879 = arith.constant 0 : i32
        %dma_start3A_880 = arith.constant 1 : i32
        %dma_start3A_881 = arith.constant 304 : i32
        %dma_start3A_882 = arith.constant 0 : i32
        %dma_start3A_883 = tpu.memref_slice %arg6[%dma_start3A_881, %dma_start3A_882] : memref<1600x32xf32, #tpu.memory_space<vmem>> -> memref<96x32xf32, #tpu.memory_space<vmem>>
        %dma_start3A_884 = arith.constant 104 : i32
        %dma_start3A_885 = tpu.memref_slice %arg5[%dma_start3A_879, %dma_start3A_880, %dma_start3A_884] : memref<2x8x200xi32, #tpu.memory_space<vmem>> -> memref<1x1x96xi32, #tpu.memory_space<vmem>>
        %dma_start3A_886 = tpu.memref_squeeze %dma_start3A_885 : memref<1x1x96xi32, #tpu.memory_space<vmem>> -> memref<96xi32, #tpu.memory_space<vmem>>
        %dma_start3A_887 = arith.constant 0 : i32
        %dma_start3A_888 = arith.constant 0 : i32
        %dma_start3A_889 = tpu.memref_slice %arg2[%dma_start3A_887, %dma_start3A_888] : memref<1000000x32xf32, #tpu.memory_space<hbm>> -> memref<1000000x32xf32, #tpu.memory_space<hbm>>
        tpu.enqueue_indirect_dma source(%dma_start3A_889 : memref<1000000x32xf32, #tpu.memory_space<hbm>>) target(%dma_start3A_883 : memref<96x32xf32, #tpu.memory_space<vmem>>) offsets(%dma_start3A_886 : memref<96xi32, #tpu.memory_space<vmem>>) semaphore(%arg9 : memref<!tpu.dma_semaphore, #tpu.memory_space<semaphore_mem>>)
        %dma_start3A_890 = arith.constant 0 : i32
        %dma_start3A_891 = arith.constant 2 : i32
        %dma_start3A_892 = arith.constant 400 : i32
        %dma_start3A_893 = arith.constant 0 : i32
        %dma_start3A_894 = tpu.memref_slice %arg6[%dma_start3A_892, %dma_start3A_893] : memref<1600x32xf32, #tpu.memory_space<vmem>> -> memref<104x32xf32, #tpu.memory_space<vmem>>
        %dma_start3A_895 = arith.constant 0 : i32
        %dma_start3A_896 = tpu.memref_slice %arg5[%dma_start3A_890, %dma_start3A_891, %dma_start3A_895] : memref<2x8x200xi32, #tpu.memory_space<vmem>> -> memref<1x1x104xi32, #tpu.memory_space<vmem>>
        %dma_start3A_897 = tpu.memref_squeeze %dma_start3A_896 : memref<1x1x104xi32, #tpu.memory_space<vmem>> -> memref<104xi32, #tpu.memory_space<vmem>>
        %dma_start3A_898 = arith.constant 0 : i32
        %dma_start3A_899 = arith.constant 0 : i32
        %dma_start3A_900 = tpu.memref_slice %arg2[%dma_start3A_898, %dma_start3A_899] : memref<1000000x32xf32, #tpu.memory_space<hbm>> -> memref<1000000x32xf32, #tpu.memory_space<hbm>>
        tpu.enqueue_indirect_dma source(%dma_start3A_900 : memref<1000000x32xf32, #tpu.memory_space<hbm>>) target(%dma_start3A_894 : memref<104x32xf32, #tpu.memory_space<vmem>>) offsets(%dma_start3A_897 : memref<104xi32, #tpu.memory_space<vmem>>) semaphore(%arg9 : memref<!tpu.dma_semaphore, #tpu.memory_space<semaphore_mem>>)
        %dma_start3A_901 = arith.constant 0 : i32
        %dma_start3A_902 = arith.constant 2 : i32
        %dma_start3A_903 = arith.constant 504 : i32
        %dma_start3A_904 = arith.constant 0 : i32
        %dma_start3A_905 = tpu.memref_slice %arg6[%dma_start3A_903, %dma_start3A_904] : memref<1600x32xf32, #tpu.memory_space<vmem>> -> memref<96x32xf32, #tpu.memory_space<vmem>>
        %dma_start3A_906 = arith.constant 104 : i32
        %dma_start3A_907 = tpu.memref_slice %arg5[%dma_start3A_901, %dma_start3A_902, %dma_start3A_906] : memref<2x8x200xi32, #tpu.memory_space<vmem>> -> memref<1x1x96xi32, #tpu.memory_space<vmem>>
        %dma_start3A_908 = tpu.memref_squeeze %dma_start3A_907 : memref<1x1x96xi32, #tpu.memory_space<vmem>> -> memref<96xi32, #tpu.memory_space<vmem>>
        %dma_start3A_909 = arith.constant 0 : i32
        %dma_start3A_910 = arith.constant 0 : i32
        %dma_start3A_911 = tpu.memref_slice %arg2[%dma_start3A_909, %dma_start3A_910] : memref<1000000x32xf32, #tpu.memory_space<hbm>> -> memref<1000000x32xf32, #tpu.memory_space<hbm>>
        tpu.enqueue_indirect_dma source(%dma_start3A_911 : memref<1000000x32xf32, #tpu.memory_space<hbm>>) target(%dma_start3A_905 : memref<96x32xf32, #tpu.memory_space<vmem>>) offsets(%dma_start3A_908 : memref<96xi32, #tpu.memory_space<vmem>>) semaphore(%arg9 : memref<!tpu.dma_semaphore, #tpu.memory_space<semaphore_mem>>)
        %dma_start3A_912 = arith.constant 0 : i32
        %dma_start3A_913 = arith.constant 3 : i32
        %dma_start3A_914 = arith.constant 600 : i32
        %dma_start3A_915 = arith.constant 0 : i32
        %dma_start3A_916 = tpu.memref_slice %arg6[%dma_start3A_914, %dma_start3A_915] : memref<1600x32xf32, #tpu.memory_space<vmem>> -> memref<104x32xf32, #tpu.memory_space<vmem>>
        %dma_start3A_917 = arith.constant 0 : i32
        %dma_start3A_918 = tpu.memref_slice %arg5[%dma_start3A_912, %dma_start3A_913, %dma_start3A_917] : memref<2x8x200xi32, #tpu.memory_space<vmem>> -> memref<1x1x104xi32, #tpu.memory_space<vmem>>
        %dma_start3A_919 = tpu.memref_squeeze %dma_start3A_918 : memref<1x1x104xi32, #tpu.memory_space<vmem>> -> memref<104xi32, #tpu.memory_space<vmem>>
        %dma_start3A_920 = arith.constant 0 : i32
        %dma_start3A_921 = arith.constant 0 : i32
        %dma_start3A_922 = tpu.memref_slice %arg2[%dma_start3A_920, %dma_start3A_921] : memref<1000000x32xf32, #tpu.memory_space<hbm>> -> memref<1000000x32xf32, #tpu.memory_space<hbm>>
        tpu.enqueue_indirect_dma source(%dma_start3A_922 : memref<1000000x32xf32, #tpu.memory_space<hbm>>) target(%dma_start3A_916 : memref<104x32xf32, #tpu.memory_space<vmem>>) offsets(%dma_start3A_919 : memref<104xi32, #tpu.memory_space<vmem>>) semaphore(%arg9 : memref<!tpu.dma_semaphore, #tpu.memory_space<semaphore_mem>>)
        %dma_start3A_923 = arith.constant 0 : i32
        %dma_start3A_924 = arith.constant 3 : i32
        %dma_start3A_925 = arith.constant 704 : i32
        %dma_start3A_926 = arith.constant 0 : i32
        %dma_start3A_927 = tpu.memref_slice %arg6[%dma_start3A_925, %dma_start3A_926] : memref<1600x32xf32, #tpu.memory_space<vmem>> -> memref<96x32xf32, #tpu.memory_space<vmem>>
        %dma_start3A_928 = arith.constant 104 : i32
        %dma_start3A_929 = tpu.memref_slice %arg5[%dma_start3A_923, %dma_start3A_924, %dma_start3A_928] : memref<2x8x200xi32, #tpu.memory_space<vmem>> -> memref<1x1x96xi32, #tpu.memory_space<vmem>>
        %dma_start3A_930 = tpu.memref_squeeze %dma_start3A_929 : memref<1x1x96xi32, #tpu.memory_space<vmem>> -> memref<96xi32, #tpu.memory_space<vmem>>
        %dma_start3A_931 = arith.constant 0 : i32
        %dma_start3A_932 = arith.constant 0 : i32
        %dma_start3A_933 = tpu.memref_slice %arg2[%dma_start3A_931, %dma_start3A_932] : memref<1000000x32xf32, #tpu.memory_space<hbm>> -> memref<1000000x32xf32, #tpu.memory_space<hbm>>
        tpu.enqueue_indirect_dma source(%dma_start3A_933 : memref<1000000x32xf32, #tpu.memory_space<hbm>>) target(%dma_start3A_927 : memref<96x32xf32, #tpu.memory_space<vmem>>) offsets(%dma_start3A_930 : memref<96xi32, #tpu.memory_space<vmem>>) semaphore(%arg9 : memref<!tpu.dma_semaphore, #tpu.memory_space<semaphore_mem>>)
        %dma_start3A_934 = arith.constant 0 : i32
        %dma_start3A_935 = arith.constant 4 : i32
        %dma_start3A_936 = arith.constant 800 : i32
        %dma_start3A_937 = arith.constant 0 : i32
        %dma_start3A_938 = tpu.memref_slice %arg6[%dma_start3A_936, %dma_start3A_937] : memref<1600x32xf32, #tpu.memory_space<vmem>> -> memref<104x32xf32, #tpu.memory_space<vmem>>
        %dma_start3A_939 = arith.constant 0 : i32
        %dma_start3A_940 = tpu.memref_slice %arg5[%dma_start3A_934, %dma_start3A_935, %dma_start3A_939] : memref<2x8x200xi32, #tpu.memory_space<vmem>> -> memref<1x1x104xi32, #tpu.memory_space<vmem>>
        %dma_start3A_941 = tpu.memref_squeeze %dma_start3A_940 : memref<1x1x104xi32, #tpu.memory_space<vmem>> -> memref<104xi32, #tpu.memory_space<vmem>>
        %dma_start3A_942 = arith.constant 0 : i32
        %dma_start3A_943 = arith.constant 0 : i32
        %dma_start3A_944 = tpu.memref_slice %arg2[%dma_start3A_942, %dma_start3A_943] : memref<1000000x32xf32, #tpu.memory_space<hbm>> -> memref<1000000x32xf32, #tpu.memory_space<hbm>>
        tpu.enqueue_indirect_dma source(%dma_start3A_944 : memref<1000000x32xf32, #tpu.memory_space<hbm>>) target(%dma_start3A_938 : memref<104x32xf32, #tpu.memory_space<vmem>>) offsets(%dma_start3A_941 : memref<104xi32, #tpu.memory_space<vmem>>) semaphore(%arg9 : memref<!tpu.dma_semaphore, #tpu.memory_space<semaphore_mem>>)
        %dma_start3A_945 = arith.constant 0 : i32
        %dma_start3A_946 = arith.constant 4 : i32
        %dma_start3A_947 = arith.constant 904 : i32
        %dma_start3A_948 = arith.constant 0 : i32
        %dma_start3A_949 = tpu.memref_slice %arg6[%dma_start3A_947, %dma_start3A_948] : memref<1600x32xf32, #tpu.memory_space<vmem>> -> memref<96x32xf32, #tpu.memory_space<vmem>>
        %dma_start3A_950 = arith.constant 104 : i32
        %dma_start3A_951 = tpu.memref_slice %arg5[%dma_start3A_945, %dma_start3A_946, %dma_start3A_950] : memref<2x8x200xi32, #tpu.memory_space<vmem>> -> memref<1x1x96xi32, #tpu.memory_space<vmem>>
        %dma_start3A_952 = tpu.memref_squeeze %dma_start3A_951 : memref<1x1x96xi32, #tpu.memory_space<vmem>> -> memref<96xi32, #tpu.memory_space<vmem>>
        %dma_start3A_953 = arith.constant 0 : i32
        %dma_start3A_954 = arith.constant 0 : i32
        %dma_start3A_955 = tpu.memref_slice %arg2[%dma_start3A_953, %dma_start3A_954] : memref<1000000x32xf32, #tpu.memory_space<hbm>> -> memref<1000000x32xf32, #tpu.memory_space<hbm>>
        tpu.enqueue_indirect_dma source(%dma_start3A_955 : memref<1000000x32xf32, #tpu.memory_space<hbm>>) target(%dma_start3A_949 : memref<96x32xf32, #tpu.memory_space<vmem>>) offsets(%dma_start3A_952 : memref<96xi32, #tpu.memory_space<vmem>>) semaphore(%arg9 : memref<!tpu.dma_semaphore, #tpu.memory_space<semaphore_mem>>)
        %dma_start3A_956 = arith.constant 0 : i32
        %dma_start3A_957 = arith.constant 5 : i32
        %dma_start3A_958 = arith.constant 1000 : i32
        %dma_start3A_959 = arith.constant 0 : i32
        %dma_start3A_960 = tpu.memref_slice %arg6[%dma_start3A_958, %dma_start3A_959] : memref<1600x32xf32, #tpu.memory_space<vmem>> -> memref<104x32xf32, #tpu.memory_space<vmem>>
        %dma_start3A_961 = arith.constant 0 : i32
        %dma_start3A_962 = tpu.memref_slice %arg5[%dma_start3A_956, %dma_start3A_957, %dma_start3A_961] : memref<2x8x200xi32, #tpu.memory_space<vmem>> -> memref<1x1x104xi32, #tpu.memory_space<vmem>>
        %dma_start3A_963 = tpu.memref_squeeze %dma_start3A_962 : memref<1x1x104xi32, #tpu.memory_space<vmem>> -> memref<104xi32, #tpu.memory_space<vmem>>
        %dma_start3A_964 = arith.constant 0 : i32
        %dma_start3A_965 = arith.constant 0 : i32
        %dma_start3A_966 = tpu.memref_slice %arg2[%dma_start3A_964, %dma_start3A_965] : memref<1000000x32xf32, #tpu.memory_space<hbm>> -> memref<1000000x32xf32, #tpu.memory_space<hbm>>
        tpu.enqueue_indirect_dma source(%dma_start3A_966 : memref<1000000x32xf32, #tpu.memory_space<hbm>>) target(%dma_start3A_960 : memref<104x32xf32, #tpu.memory_space<vmem>>) offsets(%dma_start3A_963 : memref<104xi32, #tpu.memory_space<vmem>>) semaphore(%arg9 : memref<!tpu.dma_semaphore, #tpu.memory_space<semaphore_mem>>)
        %dma_start3A_967 = arith.constant 0 : i32
        %dma_start3A_968 = arith.constant 5 : i32
        %dma_start3A_969 = arith.constant 1104 : i32
        %dma_start3A_970 = arith.constant 0 : i32
        %dma_start3A_971 = tpu.memref_slice %arg6[%dma_start3A_969, %dma_start3A_970] : memref<1600x32xf32, #tpu.memory_space<vmem>> -> memref<96x32xf32, #tpu.memory_space<vmem>>
        %dma_start3A_972 = arith.constant 104 : i32
        %dma_start3A_973 = tpu.memref_slice %arg5[%dma_start3A_967, %dma_start3A_968, %dma_start3A_972] : memref<2x8x200xi32, #tpu.memory_space<vmem>> -> memref<1x1x96xi32, #tpu.memory_space<vmem>>
        %dma_start3A_974 = tpu.memref_squeeze %dma_start3A_973 : memref<1x1x96xi32, #tpu.memory_space<vmem>> -> memref<96xi32, #tpu.memory_space<vmem>>
        %dma_start3A_975 = arith.constant 0 : i32
        %dma_start3A_976 = arith.constant 0 : i32
        %dma_start3A_977 = tpu.memref_slice %arg2[%dma_start3A_975, %dma_start3A_976] : memref<1000000x32xf32, #tpu.memory_space<hbm>> -> memref<1000000x32xf32, #tpu.memory_space<hbm>>
        tpu.enqueue_indirect_dma source(%dma_start3A_977 : memref<1000000x32xf32, #tpu.memory_space<hbm>>) target(%dma_start3A_971 : memref<96x32xf32, #tpu.memory_space<vmem>>) offsets(%dma_start3A_974 : memref<96xi32, #tpu.memory_space<vmem>>) semaphore(%arg9 : memref<!tpu.dma_semaphore, #tpu.memory_space<semaphore_mem>>)
        %dma_start3A_978 = arith.constant 0 : i32
        %dma_start3A_979 = arith.constant 6 : i32
        %dma_start3A_980 = arith.constant 1200 : i32
        %dma_start3A_981 = arith.constant 0 : i32
        %dma_start3A_982 = tpu.memref_slice %arg6[%dma_start3A_980, %dma_start3A_981] : memref<1600x32xf32, #tpu.memory_space<vmem>> -> memref<104x32xf32, #tpu.memory_space<vmem>>
        %dma_start3A_983 = arith.constant 0 : i32
        %dma_start3A_984 = tpu.memref_slice %arg5[%dma_start3A_978, %dma_start3A_979, %dma_start3A_983] : memref<2x8x200xi32, #tpu.memory_space<vmem>> -> memref<1x1x104xi32, #tpu.memory_space<vmem>>
        %dma_start3A_985 = tpu.memref_squeeze %dma_start3A_984 : memref<1x1x104xi32, #tpu.memory_space<vmem>> -> memref<104xi32, #tpu.memory_space<vmem>>
        %dma_start3A_986 = arith.constant 0 : i32
        %dma_start3A_987 = arith.constant 0 : i32
        %dma_start3A_988 = tpu.memref_slice %arg2[%dma_start3A_986, %dma_start3A_987] : memref<1000000x32xf32, #tpu.memory_space<hbm>> -> memref<1000000x32xf32, #tpu.memory_space<hbm>>
        tpu.enqueue_indirect_dma source(%dma_start3A_988 : memref<1000000x32xf32, #tpu.memory_space<hbm>>) target(%dma_start3A_982 : memref<104x32xf32, #tpu.memory_space<vmem>>) offsets(%dma_start3A_985 : memref<104xi32, #tpu.memory_space<vmem>>) semaphore(%arg9 : memref<!tpu.dma_semaphore, #tpu.memory_space<semaphore_mem>>)
        %dma_start3A_989 = arith.constant 0 : i32
        %dma_start3A_990 = arith.constant 6 : i32
        %dma_start3A_991 = arith.constant 1304 : i32
        %dma_start3A_992 = arith.constant 0 : i32
        %dma_start3A_993 = tpu.memref_slice %arg6[%dma_start3A_991, %dma_start3A_992] : memref<1600x32xf32, #tpu.memory_space<vmem>> -> memref<96x32xf32, #tpu.memory_space<vmem>>
        %dma_start3A_994 = arith.constant 104 : i32
        %dma_start3A_995 = tpu.memref_slice %arg5[%dma_start3A_989, %dma_start3A_990, %dma_start3A_994] : memref<2x8x200xi32, #tpu.memory_space<vmem>> -> memref<1x1x96xi32, #tpu.memory_space<vmem>>
        %dma_start3A_996 = tpu.memref_squeeze %dma_start3A_995 : memref<1x1x96xi32, #tpu.memory_space<vmem>> -> memref<96xi32, #tpu.memory_space<vmem>>
        %dma_start3A_997 = arith.constant 0 : i32
        %dma_start3A_998 = arith.constant 0 : i32
        %dma_start3A_999 = tpu.memref_slice %arg2[%dma_start3A_997, %dma_start3A_998] : memref<1000000x32xf32, #tpu.memory_space<hbm>> -> memref<1000000x32xf32, #tpu.memory_space<hbm>>
        tpu.enqueue_indirect_dma source(%dma_start3A_999 : memref<1000000x32xf32, #tpu.memory_space<hbm>>) target(%dma_start3A_993 : memref<96x32xf32, #tpu.memory_space<vmem>>) offsets(%dma_start3A_996 : memref<96xi32, #tpu.memory_space<vmem>>) semaphore(%arg9 : memref<!tpu.dma_semaphore, #tpu.memory_space<semaphore_mem>>)
        %dma_start3A_1000 = arith.constant 0 : i32
        %dma_start3A_1001 = arith.constant 7 : i32
        %dma_start3A_1002 = arith.constant 1400 : i32
        %dma_start3A_1003 = arith.constant 0 : i32
        %dma_start3A_1004 = tpu.memref_slice %arg6[%dma_start3A_1002, %dma_start3A_1003] : memref<1600x32xf32, #tpu.memory_space<vmem>> -> memref<104x32xf32, #tpu.memory_space<vmem>>
        %dma_start3A_1005 = arith.constant 0 : i32
        %dma_start3A_1006 = tpu.memref_slice %arg5[%dma_start3A_1000, %dma_start3A_1001, %dma_start3A_1005] : memref<2x8x200xi32, #tpu.memory_space<vmem>> -> memref<1x1x104xi32, #tpu.memory_space<vmem>>
        %dma_start3A_1007 = tpu.memref_squeeze %dma_start3A_1006 : memref<1x1x104xi32, #tpu.memory_space<vmem>> -> memref<104xi32, #tpu.memory_space<vmem>>
        %dma_start3A_1008 = arith.constant 0 : i32
        %dma_start3A_1009 = arith.constant 0 : i32
        %dma_start3A_1010 = tpu.memref_slice %arg2[%dma_start3A_1008, %dma_start3A_1009] : memref<1000000x32xf32, #tpu.memory_space<hbm>> -> memref<1000000x32xf32, #tpu.memory_space<hbm>>
        tpu.enqueue_indirect_dma source(%dma_start3A_1010 : memref<1000000x32xf32, #tpu.memory_space<hbm>>) target(%dma_start3A_1004 : memref<104x32xf32, #tpu.memory_space<vmem>>) offsets(%dma_start3A_1007 : memref<104xi32, #tpu.memory_space<vmem>>) semaphore(%arg9 : memref<!tpu.dma_semaphore, #tpu.memory_space<semaphore_mem>>)
        %dma_start3A_1011 = arith.constant 0 : i32
        %dma_start3A_1012 = arith.constant 7 : i32
        %dma_start3A_1013 = arith.constant 1504 : i32
        %dma_start3A_1014 = arith.constant 0 : i32
        %dma_start3A_1015 = tpu.memref_slice %arg6[%dma_start3A_1013, %dma_start3A_1014] : memref<1600x32xf32, #tpu.memory_space<vmem>> -> memref<96x32xf32, #tpu.memory_space<vmem>>
        %dma_start3A_1016 = arith.constant 104 : i32
        %dma_start3A_1017 = tpu.memref_slice %arg5[%dma_start3A_1011, %dma_start3A_1012, %dma_start3A_1016] : memref<2x8x200xi32, #tpu.memory_space<vmem>> -> memref<1x1x96xi32, #tpu.memory_space<vmem>>
        %dma_start3A_1018 = tpu.memref_squeeze %dma_start3A_1017 : memref<1x1x96xi32, #tpu.memory_space<vmem>> -> memref<96xi32, #tpu.memory_space<vmem>>
        %dma_start3A_1019 = arith.constant 0 : i32
        %dma_start3A_1020 = arith.constant 0 : i32
        %dma_start3A_1021 = tpu.memref_slice %arg2[%dma_start3A_1019, %dma_start3A_1020] : memref<1000000x32xf32, #tpu.memory_space<hbm>> -> memref<1000000x32xf32, #tpu.memory_space<hbm>>
        tpu.enqueue_indirect_dma source(%dma_start3A_1021 : memref<1000000x32xf32, #tpu.memory_space<hbm>>) target(%dma_start3A_1015 : memref<96x32xf32, #tpu.memory_space<vmem>>) offsets(%dma_start3A_1018 : memref<96xi32, #tpu.memory_space<vmem>>) semaphore(%arg9 : memref<!tpu.dma_semaphore, #tpu.memory_space<semaphore_mem>>)
      } else {
      }
      %dma_wait3A_605 = arith.constant 0 : i32
      %dma_wait3A_606 = arith.constant 0 : i32
      %dma_wait3A_607 = tpu.memref_slice %arg2[%dma_wait3A_605, %dma_wait3A_606] : memref<1000000x32xf32, #tpu.memory_space<hbm>> -> memref<1600x32xf32, #tpu.memory_space<hbm>>
      %dma_wait3A_608 = arith.constant 0 : i32
      %dma_wait3A_609 = arith.constant 0 : i32
      %dma_wait3A_610 = tpu.memref_slice %arg2[%dma_wait3A_608, %dma_wait3A_609] : memref<1000000x32xf32, #tpu.memory_space<hbm>> -> memref<1600x32xf32, #tpu.memory_space<hbm>>
      tpu.wait_dma2 semaphore(%arg10 : memref<!tpu.dma_semaphore, #tpu.memory_space<semaphore_mem>>) src(%dma_wait3A_610 : memref<1600x32xf32, #tpu.memory_space<hbm>>) dst(%arg7 : memref<1600x32xf32, #tpu.memory_space<vmem>>)
      %mul3A_611 = arith.constant 8 : i32
      %mul3A_612 = arith.muli %add3A_188, %mul3A_611 : i32
      %add3A_613 = arith.addi %mul3A_2, %mul3A_612 : i32
      %multiple_of3A_614 = tpu.assume_multiple %add3A_613, 8 : i32
      %broadcast_in_dim3A_615 = arith.constant 0.000000e+00 : f32
      %broadcast_in_dim3A_616 = vector.broadcast %broadcast_in_dim3A_615 : f32 to vector<16xf32>
      %scan3A_617 = arith.constant 0 : i32
      %scan3A_618 = arith.constant 25 : i32
      %scan3A_619 = arith.addi %scan3A_617, %scan3A_618 : i32
      %scan3A_620 = arith.constant 1 : i32
      %scan3A_621:4 = scf.for %scan3A_839 = %scan3A_617 to %scan3A_619 step %scan3A_620 iter_args(%scan3A_840 = %broadcast_in_dim3A_616, %scan3A_841 = %broadcast_in_dim3A_616, %scan3A_842 = %broadcast_in_dim3A_616, %scan3A_843 = %broadcast_in_dim3A_616) -> (vector<16xf32>, vector<16xf32>, vector<16xf32>, vector<16xf32>)  : i32 {
        %mul3A_844 = arith.constant 8 : i32
        %mul3A_845 = arith.muli %scan3A_839, %mul3A_844 : i32
        %add3A_846 = arith.constant 0 : i32
        %add3A_847 = arith.addi %add3A_846, %mul3A_845 : i32
        %add3A_848 = arith.constant 0 : i32
        %add3A_849 = arith.addi %add3A_847, %add3A_848 : i32
        %get3A = arith.index_cast %add3A_849 : i32 to index
        %get3A_850 = arith.constant 0 : index
        %get3A_851 = tpu.vector_load %arg7[%get3A, %get3A_850] {strides = array<i32>} : memref<1600x32xf32, #tpu.memory_space<vmem>>, vector<1x16xf32>,
        %get3A_852 = vector.shape_cast %get3A_851 : vector<1x16xf32> to vector<16xf32>
        %add3A_853 = arith.addf %scan3A_840, %get3A_852 : vector<16xf32>
        %add3A_854 = arith.constant 0 : i32
        %add3A_855 = arith.addi %add3A_847, %add3A_854 : i32
        %get3A_856 = arith.index_cast %add3A_855 : i32 to index
        %get3A_857 = arith.constant 16 : index
        %get3A_858 = tpu.vector_load %arg7[%get3A_856, %get3A_857] {strides = array<i32>} : memref<1600x32xf32, #tpu.memory_space<vmem>>, vector<1x16xf32>,
        %get3A_859 = vector.shape_cast %get3A_858 : vector<1x16xf32> to vector<16xf32>
        %add3A_860 = arith.addf %scan3A_841, %get3A_859 : vector<16xf32>
        %add3A_861 = arith.constant 0 : i32
        %add3A_862 = arith.addi %add3A_847, %add3A_861 : i32
        %add3A_863 = arith.constant 1 : i32
        %add3A_864 = arith.addi %add3A_862, %add3A_863 : i32
        %get3A_865 = arith.index_cast %add3A_864 : i32 to index
        %get3A_866 = arith.constant 0 : index
        %get3A_867 = tpu.vector_load %arg7[%get3A_865, %get3A_866] {strides = array<i32>} : memref<1600x32xf32, #tpu.memory_space<vmem>>, vector<1x16xf32>,
        %get3A_868 = vector.shape_cast %get3A_867 : vector<1x16xf32> to vector<16xf32>
        %add3A_869 = arith.addf %scan3A_842, %get3A_868 : vector<16xf32>
        %add3A_870 = arith.constant 0 : i32
        %add3A_871 = arith.addi %add3A_847, %add3A_870 : i32
        %add3A_872 = arith.constant 1 : i32
        %add3A_873 = arith.addi %add3A_871, %add3A_872 : i32
        %get3A_874 = arith.index_cast %add3A_873 : i32 to index
        %get3A_875 = arith.constant 16 : index
        %get3A_876 = tpu.vector_load %arg7[%get3A_874, %get3A_875] {strides = array<i32>} : memref<1600x32xf32, #tpu.memory_space<vmem>>, vector<1x16xf32>,
        %get3A_877 = vector.shape_cast %get3A_876 : vector<1x16xf32> to vector<16xf32>
        %add3A_878 = arith.addf %scan3A_843, %get3A_877 : vector<16xf32>
        %add3A_879 = arith.constant 2 : i32
        %add3A_880 = arith.addi %add3A_847, %add3A_879 : i32
        %get3A_881 = arith.index_cast %add3A_880 : i32 to index
        %get3A_882 = arith.constant 0 : index
        %get3A_883 = tpu.vector_load %arg7[%get3A_881, %get3A_882] {strides = array<i32>} : memref<1600x32xf32, #tpu.memory_space<vmem>>, vector<1x16xf32>,
        %get3A_884 = vector.shape_cast %get3A_883 : vector<1x16xf32> to vector<16xf32>
        %add3A_885 = arith.addf %add3A_853, %get3A_884 : vector<16xf32>
        %add3A_886 = arith.constant 2 : i32
        %add3A_887 = arith.addi %add3A_847, %add3A_886 : i32
        %get3A_888 = arith.index_cast %add3A_887 : i32 to index
        %get3A_889 = arith.constant 16 : index
        %get3A_890 = tpu.vector_load %arg7[%get3A_888, %get3A_889] {strides = array<i32>} : memref<1600x32xf32, #tpu.memory_space<vmem>>, vector<1x16xf32>,
        %get3A_891 = vector.shape_cast %get3A_890 : vector<1x16xf32> to vector<16xf32>
        %add3A_892 = arith.addf %add3A_860, %get3A_891 : vector<16xf32>
        %add3A_893 = arith.constant 2 : i32
        %add3A_894 = arith.addi %add3A_847, %add3A_893 : i32
        %add3A_895 = arith.constant 1 : i32
        %add3A_896 = arith.addi %add3A_894, %add3A_895 : i32
        %get3A_897 = arith.index_cast %add3A_896 : i32 to index
        %get3A_898 = arith.constant 0 : index
        %get3A_899 = tpu.vector_load %arg7[%get3A_897, %get3A_898] {strides = array<i32>} : memref<1600x32xf32, #tpu.memory_space<vmem>>, vector<1x16xf32>,
        %get3A_900 = vector.shape_cast %get3A_899 : vector<1x16xf32> to vector<16xf32>
        %add3A_901 = arith.addf %add3A_869, %get3A_900 : vector<16xf32>
        %add3A_902 = arith.constant 2 : i32
        %add3A_903 = arith.addi %add3A_847, %add3A_902 : i32
        %add3A_904 = arith.constant 1 : i32
        %add3A_905 = arith.addi %add3A_903, %add3A_904 : i32
        %get3A_906 = arith.index_cast %add3A_905 : i32 to index
        %get3A_907 = arith.constant 16 : index
        %get3A_908 = tpu.vector_load %arg7[%get3A_906, %get3A_907] {strides = array<i32>} : memref<1600x32xf32, #tpu.memory_space<vmem>>, vector<1x16xf32>,
        %get3A_909 = vector.shape_cast %get3A_908 : vector<1x16xf32> to vector<16xf32>
        %add3A_910 = arith.addf %add3A_878, %get3A_909 : vector<16xf32>
        %add3A_911 = arith.constant 4 : i32
        %add3A_912 = arith.addi %add3A_847, %add3A_911 : i32
        %get3A_913 = arith.index_cast %add3A_912 : i32 to index
        %get3A_914 = arith.constant 0 : index
        %get3A_915 = tpu.vector_load %arg7[%get3A_913, %get3A_914] {strides = array<i32>} : memref<1600x32xf32, #tpu.memory_space<vmem>>, vector<1x16xf32>,
        %get3A_916 = vector.shape_cast %get3A_915 : vector<1x16xf32> to vector<16xf32>
        %add3A_917 = arith.addf %add3A_885, %get3A_916 : vector<16xf32>
        %add3A_918 = arith.constant 4 : i32
        %add3A_919 = arith.addi %add3A_847, %add3A_918 : i32
        %get3A_920 = arith.index_cast %add3A_919 : i32 to index
        %get3A_921 = arith.constant 16 : index
        %get3A_922 = tpu.vector_load %arg7[%get3A_920, %get3A_921] {strides = array<i32>} : memref<1600x32xf32, #tpu.memory_space<vmem>>, vector<1x16xf32>,
        %get3A_923 = vector.shape_cast %get3A_922 : vector<1x16xf32> to vector<16xf32>
        %add3A_924 = arith.addf %add3A_892, %get3A_923 : vector<16xf32>
        %add3A_925 = arith.constant 4 : i32
        %add3A_926 = arith.addi %add3A_847, %add3A_925 : i32
        %add3A_927 = arith.constant 1 : i32
        %add3A_928 = arith.addi %add3A_926, %add3A_927 : i32
        %get3A_929 = arith.index_cast %add3A_928 : i32 to index
        %get3A_930 = arith.constant 0 : index
        %get3A_931 = tpu.vector_load %arg7[%get3A_929, %get3A_930] {strides = array<i32>} : memref<1600x32xf32, #tpu.memory_space<vmem>>, vector<1x16xf32>,
        %get3A_932 = vector.shape_cast %get3A_931 : vector<1x16xf32> to vector<16xf32>
        %add3A_933 = arith.addf %add3A_901, %get3A_932 : vector<16xf32>
        %add3A_934 = arith.constant 4 : i32
        %add3A_935 = arith.addi %add3A_847, %add3A_934 : i32
        %add3A_936 = arith.constant 1 : i32
        %add3A_937 = arith.addi %add3A_935, %add3A_936 : i32
        %get3A_938 = arith.index_cast %add3A_937 : i32 to index
        %get3A_939 = arith.constant 16 : index
        %get3A_940 = tpu.vector_load %arg7[%get3A_938, %get3A_939] {strides = array<i32>} : memref<1600x32xf32, #tpu.memory_space<vmem>>, vector<1x16xf32>,
        %get3A_941 = vector.shape_cast %get3A_940 : vector<1x16xf32> to vector<16xf32>
        %add3A_942 = arith.addf %add3A_910, %get3A_941 : vector<16xf32>
        %add3A_943 = arith.constant 6 : i32
        %add3A_944 = arith.addi %add3A_847, %add3A_943 : i32
        %get3A_945 = arith.index_cast %add3A_944 : i32 to index
        %get3A_946 = arith.constant 0 : index
        %get3A_947 = tpu.vector_load %arg7[%get3A_945, %get3A_946] {strides = array<i32>} : memref<1600x32xf32, #tpu.memory_space<vmem>>, vector<1x16xf32>,
        %get3A_948 = vector.shape_cast %get3A_947 : vector<1x16xf32> to vector<16xf32>
        %add3A_949 = arith.addf %add3A_917, %get3A_948 : vector<16xf32>
        %add3A_950 = arith.constant 6 : i32
        %add3A_951 = arith.addi %add3A_847, %add3A_950 : i32
        %get3A_952 = arith.index_cast %add3A_951 : i32 to index
        %get3A_953 = arith.constant 16 : index
        %get3A_954 = tpu.vector_load %arg7[%get3A_952, %get3A_953] {strides = array<i32>} : memref<1600x32xf32, #tpu.memory_space<vmem>>, vector<1x16xf32>,
        %get3A_955 = vector.shape_cast %get3A_954 : vector<1x16xf32> to vector<16xf32>
        %add3A_956 = arith.addf %add3A_924, %get3A_955 : vector<16xf32>
        %add3A_957 = arith.constant 6 : i32
        %add3A_958 = arith.addi %add3A_847, %add3A_957 : i32
        %add3A_959 = arith.constant 1 : i32
        %add3A_960 = arith.addi %add3A_958, %add3A_959 : i32
        %get3A_961 = arith.index_cast %add3A_960 : i32 to index
        %get3A_962 = arith.constant 0 : index
        %get3A_963 = tpu.vector_load %arg7[%get3A_961, %get3A_962] {strides = array<i32>} : memref<1600x32xf32, #tpu.memory_space<vmem>>, vector<1x16xf32>,
        %get3A_964 = vector.shape_cast %get3A_963 : vector<1x16xf32> to vector<16xf32>
        %add3A_965 = arith.addf %add3A_933, %get3A_964 : vector<16xf32>
        %add3A_966 = arith.constant 6 : i32
        %add3A_967 = arith.addi %add3A_847, %add3A_966 : i32
        %add3A_968 = arith.constant 1 : i32
        %add3A_969 = arith.addi %add3A_967, %add3A_968 : i32
        %get3A_970 = arith.index_cast %add3A_969 : i32 to index
        %get3A_971 = arith.constant 16 : index
        %get3A_972 = tpu.vector_load %arg7[%get3A_970, %get3A_971] {strides = array<i32>} : memref<1600x32xf32, #tpu.memory_space<vmem>>, vector<1x16xf32>,
        %get3A_973 = vector.shape_cast %get3A_972 : vector<1x16xf32> to vector<16xf32>
        %add3A_974 = arith.addf %add3A_942, %get3A_973 : vector<16xf32>
        scf.yield %add3A_949, %add3A_956, %add3A_965, %add3A_974 : vector<16xf32>, vector<16xf32>, vector<16xf32>, vector<16xf32>
      }
      %scan3A_622 = arith.constant 25 : i32
      %add3A_623 = arith.addf %scan3A_621#0, %scan3A_621#2 : vector<16xf32>
      %mul3A_624 = arith.constant 5.000000e-03 : f32
      %mul3A_625 = vector.broadcast %mul3A_624 : f32 to vector<16xf32>
      %mul3A_626 = arith.mulf %add3A_623, %mul3A_625 : vector<16xf32>
      %swap3A_627 = arith.constant 0 : i32
      %swap3A_628 = arith.index_cast %swap3A_627 : i32 to index
      %swap3A_629 = arith.constant 0 : index
      %swap3A_630 = tpu.vector_load %arg8[%swap3A_628, %swap3A_629] {strides = array<i32>} : memref<8x32xf32, #tpu.memory_space<vmem>>, vector<1x16xf32>,
      %swap3A_631 = vector.shape_cast %swap3A_630 : vector<1x16xf32> to vector<16xf32>
      %swap3A_632 = vector.shape_cast %mul3A_626 : vector<16xf32> to vector<1x16xf32>
      tpu.vector_store %arg8[%swap3A_628, %swap3A_629], %swap3A_632 {strides = array<i32>} : memref<8x32xf32, #tpu.memory_space<vmem>>, vector<1x16xf32>,
      %add3A_633 = arith.addf %scan3A_621#1, %scan3A_621#3 : vector<16xf32>
      %mul3A_634 = arith.constant 5.000000e-03 : f32
      %mul3A_635 = vector.broadcast %mul3A_634 : f32 to vector<16xf32>
      %mul3A_636 = arith.mulf %add3A_633, %mul3A_635 : vector<16xf32>
      %swap3A_637 = arith.constant 0 : i32
      %swap3A_638 = arith.index_cast %swap3A_637 : i32 to index
      %swap3A_639 = arith.constant 16 : index
      %swap3A_640 = tpu.vector_load %arg8[%swap3A_638, %swap3A_639] {strides = array<i32>} : memref<8x32xf32, #tpu.memory_space<vmem>>, vector<1x16xf32>,
      %swap3A_641 = vector.shape_cast %swap3A_640 : vector<1x16xf32> to vector<16xf32>
      %swap3A_642 = vector.shape_cast %mul3A_636 : vector<16xf32> to vector<1x16xf32>
      tpu.vector_store %arg8[%swap3A_638, %swap3A_639], %swap3A_642 {strides = array<i32>} : memref<8x32xf32, #tpu.memory_space<vmem>>, vector<1x16xf32>,
      %broadcast_in_dim3A_643 = arith.constant 0.000000e+00 : f32
      %broadcast_in_dim3A_644 = vector.broadcast %broadcast_in_dim3A_643 : f32 to vector<16xf32>
      %scan3A_645 = arith.constant 0 : i32
      %scan3A_646 = arith.constant 25 : i32
      %scan3A_647 = arith.addi %scan3A_645, %scan3A_646 : i32
      %scan3A_648 = arith.constant 1 : i32
      %scan3A_649:4 = scf.for %scan3A_839 = %scan3A_645 to %scan3A_647 step %scan3A_648 iter_args(%scan3A_840 = %broadcast_in_dim3A_644, %scan3A_841 = %broadcast_in_dim3A_644, %scan3A_842 = %broadcast_in_dim3A_644, %scan3A_843 = %broadcast_in_dim3A_644) -> (vector<16xf32>, vector<16xf32>, vector<16xf32>, vector<16xf32>)  : i32 {
        %mul3A_844 = arith.constant 8 : i32
        %mul3A_845 = arith.muli %scan3A_839, %mul3A_844 : i32
        %add3A_846 = arith.constant 200 : i32
        %add3A_847 = arith.addi %add3A_846, %mul3A_845 : i32
        %add3A_848 = arith.constant 0 : i32
        %add3A_849 = arith.addi %add3A_847, %add3A_848 : i32
        %get3A = arith.index_cast %add3A_849 : i32 to index
        %get3A_850 = arith.constant 0 : index
        %get3A_851 = tpu.vector_load %arg7[%get3A, %get3A_850] {strides = array<i32>} : memref<1600x32xf32, #tpu.memory_space<vmem>>, vector<1x16xf32>,
        %get3A_852 = vector.shape_cast %get3A_851 : vector<1x16xf32> to vector<16xf32>
        %add3A_853 = arith.addf %scan3A_840, %get3A_852 : vector<16xf32>
        %add3A_854 = arith.constant 0 : i32
        %add3A_855 = arith.addi %add3A_847, %add3A_854 : i32
        %get3A_856 = arith.index_cast %add3A_855 : i32 to index
        %get3A_857 = arith.constant 16 : index
        %get3A_858 = tpu.vector_load %arg7[%get3A_856, %get3A_857] {strides = array<i32>} : memref<1600x32xf32, #tpu.memory_space<vmem>>, vector<1x16xf32>,
        %get3A_859 = vector.shape_cast %get3A_858 : vector<1x16xf32> to vector<16xf32>
        %add3A_860 = arith.addf %scan3A_841, %get3A_859 : vector<16xf32>
        %add3A_861 = arith.constant 0 : i32
        %add3A_862 = arith.addi %add3A_847, %add3A_861 : i32
        %add3A_863 = arith.constant 1 : i32
        %add3A_864 = arith.addi %add3A_862, %add3A_863 : i32
        %get3A_865 = arith.index_cast %add3A_864 : i32 to index
        %get3A_866 = arith.constant 0 : index
        %get3A_867 = tpu.vector_load %arg7[%get3A_865, %get3A_866] {strides = array<i32>} : memref<1600x32xf32, #tpu.memory_space<vmem>>, vector<1x16xf32>,
        %get3A_868 = vector.shape_cast %get3A_867 : vector<1x16xf32> to vector<16xf32>
        %add3A_869 = arith.addf %scan3A_842, %get3A_868 : vector<16xf32>
        %add3A_870 = arith.constant 0 : i32
        %add3A_871 = arith.addi %add3A_847, %add3A_870 : i32
        %add3A_872 = arith.constant 1 : i32
        %add3A_873 = arith.addi %add3A_871, %add3A_872 : i32
        %get3A_874 = arith.index_cast %add3A_873 : i32 to index
        %get3A_875 = arith.constant 16 : index
        %get3A_876 = tpu.vector_load %arg7[%get3A_874, %get3A_875] {strides = array<i32>} : memref<1600x32xf32, #tpu.memory_space<vmem>>, vector<1x16xf32>,
        %get3A_877 = vector.shape_cast %get3A_876 : vector<1x16xf32> to vector<16xf32>
        %add3A_878 = arith.addf %scan3A_843, %get3A_877 : vector<16xf32>
        %add3A_879 = arith.constant 2 : i32
        %add3A_880 = arith.addi %add3A_847, %add3A_879 : i32
        %get3A_881 = arith.index_cast %add3A_880 : i32 to index
        %get3A_882 = arith.constant 0 : index
        %get3A_883 = tpu.vector_load %arg7[%get3A_881, %get3A_882] {strides = array<i32>} : memref<1600x32xf32, #tpu.memory_space<vmem>>, vector<1x16xf32>,
        %get3A_884 = vector.shape_cast %get3A_883 : vector<1x16xf32> to vector<16xf32>
        %add3A_885 = arith.addf %add3A_853, %get3A_884 : vector<16xf32>
        %add3A_886 = arith.constant 2 : i32
        %add3A_887 = arith.addi %add3A_847, %add3A_886 : i32
        %get3A_888 = arith.index_cast %add3A_887 : i32 to index
        %get3A_889 = arith.constant 16 : index
        %get3A_890 = tpu.vector_load %arg7[%get3A_888, %get3A_889] {strides = array<i32>} : memref<1600x32xf32, #tpu.memory_space<vmem>>, vector<1x16xf32>,
        %get3A_891 = vector.shape_cast %get3A_890 : vector<1x16xf32> to vector<16xf32>
        %add3A_892 = arith.addf %add3A_860, %get3A_891 : vector<16xf32>
        %add3A_893 = arith.constant 2 : i32
        %add3A_894 = arith.addi %add3A_847, %add3A_893 : i32
        %add3A_895 = arith.constant 1 : i32
        %add3A_896 = arith.addi %add3A_894, %add3A_895 : i32
        %get3A_897 = arith.index_cast %add3A_896 : i32 to index
        %get3A_898 = arith.constant 0 : index
        %get3A_899 = tpu.vector_load %arg7[%get3A_897, %get3A_898] {strides = array<i32>} : memref<1600x32xf32, #tpu.memory_space<vmem>>, vector<1x16xf32>,
        %get3A_900 = vector.shape_cast %get3A_899 : vector<1x16xf32> to vector<16xf32>
        %add3A_901 = arith.addf %add3A_869, %get3A_900 : vector<16xf32>
        %add3A_902 = arith.constant 2 : i32
        %add3A_903 = arith.addi %add3A_847, %add3A_902 : i32
        %add3A_904 = arith.constant 1 : i32
        %add3A_905 = arith.addi %add3A_903, %add3A_904 : i32
        %get3A_906 = arith.index_cast %add3A_905 : i32 to index
        %get3A_907 = arith.constant 16 : index
        %get3A_908 = tpu.vector_load %arg7[%get3A_906, %get3A_907] {strides = array<i32>} : memref<1600x32xf32, #tpu.memory_space<vmem>>, vector<1x16xf32>,
        %get3A_909 = vector.shape_cast %get3A_908 : vector<1x16xf32> to vector<16xf32>
        %add3A_910 = arith.addf %add3A_878, %get3A_909 : vector<16xf32>
        %add3A_911 = arith.constant 4 : i32
        %add3A_912 = arith.addi %add3A_847, %add3A_911 : i32
        %get3A_913 = arith.index_cast %add3A_912 : i32 to index
        %get3A_914 = arith.constant 0 : index
        %get3A_915 = tpu.vector_load %arg7[%get3A_913, %get3A_914] {strides = array<i32>} : memref<1600x32xf32, #tpu.memory_space<vmem>>, vector<1x16xf32>,
        %get3A_916 = vector.shape_cast %get3A_915 : vector<1x16xf32> to vector<16xf32>
        %add3A_917 = arith.addf %add3A_885, %get3A_916 : vector<16xf32>
        %add3A_918 = arith.constant 4 : i32
        %add3A_919 = arith.addi %add3A_847, %add3A_918 : i32
        %get3A_920 = arith.index_cast %add3A_919 : i32 to index
        %get3A_921 = arith.constant 16 : index
        %get3A_922 = tpu.vector_load %arg7[%get3A_920, %get3A_921] {strides = array<i32>} : memref<1600x32xf32, #tpu.memory_space<vmem>>, vector<1x16xf32>,
        %get3A_923 = vector.shape_cast %get3A_922 : vector<1x16xf32> to vector<16xf32>
        %add3A_924 = arith.addf %add3A_892, %get3A_923 : vector<16xf32>
        %add3A_925 = arith.constant 4 : i32
        %add3A_926 = arith.addi %add3A_847, %add3A_925 : i32
        %add3A_927 = arith.constant 1 : i32
        %add3A_928 = arith.addi %add3A_926, %add3A_927 : i32
        %get3A_929 = arith.index_cast %add3A_928 : i32 to index
        %get3A_930 = arith.constant 0 : index
        %get3A_931 = tpu.vector_load %arg7[%get3A_929, %get3A_930] {strides = array<i32>} : memref<1600x32xf32, #tpu.memory_space<vmem>>, vector<1x16xf32>,
        %get3A_932 = vector.shape_cast %get3A_931 : vector<1x16xf32> to vector<16xf32>
        %add3A_933 = arith.addf %add3A_901, %get3A_932 : vector<16xf32>
        %add3A_934 = arith.constant 4 : i32
        %add3A_935 = arith.addi %add3A_847, %add3A_934 : i32
        %add3A_936 = arith.constant 1 : i32
        %add3A_937 = arith.addi %add3A_935, %add3A_936 : i32
        %get3A_938 = arith.index_cast %add3A_937 : i32 to index
        %get3A_939 = arith.constant 16 : index
        %get3A_940 = tpu.vector_load %arg7[%get3A_938, %get3A_939] {strides = array<i32>} : memref<1600x32xf32, #tpu.memory_space<vmem>>, vector<1x16xf32>,
        %get3A_941 = vector.shape_cast %get3A_940 : vector<1x16xf32> to vector<16xf32>
        %add3A_942 = arith.addf %add3A_910, %get3A_941 : vector<16xf32>
        %add3A_943 = arith.constant 6 : i32
        %add3A_944 = arith.addi %add3A_847, %add3A_943 : i32
        %get3A_945 = arith.index_cast %add3A_944 : i32 to index
        %get3A_946 = arith.constant 0 : index
        %get3A_947 = tpu.vector_load %arg7[%get3A_945, %get3A_946] {strides = array<i32>} : memref<1600x32xf32, #tpu.memory_space<vmem>>, vector<1x16xf32>,
        %get3A_948 = vector.shape_cast %get3A_947 : vector<1x16xf32> to vector<16xf32>
        %add3A_949 = arith.addf %add3A_917, %get3A_948 : vector<16xf32>
        %add3A_950 = arith.constant 6 : i32
        %add3A_951 = arith.addi %add3A_847, %add3A_950 : i32
        %get3A_952 = arith.index_cast %add3A_951 : i32 to index
        %get3A_953 = arith.constant 16 : index
        %get3A_954 = tpu.vector_load %arg7[%get3A_952, %get3A_953] {strides = array<i32>} : memref<1600x32xf32, #tpu.memory_space<vmem>>, vector<1x16xf32>,
        %get3A_955 = vector.shape_cast %get3A_954 : vector<1x16xf32> to vector<16xf32>
        %add3A_956 = arith.addf %add3A_924, %get3A_955 : vector<16xf32>
        %add3A_957 = arith.constant 6 : i32
        %add3A_958 = arith.addi %add3A_847, %add3A_957 : i32
        %add3A_959 = arith.constant 1 : i32
        %add3A_960 = arith.addi %add3A_958, %add3A_959 : i32
        %get3A_961 = arith.index_cast %add3A_960 : i32 to index
        %get3A_962 = arith.constant 0 : index
        %get3A_963 = tpu.vector_load %arg7[%get3A_961, %get3A_962] {strides = array<i32>} : memref<1600x32xf32, #tpu.memory_space<vmem>>, vector<1x16xf32>,
        %get3A_964 = vector.shape_cast %get3A_963 : vector<1x16xf32> to vector<16xf32>
        %add3A_965 = arith.addf %add3A_933, %get3A_964 : vector<16xf32>
        %add3A_966 = arith.constant 6 : i32
        %add3A_967 = arith.addi %add3A_847, %add3A_966 : i32
        %add3A_968 = arith.constant 1 : i32
        %add3A_969 = arith.addi %add3A_967, %add3A_968 : i32
        %get3A_970 = arith.index_cast %add3A_969 : i32 to index
        %get3A_971 = arith.constant 16 : index
        %get3A_972 = tpu.vector_load %arg7[%get3A_970, %get3A_971] {strides = array<i32>} : memref<1600x32xf32, #tpu.memory_space<vmem>>, vector<1x16xf32>,
        %get3A_973 = vector.shape_cast %get3A_972 : vector<1x16xf32> to vector<16xf32>
        %add3A_974 = arith.addf %add3A_942, %get3A_973 : vector<16xf32>
        scf.yield %add3A_949, %add3A_956, %add3A_965, %add3A_974 : vector<16xf32>, vector<16xf32>, vector<16xf32>, vector<16xf32>
      }
      %scan3A_650 = arith.constant 25 : i32
      %add3A_651 = arith.addf %scan3A_649#0, %scan3A_649#2 : vector<16xf32>
      %mul3A_652 = arith.constant 5.000000e-03 : f32
      %mul3A_653 = vector.broadcast %mul3A_652 : f32 to vector<16xf32>
      %mul3A_654 = arith.mulf %add3A_651, %mul3A_653 : vector<16xf32>
      %swap3A_655 = arith.constant 1 : i32
      %swap3A_656 = arith.index_cast %swap3A_655 : i32 to index
      %swap3A_657 = arith.constant 0 : index
      %swap3A_658 = tpu.vector_load %arg8[%swap3A_656, %swap3A_657] {strides = array<i32>} : memref<8x32xf32, #tpu.memory_space<vmem>>, vector<1x16xf32>,
      %swap3A_659 = vector.shape_cast %swap3A_658 : vector<1x16xf32> to vector<16xf32>
      %swap3A_660 = vector.shape_cast %mul3A_654 : vector<16xf32> to vector<1x16xf32>
      tpu.vector_store %arg8[%swap3A_656, %swap3A_657], %swap3A_660 {strides = array<i32>} : memref<8x32xf32, #tpu.memory_space<vmem>>, vector<1x16xf32>,
      %add3A_661 = arith.addf %scan3A_649#1, %scan3A_649#3 : vector<16xf32>
      %mul3A_662 = arith.constant 5.000000e-03 : f32
      %mul3A_663 = vector.broadcast %mul3A_662 : f32 to vector<16xf32>
      %mul3A_664 = arith.mulf %add3A_661, %mul3A_663 : vector<16xf32>
      %swap3A_665 = arith.constant 1 : i32
      %swap3A_666 = arith.index_cast %swap3A_665 : i32 to index
      %swap3A_667 = arith.constant 16 : index
      %swap3A_668 = tpu.vector_load %arg8[%swap3A_666, %swap3A_667] {strides = array<i32>} : memref<8x32xf32, #tpu.memory_space<vmem>>, vector<1x16xf32>,
      %swap3A_669 = vector.shape_cast %swap3A_668 : vector<1x16xf32> to vector<16xf32>
      %swap3A_670 = vector.shape_cast %mul3A_664 : vector<16xf32> to vector<1x16xf32>
      tpu.vector_store %arg8[%swap3A_666, %swap3A_667], %swap3A_670 {strides = array<i32>} : memref<8x32xf32, #tpu.memory_space<vmem>>, vector<1x16xf32>,
      %broadcast_in_dim3A_671 = arith.constant 0.000000e+00 : f32
      %broadcast_in_dim3A_672 = vector.broadcast %broadcast_in_dim3A_671 : f32 to vector<16xf32>
      %scan3A_673 = arith.constant 0 : i32
      %scan3A_674 = arith.constant 25 : i32
      %scan3A_675 = arith.addi %scan3A_673, %scan3A_674 : i32
      %scan3A_676 = arith.constant 1 : i32
      %scan3A_677:4 = scf.for %scan3A_839 = %scan3A_673 to %scan3A_675 step %scan3A_676 iter_args(%scan3A_840 = %broadcast_in_dim3A_672, %scan3A_841 = %broadcast_in_dim3A_672, %scan3A_842 = %broadcast_in_dim3A_672, %scan3A_843 = %broadcast_in_dim3A_672) -> (vector<16xf32>, vector<16xf32>, vector<16xf32>, vector<16xf32>)  : i32 {
        %mul3A_844 = arith.constant 8 : i32
        %mul3A_845 = arith.muli %scan3A_839, %mul3A_844 : i32
        %add3A_846 = arith.constant 400 : i32
        %add3A_847 = arith.addi %add3A_846, %mul3A_845 : i32
        %add3A_848 = arith.constant 0 : i32
        %add3A_849 = arith.addi %add3A_847, %add3A_848 : i32
        %get3A = arith.index_cast %add3A_849 : i32 to index
        %get3A_850 = arith.constant 0 : index
        %get3A_851 = tpu.vector_load %arg7[%get3A, %get3A_850] {strides = array<i32>} : memref<1600x32xf32, #tpu.memory_space<vmem>>, vector<1x16xf32>,
        %get3A_852 = vector.shape_cast %get3A_851 : vector<1x16xf32> to vector<16xf32>
        %add3A_853 = arith.addf %scan3A_840, %get3A_852 : vector<16xf32>
        %add3A_854 = arith.constant 0 : i32
        %add3A_855 = arith.addi %add3A_847, %add3A_854 : i32
        %get3A_856 = arith.index_cast %add3A_855 : i32 to index
        %get3A_857 = arith.constant 16 : index
        %get3A_858 = tpu.vector_load %arg7[%get3A_856, %get3A_857] {strides = array<i32>} : memref<1600x32xf32, #tpu.memory_space<vmem>>, vector<1x16xf32>,
        %get3A_859 = vector.shape_cast %get3A_858 : vector<1x16xf32> to vector<16xf32>
        %add3A_860 = arith.addf %scan3A_841, %get3A_859 : vector<16xf32>
        %add3A_861 = arith.constant 0 : i32
        %add3A_862 = arith.addi %add3A_847, %add3A_861 : i32
        %add3A_863 = arith.constant 1 : i32
        %add3A_864 = arith.addi %add3A_862, %add3A_863 : i32
        %get3A_865 = arith.index_cast %add3A_864 : i32 to index
        %get3A_866 = arith.constant 0 : index
        %get3A_867 = tpu.vector_load %arg7[%get3A_865, %get3A_866] {strides = array<i32>} : memref<1600x32xf32, #tpu.memory_space<vmem>>, vector<1x16xf32>,
        %get3A_868 = vector.shape_cast %get3A_867 : vector<1x16xf32> to vector<16xf32>
        %add3A_869 = arith.addf %scan3A_842, %get3A_868 : vector<16xf32>
        %add3A_870 = arith.constant 0 : i32
        %add3A_871 = arith.addi %add3A_847, %add3A_870 : i32
        %add3A_872 = arith.constant 1 : i32
        %add3A_873 = arith.addi %add3A_871, %add3A_872 : i32
        %get3A_874 = arith.index_cast %add3A_873 : i32 to index
        %get3A_875 = arith.constant 16 : index
        %get3A_876 = tpu.vector_load %arg7[%get3A_874, %get3A_875] {strides = array<i32>} : memref<1600x32xf32, #tpu.memory_space<vmem>>, vector<1x16xf32>,
        %get3A_877 = vector.shape_cast %get3A_876 : vector<1x16xf32> to vector<16xf32>
        %add3A_878 = arith.addf %scan3A_843, %get3A_877 : vector<16xf32>
        %add3A_879 = arith.constant 2 : i32
        %add3A_880 = arith.addi %add3A_847, %add3A_879 : i32
        %get3A_881 = arith.index_cast %add3A_880 : i32 to index
        %get3A_882 = arith.constant 0 : index
        %get3A_883 = tpu.vector_load %arg7[%get3A_881, %get3A_882] {strides = array<i32>} : memref<1600x32xf32, #tpu.memory_space<vmem>>, vector<1x16xf32>,
        %get3A_884 = vector.shape_cast %get3A_883 : vector<1x16xf32> to vector<16xf32>
        %add3A_885 = arith.addf %add3A_853, %get3A_884 : vector<16xf32>
        %add3A_886 = arith.constant 2 : i32
        %add3A_887 = arith.addi %add3A_847, %add3A_886 : i32
        %get3A_888 = arith.index_cast %add3A_887 : i32 to index
        %get3A_889 = arith.constant 16 : index
        %get3A_890 = tpu.vector_load %arg7[%get3A_888, %get3A_889] {strides = array<i32>} : memref<1600x32xf32, #tpu.memory_space<vmem>>, vector<1x16xf32>,
        %get3A_891 = vector.shape_cast %get3A_890 : vector<1x16xf32> to vector<16xf32>
        %add3A_892 = arith.addf %add3A_860, %get3A_891 : vector<16xf32>
        %add3A_893 = arith.constant 2 : i32
        %add3A_894 = arith.addi %add3A_847, %add3A_893 : i32
        %add3A_895 = arith.constant 1 : i32
        %add3A_896 = arith.addi %add3A_894, %add3A_895 : i32
        %get3A_897 = arith.index_cast %add3A_896 : i32 to index
        %get3A_898 = arith.constant 0 : index
        %get3A_899 = tpu.vector_load %arg7[%get3A_897, %get3A_898] {strides = array<i32>} : memref<1600x32xf32, #tpu.memory_space<vmem>>, vector<1x16xf32>,
        %get3A_900 = vector.shape_cast %get3A_899 : vector<1x16xf32> to vector<16xf32>
        %add3A_901 = arith.addf %add3A_869, %get3A_900 : vector<16xf32>
        %add3A_902 = arith.constant 2 : i32
        %add3A_903 = arith.addi %add3A_847, %add3A_902 : i32
        %add3A_904 = arith.constant 1 : i32
        %add3A_905 = arith.addi %add3A_903, %add3A_904 : i32
        %get3A_906 = arith.index_cast %add3A_905 : i32 to index
        %get3A_907 = arith.constant 16 : index
        %get3A_908 = tpu.vector_load %arg7[%get3A_906, %get3A_907] {strides = array<i32>} : memref<1600x32xf32, #tpu.memory_space<vmem>>, vector<1x16xf32>,
        %get3A_909 = vector.shape_cast %get3A_908 : vector<1x16xf32> to vector<16xf32>
        %add3A_910 = arith.addf %add3A_878, %get3A_909 : vector<16xf32>
        %add3A_911 = arith.constant 4 : i32
        %add3A_912 = arith.addi %add3A_847, %add3A_911 : i32
        %get3A_913 = arith.index_cast %add3A_912 : i32 to index
        %get3A_914 = arith.constant 0 : index
        %get3A_915 = tpu.vector_load %arg7[%get3A_913, %get3A_914] {strides = array<i32>} : memref<1600x32xf32, #tpu.memory_space<vmem>>, vector<1x16xf32>,
        %get3A_916 = vector.shape_cast %get3A_915 : vector<1x16xf32> to vector<16xf32>
        %add3A_917 = arith.addf %add3A_885, %get3A_916 : vector<16xf32>
        %add3A_918 = arith.constant 4 : i32
        %add3A_919 = arith.addi %add3A_847, %add3A_918 : i32
        %get3A_920 = arith.index_cast %add3A_919 : i32 to index
        %get3A_921 = arith.constant 16 : index
        %get3A_922 = tpu.vector_load %arg7[%get3A_920, %get3A_921] {strides = array<i32>} : memref<1600x32xf32, #tpu.memory_space<vmem>>, vector<1x16xf32>,
        %get3A_923 = vector.shape_cast %get3A_922 : vector<1x16xf32> to vector<16xf32>
        %add3A_924 = arith.addf %add3A_892, %get3A_923 : vector<16xf32>
        %add3A_925 = arith.constant 4 : i32
        %add3A_926 = arith.addi %add3A_847, %add3A_925 : i32
        %add3A_927 = arith.constant 1 : i32
        %add3A_928 = arith.addi %add3A_926, %add3A_927 : i32
        %get3A_929 = arith.index_cast %add3A_928 : i32 to index
        %get3A_930 = arith.constant 0 : index
        %get3A_931 = tpu.vector_load %arg7[%get3A_929, %get3A_930] {strides = array<i32>} : memref<1600x32xf32, #tpu.memory_space<vmem>>, vector<1x16xf32>,
        %get3A_932 = vector.shape_cast %get3A_931 : vector<1x16xf32> to vector<16xf32>
        %add3A_933 = arith.addf %add3A_901, %get3A_932 : vector<16xf32>
        %add3A_934 = arith.constant 4 : i32
        %add3A_935 = arith.addi %add3A_847, %add3A_934 : i32
        %add3A_936 = arith.constant 1 : i32
        %add3A_937 = arith.addi %add3A_935, %add3A_936 : i32
        %get3A_938 = arith.index_cast %add3A_937 : i32 to index
        %get3A_939 = arith.constant 16 : index
        %get3A_940 = tpu.vector_load %arg7[%get3A_938, %get3A_939] {strides = array<i32>} : memref<1600x32xf32, #tpu.memory_space<vmem>>, vector<1x16xf32>,
        %get3A_941 = vector.shape_cast %get3A_940 : vector<1x16xf32> to vector<16xf32>
        %add3A_942 = arith.addf %add3A_910, %get3A_941 : vector<16xf32>
        %add3A_943 = arith.constant 6 : i32
        %add3A_944 = arith.addi %add3A_847, %add3A_943 : i32
        %get3A_945 = arith.index_cast %add3A_944 : i32 to index
        %get3A_946 = arith.constant 0 : index
        %get3A_947 = tpu.vector_load %arg7[%get3A_945, %get3A_946] {strides = array<i32>} : memref<1600x32xf32, #tpu.memory_space<vmem>>, vector<1x16xf32>,
        %get3A_948 = vector.shape_cast %get3A_947 : vector<1x16xf32> to vector<16xf32>
        %add3A_949 = arith.addf %add3A_917, %get3A_948 : vector<16xf32>
        %add3A_950 = arith.constant 6 : i32
        %add3A_951 = arith.addi %add3A_847, %add3A_950 : i32
        %get3A_952 = arith.index_cast %add3A_951 : i32 to index
        %get3A_953 = arith.constant 16 : index
        %get3A_954 = tpu.vector_load %arg7[%get3A_952, %get3A_953] {strides = array<i32>} : memref<1600x32xf32, #tpu.memory_space<vmem>>, vector<1x16xf32>,
        %get3A_955 = vector.shape_cast %get3A_954 : vector<1x16xf32> to vector<16xf32>
        %add3A_956 = arith.addf %add3A_924, %get3A_955 : vector<16xf32>
        %add3A_957 = arith.constant 6 : i32
        %add3A_958 = arith.addi %add3A_847, %add3A_957 : i32
        %add3A_959 = arith.constant 1 : i32
        %add3A_960 = arith.addi %add3A_958, %add3A_959 : i32
        %get3A_961 = arith.index_cast %add3A_960 : i32 to index
        %get3A_962 = arith.constant 0 : index
        %get3A_963 = tpu.vector_load %arg7[%get3A_961, %get3A_962] {strides = array<i32>} : memref<1600x32xf32, #tpu.memory_space<vmem>>, vector<1x16xf32>,
        %get3A_964 = vector.shape_cast %get3A_963 : vector<1x16xf32> to vector<16xf32>
        %add3A_965 = arith.addf %add3A_933, %get3A_964 : vector<16xf32>
        %add3A_966 = arith.constant 6 : i32
        %add3A_967 = arith.addi %add3A_847, %add3A_966 : i32
        %add3A_968 = arith.constant 1 : i32
        %add3A_969 = arith.addi %add3A_967, %add3A_968 : i32
        %get3A_970 = arith.index_cast %add3A_969 : i32 to index
        %get3A_971 = arith.constant 16 : index
        %get3A_972 = tpu.vector_load %arg7[%get3A_970, %get3A_971] {strides = array<i32>} : memref<1600x32xf32, #tpu.memory_space<vmem>>, vector<1x16xf32>,
        %get3A_973 = vector.shape_cast %get3A_972 : vector<1x16xf32> to vector<16xf32>
        %add3A_974 = arith.addf %add3A_942, %get3A_973 : vector<16xf32>
        scf.yield %add3A_949, %add3A_956, %add3A_965, %add3A_974 : vector<16xf32>, vector<16xf32>, vector<16xf32>, vector<16xf32>
      }
      %scan3A_678 = arith.constant 25 : i32
      %add3A_679 = arith.addf %scan3A_677#0, %scan3A_677#2 : vector<16xf32>
      %mul3A_680 = arith.constant 5.000000e-03 : f32
      %mul3A_681 = vector.broadcast %mul3A_680 : f32 to vector<16xf32>
      %mul3A_682 = arith.mulf %add3A_679, %mul3A_681 : vector<16xf32>
      %swap3A_683 = arith.constant 2 : i32
      %swap3A_684 = arith.index_cast %swap3A_683 : i32 to index
      %swap3A_685 = arith.constant 0 : index
      %swap3A_686 = tpu.vector_load %arg8[%swap3A_684, %swap3A_685] {strides = array<i32>} : memref<8x32xf32, #tpu.memory_space<vmem>>, vector<1x16xf32>,
      %swap3A_687 = vector.shape_cast %swap3A_686 : vector<1x16xf32> to vector<16xf32>
      %swap3A_688 = vector.shape_cast %mul3A_682 : vector<16xf32> to vector<1x16xf32>
      tpu.vector_store %arg8[%swap3A_684, %swap3A_685], %swap3A_688 {strides = array<i32>} : memref<8x32xf32, #tpu.memory_space<vmem>>, vector<1x16xf32>,
      %add3A_689 = arith.addf %scan3A_677#1, %scan3A_677#3 : vector<16xf32>
      %mul3A_690 = arith.constant 5.000000e-03 : f32
      %mul3A_691 = vector.broadcast %mul3A_690 : f32 to vector<16xf32>
      %mul3A_692 = arith.mulf %add3A_689, %mul3A_691 : vector<16xf32>
      %swap3A_693 = arith.constant 2 : i32
      %swap3A_694 = arith.index_cast %swap3A_693 : i32 to index
      %swap3A_695 = arith.constant 16 : index
      %swap3A_696 = tpu.vector_load %arg8[%swap3A_694, %swap3A_695] {strides = array<i32>} : memref<8x32xf32, #tpu.memory_space<vmem>>, vector<1x16xf32>,
      %swap3A_697 = vector.shape_cast %swap3A_696 : vector<1x16xf32> to vector<16xf32>
      %swap3A_698 = vector.shape_cast %mul3A_692 : vector<16xf32> to vector<1x16xf32>
      tpu.vector_store %arg8[%swap3A_694, %swap3A_695], %swap3A_698 {strides = array<i32>} : memref<8x32xf32, #tpu.memory_space<vmem>>, vector<1x16xf32>,
      %broadcast_in_dim3A_699 = arith.constant 0.000000e+00 : f32
      %broadcast_in_dim3A_700 = vector.broadcast %broadcast_in_dim3A_699 : f32 to vector<16xf32>
      %scan3A_701 = arith.constant 0 : i32
      %scan3A_702 = arith.constant 25 : i32
      %scan3A_703 = arith.addi %scan3A_701, %scan3A_702 : i32
      %scan3A_704 = arith.constant 1 : i32
      %scan3A_705:4 = scf.for %scan3A_839 = %scan3A_701 to %scan3A_703 step %scan3A_704 iter_args(%scan3A_840 = %broadcast_in_dim3A_700, %scan3A_841 = %broadcast_in_dim3A_700, %scan3A_842 = %broadcast_in_dim3A_700, %scan3A_843 = %broadcast_in_dim3A_700) -> (vector<16xf32>, vector<16xf32>, vector<16xf32>, vector<16xf32>)  : i32 {
        %mul3A_844 = arith.constant 8 : i32
        %mul3A_845 = arith.muli %scan3A_839, %mul3A_844 : i32
        %add3A_846 = arith.constant 600 : i32
        %add3A_847 = arith.addi %add3A_846, %mul3A_845 : i32
        %add3A_848 = arith.constant 0 : i32
        %add3A_849 = arith.addi %add3A_847, %add3A_848 : i32
        %get3A = arith.index_cast %add3A_849 : i32 to index
        %get3A_850 = arith.constant 0 : index
        %get3A_851 = tpu.vector_load %arg7[%get3A, %get3A_850] {strides = array<i32>} : memref<1600x32xf32, #tpu.memory_space<vmem>>, vector<1x16xf32>,
        %get3A_852 = vector.shape_cast %get3A_851 : vector<1x16xf32> to vector<16xf32>
        %add3A_853 = arith.addf %scan3A_840, %get3A_852 : vector<16xf32>
        %add3A_854 = arith.constant 0 : i32
        %add3A_855 = arith.addi %add3A_847, %add3A_854 : i32
        %get3A_856 = arith.index_cast %add3A_855 : i32 to index
        %get3A_857 = arith.constant 16 : index
        %get3A_858 = tpu.vector_load %arg7[%get3A_856, %get3A_857] {strides = array<i32>} : memref<1600x32xf32, #tpu.memory_space<vmem>>, vector<1x16xf32>,
        %get3A_859 = vector.shape_cast %get3A_858 : vector<1x16xf32> to vector<16xf32>
        %add3A_860 = arith.addf %scan3A_841, %get3A_859 : vector<16xf32>
        %add3A_861 = arith.constant 0 : i32
        %add3A_862 = arith.addi %add3A_847, %add3A_861 : i32
        %add3A_863 = arith.constant 1 : i32
        %add3A_864 = arith.addi %add3A_862, %add3A_863 : i32
        %get3A_865 = arith.index_cast %add3A_864 : i32 to index
        %get3A_866 = arith.constant 0 : index
        %get3A_867 = tpu.vector_load %arg7[%get3A_865, %get3A_866] {strides = array<i32>} : memref<1600x32xf32, #tpu.memory_space<vmem>>, vector<1x16xf32>,
        %get3A_868 = vector.shape_cast %get3A_867 : vector<1x16xf32> to vector<16xf32>
        %add3A_869 = arith.addf %scan3A_842, %get3A_868 : vector<16xf32>
        %add3A_870 = arith.constant 0 : i32
        %add3A_871 = arith.addi %add3A_847, %add3A_870 : i32
        %add3A_872 = arith.constant 1 : i32
        %add3A_873 = arith.addi %add3A_871, %add3A_872 : i32
        %get3A_874 = arith.index_cast %add3A_873 : i32 to index
        %get3A_875 = arith.constant 16 : index
        %get3A_876 = tpu.vector_load %arg7[%get3A_874, %get3A_875] {strides = array<i32>} : memref<1600x32xf32, #tpu.memory_space<vmem>>, vector<1x16xf32>,
        %get3A_877 = vector.shape_cast %get3A_876 : vector<1x16xf32> to vector<16xf32>
        %add3A_878 = arith.addf %scan3A_843, %get3A_877 : vector<16xf32>
        %add3A_879 = arith.constant 2 : i32
        %add3A_880 = arith.addi %add3A_847, %add3A_879 : i32
        %get3A_881 = arith.index_cast %add3A_880 : i32 to index
        %get3A_882 = arith.constant 0 : index
        %get3A_883 = tpu.vector_load %arg7[%get3A_881, %get3A_882] {strides = array<i32>} : memref<1600x32xf32, #tpu.memory_space<vmem>>, vector<1x16xf32>,
        %get3A_884 = vector.shape_cast %get3A_883 : vector<1x16xf32> to vector<16xf32>
        %add3A_885 = arith.addf %add3A_853, %get3A_884 : vector<16xf32>
        %add3A_886 = arith.constant 2 : i32
        %add3A_887 = arith.addi %add3A_847, %add3A_886 : i32
        %get3A_888 = arith.index_cast %add3A_887 : i32 to index
        %get3A_889 = arith.constant 16 : index
        %get3A_890 = tpu.vector_load %arg7[%get3A_888, %get3A_889] {strides = array<i32>} : memref<1600x32xf32, #tpu.memory_space<vmem>>, vector<1x16xf32>,
        %get3A_891 = vector.shape_cast %get3A_890 : vector<1x16xf32> to vector<16xf32>
        %add3A_892 = arith.addf %add3A_860, %get3A_891 : vector<16xf32>
        %add3A_893 = arith.constant 2 : i32
        %add3A_894 = arith.addi %add3A_847, %add3A_893 : i32
        %add3A_895 = arith.constant 1 : i32
        %add3A_896 = arith.addi %add3A_894, %add3A_895 : i32
        %get3A_897 = arith.index_cast %add3A_896 : i32 to index
        %get3A_898 = arith.constant 0 : index
        %get3A_899 = tpu.vector_load %arg7[%get3A_897, %get3A_898] {strides = array<i32>} : memref<1600x32xf32, #tpu.memory_space<vmem>>, vector<1x16xf32>,
        %get3A_900 = vector.shape_cast %get3A_899 : vector<1x16xf32> to vector<16xf32>
        %add3A_901 = arith.addf %add3A_869, %get3A_900 : vector<16xf32>
        %add3A_902 = arith.constant 2 : i32
        %add3A_903 = arith.addi %add3A_847, %add3A_902 : i32
        %add3A_904 = arith.constant 1 : i32
        %add3A_905 = arith.addi %add3A_903, %add3A_904 : i32
        %get3A_906 = arith.index_cast %add3A_905 : i32 to index
        %get3A_907 = arith.constant 16 : index
        %get3A_908 = tpu.vector_load %arg7[%get3A_906, %get3A_907] {strides = array<i32>} : memref<1600x32xf32, #tpu.memory_space<vmem>>, vector<1x16xf32>,
        %get3A_909 = vector.shape_cast %get3A_908 : vector<1x16xf32> to vector<16xf32>
        %add3A_910 = arith.addf %add3A_878, %get3A_909 : vector<16xf32>
        %add3A_911 = arith.constant 4 : i32
        %add3A_912 = arith.addi %add3A_847, %add3A_911 : i32
        %get3A_913 = arith.index_cast %add3A_912 : i32 to index
        %get3A_914 = arith.constant 0 : index
        %get3A_915 = tpu.vector_load %arg7[%get3A_913, %get3A_914] {strides = array<i32>} : memref<1600x32xf32, #tpu.memory_space<vmem>>, vector<1x16xf32>,
        %get3A_916 = vector.shape_cast %get3A_915 : vector<1x16xf32> to vector<16xf32>
        %add3A_917 = arith.addf %add3A_885, %get3A_916 : vector<16xf32>
        %add3A_918 = arith.constant 4 : i32
        %add3A_919 = arith.addi %add3A_847, %add3A_918 : i32
        %get3A_920 = arith.index_cast %add3A_919 : i32 to index
        %get3A_921 = arith.constant 16 : index
        %get3A_922 = tpu.vector_load %arg7[%get3A_920, %get3A_921] {strides = array<i32>} : memref<1600x32xf32, #tpu.memory_space<vmem>>, vector<1x16xf32>,
        %get3A_923 = vector.shape_cast %get3A_922 : vector<1x16xf32> to vector<16xf32>
        %add3A_924 = arith.addf %add3A_892, %get3A_923 : vector<16xf32>
        %add3A_925 = arith.constant 4 : i32
        %add3A_926 = arith.addi %add3A_847, %add3A_925 : i32
        %add3A_927 = arith.constant 1 : i32
        %add3A_928 = arith.addi %add3A_926, %add3A_927 : i32
        %get3A_929 = arith.index_cast %add3A_928 : i32 to index
        %get3A_930 = arith.constant 0 : index
        %get3A_931 = tpu.vector_load %arg7[%get3A_929, %get3A_930] {strides = array<i32>} : memref<1600x32xf32, #tpu.memory_space<vmem>>, vector<1x16xf32>,
        %get3A_932 = vector.shape_cast %get3A_931 : vector<1x16xf32> to vector<16xf32>
        %add3A_933 = arith.addf %add3A_901, %get3A_932 : vector<16xf32>
        %add3A_934 = arith.constant 4 : i32
        %add3A_935 = arith.addi %add3A_847, %add3A_934 : i32
        %add3A_936 = arith.constant 1 : i32
        %add3A_937 = arith.addi %add3A_935, %add3A_936 : i32
        %get3A_938 = arith.index_cast %add3A_937 : i32 to index
        %get3A_939 = arith.constant 16 : index
        %get3A_940 = tpu.vector_load %arg7[%get3A_938, %get3A_939] {strides = array<i32>} : memref<1600x32xf32, #tpu.memory_space<vmem>>, vector<1x16xf32>,
        %get3A_941 = vector.shape_cast %get3A_940 : vector<1x16xf32> to vector<16xf32>
        %add3A_942 = arith.addf %add3A_910, %get3A_941 : vector<16xf32>
        %add3A_943 = arith.constant 6 : i32
        %add3A_944 = arith.addi %add3A_847, %add3A_943 : i32
        %get3A_945 = arith.index_cast %add3A_944 : i32 to index
        %get3A_946 = arith.constant 0 : index
        %get3A_947 = tpu.vector_load %arg7[%get3A_945, %get3A_946] {strides = array<i32>} : memref<1600x32xf32, #tpu.memory_space<vmem>>, vector<1x16xf32>,
        %get3A_948 = vector.shape_cast %get3A_947 : vector<1x16xf32> to vector<16xf32>
        %add3A_949 = arith.addf %add3A_917, %get3A_948 : vector<16xf32>
        %add3A_950 = arith.constant 6 : i32
        %add3A_951 = arith.addi %add3A_847, %add3A_950 : i32
        %get3A_952 = arith.index_cast %add3A_951 : i32 to index
        %get3A_953 = arith.constant 16 : index
        %get3A_954 = tpu.vector_load %arg7[%get3A_952, %get3A_953] {strides = array<i32>} : memref<1600x32xf32, #tpu.memory_space<vmem>>, vector<1x16xf32>,
        %get3A_955 = vector.shape_cast %get3A_954 : vector<1x16xf32> to vector<16xf32>
        %add3A_956 = arith.addf %add3A_924, %get3A_955 : vector<16xf32>
        %add3A_957 = arith.constant 6 : i32
        %add3A_958 = arith.addi %add3A_847, %add3A_957 : i32
        %add3A_959 = arith.constant 1 : i32
        %add3A_960 = arith.addi %add3A_958, %add3A_959 : i32
        %get3A_961 = arith.index_cast %add3A_960 : i32 to index
        %get3A_962 = arith.constant 0 : index
        %get3A_963 = tpu.vector_load %arg7[%get3A_961, %get3A_962] {strides = array<i32>} : memref<1600x32xf32, #tpu.memory_space<vmem>>, vector<1x16xf32>,
        %get3A_964 = vector.shape_cast %get3A_963 : vector<1x16xf32> to vector<16xf32>
        %add3A_965 = arith.addf %add3A_933, %get3A_964 : vector<16xf32>
        %add3A_966 = arith.constant 6 : i32
        %add3A_967 = arith.addi %add3A_847, %add3A_966 : i32
        %add3A_968 = arith.constant 1 : i32
        %add3A_969 = arith.addi %add3A_967, %add3A_968 : i32
        %get3A_970 = arith.index_cast %add3A_969 : i32 to index
        %get3A_971 = arith.constant 16 : index
        %get3A_972 = tpu.vector_load %arg7[%get3A_970, %get3A_971] {strides = array<i32>} : memref<1600x32xf32, #tpu.memory_space<vmem>>, vector<1x16xf32>,
        %get3A_973 = vector.shape_cast %get3A_972 : vector<1x16xf32> to vector<16xf32>
        %add3A_974 = arith.addf %add3A_942, %get3A_973 : vector<16xf32>
        scf.yield %add3A_949, %add3A_956, %add3A_965, %add3A_974 : vector<16xf32>, vector<16xf32>, vector<16xf32>, vector<16xf32>
      }
      %scan3A_706 = arith.constant 25 : i32
      %add3A_707 = arith.addf %scan3A_705#0, %scan3A_705#2 : vector<16xf32>
      %mul3A_708 = arith.constant 5.000000e-03 : f32
      %mul3A_709 = vector.broadcast %mul3A_708 : f32 to vector<16xf32>
      %mul3A_710 = arith.mulf %add3A_707, %mul3A_709 : vector<16xf32>
      %swap3A_711 = arith.constant 3 : i32
      %swap3A_712 = arith.index_cast %swap3A_711 : i32 to index
      %swap3A_713 = arith.constant 0 : index
      %swap3A_714 = tpu.vector_load %arg8[%swap3A_712, %swap3A_713] {strides = array<i32>} : memref<8x32xf32, #tpu.memory_space<vmem>>, vector<1x16xf32>,
      %swap3A_715 = vector.shape_cast %swap3A_714 : vector<1x16xf32> to vector<16xf32>
      %swap3A_716 = vector.shape_cast %mul3A_710 : vector<16xf32> to vector<1x16xf32>
      tpu.vector_store %arg8[%swap3A_712, %swap3A_713], %swap3A_716 {strides = array<i32>} : memref<8x32xf32, #tpu.memory_space<vmem>>, vector<1x16xf32>,
      %add3A_717 = arith.addf %scan3A_705#1, %scan3A_705#3 : vector<16xf32>
      %mul3A_718 = arith.constant 5.000000e-03 : f32
      %mul3A_719 = vector.broadcast %mul3A_718 : f32 to vector<16xf32>
      %mul3A_720 = arith.mulf %add3A_717, %mul3A_719 : vector<16xf32>
      %swap3A_721 = arith.constant 3 : i32
      %swap3A_722 = arith.index_cast %swap3A_721 : i32 to index
      %swap3A_723 = arith.constant 16 : index
      %swap3A_724 = tpu.vector_load %arg8[%swap3A_722, %swap3A_723] {strides = array<i32>} : memref<8x32xf32, #tpu.memory_space<vmem>>, vector<1x16xf32>,
      %swap3A_725 = vector.shape_cast %swap3A_724 : vector<1x16xf32> to vector<16xf32>
      %swap3A_726 = vector.shape_cast %mul3A_720 : vector<16xf32> to vector<1x16xf32>
      tpu.vector_store %arg8[%swap3A_722, %swap3A_723], %swap3A_726 {strides = array<i32>} : memref<8x32xf32, #tpu.memory_space<vmem>>, vector<1x16xf32>,
      %broadcast_in_dim3A_727 = arith.constant 0.000000e+00 : f32
      %broadcast_in_dim3A_728 = vector.broadcast %broadcast_in_dim3A_727 : f32 to vector<16xf32>
      %scan3A_729 = arith.constant 0 : i32
      %scan3A_730 = arith.constant 25 : i32
      %scan3A_731 = arith.addi %scan3A_729, %scan3A_730 : i32
      %scan3A_732 = arith.constant 1 : i32
      %scan3A_733:4 = scf.for %scan3A_839 = %scan3A_729 to %scan3A_731 step %scan3A_732 iter_args(%scan3A_840 = %broadcast_in_dim3A_728, %scan3A_841 = %broadcast_in_dim3A_728, %scan3A_842 = %broadcast_in_dim3A_728, %scan3A_843 = %broadcast_in_dim3A_728) -> (vector<16xf32>, vector<16xf32>, vector<16xf32>, vector<16xf32>)  : i32 {
        %mul3A_844 = arith.constant 8 : i32
        %mul3A_845 = arith.muli %scan3A_839, %mul3A_844 : i32
        %add3A_846 = arith.constant 800 : i32
        %add3A_847 = arith.addi %add3A_846, %mul3A_845 : i32
        %add3A_848 = arith.constant 0 : i32
        %add3A_849 = arith.addi %add3A_847, %add3A_848 : i32
        %get3A = arith.index_cast %add3A_849 : i32 to index
        %get3A_850 = arith.constant 0 : index
        %get3A_851 = tpu.vector_load %arg7[%get3A, %get3A_850] {strides = array<i32>} : memref<1600x32xf32, #tpu.memory_space<vmem>>, vector<1x16xf32>,
        %get3A_852 = vector.shape_cast %get3A_851 : vector<1x16xf32> to vector<16xf32>
        %add3A_853 = arith.addf %scan3A_840, %get3A_852 : vector<16xf32>
        %add3A_854 = arith.constant 0 : i32
        %add3A_855 = arith.addi %add3A_847, %add3A_854 : i32
        %get3A_856 = arith.index_cast %add3A_855 : i32 to index
        %get3A_857 = arith.constant 16 : index
        %get3A_858 = tpu.vector_load %arg7[%get3A_856, %get3A_857] {strides = array<i32>} : memref<1600x32xf32, #tpu.memory_space<vmem>>, vector<1x16xf32>,
        %get3A_859 = vector.shape_cast %get3A_858 : vector<1x16xf32> to vector<16xf32>
        %add3A_860 = arith.addf %scan3A_841, %get3A_859 : vector<16xf32>
        %add3A_861 = arith.constant 0 : i32
        %add3A_862 = arith.addi %add3A_847, %add3A_861 : i32
        %add3A_863 = arith.constant 1 : i32
        %add3A_864 = arith.addi %add3A_862, %add3A_863 : i32
        %get3A_865 = arith.index_cast %add3A_864 : i32 to index
        %get3A_866 = arith.constant 0 : index
        %get3A_867 = tpu.vector_load %arg7[%get3A_865, %get3A_866] {strides = array<i32>} : memref<1600x32xf32, #tpu.memory_space<vmem>>, vector<1x16xf32>,
        %get3A_868 = vector.shape_cast %get3A_867 : vector<1x16xf32> to vector<16xf32>
        %add3A_869 = arith.addf %scan3A_842, %get3A_868 : vector<16xf32>
        %add3A_870 = arith.constant 0 : i32
        %add3A_871 = arith.addi %add3A_847, %add3A_870 : i32
        %add3A_872 = arith.constant 1 : i32
        %add3A_873 = arith.addi %add3A_871, %add3A_872 : i32
        %get3A_874 = arith.index_cast %add3A_873 : i32 to index
        %get3A_875 = arith.constant 16 : index
        %get3A_876 = tpu.vector_load %arg7[%get3A_874, %get3A_875] {strides = array<i32>} : memref<1600x32xf32, #tpu.memory_space<vmem>>, vector<1x16xf32>,
        %get3A_877 = vector.shape_cast %get3A_876 : vector<1x16xf32> to vector<16xf32>
        %add3A_878 = arith.addf %scan3A_843, %get3A_877 : vector<16xf32>
        %add3A_879 = arith.constant 2 : i32
        %add3A_880 = arith.addi %add3A_847, %add3A_879 : i32
        %get3A_881 = arith.index_cast %add3A_880 : i32 to index
        %get3A_882 = arith.constant 0 : index
        %get3A_883 = tpu.vector_load %arg7[%get3A_881, %get3A_882] {strides = array<i32>} : memref<1600x32xf32, #tpu.memory_space<vmem>>, vector<1x16xf32>,
        %get3A_884 = vector.shape_cast %get3A_883 : vector<1x16xf32> to vector<16xf32>
        %add3A_885 = arith.addf %add3A_853, %get3A_884 : vector<16xf32>
        %add3A_886 = arith.constant 2 : i32
        %add3A_887 = arith.addi %add3A_847, %add3A_886 : i32
        %get3A_888 = arith.index_cast %add3A_887 : i32 to index
        %get3A_889 = arith.constant 16 : index
        %get3A_890 = tpu.vector_load %arg7[%get3A_888, %get3A_889] {strides = array<i32>} : memref<1600x32xf32, #tpu.memory_space<vmem>>, vector<1x16xf32>,
        %get3A_891 = vector.shape_cast %get3A_890 : vector<1x16xf32> to vector<16xf32>
        %add3A_892 = arith.addf %add3A_860, %get3A_891 : vector<16xf32>
        %add3A_893 = arith.constant 2 : i32
        %add3A_894 = arith.addi %add3A_847, %add3A_893 : i32
        %add3A_895 = arith.constant 1 : i32
        %add3A_896 = arith.addi %add3A_894, %add3A_895 : i32
        %get3A_897 = arith.index_cast %add3A_896 : i32 to index
        %get3A_898 = arith.constant 0 : index
        %get3A_899 = tpu.vector_load %arg7[%get3A_897, %get3A_898] {strides = array<i32>} : memref<1600x32xf32, #tpu.memory_space<vmem>>, vector<1x16xf32>,
        %get3A_900 = vector.shape_cast %get3A_899 : vector<1x16xf32> to vector<16xf32>
        %add3A_901 = arith.addf %add3A_869, %get3A_900 : vector<16xf32>
        %add3A_902 = arith.constant 2 : i32
        %add3A_903 = arith.addi %add3A_847, %add3A_902 : i32
        %add3A_904 = arith.constant 1 : i32
        %add3A_905 = arith.addi %add3A_903, %add3A_904 : i32
        %get3A_906 = arith.index_cast %add3A_905 : i32 to index
        %get3A_907 = arith.constant 16 : index
        %get3A_908 = tpu.vector_load %arg7[%get3A_906, %get3A_907] {strides = array<i32>} : memref<1600x32xf32, #tpu.memory_space<vmem>>, vector<1x16xf32>,
        %get3A_909 = vector.shape_cast %get3A_908 : vector<1x16xf32> to vector<16xf32>
        %add3A_910 = arith.addf %add3A_878, %get3A_909 : vector<16xf32>
        %add3A_911 = arith.constant 4 : i32
        %add3A_912 = arith.addi %add3A_847, %add3A_911 : i32
        %get3A_913 = arith.index_cast %add3A_912 : i32 to index
        %get3A_914 = arith.constant 0 : index
        %get3A_915 = tpu.vector_load %arg7[%get3A_913, %get3A_914] {strides = array<i32>} : memref<1600x32xf32, #tpu.memory_space<vmem>>, vector<1x16xf32>,
        %get3A_916 = vector.shape_cast %get3A_915 : vector<1x16xf32> to vector<16xf32>
        %add3A_917 = arith.addf %add3A_885, %get3A_916 : vector<16xf32>
        %add3A_918 = arith.constant 4 : i32
        %add3A_919 = arith.addi %add3A_847, %add3A_918 : i32
        %get3A_920 = arith.index_cast %add3A_919 : i32 to index
        %get3A_921 = arith.constant 16 : index
        %get3A_922 = tpu.vector_load %arg7[%get3A_920, %get3A_921] {strides = array<i32>} : memref<1600x32xf32, #tpu.memory_space<vmem>>, vector<1x16xf32>,
        %get3A_923 = vector.shape_cast %get3A_922 : vector<1x16xf32> to vector<16xf32>
        %add3A_924 = arith.addf %add3A_892, %get3A_923 : vector<16xf32>
        %add3A_925 = arith.constant 4 : i32
        %add3A_926 = arith.addi %add3A_847, %add3A_925 : i32
        %add3A_927 = arith.constant 1 : i32
        %add3A_928 = arith.addi %add3A_926, %add3A_927 : i32
        %get3A_929 = arith.index_cast %add3A_928 : i32 to index
        %get3A_930 = arith.constant 0 : index
        %get3A_931 = tpu.vector_load %arg7[%get3A_929, %get3A_930] {strides = array<i32>} : memref<1600x32xf32, #tpu.memory_space<vmem>>, vector<1x16xf32>,
        %get3A_932 = vector.shape_cast %get3A_931 : vector<1x16xf32> to vector<16xf32>
        %add3A_933 = arith.addf %add3A_901, %get3A_932 : vector<16xf32>
        %add3A_934 = arith.constant 4 : i32
        %add3A_935 = arith.addi %add3A_847, %add3A_934 : i32
        %add3A_936 = arith.constant 1 : i32
        %add3A_937 = arith.addi %add3A_935, %add3A_936 : i32
        %get3A_938 = arith.index_cast %add3A_937 : i32 to index
        %get3A_939 = arith.constant 16 : index
        %get3A_940 = tpu.vector_load %arg7[%get3A_938, %get3A_939] {strides = array<i32>} : memref<1600x32xf32, #tpu.memory_space<vmem>>, vector<1x16xf32>,
        %get3A_941 = vector.shape_cast %get3A_940 : vector<1x16xf32> to vector<16xf32>
        %add3A_942 = arith.addf %add3A_910, %get3A_941 : vector<16xf32>
        %add3A_943 = arith.constant 6 : i32
        %add3A_944 = arith.addi %add3A_847, %add3A_943 : i32
        %get3A_945 = arith.index_cast %add3A_944 : i32 to index
        %get3A_946 = arith.constant 0 : index
        %get3A_947 = tpu.vector_load %arg7[%get3A_945, %get3A_946] {strides = array<i32>} : memref<1600x32xf32, #tpu.memory_space<vmem>>, vector<1x16xf32>,
        %get3A_948 = vector.shape_cast %get3A_947 : vector<1x16xf32> to vector<16xf32>
        %add3A_949 = arith.addf %add3A_917, %get3A_948 : vector<16xf32>
        %add3A_950 = arith.constant 6 : i32
        %add3A_951 = arith.addi %add3A_847, %add3A_950 : i32
        %get3A_952 = arith.index_cast %add3A_951 : i32 to index
        %get3A_953 = arith.constant 16 : index
        %get3A_954 = tpu.vector_load %arg7[%get3A_952, %get3A_953] {strides = array<i32>} : memref<1600x32xf32, #tpu.memory_space<vmem>>, vector<1x16xf32>,
        %get3A_955 = vector.shape_cast %get3A_954 : vector<1x16xf32> to vector<16xf32>
        %add3A_956 = arith.addf %add3A_924, %get3A_955 : vector<16xf32>
        %add3A_957 = arith.constant 6 : i32
        %add3A_958 = arith.addi %add3A_847, %add3A_957 : i32
        %add3A_959 = arith.constant 1 : i32
        %add3A_960 = arith.addi %add3A_958, %add3A_959 : i32
        %get3A_961 = arith.index_cast %add3A_960 : i32 to index
        %get3A_962 = arith.constant 0 : index
        %get3A_963 = tpu.vector_load %arg7[%get3A_961, %get3A_962] {strides = array<i32>} : memref<1600x32xf32, #tpu.memory_space<vmem>>, vector<1x16xf32>,
        %get3A_964 = vector.shape_cast %get3A_963 : vector<1x16xf32> to vector<16xf32>
        %add3A_965 = arith.addf %add3A_933, %get3A_964 : vector<16xf32>
        %add3A_966 = arith.constant 6 : i32
        %add3A_967 = arith.addi %add3A_847, %add3A_966 : i32
        %add3A_968 = arith.constant 1 : i32
        %add3A_969 = arith.addi %add3A_967, %add3A_968 : i32
        %get3A_970 = arith.index_cast %add3A_969 : i32 to index
        %get3A_971 = arith.constant 16 : index
        %get3A_972 = tpu.vector_load %arg7[%get3A_970, %get3A_971] {strides = array<i32>} : memref<1600x32xf32, #tpu.memory_space<vmem>>, vector<1x16xf32>,
        %get3A_973 = vector.shape_cast %get3A_972 : vector<1x16xf32> to vector<16xf32>
        %add3A_974 = arith.addf %add3A_942, %get3A_973 : vector<16xf32>
        scf.yield %add3A_949, %add3A_956, %add3A_965, %add3A_974 : vector<16xf32>, vector<16xf32>, vector<16xf32>, vector<16xf32>
      }
      %scan3A_734 = arith.constant 25 : i32
      %add3A_735 = arith.addf %scan3A_733#0, %scan3A_733#2 : vector<16xf32>
      %mul3A_736 = arith.constant 5.000000e-03 : f32
      %mul3A_737 = vector.broadcast %mul3A_736 : f32 to vector<16xf32>
      %mul3A_738 = arith.mulf %add3A_735, %mul3A_737 : vector<16xf32>
      %swap3A_739 = arith.constant 4 : i32
      %swap3A_740 = arith.index_cast %swap3A_739 : i32 to index
      %swap3A_741 = arith.constant 0 : index
      %swap3A_742 = tpu.vector_load %arg8[%swap3A_740, %swap3A_741] {strides = array<i32>} : memref<8x32xf32, #tpu.memory_space<vmem>>, vector<1x16xf32>,
      %swap3A_743 = vector.shape_cast %swap3A_742 : vector<1x16xf32> to vector<16xf32>
      %swap3A_744 = vector.shape_cast %mul3A_738 : vector<16xf32> to vector<1x16xf32>
      tpu.vector_store %arg8[%swap3A_740, %swap3A_741], %swap3A_744 {strides = array<i32>} : memref<8x32xf32, #tpu.memory_space<vmem>>, vector<1x16xf32>,
      %add3A_745 = arith.addf %scan3A_733#1, %scan3A_733#3 : vector<16xf32>
      %mul3A_746 = arith.constant 5.000000e-03 : f32
      %mul3A_747 = vector.broadcast %mul3A_746 : f32 to vector<16xf32>
      %mul3A_748 = arith.mulf %add3A_745, %mul3A_747 : vector<16xf32>
      %swap3A_749 = arith.constant 4 : i32
      %swap3A_750 = arith.index_cast %swap3A_749 : i32 to index
      %swap3A_751 = arith.constant 16 : index
      %swap3A_752 = tpu.vector_load %arg8[%swap3A_750, %swap3A_751] {strides = array<i32>} : memref<8x32xf32, #tpu.memory_space<vmem>>, vector<1x16xf32>,
      %swap3A_753 = vector.shape_cast %swap3A_752 : vector<1x16xf32> to vector<16xf32>
      %swap3A_754 = vector.shape_cast %mul3A_748 : vector<16xf32> to vector<1x16xf32>
      tpu.vector_store %arg8[%swap3A_750, %swap3A_751], %swap3A_754 {strides = array<i32>} : memref<8x32xf32, #tpu.memory_space<vmem>>, vector<1x16xf32>,
      %broadcast_in_dim3A_755 = arith.constant 0.000000e+00 : f32
      %broadcast_in_dim3A_756 = vector.broadcast %broadcast_in_dim3A_755 : f32 to vector<16xf32>
      %scan3A_757 = arith.constant 0 : i32
      %scan3A_758 = arith.constant 25 : i32
      %scan3A_759 = arith.addi %scan3A_757, %scan3A_758 : i32
      %scan3A_760 = arith.constant 1 : i32
      %scan3A_761:4 = scf.for %scan3A_839 = %scan3A_757 to %scan3A_759 step %scan3A_760 iter_args(%scan3A_840 = %broadcast_in_dim3A_756, %scan3A_841 = %broadcast_in_dim3A_756, %scan3A_842 = %broadcast_in_dim3A_756, %scan3A_843 = %broadcast_in_dim3A_756) -> (vector<16xf32>, vector<16xf32>, vector<16xf32>, vector<16xf32>)  : i32 {
        %mul3A_844 = arith.constant 8 : i32
        %mul3A_845 = arith.muli %scan3A_839, %mul3A_844 : i32
        %add3A_846 = arith.constant 1000 : i32
        %add3A_847 = arith.addi %add3A_846, %mul3A_845 : i32
        %add3A_848 = arith.constant 0 : i32
        %add3A_849 = arith.addi %add3A_847, %add3A_848 : i32
        %get3A = arith.index_cast %add3A_849 : i32 to index
        %get3A_850 = arith.constant 0 : index
        %get3A_851 = tpu.vector_load %arg7[%get3A, %get3A_850] {strides = array<i32>} : memref<1600x32xf32, #tpu.memory_space<vmem>>, vector<1x16xf32>,
        %get3A_852 = vector.shape_cast %get3A_851 : vector<1x16xf32> to vector<16xf32>
        %add3A_853 = arith.addf %scan3A_840, %get3A_852 : vector<16xf32>
        %add3A_854 = arith.constant 0 : i32
        %add3A_855 = arith.addi %add3A_847, %add3A_854 : i32
        %get3A_856 = arith.index_cast %add3A_855 : i32 to index
        %get3A_857 = arith.constant 16 : index
        %get3A_858 = tpu.vector_load %arg7[%get3A_856, %get3A_857] {strides = array<i32>} : memref<1600x32xf32, #tpu.memory_space<vmem>>, vector<1x16xf32>,
        %get3A_859 = vector.shape_cast %get3A_858 : vector<1x16xf32> to vector<16xf32>
        %add3A_860 = arith.addf %scan3A_841, %get3A_859 : vector<16xf32>
        %add3A_861 = arith.constant 0 : i32
        %add3A_862 = arith.addi %add3A_847, %add3A_861 : i32
        %add3A_863 = arith.constant 1 : i32
        %add3A_864 = arith.addi %add3A_862, %add3A_863 : i32
        %get3A_865 = arith.index_cast %add3A_864 : i32 to index
        %get3A_866 = arith.constant 0 : index
        %get3A_867 = tpu.vector_load %arg7[%get3A_865, %get3A_866] {strides = array<i32>} : memref<1600x32xf32, #tpu.memory_space<vmem>>, vector<1x16xf32>,
        %get3A_868 = vector.shape_cast %get3A_867 : vector<1x16xf32> to vector<16xf32>
        %add3A_869 = arith.addf %scan3A_842, %get3A_868 : vector<16xf32>
        %add3A_870 = arith.constant 0 : i32
        %add3A_871 = arith.addi %add3A_847, %add3A_870 : i32
        %add3A_872 = arith.constant 1 : i32
        %add3A_873 = arith.addi %add3A_871, %add3A_872 : i32
        %get3A_874 = arith.index_cast %add3A_873 : i32 to index
        %get3A_875 = arith.constant 16 : index
        %get3A_876 = tpu.vector_load %arg7[%get3A_874, %get3A_875] {strides = array<i32>} : memref<1600x32xf32, #tpu.memory_space<vmem>>, vector<1x16xf32>,
        %get3A_877 = vector.shape_cast %get3A_876 : vector<1x16xf32> to vector<16xf32>
        %add3A_878 = arith.addf %scan3A_843, %get3A_877 : vector<16xf32>
        %add3A_879 = arith.constant 2 : i32
        %add3A_880 = arith.addi %add3A_847, %add3A_879 : i32
        %get3A_881 = arith.index_cast %add3A_880 : i32 to index
        %get3A_882 = arith.constant 0 : index
        %get3A_883 = tpu.vector_load %arg7[%get3A_881, %get3A_882] {strides = array<i32>} : memref<1600x32xf32, #tpu.memory_space<vmem>>, vector<1x16xf32>,
        %get3A_884 = vector.shape_cast %get3A_883 : vector<1x16xf32> to vector<16xf32>
        %add3A_885 = arith.addf %add3A_853, %get3A_884 : vector<16xf32>
        %add3A_886 = arith.constant 2 : i32
        %add3A_887 = arith.addi %add3A_847, %add3A_886 : i32
        %get3A_888 = arith.index_cast %add3A_887 : i32 to index
        %get3A_889 = arith.constant 16 : index
        %get3A_890 = tpu.vector_load %arg7[%get3A_888, %get3A_889] {strides = array<i32>} : memref<1600x32xf32, #tpu.memory_space<vmem>>, vector<1x16xf32>,
        %get3A_891 = vector.shape_cast %get3A_890 : vector<1x16xf32> to vector<16xf32>
        %add3A_892 = arith.addf %add3A_860, %get3A_891 : vector<16xf32>
        %add3A_893 = arith.constant 2 : i32
        %add3A_894 = arith.addi %add3A_847, %add3A_893 : i32
        %add3A_895 = arith.constant 1 : i32
        %add3A_896 = arith.addi %add3A_894, %add3A_895 : i32
        %get3A_897 = arith.index_cast %add3A_896 : i32 to index
        %get3A_898 = arith.constant 0 : index
        %get3A_899 = tpu.vector_load %arg7[%get3A_897, %get3A_898] {strides = array<i32>} : memref<1600x32xf32, #tpu.memory_space<vmem>>, vector<1x16xf32>,
        %get3A_900 = vector.shape_cast %get3A_899 : vector<1x16xf32> to vector<16xf32>
        %add3A_901 = arith.addf %add3A_869, %get3A_900 : vector<16xf32>
        %add3A_902 = arith.constant 2 : i32
        %add3A_903 = arith.addi %add3A_847, %add3A_902 : i32
        %add3A_904 = arith.constant 1 : i32
        %add3A_905 = arith.addi %add3A_903, %add3A_904 : i32
        %get3A_906 = arith.index_cast %add3A_905 : i32 to index
        %get3A_907 = arith.constant 16 : index
        %get3A_908 = tpu.vector_load %arg7[%get3A_906, %get3A_907] {strides = array<i32>} : memref<1600x32xf32, #tpu.memory_space<vmem>>, vector<1x16xf32>,
        %get3A_909 = vector.shape_cast %get3A_908 : vector<1x16xf32> to vector<16xf32>
        %add3A_910 = arith.addf %add3A_878, %get3A_909 : vector<16xf32>
        %add3A_911 = arith.constant 4 : i32
        %add3A_912 = arith.addi %add3A_847, %add3A_911 : i32
        %get3A_913 = arith.index_cast %add3A_912 : i32 to index
        %get3A_914 = arith.constant 0 : index
        %get3A_915 = tpu.vector_load %arg7[%get3A_913, %get3A_914] {strides = array<i32>} : memref<1600x32xf32, #tpu.memory_space<vmem>>, vector<1x16xf32>,
        %get3A_916 = vector.shape_cast %get3A_915 : vector<1x16xf32> to vector<16xf32>
        %add3A_917 = arith.addf %add3A_885, %get3A_916 : vector<16xf32>
        %add3A_918 = arith.constant 4 : i32
        %add3A_919 = arith.addi %add3A_847, %add3A_918 : i32
        %get3A_920 = arith.index_cast %add3A_919 : i32 to index
        %get3A_921 = arith.constant 16 : index
        %get3A_922 = tpu.vector_load %arg7[%get3A_920, %get3A_921] {strides = array<i32>} : memref<1600x32xf32, #tpu.memory_space<vmem>>, vector<1x16xf32>,
        %get3A_923 = vector.shape_cast %get3A_922 : vector<1x16xf32> to vector<16xf32>
        %add3A_924 = arith.addf %add3A_892, %get3A_923 : vector<16xf32>
        %add3A_925 = arith.constant 4 : i32
        %add3A_926 = arith.addi %add3A_847, %add3A_925 : i32
        %add3A_927 = arith.constant 1 : i32
        %add3A_928 = arith.addi %add3A_926, %add3A_927 : i32
        %get3A_929 = arith.index_cast %add3A_928 : i32 to index
        %get3A_930 = arith.constant 0 : index
        %get3A_931 = tpu.vector_load %arg7[%get3A_929, %get3A_930] {strides = array<i32>} : memref<1600x32xf32, #tpu.memory_space<vmem>>, vector<1x16xf32>,
        %get3A_932 = vector.shape_cast %get3A_931 : vector<1x16xf32> to vector<16xf32>
        %add3A_933 = arith.addf %add3A_901, %get3A_932 : vector<16xf32>
        %add3A_934 = arith.constant 4 : i32
        %add3A_935 = arith.addi %add3A_847, %add3A_934 : i32
        %add3A_936 = arith.constant 1 : i32
        %add3A_937 = arith.addi %add3A_935, %add3A_936 : i32
        %get3A_938 = arith.index_cast %add3A_937 : i32 to index
        %get3A_939 = arith.constant 16 : index
        %get3A_940 = tpu.vector_load %arg7[%get3A_938, %get3A_939] {strides = array<i32>} : memref<1600x32xf32, #tpu.memory_space<vmem>>, vector<1x16xf32>,
        %get3A_941 = vector.shape_cast %get3A_940 : vector<1x16xf32> to vector<16xf32>
        %add3A_942 = arith.addf %add3A_910, %get3A_941 : vector<16xf32>
        %add3A_943 = arith.constant 6 : i32
        %add3A_944 = arith.addi %add3A_847, %add3A_943 : i32
        %get3A_945 = arith.index_cast %add3A_944 : i32 to index
        %get3A_946 = arith.constant 0 : index
        %get3A_947 = tpu.vector_load %arg7[%get3A_945, %get3A_946] {strides = array<i32>} : memref<1600x32xf32, #tpu.memory_space<vmem>>, vector<1x16xf32>,
        %get3A_948 = vector.shape_cast %get3A_947 : vector<1x16xf32> to vector<16xf32>
        %add3A_949 = arith.addf %add3A_917, %get3A_948 : vector<16xf32>
        %add3A_950 = arith.constant 6 : i32
        %add3A_951 = arith.addi %add3A_847, %add3A_950 : i32
        %get3A_952 = arith.index_cast %add3A_951 : i32 to index
        %get3A_953 = arith.constant 16 : index
        %get3A_954 = tpu.vector_load %arg7[%get3A_952, %get3A_953] {strides = array<i32>} : memref<1600x32xf32, #tpu.memory_space<vmem>>, vector<1x16xf32>,
        %get3A_955 = vector.shape_cast %get3A_954 : vector<1x16xf32> to vector<16xf32>
        %add3A_956 = arith.addf %add3A_924, %get3A_955 : vector<16xf32>
        %add3A_957 = arith.constant 6 : i32
        %add3A_958 = arith.addi %add3A_847, %add3A_957 : i32
        %add3A_959 = arith.constant 1 : i32
        %add3A_960 = arith.addi %add3A_958, %add3A_959 : i32
        %get3A_961 = arith.index_cast %add3A_960 : i32 to index
        %get3A_962 = arith.constant 0 : index
        %get3A_963 = tpu.vector_load %arg7[%get3A_961, %get3A_962] {strides = array<i32>} : memref<1600x32xf32, #tpu.memory_space<vmem>>, vector<1x16xf32>,
        %get3A_964 = vector.shape_cast %get3A_963 : vector<1x16xf32> to vector<16xf32>
        %add3A_965 = arith.addf %add3A_933, %get3A_964 : vector<16xf32>
        %add3A_966 = arith.constant 6 : i32
        %add3A_967 = arith.addi %add3A_847, %add3A_966 : i32
        %add3A_968 = arith.constant 1 : i32
        %add3A_969 = arith.addi %add3A_967, %add3A_968 : i32
        %get3A_970 = arith.index_cast %add3A_969 : i32 to index
        %get3A_971 = arith.constant 16 : index
        %get3A_972 = tpu.vector_load %arg7[%get3A_970, %get3A_971] {strides = array<i32>} : memref<1600x32xf32, #tpu.memory_space<vmem>>, vector<1x16xf32>,
        %get3A_973 = vector.shape_cast %get3A_972 : vector<1x16xf32> to vector<16xf32>
        %add3A_974 = arith.addf %add3A_942, %get3A_973 : vector<16xf32>
        scf.yield %add3A_949, %add3A_956, %add3A_965, %add3A_974 : vector<16xf32>, vector<16xf32>, vector<16xf32>, vector<16xf32>
      }
      %scan3A_762 = arith.constant 25 : i32
      %add3A_763 = arith.addf %scan3A_761#0, %scan3A_761#2 : vector<16xf32>
      %mul3A_764 = arith.constant 5.000000e-03 : f32
      %mul3A_765 = vector.broadcast %mul3A_764 : f32 to vector<16xf32>
      %mul3A_766 = arith.mulf %add3A_763, %mul3A_765 : vector<16xf32>
      %swap3A_767 = arith.constant 5 : i32
      %swap3A_768 = arith.index_cast %swap3A_767 : i32 to index
      %swap3A_769 = arith.constant 0 : index
      %swap3A_770 = tpu.vector_load %arg8[%swap3A_768, %swap3A_769] {strides = array<i32>} : memref<8x32xf32, #tpu.memory_space<vmem>>, vector<1x16xf32>,
      %swap3A_771 = vector.shape_cast %swap3A_770 : vector<1x16xf32> to vector<16xf32>
      %swap3A_772 = vector.shape_cast %mul3A_766 : vector<16xf32> to vector<1x16xf32>
      tpu.vector_store %arg8[%swap3A_768, %swap3A_769], %swap3A_772 {strides = array<i32>} : memref<8x32xf32, #tpu.memory_space<vmem>>, vector<1x16xf32>,
      %add3A_773 = arith.addf %scan3A_761#1, %scan3A_761#3 : vector<16xf32>
      %mul3A_774 = arith.constant 5.000000e-03 : f32
      %mul3A_775 = vector.broadcast %mul3A_774 : f32 to vector<16xf32>
      %mul3A_776 = arith.mulf %add3A_773, %mul3A_775 : vector<16xf32>
      %swap3A_777 = arith.constant 5 : i32
      %swap3A_778 = arith.index_cast %swap3A_777 : i32 to index
      %swap3A_779 = arith.constant 16 : index
      %swap3A_780 = tpu.vector_load %arg8[%swap3A_778, %swap3A_779] {strides = array<i32>} : memref<8x32xf32, #tpu.memory_space<vmem>>, vector<1x16xf32>,
      %swap3A_781 = vector.shape_cast %swap3A_780 : vector<1x16xf32> to vector<16xf32>
      %swap3A_782 = vector.shape_cast %mul3A_776 : vector<16xf32> to vector<1x16xf32>
      tpu.vector_store %arg8[%swap3A_778, %swap3A_779], %swap3A_782 {strides = array<i32>} : memref<8x32xf32, #tpu.memory_space<vmem>>, vector<1x16xf32>,
      %broadcast_in_dim3A_783 = arith.constant 0.000000e+00 : f32
      %broadcast_in_dim3A_784 = vector.broadcast %broadcast_in_dim3A_783 : f32 to vector<16xf32>
      %scan3A_785 = arith.constant 0 : i32
      %scan3A_786 = arith.constant 25 : i32
      %scan3A_787 = arith.addi %scan3A_785, %scan3A_786 : i32
      %scan3A_788 = arith.constant 1 : i32
      %scan3A_789:4 = scf.for %scan3A_839 = %scan3A_785 to %scan3A_787 step %scan3A_788 iter_args(%scan3A_840 = %broadcast_in_dim3A_784, %scan3A_841 = %broadcast_in_dim3A_784, %scan3A_842 = %broadcast_in_dim3A_784, %scan3A_843 = %broadcast_in_dim3A_784) -> (vector<16xf32>, vector<16xf32>, vector<16xf32>, vector<16xf32>)  : i32 {
        %mul3A_844 = arith.constant 8 : i32
        %mul3A_845 = arith.muli %scan3A_839, %mul3A_844 : i32
        %add3A_846 = arith.constant 1200 : i32
        %add3A_847 = arith.addi %add3A_846, %mul3A_845 : i32
        %add3A_848 = arith.constant 0 : i32
        %add3A_849 = arith.addi %add3A_847, %add3A_848 : i32
        %get3A = arith.index_cast %add3A_849 : i32 to index
        %get3A_850 = arith.constant 0 : index
        %get3A_851 = tpu.vector_load %arg7[%get3A, %get3A_850] {strides = array<i32>} : memref<1600x32xf32, #tpu.memory_space<vmem>>, vector<1x16xf32>,
        %get3A_852 = vector.shape_cast %get3A_851 : vector<1x16xf32> to vector<16xf32>
        %add3A_853 = arith.addf %scan3A_840, %get3A_852 : vector<16xf32>
        %add3A_854 = arith.constant 0 : i32
        %add3A_855 = arith.addi %add3A_847, %add3A_854 : i32
        %get3A_856 = arith.index_cast %add3A_855 : i32 to index
        %get3A_857 = arith.constant 16 : index
        %get3A_858 = tpu.vector_load %arg7[%get3A_856, %get3A_857] {strides = array<i32>} : memref<1600x32xf32, #tpu.memory_space<vmem>>, vector<1x16xf32>,
        %get3A_859 = vector.shape_cast %get3A_858 : vector<1x16xf32> to vector<16xf32>
        %add3A_860 = arith.addf %scan3A_841, %get3A_859 : vector<16xf32>
        %add3A_861 = arith.constant 0 : i32
        %add3A_862 = arith.addi %add3A_847, %add3A_861 : i32
        %add3A_863 = arith.constant 1 : i32
        %add3A_864 = arith.addi %add3A_862, %add3A_863 : i32
        %get3A_865 = arith.index_cast %add3A_864 : i32 to index
        %get3A_866 = arith.constant 0 : index
        %get3A_867 = tpu.vector_load %arg7[%get3A_865, %get3A_866] {strides = array<i32>} : memref<1600x32xf32, #tpu.memory_space<vmem>>, vector<1x16xf32>,
        %get3A_868 = vector.shape_cast %get3A_867 : vector<1x16xf32> to vector<16xf32>
        %add3A_869 = arith.addf %scan3A_842, %get3A_868 : vector<16xf32>
        %add3A_870 = arith.constant 0 : i32
        %add3A_871 = arith.addi %add3A_847, %add3A_870 : i32
        %add3A_872 = arith.constant 1 : i32
        %add3A_873 = arith.addi %add3A_871, %add3A_872 : i32
        %get3A_874 = arith.index_cast %add3A_873 : i32 to index
        %get3A_875 = arith.constant 16 : index
        %get3A_876 = tpu.vector_load %arg7[%get3A_874, %get3A_875] {strides = array<i32>} : memref<1600x32xf32, #tpu.memory_space<vmem>>, vector<1x16xf32>,
        %get3A_877 = vector.shape_cast %get3A_876 : vector<1x16xf32> to vector<16xf32>
        %add3A_878 = arith.addf %scan3A_843, %get3A_877 : vector<16xf32>
        %add3A_879 = arith.constant 2 : i32
        %add3A_880 = arith.addi %add3A_847, %add3A_879 : i32
        %get3A_881 = arith.index_cast %add3A_880 : i32 to index
        %get3A_882 = arith.constant 0 : index
        %get3A_883 = tpu.vector_load %arg7[%get3A_881, %get3A_882] {strides = array<i32>} : memref<1600x32xf32, #tpu.memory_space<vmem>>, vector<1x16xf32>,
        %get3A_884 = vector.shape_cast %get3A_883 : vector<1x16xf32> to vector<16xf32>
        %add3A_885 = arith.addf %add3A_853, %get3A_884 : vector<16xf32>
        %add3A_886 = arith.constant 2 : i32
        %add3A_887 = arith.addi %add3A_847, %add3A_886 : i32
        %get3A_888 = arith.index_cast %add3A_887 : i32 to index
        %get3A_889 = arith.constant 16 : index
        %get3A_890 = tpu.vector_load %arg7[%get3A_888, %get3A_889] {strides = array<i32>} : memref<1600x32xf32, #tpu.memory_space<vmem>>, vector<1x16xf32>,
        %get3A_891 = vector.shape_cast %get3A_890 : vector<1x16xf32> to vector<16xf32>
        %add3A_892 = arith.addf %add3A_860, %get3A_891 : vector<16xf32>
        %add3A_893 = arith.constant 2 : i32
        %add3A_894 = arith.addi %add3A_847, %add3A_893 : i32
        %add3A_895 = arith.constant 1 : i32
        %add3A_896 = arith.addi %add3A_894, %add3A_895 : i32
        %get3A_897 = arith.index_cast %add3A_896 : i32 to index
        %get3A_898 = arith.constant 0 : index
        %get3A_899 = tpu.vector_load %arg7[%get3A_897, %get3A_898] {strides = array<i32>} : memref<1600x32xf32, #tpu.memory_space<vmem>>, vector<1x16xf32>,
        %get3A_900 = vector.shape_cast %get3A_899 : vector<1x16xf32> to vector<16xf32>
        %add3A_901 = arith.addf %add3A_869, %get3A_900 : vector<16xf32>
        %add3A_902 = arith.constant 2 : i32
        %add3A_903 = arith.addi %add3A_847, %add3A_902 : i32
        %add3A_904 = arith.constant 1 : i32
        %add3A_905 = arith.addi %add3A_903, %add3A_904 : i32
        %get3A_906 = arith.index_cast %add3A_905 : i32 to index
        %get3A_907 = arith.constant 16 : index
        %get3A_908 = tpu.vector_load %arg7[%get3A_906, %get3A_907] {strides = array<i32>} : memref<1600x32xf32, #tpu.memory_space<vmem>>, vector<1x16xf32>,
        %get3A_909 = vector.shape_cast %get3A_908 : vector<1x16xf32> to vector<16xf32>
        %add3A_910 = arith.addf %add3A_878, %get3A_909 : vector<16xf32>
        %add3A_911 = arith.constant 4 : i32
        %add3A_912 = arith.addi %add3A_847, %add3A_911 : i32
        %get3A_913 = arith.index_cast %add3A_912 : i32 to index
        %get3A_914 = arith.constant 0 : index
        %get3A_915 = tpu.vector_load %arg7[%get3A_913, %get3A_914] {strides = array<i32>} : memref<1600x32xf32, #tpu.memory_space<vmem>>, vector<1x16xf32>,
        %get3A_916 = vector.shape_cast %get3A_915 : vector<1x16xf32> to vector<16xf32>
        %add3A_917 = arith.addf %add3A_885, %get3A_916 : vector<16xf32>
        %add3A_918 = arith.constant 4 : i32
        %add3A_919 = arith.addi %add3A_847, %add3A_918 : i32
        %get3A_920 = arith.index_cast %add3A_919 : i32 to index
        %get3A_921 = arith.constant 16 : index
        %get3A_922 = tpu.vector_load %arg7[%get3A_920, %get3A_921] {strides = array<i32>} : memref<1600x32xf32, #tpu.memory_space<vmem>>, vector<1x16xf32>,
        %get3A_923 = vector.shape_cast %get3A_922 : vector<1x16xf32> to vector<16xf32>
        %add3A_924 = arith.addf %add3A_892, %get3A_923 : vector<16xf32>
        %add3A_925 = arith.constant 4 : i32
        %add3A_926 = arith.addi %add3A_847, %add3A_925 : i32
        %add3A_927 = arith.constant 1 : i32
        %add3A_928 = arith.addi %add3A_926, %add3A_927 : i32
        %get3A_929 = arith.index_cast %add3A_928 : i32 to index
        %get3A_930 = arith.constant 0 : index
        %get3A_931 = tpu.vector_load %arg7[%get3A_929, %get3A_930] {strides = array<i32>} : memref<1600x32xf32, #tpu.memory_space<vmem>>, vector<1x16xf32>,
        %get3A_932 = vector.shape_cast %get3A_931 : vector<1x16xf32> to vector<16xf32>
        %add3A_933 = arith.addf %add3A_901, %get3A_932 : vector<16xf32>
        %add3A_934 = arith.constant 4 : i32
        %add3A_935 = arith.addi %add3A_847, %add3A_934 : i32
        %add3A_936 = arith.constant 1 : i32
        %add3A_937 = arith.addi %add3A_935, %add3A_936 : i32
        %get3A_938 = arith.index_cast %add3A_937 : i32 to index
        %get3A_939 = arith.constant 16 : index
        %get3A_940 = tpu.vector_load %arg7[%get3A_938, %get3A_939] {strides = array<i32>} : memref<1600x32xf32, #tpu.memory_space<vmem>>, vector<1x16xf32>,
        %get3A_941 = vector.shape_cast %get3A_940 : vector<1x16xf32> to vector<16xf32>
        %add3A_942 = arith.addf %add3A_910, %get3A_941 : vector<16xf32>
        %add3A_943 = arith.constant 6 : i32
        %add3A_944 = arith.addi %add3A_847, %add3A_943 : i32
        %get3A_945 = arith.index_cast %add3A_944 : i32 to index
        %get3A_946 = arith.constant 0 : index
        %get3A_947 = tpu.vector_load %arg7[%get3A_945, %get3A_946] {strides = array<i32>} : memref<1600x32xf32, #tpu.memory_space<vmem>>, vector<1x16xf32>,
        %get3A_948 = vector.shape_cast %get3A_947 : vector<1x16xf32> to vector<16xf32>
        %add3A_949 = arith.addf %add3A_917, %get3A_948 : vector<16xf32>
        %add3A_950 = arith.constant 6 : i32
        %add3A_951 = arith.addi %add3A_847, %add3A_950 : i32
        %get3A_952 = arith.index_cast %add3A_951 : i32 to index
        %get3A_953 = arith.constant 16 : index
        %get3A_954 = tpu.vector_load %arg7[%get3A_952, %get3A_953] {strides = array<i32>} : memref<1600x32xf32, #tpu.memory_space<vmem>>, vector<1x16xf32>,
        %get3A_955 = vector.shape_cast %get3A_954 : vector<1x16xf32> to vector<16xf32>
        %add3A_956 = arith.addf %add3A_924, %get3A_955 : vector<16xf32>
        %add3A_957 = arith.constant 6 : i32
        %add3A_958 = arith.addi %add3A_847, %add3A_957 : i32
        %add3A_959 = arith.constant 1 : i32
        %add3A_960 = arith.addi %add3A_958, %add3A_959 : i32
        %get3A_961 = arith.index_cast %add3A_960 : i32 to index
        %get3A_962 = arith.constant 0 : index
        %get3A_963 = tpu.vector_load %arg7[%get3A_961, %get3A_962] {strides = array<i32>} : memref<1600x32xf32, #tpu.memory_space<vmem>>, vector<1x16xf32>,
        %get3A_964 = vector.shape_cast %get3A_963 : vector<1x16xf32> to vector<16xf32>
        %add3A_965 = arith.addf %add3A_933, %get3A_964 : vector<16xf32>
        %add3A_966 = arith.constant 6 : i32
        %add3A_967 = arith.addi %add3A_847, %add3A_966 : i32
        %add3A_968 = arith.constant 1 : i32
        %add3A_969 = arith.addi %add3A_967, %add3A_968 : i32
        %get3A_970 = arith.index_cast %add3A_969 : i32 to index
        %get3A_971 = arith.constant 16 : index
        %get3A_972 = tpu.vector_load %arg7[%get3A_970, %get3A_971] {strides = array<i32>} : memref<1600x32xf32, #tpu.memory_space<vmem>>, vector<1x16xf32>,
        %get3A_973 = vector.shape_cast %get3A_972 : vector<1x16xf32> to vector<16xf32>
        %add3A_974 = arith.addf %add3A_942, %get3A_973 : vector<16xf32>
        scf.yield %add3A_949, %add3A_956, %add3A_965, %add3A_974 : vector<16xf32>, vector<16xf32>, vector<16xf32>, vector<16xf32>
      }
      %scan3A_790 = arith.constant 25 : i32
      %add3A_791 = arith.addf %scan3A_789#0, %scan3A_789#2 : vector<16xf32>
      %mul3A_792 = arith.constant 5.000000e-03 : f32
      %mul3A_793 = vector.broadcast %mul3A_792 : f32 to vector<16xf32>
      %mul3A_794 = arith.mulf %add3A_791, %mul3A_793 : vector<16xf32>
      %swap3A_795 = arith.constant 6 : i32
      %swap3A_796 = arith.index_cast %swap3A_795 : i32 to index
      %swap3A_797 = arith.constant 0 : index
      %swap3A_798 = tpu.vector_load %arg8[%swap3A_796, %swap3A_797] {strides = array<i32>} : memref<8x32xf32, #tpu.memory_space<vmem>>, vector<1x16xf32>,
      %swap3A_799 = vector.shape_cast %swap3A_798 : vector<1x16xf32> to vector<16xf32>
      %swap3A_800 = vector.shape_cast %mul3A_794 : vector<16xf32> to vector<1x16xf32>
      tpu.vector_store %arg8[%swap3A_796, %swap3A_797], %swap3A_800 {strides = array<i32>} : memref<8x32xf32, #tpu.memory_space<vmem>>, vector<1x16xf32>,
      %add3A_801 = arith.addf %scan3A_789#1, %scan3A_789#3 : vector<16xf32>
      %mul3A_802 = arith.constant 5.000000e-03 : f32
      %mul3A_803 = vector.broadcast %mul3A_802 : f32 to vector<16xf32>
      %mul3A_804 = arith.mulf %add3A_801, %mul3A_803 : vector<16xf32>
      %swap3A_805 = arith.constant 6 : i32
      %swap3A_806 = arith.index_cast %swap3A_805 : i32 to index
      %swap3A_807 = arith.constant 16 : index
      %swap3A_808 = tpu.vector_load %arg8[%swap3A_806, %swap3A_807] {strides = array<i32>} : memref<8x32xf32, #tpu.memory_space<vmem>>, vector<1x16xf32>,
      %swap3A_809 = vector.shape_cast %swap3A_808 : vector<1x16xf32> to vector<16xf32>
      %swap3A_810 = vector.shape_cast %mul3A_804 : vector<16xf32> to vector<1x16xf32>
      tpu.vector_store %arg8[%swap3A_806, %swap3A_807], %swap3A_810 {strides = array<i32>} : memref<8x32xf32, #tpu.memory_space<vmem>>, vector<1x16xf32>,
      %broadcast_in_dim3A_811 = arith.constant 0.000000e+00 : f32
      %broadcast_in_dim3A_812 = vector.broadcast %broadcast_in_dim3A_811 : f32 to vector<16xf32>
      %scan3A_813 = arith.constant 0 : i32
      %scan3A_814 = arith.constant 25 : i32
      %scan3A_815 = arith.addi %scan3A_813, %scan3A_814 : i32
      %scan3A_816 = arith.constant 1 : i32
      %scan3A_817:4 = scf.for %scan3A_839 = %scan3A_813 to %scan3A_815 step %scan3A_816 iter_args(%scan3A_840 = %broadcast_in_dim3A_812, %scan3A_841 = %broadcast_in_dim3A_812, %scan3A_842 = %broadcast_in_dim3A_812, %scan3A_843 = %broadcast_in_dim3A_812) -> (vector<16xf32>, vector<16xf32>, vector<16xf32>, vector<16xf32>)  : i32 {
        %mul3A_844 = arith.constant 8 : i32
        %mul3A_845 = arith.muli %scan3A_839, %mul3A_844 : i32
        %add3A_846 = arith.constant 1400 : i32
        %add3A_847 = arith.addi %add3A_846, %mul3A_845 : i32
        %add3A_848 = arith.constant 0 : i32
        %add3A_849 = arith.addi %add3A_847, %add3A_848 : i32
        %get3A = arith.index_cast %add3A_849 : i32 to index
        %get3A_850 = arith.constant 0 : index
        %get3A_851 = tpu.vector_load %arg7[%get3A, %get3A_850] {strides = array<i32>} : memref<1600x32xf32, #tpu.memory_space<vmem>>, vector<1x16xf32>,
        %get3A_852 = vector.shape_cast %get3A_851 : vector<1x16xf32> to vector<16xf32>
        %add3A_853 = arith.addf %scan3A_840, %get3A_852 : vector<16xf32>
        %add3A_854 = arith.constant 0 : i32
        %add3A_855 = arith.addi %add3A_847, %add3A_854 : i32
        %get3A_856 = arith.index_cast %add3A_855 : i32 to index
        %get3A_857 = arith.constant 16 : index
        %get3A_858 = tpu.vector_load %arg7[%get3A_856, %get3A_857] {strides = array<i32>} : memref<1600x32xf32, #tpu.memory_space<vmem>>, vector<1x16xf32>,
        %get3A_859 = vector.shape_cast %get3A_858 : vector<1x16xf32> to vector<16xf32>
        %add3A_860 = arith.addf %scan3A_841, %get3A_859 : vector<16xf32>
        %add3A_861 = arith.constant 0 : i32
        %add3A_862 = arith.addi %add3A_847, %add3A_861 : i32
        %add3A_863 = arith.constant 1 : i32
        %add3A_864 = arith.addi %add3A_862, %add3A_863 : i32
        %get3A_865 = arith.index_cast %add3A_864 : i32 to index
        %get3A_866 = arith.constant 0 : index
        %get3A_867 = tpu.vector_load %arg7[%get3A_865, %get3A_866] {strides = array<i32>} : memref<1600x32xf32, #tpu.memory_space<vmem>>, vector<1x16xf32>,
        %get3A_868 = vector.shape_cast %get3A_867 : vector<1x16xf32> to vector<16xf32>
        %add3A_869 = arith.addf %scan3A_842, %get3A_868 : vector<16xf32>
        %add3A_870 = arith.constant 0 : i32
        %add3A_871 = arith.addi %add3A_847, %add3A_870 : i32
        %add3A_872 = arith.constant 1 : i32
        %add3A_873 = arith.addi %add3A_871, %add3A_872 : i32
        %get3A_874 = arith.index_cast %add3A_873 : i32 to index
        %get3A_875 = arith.constant 16 : index
        %get3A_876 = tpu.vector_load %arg7[%get3A_874, %get3A_875] {strides = array<i32>} : memref<1600x32xf32, #tpu.memory_space<vmem>>, vector<1x16xf32>,
        %get3A_877 = vector.shape_cast %get3A_876 : vector<1x16xf32> to vector<16xf32>
        %add3A_878 = arith.addf %scan3A_843, %get3A_877 : vector<16xf32>
        %add3A_879 = arith.constant 2 : i32
        %add3A_880 = arith.addi %add3A_847, %add3A_879 : i32
        %get3A_881 = arith.index_cast %add3A_880 : i32 to index
        %get3A_882 = arith.constant 0 : index
        %get3A_883 = tpu.vector_load %arg7[%get3A_881, %get3A_882] {strides = array<i32>} : memref<1600x32xf32, #tpu.memory_space<vmem>>, vector<1x16xf32>,
        %get3A_884 = vector.shape_cast %get3A_883 : vector<1x16xf32> to vector<16xf32>
        %add3A_885 = arith.addf %add3A_853, %get3A_884 : vector<16xf32>
        %add3A_886 = arith.constant 2 : i32
        %add3A_887 = arith.addi %add3A_847, %add3A_886 : i32
        %get3A_888 = arith.index_cast %add3A_887 : i32 to index
        %get3A_889 = arith.constant 16 : index
        %get3A_890 = tpu.vector_load %arg7[%get3A_888, %get3A_889] {strides = array<i32>} : memref<1600x32xf32, #tpu.memory_space<vmem>>, vector<1x16xf32>,
        %get3A_891 = vector.shape_cast %get3A_890 : vector<1x16xf32> to vector<16xf32>
        %add3A_892 = arith.addf %add3A_860, %get3A_891 : vector<16xf32>
        %add3A_893 = arith.constant 2 : i32
        %add3A_894 = arith.addi %add3A_847, %add3A_893 : i32
        %add3A_895 = arith.constant 1 : i32
        %add3A_896 = arith.addi %add3A_894, %add3A_895 : i32
        %get3A_897 = arith.index_cast %add3A_896 : i32 to index
        %get3A_898 = arith.constant 0 : index
        %get3A_899 = tpu.vector_load %arg7[%get3A_897, %get3A_898] {strides = array<i32>} : memref<1600x32xf32, #tpu.memory_space<vmem>>, vector<1x16xf32>,
        %get3A_900 = vector.shape_cast %get3A_899 : vector<1x16xf32> to vector<16xf32>
        %add3A_901 = arith.addf %add3A_869, %get3A_900 : vector<16xf32>
        %add3A_902 = arith.constant 2 : i32
        %add3A_903 = arith.addi %add3A_847, %add3A_902 : i32
        %add3A_904 = arith.constant 1 : i32
        %add3A_905 = arith.addi %add3A_903, %add3A_904 : i32
        %get3A_906 = arith.index_cast %add3A_905 : i32 to index
        %get3A_907 = arith.constant 16 : index
        %get3A_908 = tpu.vector_load %arg7[%get3A_906, %get3A_907] {strides = array<i32>} : memref<1600x32xf32, #tpu.memory_space<vmem>>, vector<1x16xf32>,
        %get3A_909 = vector.shape_cast %get3A_908 : vector<1x16xf32> to vector<16xf32>
        %add3A_910 = arith.addf %add3A_878, %get3A_909 : vector<16xf32>
        %add3A_911 = arith.constant 4 : i32
        %add3A_912 = arith.addi %add3A_847, %add3A_911 : i32
        %get3A_913 = arith.index_cast %add3A_912 : i32 to index
        %get3A_914 = arith.constant 0 : index
        %get3A_915 = tpu.vector_load %arg7[%get3A_913, %get3A_914] {strides = array<i32>} : memref<1600x32xf32, #tpu.memory_space<vmem>>, vector<1x16xf32>,
        %get3A_916 = vector.shape_cast %get3A_915 : vector<1x16xf32> to vector<16xf32>
        %add3A_917 = arith.addf %add3A_885, %get3A_916 : vector<16xf32>
        %add3A_918 = arith.constant 4 : i32
        %add3A_919 = arith.addi %add3A_847, %add3A_918 : i32
        %get3A_920 = arith.index_cast %add3A_919 : i32 to index
        %get3A_921 = arith.constant 16 : index
        %get3A_922 = tpu.vector_load %arg7[%get3A_920, %get3A_921] {strides = array<i32>} : memref<1600x32xf32, #tpu.memory_space<vmem>>, vector<1x16xf32>,
        %get3A_923 = vector.shape_cast %get3A_922 : vector<1x16xf32> to vector<16xf32>
        %add3A_924 = arith.addf %add3A_892, %get3A_923 : vector<16xf32>
        %add3A_925 = arith.constant 4 : i32
        %add3A_926 = arith.addi %add3A_847, %add3A_925 : i32
        %add3A_927 = arith.constant 1 : i32
        %add3A_928 = arith.addi %add3A_926, %add3A_927 : i32
        %get3A_929 = arith.index_cast %add3A_928 : i32 to index
        %get3A_930 = arith.constant 0 : index
        %get3A_931 = tpu.vector_load %arg7[%get3A_929, %get3A_930] {strides = array<i32>} : memref<1600x32xf32, #tpu.memory_space<vmem>>, vector<1x16xf32>,
        %get3A_932 = vector.shape_cast %get3A_931 : vector<1x16xf32> to vector<16xf32>
        %add3A_933 = arith.addf %add3A_901, %get3A_932 : vector<16xf32>
        %add3A_934 = arith.constant 4 : i32
        %add3A_935 = arith.addi %add3A_847, %add3A_934 : i32
        %add3A_936 = arith.constant 1 : i32
        %add3A_937 = arith.addi %add3A_935, %add3A_936 : i32
        %get3A_938 = arith.index_cast %add3A_937 : i32 to index
        %get3A_939 = arith.constant 16 : index
        %get3A_940 = tpu.vector_load %arg7[%get3A_938, %get3A_939] {strides = array<i32>} : memref<1600x32xf32, #tpu.memory_space<vmem>>, vector<1x16xf32>,
        %get3A_941 = vector.shape_cast %get3A_940 : vector<1x16xf32> to vector<16xf32>
        %add3A_942 = arith.addf %add3A_910, %get3A_941 : vector<16xf32>
        %add3A_943 = arith.constant 6 : i32
        %add3A_944 = arith.addi %add3A_847, %add3A_943 : i32
        %get3A_945 = arith.index_cast %add3A_944 : i32 to index
        %get3A_946 = arith.constant 0 : index
        %get3A_947 = tpu.vector_load %arg7[%get3A_945, %get3A_946] {strides = array<i32>} : memref<1600x32xf32, #tpu.memory_space<vmem>>, vector<1x16xf32>,
        %get3A_948 = vector.shape_cast %get3A_947 : vector<1x16xf32> to vector<16xf32>
        %add3A_949 = arith.addf %add3A_917, %get3A_948 : vector<16xf32>
        %add3A_950 = arith.constant 6 : i32
        %add3A_951 = arith.addi %add3A_847, %add3A_950 : i32
        %get3A_952 = arith.index_cast %add3A_951 : i32 to index
        %get3A_953 = arith.constant 16 : index
        %get3A_954 = tpu.vector_load %arg7[%get3A_952, %get3A_953] {strides = array<i32>} : memref<1600x32xf32, #tpu.memory_space<vmem>>, vector<1x16xf32>,
        %get3A_955 = vector.shape_cast %get3A_954 : vector<1x16xf32> to vector<16xf32>
        %add3A_956 = arith.addf %add3A_924, %get3A_955 : vector<16xf32>
        %add3A_957 = arith.constant 6 : i32
        %add3A_958 = arith.addi %add3A_847, %add3A_957 : i32
        %add3A_959 = arith.constant 1 : i32
        %add3A_960 = arith.addi %add3A_958, %add3A_959 : i32
        %get3A_961 = arith.index_cast %add3A_960 : i32 to index
        %get3A_962 = arith.constant 0 : index
        %get3A_963 = tpu.vector_load %arg7[%get3A_961, %get3A_962] {strides = array<i32>} : memref<1600x32xf32, #tpu.memory_space<vmem>>, vector<1x16xf32>,
        %get3A_964 = vector.shape_cast %get3A_963 : vector<1x16xf32> to vector<16xf32>
        %add3A_965 = arith.addf %add3A_933, %get3A_964 : vector<16xf32>
        %add3A_966 = arith.constant 6 : i32
        %add3A_967 = arith.addi %add3A_847, %add3A_966 : i32
        %add3A_968 = arith.constant 1 : i32
        %add3A_969 = arith.addi %add3A_967, %add3A_968 : i32
        %get3A_970 = arith.index_cast %add3A_969 : i32 to index
        %get3A_971 = arith.constant 16 : index
        %get3A_972 = tpu.vector_load %arg7[%get3A_970, %get3A_971] {strides = array<i32>} : memref<1600x32xf32, #tpu.memory_space<vmem>>, vector<1x16xf32>,
        %get3A_973 = vector.shape_cast %get3A_972 : vector<1x16xf32> to vector<16xf32>
        %add3A_974 = arith.addf %add3A_942, %get3A_973 : vector<16xf32>
        scf.yield %add3A_949, %add3A_956, %add3A_965, %add3A_974 : vector<16xf32>, vector<16xf32>, vector<16xf32>, vector<16xf32>
      }
      %scan3A_818 = arith.constant 25 : i32
      %add3A_819 = arith.addf %scan3A_817#0, %scan3A_817#2 : vector<16xf32>
      %mul3A_820 = arith.constant 5.000000e-03 : f32
      %mul3A_821 = vector.broadcast %mul3A_820 : f32 to vector<16xf32>
      %mul3A_822 = arith.mulf %add3A_819, %mul3A_821 : vector<16xf32>
      %swap3A_823 = arith.constant 7 : i32
      %swap3A_824 = arith.index_cast %swap3A_823 : i32 to index
      %swap3A_825 = arith.constant 0 : index
      %swap3A_826 = tpu.vector_load %arg8[%swap3A_824, %swap3A_825] {strides = array<i32>} : memref<8x32xf32, #tpu.memory_space<vmem>>, vector<1x16xf32>,
      %swap3A_827 = vector.shape_cast %swap3A_826 : vector<1x16xf32> to vector<16xf32>
      %swap3A_828 = vector.shape_cast %mul3A_822 : vector<16xf32> to vector<1x16xf32>
      tpu.vector_store %arg8[%swap3A_824, %swap3A_825], %swap3A_828 {strides = array<i32>} : memref<8x32xf32, #tpu.memory_space<vmem>>, vector<1x16xf32>,
      %add3A_829 = arith.addf %scan3A_817#1, %scan3A_817#3 : vector<16xf32>
      %mul3A_830 = arith.constant 5.000000e-03 : f32
      %mul3A_831 = vector.broadcast %mul3A_830 : f32 to vector<16xf32>
      %mul3A_832 = arith.mulf %add3A_829, %mul3A_831 : vector<16xf32>
      %swap3A_833 = arith.constant 7 : i32
      %swap3A_834 = arith.index_cast %swap3A_833 : i32 to index
      %swap3A_835 = arith.constant 16 : index
      %swap3A_836 = tpu.vector_load %arg8[%swap3A_834, %swap3A_835] {strides = array<i32>} : memref<8x32xf32, #tpu.memory_space<vmem>>, vector<1x16xf32>,
      %swap3A_837 = vector.shape_cast %swap3A_836 : vector<1x16xf32> to vector<16xf32>
      %swap3A_838 = vector.shape_cast %mul3A_832 : vector<16xf32> to vector<1x16xf32>
      tpu.vector_store %arg8[%swap3A_834, %swap3A_835], %swap3A_838 {strides = array<i32>} : memref<8x32xf32, #tpu.memory_space<vmem>>, vector<1x16xf32>,
      "tpu.region"() ({
        %run_scoped3A_839 = tpu.sem_alloc : memref<!tpu.dma_semaphore, #tpu.memory_space<semaphore_mem>>
        %dma_start3A_840 = arith.constant 0 : i32
        %dma_start3A_841 = tpu.memref_slice %arg4[%multiple_of3A_614, %dma_start3A_840] : memref<16384x32xf32, #tpu.memory_space<hbm>> -> memref<8x32xf32, #tpu.memory_space<hbm>>
        %dma_start3A_842 = arith.constant 0 : i32
        %dma_start3A_843 = tpu.memref_slice %arg4[%multiple_of3A_614, %dma_start3A_842] : memref<16384x32xf32, #tpu.memory_space<hbm>> -> memref<8x32xf32, #tpu.memory_space<hbm>>
        tpu.enqueue_dma source(%arg8 : memref<8x32xf32, #tpu.memory_space<vmem>>) target(%dma_start3A_843 : memref<8x32xf32, #tpu.memory_space<hbm>>) target_semaphore(%run_scoped3A_839 : memref<!tpu.dma_semaphore, #tpu.memory_space<semaphore_mem>>)
        %dma_wait3A_844 = arith.constant 0 : i32
        %dma_wait3A_845 = tpu.memref_slice %arg4[%multiple_of3A_614, %dma_wait3A_844] : memref<16384x32xf32, #tpu.memory_space<hbm>> -> memref<8x32xf32, #tpu.memory_space<hbm>>
        %dma_wait3A_846 = arith.constant 0 : i32
        %dma_wait3A_847 = tpu.memref_slice %arg4[%multiple_of3A_614, %dma_wait3A_846] : memref<16384x32xf32, #tpu.memory_space<hbm>> -> memref<8x32xf32, #tpu.memory_space<hbm>>
        tpu.wait_dma2 semaphore(%run_scoped3A_839 : memref<!tpu.dma_semaphore, #tpu.memory_space<semaphore_mem>>) src(%arg8 : memref<8x32xf32, #tpu.memory_space<vmem>>) dst(%dma_wait3A_847 : memref<8x32xf32, #tpu.memory_space<hbm>>)
        tpu.yield
      }) : () -> ()
    }
    %scan3A_183 = arith.constant 32 : i32
    return
  }
}

</mosaic_0001>

<sc_bundles>
// kernel: kernel.3.cloned.1.call-start
scs
__scs_entry_jumppad:
0x0: {  	(pc) =	sbr.rel $0x88, $3  }
0x1: {  	(tag) =	ssettag $0x0;
	lr =	simm.s32 $0x1  }
0x2: {  	[smem:$0x3F9F] =	sst lr;
	_ =	strace $0xD0000000  }
0x3: {  	_ = 	snop  }
0x4: {  	_ = 	snop  }
0x5: {  	_ = 	snop  }
0x6: {  	_ = 	snop  }
0x7: {  	_ = 	snop  }
__scs_overlays_trampoline_lowered:
0x8: {  	[smem:$0x3FAE] =	sst s0  }
0x9: {  	[smem:$0x3FAF] =	sst s1  }
0xa: {  	[smem:$0x3FB0] =	sst s2  }
0xb: {  	[smem:$0x3FB1] =	sst s3  }
0xc: {  	[smem:$0x3FB2] =	sst s4  }
0xd: {  	[smem:$0x3FB3] =	sst s5  }
0xe: {  	[smem:$0x3FB4] =	sst s6  }
0xf: {  	[smem:$0x3FB5] =	sst s7  }
0x10: {  	[smem:$0x3FB6] =	sst s8  }
0x11: {  	[smem:$0x3FB7] =	sst s9;
	s0 =	simm.s32 @!p0 $0x0  }
0x12: {  	s1 =	sld [smem:$0x3F9D];
	s0 =	simm.s32 @p0 $0x1  }
0x13: {  	[smem:$0x3FB8] =	sst s0;
	s0 =	simm.s32 @!p1 $0x0  }
0x14: {  	s2 =	sld [smem:$0x3F9C];
	s0 =	simm.s32 @p1 $0x1  }
0x15: {  	[smem:$0x3FB9] =	sst s0;
	s0 =	simm.s32 @!p2 $0x0  }
0x16: {  	s3 =	sld [smem:$0x3FDB];
	s0 =	simm.s32 @p2 $0x1  }
0x17: {  	s4 =	simm.s32 $0x1BF5;
	[smem:$0x3FBB] =	sst s0  }
0x18: {  	s0 =	sld [smem:$0x3F9E];
	_ =	swait.ge [sflag:s4], $0x0  }
0x19: {  	s7 =	sld [smem:$0x3F9F]  }
0x1a: {  	s8 =	sadd.s32 $0xFFFFE003, lr  }
0x1b: {  	s9 =	sadd.s32 $0xFFFFFEF7, lr;
	s5 =	simm.s32 $0xFFFFFFFF;
	p2 =	slt.u32 s8, $0xFFFFF086  }
0x1c: {  	p1 =	slt.u32 s9, $0xF7A;
	s5 =	simm.s32 @!p2 $0x0  }
0x1d: {  	s5 =	simm.s32 @p1 $0x1;
	p0 =	seq.s32 s7, s2  }
0x1e: {  	s7 =	smul.u32 @!p0 $0xF7A, s2;
	p2 =	seq.s32 @!p0 s5, $0x0  }
0x1f: {  	s9 =	smul.u32 $0xF7A, s1;
	s8 =	simm.s32 @!p0 $0x1BF5;
	p2 =	por !p2, p0  }
0x20: {  	[sflag:s8] =	ssyncset.s32 @!p0 $0xFFFFF086;
	s6 =	sadd.s32 @!p0 s3, s7;
	s7 =	simm.s32 @!p0 $0x108  }
0x21: {  	s3 =	sadd.s32 s3, s9;
	s6 =	sadd.s32 @!p0 $0x88, s6;
	s7 =	simm.s32 @p2 $0x1082  }
0x22: {  	[simem:s7], [sflag:s8] =	dma.local @!p0 [hbm:s6], $0xF7A  }
0x23: {  	s9 =	sor.u32 $0xD0000000, s2;
	s6 =	simm.s32 $0x108;
	_ =	swait.ge @!p0 [sflag:s8], $0x0  }
0x24: {  	s3 =	sadd.s32 $0x88, s3;
	s6 =	simm.s32 @!p1 $0x1082;
	[sflag:s4] =	ssyncset.s32 $0xFFFFF086  }
0x25: {  	[simem:s6], [sflag:s4] =	dma.local [hbm:s3], $0xF7A  }
0x26: {  	[smem:$0x3F9F] =	sst s1;
	(tag) =	ssettag s2;
	_ =	strace s9  }
0x27: {  	s1 =	sld [smem:$0x3FAF]  }
0x28: {  	s2 =	sld [smem:$0x3FB0]  }
0x29: {  	s4 =	sld [smem:$0x3FB2]  }
0x2a: {  	p0 =	seq.s32 s5, $0x0;
	s5 =	sld [smem:$0x3FB3]  }
0x2b: {  	s6 =	sld [smem:$0x3FB4]  }
0x2c: {  	s7 =	sld [smem:$0x3FB5]  }
0x2d: {  	s3 =	simm.s32 $0x108;
	s8 =	sld [smem:$0x3FB6]  }
0x2e: {  	s3 =	simm.s32 @!p0 $0x1082;
	s9 =	sld [smem:$0x3FB7]  }
0x2f: {  	lr =	sadd.s32 s0, s3;
	s0 =	sld [smem:$0x3FAE]  }
0x30: {  	s3 =	sld [smem:$0x3FB1]  }
0x31: {  	[smem:$0x3FBA] =	sst s10  }
0x32: {  	s10 =	sld [smem:$0x3FB8];
	_ =	sdelay $0x3  }
0x33: {  	p0 =	seq.s32 s10, $0x1;
	s10 =	sld [smem:$0x3FBA];
	_ =	sdelay $0x3  }
0x34: {  	[smem:$0x3FBA] =	sst s10  }
0x35: {  	s10 =	sld [smem:$0x3FB9];
	_ =	sdelay $0x3  }
0x36: {  	p1 =	seq.s32 s10, $0x1;
	s10 =	sld [smem:$0x3FBA];
	_ =	sdelay $0x3  }
0x37: {  	[smem:$0x3FBA] =	sst s10  }
0x38: {  	s10 =	sld [smem:$0x3FBB]  }
0x39: {  	_ = 	snop;
	(pc) =	sbr.ind lr, $3  }
0x3a: {  	_ = 	snop  }
0x3b: {  	_ = 	snop  }
0x3c: {  	p2 =	seq.s32 s10, $0x1;
	s10 =	sld [smem:$0x3FBA]  }
0x3d: {  	_ =	shalt  }
0x3e: {  	_ =	shalt  }
0x3f: {  	_ =	shalt  }
0x40: {  	_ =	shalt  }
0x41: {  	_ =	shalt  }
0x42: {  	_ =	shalt  }
0x43: {  	_ =	shalt  }
0x44: {  	_ =	shalt  }
0x45: {  	_ =	shalt  }
0x46: {  	_ =	shalt  }
0x47: {  	_ =	shalt  }
0x48: {  	_ =	shalt  }
0x49: {  	_ =	shalt  }
0x4a: {  	_ =	shalt  }
0x4b: {  	_ =	shalt  }
0x4c: {  	_ =	shalt  }
0x4d: {  	_ =	shalt  }
0x4e: {  	_ =	shalt  }
0x4f: {  	_ =	shalt  }
0x50: {  	_ =	shalt  }
0x51: {  	_ =	shalt  }
0x52: {  	_ =	shalt  }
0x53: {  	_ =	shalt  }
0x54: {  	_ =	shalt  }
0x55: {  	_ =	shalt  }
0x56: {  	_ =	shalt  }
0x57: {  	_ =	shalt  }
0x58: {  	_ =	shalt  }
0x59: {  	_ =	shalt  }
0x5a: {  	_ =	shalt  }
0x5b: {  	_ =	shalt  }
0x5c: {  	_ =	shalt  }
0x5d: {  	_ =	shalt  }
0x5e: {  	_ =	shalt  }
0x5f: {  	_ =	shalt  }
0x60: {  	_ =	shalt  }
0x61: {  	_ =	shalt  }
0x62: {  	_ =	shalt  }
0x63: {  	_ =	shalt  }
0x64: {  	_ =	shalt  }
0x65: {  	_ =	shalt  }
0x66: {  	_ =	shalt  }
0x67: {  	_ =	shalt  }
0x68: {  	_ =	shalt  }
0x69: {  	_ =	shalt  }
0x6a: {  	_ =	shalt  }
0x6b: {  	_ =	shalt  }
0x6c: {  	_ =	shalt  }
0x6d: {  	_ =	shalt  }
0x6e: {  	_ =	shalt  }
0x6f: {  	_ =	shalt  }
0x70: {  	_ =	shalt  }
0x71: {  	_ =	shalt  }
0x72: {  	_ =	shalt  }
0x73: {  	_ =	shalt  }
0x74: {  	_ =	shalt  }
0x75: {  	_ =	shalt  }
0x76: {  	_ =	shalt  }
0x77: {  	_ =	shalt  }
0x78: {  	_ =	shalt  }
0x79: {  	_ =	shalt  }
0x7a: {  	_ =	shalt  }
0x7b: {  	_ =	shalt  }
0x7c: {  	_ =	shalt  }
0x7d: {  	_ =	shalt  }
0x7e: {  	_ =	shalt  }
0x7f: {  	_ =	shalt  }
0x80: {  	_ =	shalt  }
0x81: {  	_ =	shalt  }
0x82: {  	_ =	shalt  }
0x83: {  	_ =	shalt  }
0x84: {  	_ =	shalt  }
0x85: {  	_ =	shalt  }
0x86: {  	_ =	shalt  }
0x87: {  	_ =	shalt  }
.Lfunc_end0:
.L_simem_size_0:
called_computation_lowered:
.L_overlay_start_0:
0x88: {  	s2 =	sld [smem:$0x3FD9]  }
0x89: {  	s3 =	sld [smem:$0x3FFE];
	_ =	sdelay $0x1  }
0x8a: {  	s1 =	srdreg.scid  }
0x8b: {  	s0 =	sand.u32 $0x1, s1  }
0x8c: {  	s17 =	sshll.u32 s0, $0xA;
	s2 =	sadd.s32 s3, s2  }
0x8d: {  	s2 =	sadd.s32 s2, s17  }
0x8e: {  	[smem:$0x3FC6] =	sst s2  }
0x8f: {  	_ = 	snop  }
0x90: {  	s2 =	sld [smem:$0x3FD0];
	(tm) =	ssettm $0x1  }
0x91: {  	s18 =	sld [smem:$0x3FFB];
	_ =	sdelay $0x3  }
0x92: {  	_ =	strace s18  }
0x93: {  	s3 =	sld [smem:$0x3FFC];
	_ =	sdelay $0x3  }
0x94: {  	_ =	strace s3  }
0x95: {  	s3 =	sld [smem:$0x3FFD];
	_ =	sdelay $0x3  }
0x96: {  	_ =	strace s3  }
0x97: {  	_ =	strace $0x8FFFFFFF  }
0x98: {  	s19 =	sld [smem:$0x3FDB];
	_ =	sdelay $0x1  }
0x99: {  	s4 =	simm.s32 $_scs_section_size  }
0x9a: {  	s5 =	simm.s32 $_size__tile_overlayer_lowered;
	s6 =	simm.s32 $_tile_overlayer_lowered  }
0x9b: {  	s22 =	simm.s32 $0x1BFF;
	s21 =	sshll.u32 s6, $0x1;
	s3 =	sadd.s32 s4, s19  }
0x9c: {  	s7 =	simm.s32 $0x0;
	s20 =	sshll.u32 s5, $0x1;
	s5 =	sadd.s32 s21, s3  }
0x9d: {  	[timem:s7], [sflag:s22] =	dma.local [hbm:s5], s20  }
0x9e: {  	_ =	swait.ge [sflag:s22], s20  }
0x9f: {  	s4 =	ssub.s32 $0x0, s20;
	[sflag:s22] =	ssyncset.done $0x0  }
0xa0: {  	[sflag:s22] =	ssyncadd.s32 s4;
	_ =	sdelay $0x1  }
0xa1: {  	s23 =	simm.s32 $0x1B8B  }
0xa2: {  	_ =	swait.ge [sflag:s23], $0x1  }
0xa3: {  	[sflag:s23] =	ssyncset.done $0x0  }
0xa4: {  	s25 =	simm.s32 $0x1B8E;
	s24 =	sld [smem:$0x3FFE];
	[sflag:s23] =	ssyncadd.s32 $0xFFFFFFFF  }
0xa5: {  	s26 =	simm.s32 $execute0_lowered;
	[smem:$0x3FD2] =	sst s25  }
0xa6: {  	s5 =	sshll.u32 s26, $0x1;
	_ =	strace $0x80000046;
	[dreg:$0x1] =	wrdreg $0xFFFFFFFF  }
0xa7: {  	s28 =	simm.s32 $_size_execute0_lowered;
	s3 =	sadd.s32 s3, s5;
	[dreg:$0x0] =	wrdreg $0x0  }
0xa8: {  	s5 =	sshll.u32 s28, $0x1;
	[dreg:$0x2] =	wrdreg s3  }
0xa9: {  	[dreg:$0x3] =	wrdreg s5  }
0xaa: {  	[dreg:$0x4] =	wrdreg $0xC0  }
0xab: {  	_ =	task [dreg:s7], $0x5FFFF  }
0xac: {  	[dreg:$0x1] =	wrdreg $0xFFFFFFFF  }
0xad: {  	[dreg:$0x0] =	wrdreg $0x60  }
0xae: {  	[dreg:$0x2] =	wrdreg s24  }
0xaf: {  	[dreg:$0x3] =	wrdreg s2  }
0xb0: {  	[dreg:$0x4] =	wrdreg $0x9  }
0xb1: {  	_ =	task.clear_ibuf [dreg:s7], $0x5FFFF;
	_ =	strace $0x90000046  }
0xb2: {  	s29 =	simm.s32 $0x9;
	_ =	strace $0x80000048  }
0xb3: {  	_ =	swait.ge [sflag:s29], $0x1  }
0xb4: {  	[sflag:s29] =	ssyncadd.s32 $0xFFFFFFFF  }
0xb5: {  	_ =	strace $0x90000048  }
0xb6: {  	_ =	sfence  }
0xb7: {  	s30 =	sld [smem:$0x0];
	_ =	sdelay $0x2  }
0xb8: {  	s31 =	sshll.u32 s1, $0xD;
	s1 =	sshrl.u32 s1, $0x2  }
0xb9: {  	s3 =	sand.u32 $0x4000, s31;
	s1 =	sadd.s32 s1, s30  }
0xba: {  	s0 =	sor.u32 s3, s0;
	s1 =	sshll.u32 s1, $0x11  }
0xbb: {  	s0 =	sor.u32 s1, s0  }
0xbc: {  	s0 =	sadd.s32 $0x8F2B, s0  }
0xbd: {  	[sflag:s0] =	ssyncadd.remote.s32 $0x1  }
0xbe: {  	_ =	sfence.sel $0xFFFF  }
0xbf: {  	[dreg:$0x0] =	wrdreg $0xFFFFFFFF;
	(pc) =	sbr.abs _section_cstart, $3  }
0xc0: {  	[dreg:$0x1] =	wrdreg $0xFFFFFFFF  }
0xc1: {  	_ =	task.clear_ibuf [dreg:s7], $0x2FFFF;
	_ =	strace $0x9FFFFFFF  }
0xc2: {  	(tm) =	ssettm $0x7FFFFFFF  }
0xc3: {  	_ =	shalt  }
tec
execute0_lowered:
.L_overlay_start_1:
0x0: {  	(tag) =	ssettag $0x1  }
0x1: {  	s0 =	rddreg [dreg:$0x0]  }
0x2: {  	s8 =	rddreg [dreg:$0x1];
	s1 =	srdreg.scid  }
0x3: {  	s3 =	simm.s32 $0x0;
	s2 =	stileid.u32;
	s11 =	simm.s32 $0x3  }
0x4: {  	s12 =	simm.s32 $0x68;
	s14 =	simm.s32 $0x60;
	s9 =	simm.s32 $0xA28  }
0x5: {  	s28 =	simm.s32 $0x15E80;
	s29 =	simm.s32 $0xAF0;
	s30 =	simm.s32 $0x16A80  }
0x6: {  	s31 =	simm.s32 $0xB58;
	s13 =	simm.s32 $0x18380;
	s15 =	simm.s32 $0xC20  }
0x7: {  	s16 =	simm.s32 $0x19080;
	s17 =	simm.s32 $0x1;
	s18 =	simm.s32 $0x19C80  }
0x8: {  	s19 =	simm.s32 $0x2;
	s20 =	simm.s32 $0x0;
	s1 =	sand.u32 $0x1, s1  }
0x9: {  	[smem:$0x7FF] =	sst s3;
	s2 =	sshll.u32 s2, $0xA;
	s5 =	sadd.s32 $0x600, s0  }
0xa: {  	s4 =	sshll.u32 s1, $0x9;
	_ =	strace $0x80000047;
	s1 =	ssub.s32 $0x2, s1  }
0xb: {  	s2 =	sor.u32 s4, s2;
	s4 =	sadd.s32 $0xF42A00, s0;
	s25 =	sshrl.u32 s1, $0x1  }
0xc: {  	s6 =	smul.u32 $0x19, s2;
	s7 =	sshll.u32 s2, $0x2;
	s0 =	ssub.s32 s1, s25  }
0xd: {  	s10 =	sor.u32 $0x8, s2;
	s25 =	simm.s32 $0x640;
	s1 =	simm.s32 $0xBB8  }
0xe: {  	s7 =	sadd.s32 s8, s7;
	s8 =	sor.u32 $0x10, s2;
	s0 =	smax.u32 s0, $0x1  }
0xf: {  	s2 =	simm.s32 $0x15180;
	s26 =	sadd.s32 s5, s6;
	[dreg:$0x4] =	wrdreg s0  }
0x10: {  	s0 =	simm.s32 $0x17780;
	[dreg:$0x3] =	wrdreg s26;
	s26 =	simm.s32 $0xA90  }
.LBB2_1:
0x11: {  	[dreg:$0x5] =	wrdreg s20  }
0x12: {  	s6 =	rddreg [dreg:$0x3]  }
0x13: {  	[tilespmem:s3], [sflag:$0x3] =	stream.linear.gather [hbm4b:s6+s3], $0x640, $0x38;
	[tilespmem:$0x19D80] =	vst v63  }
0x14: {  	_ =	swait.ge [sflag:s11], $0x640  }
0x15: {  	[sflag:s11] =	ssyncset.done $0x0  }
0x16: {  	s24 =	simm.s32 $0xC80;
	[sflag:s11] =	ssyncadd.s32 $0xFFFFF9C0  }
0x17: {  	[tilespmem:s24], [sflag:$0x1] =	stream.indirect.gather [hbm4b:s4+s12], $0x20, s3, s12, $0xb8;
	[tilespmem:$0x19D80] =	vst v63  }
0x18: {  	s20 =	simm.s32 $0x1980  }
0x19: {  	[tilespmem:s20], [sflag:$0x1] =	stream.indirect.gather [hbm4b:s4+s14], $0x20, s12, s14, $0xb8;
	[tilespmem:$0x19D80] =	vst v63  }
0x1a: {  	s21 =	simm.s32 $0xC8;
	s22 =	simm.s32 $0x2580  }
0x1b: {  	[tilespmem:s22], [sflag:$0x1] =	stream.indirect.gather [hbm4b:s4+s12], $0x20, s21, s12, $0xb8;
	[tilespmem:$0x19D80] =	vst v63  }
0x1c: {  	s23 =	simm.s32 $0x130;
	s24 =	simm.s32 $0x3280  }
0x1d: {  	[tilespmem:s24], [sflag:$0x1] =	stream.indirect.gather [hbm4b:s4+s14], $0x20, s23, s14, $0xb8;
	[tilespmem:$0x19D80] =	vst v63  }
0x1e: {  	s21 =	simm.s32 $0x190;
	s22 =	simm.s32 $0x3E80  }
0x1f: {  	[tilespmem:s22], [sflag:$0x1] =	stream.indirect.gather [hbm4b:s4+s12], $0x20, s21, s12, $0xb8;
	[tilespmem:$0x19D80] =	vst v63  }
0x20: {  	s23 =	simm.s32 $0x1F8;
	s24 =	simm.s32 $0x4B80  }
0x21: {  	[tilespmem:s24], [sflag:$0x1] =	stream.indirect.gather [hbm4b:s4+s14], $0x20, s23, s14, $0xb8;
	[tilespmem:$0x19D80] =	vst v63  }
0x22: {  	s21 =	simm.s32 $0x258;
	s22 =	simm.s32 $0x5780  }
0x23: {  	[tilespmem:s22], [sflag:$0x1] =	stream.indirect.gather [hbm4b:s4+s12], $0x20, s21, s12, $0xb8;
	[tilespmem:$0x19D80] =	vst v63  }
0x24: {  	s23 =	simm.s32 $0x2C0;
	s24 =	simm.s32 $0x6480  }
0x25: {  	[tilespmem:s24], [sflag:$0x1] =	stream.indirect.gather [hbm4b:s4+s14], $0x20, s23, s14, $0xb8;
	[tilespmem:$0x19D80] =	vst v63  }
0x26: {  	s21 =	simm.s32 $0x320;
	s22 =	simm.s32 $0x7080  }
0x27: {  	[tilespmem:s22], [sflag:$0x1] =	stream.indirect.gather [hbm4b:s4+s12], $0x20, s21, s12, $0xb8;
	[tilespmem:$0x19D80] =	vst v63  }
0x28: {  	s23 =	simm.s32 $0x388;
	s24 =	simm.s32 $0x7D80  }
0x29: {  	[tilespmem:s24], [sflag:$0x1] =	stream.indirect.gather [hbm4b:s4+s14], $0x20, s23, s14, $0xb8;
	[tilespmem:$0x19D80] =	vst v63  }
0x2a: {  	s21 =	simm.s32 $0x3E8;
	s22 =	simm.s32 $0x8980  }
0x2b: {  	[tilespmem:s22], [sflag:$0x1] =	stream.indirect.gather [hbm4b:s4+s12], $0x20, s21, s12, $0xb8;
	[tilespmem:$0x19D80] =	vst v63  }
0x2c: {  	s23 =	simm.s32 $0x450;
	s24 =	simm.s32 $0x9680  }
0x2d: {  	[tilespmem:s24], [sflag:$0x1] =	stream.indirect.gather [hbm4b:s4+s14], $0x20, s23, s14, $0xb8;
	[tilespmem:$0x19D80] =	vst v63  }
0x2e: {  	s21 =	simm.s32 $0x4B0;
	s22 =	simm.s32 $0xA280  }
0x2f: {  	[tilespmem:s22], [sflag:$0x1] =	stream.indirect.gather [hbm4b:s4+s12], $0x20, s21, s12, $0xb8;
	[tilespmem:$0x19D80] =	vst v63  }
0x30: {  	s23 =	simm.s32 $0x518;
	s24 =	simm.s32 $0xAF80  }
0x31: {  	[tilespmem:s24], [sflag:$0x1] =	stream.indirect.gather [hbm4b:s4+s14], $0x20, s23, s14, $0xb8;
	[tilespmem:$0x19D80] =	vst v63  }
0x32: {  	s21 =	simm.s32 $0x578;
	s22 =	simm.s32 $0xBB80  }
0x33: {  	[tilespmem:s22], [sflag:$0x1] =	stream.indirect.gather [hbm4b:s4+s12], $0x20, s21, s12, $0xb8;
	[tilespmem:$0x19D80] =	vst v63  }
0x34: {  	s20 =	simm.s32 $0x0;
	s23 =	simm.s32 $0x5E0;
	s24 =	simm.s32 $0xC880  }
0x35: {  	[tilespmem:s24], [sflag:$0x1] =	stream.indirect.gather [hbm4b:s4+s14], $0x20, s23, s14, $0xb8;
	[tilespmem:$0x19D80] =	vst v63  }
.LBB2_2:
0x36: {  	s22 =	sshll.u32 s20, $0x4  }
0x37: {  	s21 =	sor.u32 s10, s22  }
0x38: {  	s23 =	smul.u32 $0x19, s21;
	_ =	sdelay $0x1  }
0x39: {  	s24 =	simm.s32 $0x0;
	s23 =	sadd.s32 s5, s23  }
0x3a: {  	[tilespmem:s25], [sflag:$0x3] =	stream.linear.gather [hbm4b:s23+s24], $0x640, $0x38;
	[tilespmem:$0x19D80] =	vst v63  }
0x3b: {  	_ =	swait.ge [sflag:s11], $0x640  }
0x3c: {  	[sflag:s11] =	ssyncset.done $0x0  }
0x3d: {  	s6 =	simm.s32 $0xD480;
	[sflag:s11] =	ssyncadd.s32 $0xFFFFF9C0  }
0x3e: {  	[tilespmem:s6], [sflag:$0x2] =	stream.indirect.gather [hbm4b:s4+s12], $0x20, s25, s12, $0xb8;
	[tilespmem:$0x19D80] =	vst v63  }
0x3f: {  	s23 =	simm.s32 $0x6A8;
	s24 =	simm.s32 $0xE180  }
0x40: {  	[tilespmem:s24], [sflag:$0x2] =	stream.indirect.gather [hbm4b:s4+s14], $0x20, s23, s14, $0xb8;
	[tilespmem:$0x19D80] =	vst v63  }
0x41: {  	s23 =	simm.s32 $0x708;
	s24 =	simm.s32 $0xED80  }
0x42: {  	[tilespmem:s24], [sflag:$0x2] =	stream.indirect.gather [hbm4b:s4+s12], $0x20, s23, s12, $0xb8;
	[tilespmem:$0x19D80] =	vst v63  }
0x43: {  	s23 =	simm.s32 $0x770;
	s24 =	simm.s32 $0xFA80  }
0x44: {  	[tilespmem:s24], [sflag:$0x2] =	stream.indirect.gather [hbm4b:s4+s14], $0x20, s23, s14, $0xb8;
	[tilespmem:$0x19D80] =	vst v63  }
0x45: {  	s23 =	simm.s32 $0x7D0;
	s24 =	simm.s32 $0x10680  }
0x46: {  	[tilespmem:s24], [sflag:$0x2] =	stream.indirect.gather [hbm4b:s4+s12], $0x20, s23, s12, $0xb8;
	[tilespmem:$0x19D80] =	vst v63  }
0x47: {  	s23 =	simm.s32 $0x838;
	s24 =	simm.s32 $0x11380  }
0x48: {  	[tilespmem:s24], [sflag:$0x2] =	stream.indirect.gather [hbm4b:s4+s14], $0x20, s23, s14, $0xb8;
	[tilespmem:$0x19D80] =	vst v63  }
0x49: {  	s23 =	simm.s32 $0x898;
	s24 =	simm.s32 $0x11F80  }
0x4a: {  	[tilespmem:s24], [sflag:$0x2] =	stream.indirect.gather [hbm4b:s4+s12], $0x20, s23, s12, $0xb8;
	[tilespmem:$0x19D80] =	vst v63  }
0x4b: {  	s23 =	simm.s32 $0x900;
	s24 =	simm.s32 $0x12C80  }
0x4c: {  	[tilespmem:s24], [sflag:$0x2] =	stream.indirect.gather [hbm4b:s4+s14], $0x20, s23, s14, $0xb8;
	[tilespmem:$0x19D80] =	vst v63  }
0x4d: {  	s23 =	simm.s32 $0x960;
	s24 =	simm.s32 $0x13880  }
0x4e: {  	[tilespmem:s24], [sflag:$0x2] =	stream.indirect.gather [hbm4b:s4+s12], $0x20, s23, s12, $0xb8;
	[tilespmem:$0x19D80] =	vst v63  }
0x4f: {  	s23 =	simm.s32 $0x9C8;
	s24 =	simm.s32 $0x14580  }
0x50: {  	[tilespmem:s24], [sflag:$0x2] =	stream.indirect.gather [hbm4b:s4+s14], $0x20, s23, s14, $0xb8;
	[tilespmem:$0x19D80] =	vst v63  }
0x51: {  	_ = 	snop  }
0x52: {  	[tilespmem:s2], [sflag:$0x2] =	stream.indirect.gather [hbm4b:s4+s12], $0x20, s9, s12, $0xb8;
	[tilespmem:$0x19D80] =	vst v63  }
0x53: {  	_ = 	snop  }
0x54: {  	[tilespmem:s28], [sflag:$0x2] =	stream.indirect.gather [hbm4b:s4+s14], $0x20, s26, s14, $0xb8;
	[tilespmem:$0x19D80] =	vst v63  }
0x55: {  	_ = 	snop  }
0x56: {  	[tilespmem:s30], [sflag:$0x2] =	stream.indirect.gather [hbm4b:s4+s12], $0x20, s29, s12, $0xb8;
	[tilespmem:$0x19D80] =	vst v63  }
0x57: {  	_ = 	snop  }
0x58: {  	[tilespmem:s0], [sflag:$0x2] =	stream.indirect.gather [hbm4b:s4+s14], $0x20, s31, s14, $0xb8;
	[tilespmem:$0x19D80] =	vst v63  }
0x59: {  	_ = 	snop  }
0x5a: {  	[tilespmem:s13], [sflag:$0x2] =	stream.indirect.gather [hbm4b:s4+s12], $0x20, s1, s12, $0xb8;
	[tilespmem:$0x19D80] =	vst v63  }
0x5b: {  	_ = 	snop  }
0x5c: {  	[tilespmem:s16], [sflag:$0x2] =	stream.indirect.gather [hbm4b:s4+s14], $0x20, s15, s14, $0xb8;
	[tilespmem:$0x19D80] =	vst v63  }
0x5d: {  	_ =	swait.ge [sflag:s17], $0xC800  }
0x5e: {  	[sflag:s17] =	ssyncset.done $0x0  }
0x5f: {  	s23 =	simm.s32 $0x0;
	[sflag:s17] =	ssyncadd.s32 $0xFFFF3800  }
0x60: {  	v0 =	vld [tilespmem:s23+$0xD40]  }
0x61: {  	v1 =	vld [tilespmem:s23+$0xD50]  }
0x62: {  	v2 =	vld [tilespmem:s23+$0xD00]  }
0x63: {  	v3 =	vld [tilespmem:s23+$0xD10]  }
0x64: {  	v4 =	vld [tilespmem:s23+$0xCC0]  }
0x65: {  	v5 =	vld [tilespmem:s23+$0xCD0]  }
0x66: {  	v10 =	vld [tilespmem:s23+$0xC80]  }
0x67: {  	v6 =	vimm.f32 $0.0e+00;
	v11 =	vld [tilespmem:s23+$0xC90]  }
0x68: {  	v7 =	vimm.f32 $0.0e+00;
	v9 =	vimm.f32 $0.0e+00;
	v8 =	vimm.f32 $0.0e+00;
	s24 =	simm.s32 $0x400;
	v12 =	vld [tilespmem:s23+$0xCA0]  }
.LBB2_3:
0x69: {  	p0 =	sne.s32 s24, $0x6000;
	v13 =	vld [tilespmem:s23+$0xCB0]  }
0x6a: {  	v14 =	vld [tilespmem:s23+$0xCE0]  }
0x6b: {  	v15 =	vld [tilespmem:s23+$0xCF0]  }
0x6c: {  	v16 =	vld [tilespmem:s23+$0xD20]  }
0x6d: {  	v6 =	vadd.f32 v10, v6;
	v7 =	vadd.f32 v11, v7;
	v10 =	vld [tilespmem:s23+$0xD30]  }
0x6e: {  	v9 =	vadd.f32 v12, v9;
	v8 =	vadd.f32 v13, v8;
	v11 =	vld [tilespmem:s23+$0xD60]  }
0x6f: {  	v4 =	vadd.f32 v4, v6;
	v5 =	vadd.f32 v5, v7;
	v12 =	vld [tilespmem:s23+$0xD70];
	s23 =	sshra.s32 s24, $0x2  }
0x70: {  	v6 =	vadd.f32 v14, v9;
	v13 =	vld [tilespmem:s23+$0xD40];
	v7 =	vadd.f32 v15, v8  }
0x71: {  	v4 =	vadd.f32 v2, v4;
	v5 =	vadd.f32 v3, v5;
	v14 =	vld [tilespmem:s23+$0xD50]  }
0x72: {  	v8 =	vadd.f32 v16, v6;
	v2 =	vld [tilespmem:s23+$0xD00];
	v10 =	vadd.f32 v10, v7  }
0x73: {  	v6 =	vadd.f32 v0, v4;
	v7 =	vadd.f32 v1, v5;
	v3 =	vld [tilespmem:s23+$0xD10]  }
.Ltmp0:
0x74: {  	v9 =	vadd.f32 v11, v8;
	v4 =	vld [tilespmem:s23+$0xCC0];
	v8 =	vadd.f32 v12, v10;
	(pc) =	sbr.rel @p0 .LBB2_3-.Ltmp0, $4  }
0x75: {  	v5 =	vld [tilespmem:s23+$0xCD0];
	v0 =	vmov v13  }
0x76: {  	v10 =	vld [tilespmem:s23+$0xC80];
	v1 =	vmov v14  }
0x77: {  	v11 =	vld [tilespmem:s23+$0xC90]  }
0x78: {  	s24 =	sadd.s32 $0x400, s24;
	v12 =	vld [tilespmem:s23+$0xCA0]  }
0x79: {  	v13 =	vld [tilespmem:s23+$0xCB0]  }
0x7a: {  	v14 =	vld [tilespmem:s23+$0xCE0]  }
0x7b: {  	v15 =	vld [tilespmem:s23+$0xCF0]  }
0x7c: {  	v16 =	vld [tilespmem:s23+$0xD20]  }
0x7d: {  	v6 =	vadd.f32 v10, v6;
	v10 =	vld [tilespmem:s23+$0xD30];
	v9 =	vadd.f32 v12, v9  }
0x7e: {  	v7 =	vadd.f32 v11, v7;
	v11 =	vld [tilespmem:s23+$0xD60];
	v8 =	vadd.f32 v13, v8  }
0x7f: {  	v4 =	vadd.f32 v4, v6;
	v6 =	vld [tilespmem:s23+$0xD70];
	v9 =	vadd.f32 v14, v9  }
0x80: {  	v5 =	vadd.f32 v5, v7;
	v7 =	vadd.f32 v15, v8  }
0x81: {  	v2 =	vadd.f32 v2, v4;
	v4 =	vadd.f32 v16, v9  }
0x82: {  	v3 =	vadd.f32 v3, v5;
	v5 =	vadd.f32 v10, v7  }
0x83: {  	v0 =	vadd.f32 v0, v2;
	v2 =	vadd.f32 v11, v4  }
0x84: {  	v1 =	vadd.f32 v1, v3;
	v3 =	vadd.f32 v6, v5  }
0x85: {  	v0 =	vadd.f32 v2, v0  }
0x86: {  	v1 =	vadd.f32 v3, v1  }
0x87: {  	v0 =	vmul.f32 $4.999999890e-03, v0  }
0x88: {  	v1 =	vmul.f32 $4.999999890e-03, v1  }
0x89: {  	[tilespmem:$0x19C80] =	vst v0  }
0x8a: {  	s23 =	simm.s32 $0x0;
	[tilespmem:$0x19C90] =	vst v1  }
0x8b: {  	v0 =	vld [tilespmem:s23+$0x2640]  }
0x8c: {  	v1 =	vld [tilespmem:s23+$0x2650]  }
0x8d: {  	v2 =	vld [tilespmem:s23+$0x2600]  }
0x8e: {  	v3 =	vld [tilespmem:s23+$0x2610]  }
0x8f: {  	v4 =	vld [tilespmem:s23+$0x25C0]  }
0x90: {  	v5 =	vld [tilespmem:s23+$0x25D0]  }
0x91: {  	v10 =	vld [tilespmem:s23+$0x2580]  }
0x92: {  	v8 =	vimm.f32 $0.0e+00;
	v11 =	vld [tilespmem:s23+$0x2590]  }
0x93: {  	s24 =	simm.s32 $0x400;
	v9 =	vimm.f32 $0.0e+00;
	v7 =	vimm.f32 $0.0e+00;
	v6 =	vimm.f32 $0.0e+00;
	v12 =	vld [tilespmem:s23+$0x25A0]  }
.LBB2_5:
0x94: {  	p0 =	sne.s32 s24, $0x6000;
	v13 =	vld [tilespmem:s23+$0x25B0]  }
0x95: {  	v14 =	vld [tilespmem:s23+$0x25E0]  }
0x96: {  	v15 =	vld [tilespmem:s23+$0x25F0]  }
0x97: {  	v16 =	vld [tilespmem:s23+$0x2620]  }
0x98: {  	v6 =	vadd.f32 v10, v6;
	v7 =	vadd.f32 v11, v7;
	v10 =	vld [tilespmem:s23+$0x2630]  }
0x99: {  	v9 =	vadd.f32 v12, v9;
	v8 =	vadd.f32 v13, v8;
	v11 =	vld [tilespmem:s23+$0x2660]  }
0x9a: {  	v4 =	vadd.f32 v4, v6;
	v5 =	vadd.f32 v5, v7;
	v12 =	vld [tilespmem:s23+$0x2670];
	s23 =	sshra.s32 s24, $0x2  }
0x9b: {  	v6 =	vadd.f32 v14, v9;
	v13 =	vld [tilespmem:s23+$0x2640];
	v7 =	vadd.f32 v15, v8  }
0x9c: {  	v4 =	vadd.f32 v2, v4;
	v5 =	vadd.f32 v3, v5;
	v14 =	vld [tilespmem:s23+$0x2650]  }
0x9d: {  	v8 =	vadd.f32 v16, v6;
	v2 =	vld [tilespmem:s23+$0x2600];
	v10 =	vadd.f32 v10, v7  }
0x9e: {  	v6 =	vadd.f32 v0, v4;
	v7 =	vadd.f32 v1, v5;
	v3 =	vld [tilespmem:s23+$0x2610]  }
.Ltmp1:
0x9f: {  	v9 =	vadd.f32 v11, v8;
	v4 =	vld [tilespmem:s23+$0x25C0];
	v8 =	vadd.f32 v12, v10;
	(pc) =	sbr.rel @p0 .LBB2_5-.Ltmp1, $4  }
0xa0: {  	v5 =	vld [tilespmem:s23+$0x25D0];
	v0 =	vmov v13  }
0xa1: {  	v10 =	vld [tilespmem:s23+$0x2580];
	v1 =	vmov v14  }
0xa2: {  	v11 =	vld [tilespmem:s23+$0x2590]  }
0xa3: {  	s24 =	sadd.s32 $0x400, s24;
	v12 =	vld [tilespmem:s23+$0x25A0]  }
0xa4: {  	v13 =	vld [tilespmem:s23+$0x25B0]  }
0xa5: {  	v14 =	vld [tilespmem:s23+$0x25E0]  }
0xa6: {  	v15 =	vld [tilespmem:s23+$0x25F0]  }
0xa7: {  	v16 =	vld [tilespmem:s23+$0x2620]  }
0xa8: {  	v6 =	vadd.f32 v10, v6;
	v10 =	vld [tilespmem:s23+$0x2630];
	v9 =	vadd.f32 v12, v9  }
0xa9: {  	v7 =	vadd.f32 v11, v7;
	v11 =	vld [tilespmem:s23+$0x2660];
	v8 =	vadd.f32 v13, v8  }
0xaa: {  	v4 =	vadd.f32 v4, v6;
	v6 =	vld [tilespmem:s23+$0x2670];
	v9 =	vadd.f32 v14, v9  }
0xab: {  	v5 =	vadd.f32 v5, v7;
	v7 =	vadd.f32 v15, v8  }
0xac: {  	v2 =	vadd.f32 v2, v4;
	v4 =	vadd.f32 v16, v9  }
0xad: {  	v3 =	vadd.f32 v3, v5;
	v5 =	vadd.f32 v10, v7  }
0xae: {  	v0 =	vadd.f32 v0, v2;
	v2 =	vadd.f32 v11, v4  }
0xaf: {  	v1 =	vadd.f32 v1, v3;
	v3 =	vadd.f32 v6, v5  }
0xb0: {  	v0 =	vadd.f32 v2, v0  }
0xb1: {  	v1 =	vadd.f32 v3, v1  }
0xb2: {  	v0 =	vmul.f32 $4.999999890e-03, v0  }
0xb3: {  	v1 =	vmul.f32 $4.999999890e-03, v1  }
0xb4: {  	[tilespmem:$0x19CA0] =	vst v0  }
0xb5: {  	s23 =	simm.s32 $0x0;
	[tilespmem:$0x19CB0] =	vst v1  }
0xb6: {  	v0 =	vld [tilespmem:s23+$0x3F40]  }
0xb7: {  	v1 =	vld [tilespmem:s23+$0x3F50]  }
0xb8: {  	v2 =	vld [tilespmem:s23+$0x3F00]  }
0xb9: {  	v3 =	vld [tilespmem:s23+$0x3F10]  }
0xba: {  	v4 =	vld [tilespmem:s23+$0x3EC0]  }
0xbb: {  	v5 =	vld [tilespmem:s23+$0x3ED0]  }
0xbc: {  	v10 =	vld [tilespmem:s23+$0x3E80]  }
0xbd: {  	v8 =	vimm.f32 $0.0e+00;
	v11 =	vld [tilespmem:s23+$0x3E90]  }
0xbe: {  	s24 =	simm.s32 $0x400;
	v9 =	vimm.f32 $0.0e+00;
	v7 =	vimm.f32 $0.0e+00;
	v6 =	vimm.f32 $0.0e+00;
	v12 =	vld [tilespmem:s23+$0x3EA0]  }
.LBB2_7:
0xbf: {  	p0 =	sne.s32 s24, $0x6000;
	v13 =	vld [tilespmem:s23+$0x3EB0]  }
0xc0: {  	v14 =	vld [tilespmem:s23+$0x3EE0]  }
0xc1: {  	v15 =	vld [tilespmem:s23+$0x3EF0]  }
0xc2: {  	v16 =	vld [tilespmem:s23+$0x3F20]  }
0xc3: {  	v6 =	vadd.f32 v10, v6;
	v7 =	vadd.f32 v11, v7;
	v10 =	vld [tilespmem:s23+$0x3F30]  }
0xc4: {  	v9 =	vadd.f32 v12, v9;
	v8 =	vadd.f32 v13, v8;
	v11 =	vld [tilespmem:s23+$0x3F60]  }
0xc5: {  	v4 =	vadd.f32 v4, v6;
	v5 =	vadd.f32 v5, v7;
	v12 =	vld [tilespmem:s23+$0x3F70];
	s23 =	sshra.s32 s24, $0x2  }
0xc6: {  	v6 =	vadd.f32 v14, v9;
	v13 =	vld [tilespmem:s23+$0x3F40];
	v7 =	vadd.f32 v15, v8  }
0xc7: {  	v4 =	vadd.f32 v2, v4;
	v5 =	vadd.f32 v3, v5;
	v14 =	vld [tilespmem:s23+$0x3F50]  }
0xc8: {  	v8 =	vadd.f32 v16, v6;
	v2 =	vld [tilespmem:s23+$0x3F00];
	v10 =	vadd.f32 v10, v7  }
0xc9: {  	v6 =	vadd.f32 v0, v4;
	v7 =	vadd.f32 v1, v5;
	v3 =	vld [tilespmem:s23+$0x3F10]  }
.Ltmp2:
0xca: {  	v9 =	vadd.f32 v11, v8;
	v4 =	vld [tilespmem:s23+$0x3EC0];
	v8 =	vadd.f32 v12, v10;
	(pc) =	sbr.rel @p0 .LBB2_7-.Ltmp2, $4  }
0xcb: {  	v5 =	vld [tilespmem:s23+$0x3ED0];
	v0 =	vmov v13  }
0xcc: {  	v10 =	vld [tilespmem:s23+$0x3E80];
	v1 =	vmov v14  }
0xcd: {  	v11 =	vld [tilespmem:s23+$0x3E90]  }
0xce: {  	s24 =	sadd.s32 $0x400, s24;
	v12 =	vld [tilespmem:s23+$0x3EA0]  }
0xcf: {  	v13 =	vld [tilespmem:s23+$0x3EB0]  }
0xd0: {  	v14 =	vld [tilespmem:s23+$0x3EE0]  }
0xd1: {  	v15 =	vld [tilespmem:s23+$0x3EF0]  }
0xd2: {  	v16 =	vld [tilespmem:s23+$0x3F20]  }
0xd3: {  	v6 =	vadd.f32 v10, v6;
	v10 =	vld [tilespmem:s23+$0x3F30];
	v9 =	vadd.f32 v12, v9  }
0xd4: {  	v7 =	vadd.f32 v11, v7;
	v11 =	vld [tilespmem:s23+$0x3F60];
	v8 =	vadd.f32 v13, v8  }
0xd5: {  	v4 =	vadd.f32 v4, v6;
	v6 =	vld [tilespmem:s23+$0x3F70];
	v9 =	vadd.f32 v14, v9  }
0xd6: {  	v5 =	vadd.f32 v5, v7;
	v7 =	vadd.f32 v15, v8  }
0xd7: {  	v2 =	vadd.f32 v2, v4;
	v4 =	vadd.f32 v16, v9  }
0xd8: {  	v3 =	vadd.f32 v3, v5;
	v5 =	vadd.f32 v10, v7  }
0xd9: {  	v0 =	vadd.f32 v0, v2;
	v2 =	vadd.f32 v11, v4  }
0xda: {  	v1 =	vadd.f32 v1, v3;
	v3 =	vadd.f32 v6, v5  }
0xdb: {  	v0 =	vadd.f32 v2, v0  }
0xdc: {  	v1 =	vadd.f32 v3, v1  }
0xdd: {  	v0 =	vmul.f32 $4.999999890e-03, v0  }
0xde: {  	v1 =	vmul.f32 $4.999999890e-03, v1  }
0xdf: {  	[tilespmem:$0x19CC0] =	vst v0  }
0xe0: {  	s23 =	simm.s32 $0x0;
	[tilespmem:$0x19CD0] =	vst v1  }
0xe1: {  	v0 =	vld [tilespmem:s23+$0x5840]  }
0xe2: {  	v1 =	vld [tilespmem:s23+$0x5850]  }
0xe3: {  	v2 =	vld [tilespmem:s23+$0x5800]  }
0xe4: {  	v3 =	vld [tilespmem:s23+$0x5810]  }
0xe5: {  	v4 =	vld [tilespmem:s23+$0x57C0]  }
0xe6: {  	v5 =	vld [tilespmem:s23+$0x57D0]  }
0xe7: {  	v10 =	vld [tilespmem:s23+$0x5780]  }
0xe8: {  	v8 =	vimm.f32 $0.0e+00;
	v11 =	vld [tilespmem:s23+$0x5790]  }
0xe9: {  	s24 =	simm.s32 $0x400;
	v9 =	vimm.f32 $0.0e+00;
	v7 =	vimm.f32 $0.0e+00;
	v6 =	vimm.f32 $0.0e+00;
	v12 =	vld [tilespmem:s23+$0x57A0]  }
.LBB2_9:
0xea: {  	p0 =	sne.s32 s24, $0x6000;
	v13 =	vld [tilespmem:s23+$0x57B0]  }
0xeb: {  	v14 =	vld [tilespmem:s23+$0x57E0]  }
0xec: {  	v15 =	vld [tilespmem:s23+$0x57F0]  }
0xed: {  	v16 =	vld [tilespmem:s23+$0x5820]  }
0xee: {  	v6 =	vadd.f32 v10, v6;
	v7 =	vadd.f32 v11, v7;
	v10 =	vld [tilespmem:s23+$0x5830]  }
0xef: {  	v9 =	vadd.f32 v12, v9;
	v8 =	vadd.f32 v13, v8;
	v11 =	vld [tilespmem:s23+$0x5860]  }
0xf0: {  	v4 =	vadd.f32 v4, v6;
	v5 =	vadd.f32 v5, v7;
	v12 =	vld [tilespmem:s23+$0x5870];
	s23 =	sshra.s32 s24, $0x2  }
0xf1: {  	v6 =	vadd.f32 v14, v9;
	v13 =	vld [tilespmem:s23+$0x5840];
	v7 =	vadd.f32 v15, v8  }
0xf2: {  	v4 =	vadd.f32 v2, v4;
	v5 =	vadd.f32 v3, v5;
	v14 =	vld [tilespmem:s23+$0x5850]  }
0xf3: {  	v8 =	vadd.f32 v16, v6;
	v2 =	vld [tilespmem:s23+$0x5800];
	v10 =	vadd.f32 v10, v7  }
0xf4: {  	v6 =	vadd.f32 v0, v4;
	v7 =	vadd.f32 v1, v5;
	v3 =	vld [tilespmem:s23+$0x5810]  }
.Ltmp3:
0xf5: {  	v9 =	vadd.f32 v11, v8;
	v4 =	vld [tilespmem:s23+$0x57C0];
	v8 =	vadd.f32 v12, v10;
	(pc) =	sbr.rel @p0 .LBB2_9-.Ltmp3, $4  }
0xf6: {  	v5 =	vld [tilespmem:s23+$0x57D0];
	v0 =	vmov v13  }
0xf7: {  	v10 =	vld [tilespmem:s23+$0x5780];
	v1 =	vmov v14  }
0xf8: {  	v11 =	vld [tilespmem:s23+$0x5790]  }
0xf9: {  	s24 =	sadd.s32 $0x400, s24;
	v12 =	vld [tilespmem:s23+$0x57A0]  }
0xfa: {  	v13 =	vld [tilespmem:s23+$0x57B0]  }
0xfb: {  	v14 =	vld [tilespmem:s23+$0x57E0]  }
0xfc: {  	v15 =	vld [tilespmem:s23+$0x57F0]  }
0xfd: {  	v16 =	vld [tilespmem:s23+$0x5820]  }
0xfe: {  	v6 =	vadd.f32 v10, v6;
	v10 =	vld [tilespmem:s23+$0x5830];
	v9 =	vadd.f32 v12, v9  }
0xff: {  	v7 =	vadd.f32 v11, v7;
	v11 =	vld [tilespmem:s23+$0x5860];
	v8 =	vadd.f32 v13, v8  }
0x100: {  	v4 =	vadd.f32 v4, v6;
	v6 =	vld [tilespmem:s23+$0x5870];
	v9 =	vadd.f32 v14, v9  }
0x101: {  	v5 =	vadd.f32 v5, v7;
	v7 =	vadd.f32 v15, v8  }
0x102: {  	v2 =	vadd.f32 v2, v4;
	v4 =	vadd.f32 v16, v9  }
0x103: {  	v3 =	vadd.f32 v3, v5;
	v5 =	vadd.f32 v10, v7  }
0x104: {  	v0 =	vadd.f32 v0, v2;
	v2 =	vadd.f32 v11, v4  }
0x105: {  	v1 =	vadd.f32 v1, v3;
	v3 =	vadd.f32 v6, v5  }
0x106: {  	v0 =	vadd.f32 v2, v0  }
0x107: {  	v1 =	vadd.f32 v3, v1  }
0x108: {  	v0 =	vmul.f32 $4.999999890e-03, v0  }
0x109: {  	v1 =	vmul.f32 $4.999999890e-03, v1  }
0x10a: {  	[tilespmem:$0x19CE0] =	vst v0  }
0x10b: {  	s23 =	simm.s32 $0x0;
	[tilespmem:$0x19CF0] =	vst v1  }
0x10c: {  	v0 =	vld [tilespmem:s23+$0x7140]  }
0x10d: {  	v1 =	vld [tilespmem:s23+$0x7150]  }
0x10e: {  	v2 =	vld [tilespmem:s23+$0x7100]  }
0x10f: {  	v3 =	vld [tilespmem:s23+$0x7110]  }
0x110: {  	v4 =	vld [tilespmem:s23+$0x70C0]  }
0x111: {  	v5 =	vld [tilespmem:s23+$0x70D0]  }
0x112: {  	v10 =	vld [tilespmem:s23+$0x7080]  }
0x113: {  	v8 =	vimm.f32 $0.0e+00;
	v11 =	vld [tilespmem:s23+$0x7090]  }
0x114: {  	s24 =	simm.s32 $0x400;
	v9 =	vimm.f32 $0.0e+00;
	v7 =	vimm.f32 $0.0e+00;
	v6 =	vimm.f32 $0.0e+00;
	v12 =	vld [tilespmem:s23+$0x70A0]  }
.LBB2_11:
0x115: {  	p0 =	sne.s32 s24, $0x6000;
	v13 =	vld [tilespmem:s23+$0x70B0]  }
0x116: {  	v14 =	vld [tilespmem:s23+$0x70E0]  }
0x117: {  	v15 =	vld [tilespmem:s23+$0x70F0]  }
0x118: {  	v16 =	vld [tilespmem:s23+$0x7120]  }
0x119: {  	v6 =	vadd.f32 v10, v6;
	v7 =	vadd.f32 v11, v7;
	v10 =	vld [tilespmem:s23+$0x7130]  }
0x11a: {  	v9 =	vadd.f32 v12, v9;
	v8 =	vadd.f32 v13, v8;
	v11 =	vld [tilespmem:s23+$0x7160]  }
0x11b: {  	v4 =	vadd.f32 v4, v6;
	v5 =	vadd.f32 v5, v7;
	v12 =	vld [tilespmem:s23+$0x7170];
	s23 =	sshra.s32 s24, $0x2  }
0x11c: {  	v6 =	vadd.f32 v14, v9;
	v13 =	vld [tilespmem:s23+$0x7140];
	v7 =	vadd.f32 v15, v8  }
0x11d: {  	v4 =	vadd.f32 v2, v4;
	v5 =	vadd.f32 v3, v5;
	v14 =	vld [tilespmem:s23+$0x7150]  }
0x11e: {  	v8 =	vadd.f32 v16, v6;
	v2 =	vld [tilespmem:s23+$0x7100];
	v10 =	vadd.f32 v10, v7  }
0x11f: {  	v6 =	vadd.f32 v0, v4;
	v7 =	vadd.f32 v1, v5;
	v3 =	vld [tilespmem:s23+$0x7110]  }
.Ltmp4:
0x120: {  	v9 =	vadd.f32 v11, v8;
	v4 =	vld [tilespmem:s23+$0x70C0];
	v8 =	vadd.f32 v12, v10;
	(pc) =	sbr.rel @p0 .LBB2_11-.Ltmp4, $4  }
0x121: {  	v5 =	vld [tilespmem:s23+$0x70D0];
	v0 =	vmov v13  }
0x122: {  	v10 =	vld [tilespmem:s23+$0x7080];
	v1 =	vmov v14  }
0x123: {  	v11 =	vld [tilespmem:s23+$0x7090]  }
0x124: {  	s24 =	sadd.s32 $0x400, s24;
	v12 =	vld [tilespmem:s23+$0x70A0]  }
0x125: {  	v13 =	vld [tilespmem:s23+$0x70B0]  }
0x126: {  	v14 =	vld [tilespmem:s23+$0x70E0]  }
0x127: {  	v15 =	vld [tilespmem:s23+$0x70F0]  }
0x128: {  	v16 =	vld [tilespmem:s23+$0x7120]  }
0x129: {  	v6 =	vadd.f32 v10, v6;
	v10 =	vld [tilespmem:s23+$0x7130];
	v9 =	vadd.f32 v12, v9  }
0x12a: {  	v7 =	vadd.f32 v11, v7;
	v11 =	vld [tilespmem:s23+$0x7160];
	v8 =	vadd.f32 v13, v8  }
0x12b: {  	v4 =	vadd.f32 v4, v6;
	v6 =	vld [tilespmem:s23+$0x7170];
	v9 =	vadd.f32 v14, v9  }
0x12c: {  	v5 =	vadd.f32 v5, v7;
	v7 =	vadd.f32 v15, v8  }
0x12d: {  	v2 =	vadd.f32 v2, v4;
	v4 =	vadd.f32 v16, v9  }
0x12e: {  	v3 =	vadd.f32 v3, v5;
	v5 =	vadd.f32 v10, v7  }
0x12f: {  	v0 =	vadd.f32 v0, v2;
	v2 =	vadd.f32 v11, v4  }
0x130: {  	v1 =	vadd.f32 v1, v3;
	v3 =	vadd.f32 v6, v5  }
0x131: {  	v0 =	vadd.f32 v2, v0  }
0x132: {  	v1 =	vadd.f32 v3, v1  }
0x133: {  	v0 =	vmul.f32 $4.999999890e-03, v0  }
0x134: {  	v1 =	vmul.f32 $4.999999890e-03, v1  }
0x135: {  	[tilespmem:$0x19D00] =	vst v0  }
0x136: {  	s23 =	simm.s32 $0x0;
	[tilespmem:$0x19D10] =	vst v1  }
0x137: {  	v0 =	vld [tilespmem:s23+$0x8A40]  }
0x138: {  	v1 =	vld [tilespmem:s23+$0x8A50]  }
0x139: {  	v2 =	vld [tilespmem:s23+$0x8A00]  }
0x13a: {  	v3 =	vld [tilespmem:s23+$0x8A10]  }
0x13b: {  	v4 =	vld [tilespmem:s23+$0x89C0]  }
0x13c: {  	v5 =	vld [tilespmem:s23+$0x89D0]  }
0x13d: {  	v10 =	vld [tilespmem:s23+$0x8980]  }
0x13e: {  	v8 =	vimm.f32 $0.0e+00;
	v11 =	vld [tilespmem:s23+$0x8990]  }
0x13f: {  	s24 =	simm.s32 $0x400;
	v9 =	vimm.f32 $0.0e+00;
	v7 =	vimm.f32 $0.0e+00;
	v6 =	vimm.f32 $0.0e+00;
	v12 =	vld [tilespmem:s23+$0x89A0]  }
.LBB2_13:
0x140: {  	p0 =	sne.s32 s24, $0x6000;
	v13 =	vld [tilespmem:s23+$0x89B0]  }
0x141: {  	v14 =	vld [tilespmem:s23+$0x89E0]  }
0x142: {  	v15 =	vld [tilespmem:s23+$0x89F0]  }
0x143: {  	v16 =	vld [tilespmem:s23+$0x8A20]  }
0x144: {  	v6 =	vadd.f32 v10, v6;
	v7 =	vadd.f32 v11, v7;
	v10 =	vld [tilespmem:s23+$0x8A30]  }
0x145: {  	v9 =	vadd.f32 v12, v9;
	v8 =	vadd.f32 v13, v8;
	v11 =	vld [tilespmem:s23+$0x8A60]  }
0x146: {  	v4 =	vadd.f32 v4, v6;
	v5 =	vadd.f32 v5, v7;
	v12 =	vld [tilespmem:s23+$0x8A70];
	s23 =	sshra.s32 s24, $0x2  }
0x147: {  	v6 =	vadd.f32 v14, v9;
	v13 =	vld [tilespmem:s23+$0x8A40];
	v7 =	vadd.f32 v15, v8  }
0x148: {  	v4 =	vadd.f32 v2, v4;
	v5 =	vadd.f32 v3, v5;
	v14 =	vld [tilespmem:s23+$0x8A50]  }
0x149: {  	v8 =	vadd.f32 v16, v6;
	v2 =	vld [tilespmem:s23+$0x8A00];
	v10 =	vadd.f32 v10, v7  }
0x14a: {  	v6 =	vadd.f32 v0, v4;
	v7 =	vadd.f32 v1, v5;
	v3 =	vld [tilespmem:s23+$0x8A10]  }
.Ltmp5:
0x14b: {  	v9 =	vadd.f32 v11, v8;
	v4 =	vld [tilespmem:s23+$0x89C0];
	v8 =	vadd.f32 v12, v10;
	(pc) =	sbr.rel @p0 .LBB2_13-.Ltmp5, $4  }
0x14c: {  	v5 =	vld [tilespmem:s23+$0x89D0];
	v0 =	vmov v13  }
0x14d: {  	v10 =	vld [tilespmem:s23+$0x8980];
	v1 =	vmov v14  }
0x14e: {  	v11 =	vld [tilespmem:s23+$0x8990]  }
0x14f: {  	s24 =	sadd.s32 $0x400, s24;
	v12 =	vld [tilespmem:s23+$0x89A0]  }
0x150: {  	v13 =	vld [tilespmem:s23+$0x89B0]  }
0x151: {  	v14 =	vld [tilespmem:s23+$0x89E0]  }
0x152: {  	v15 =	vld [tilespmem:s23+$0x89F0]  }
0x153: {  	v16 =	vld [tilespmem:s23+$0x8A20]  }
0x154: {  	v6 =	vadd.f32 v10, v6;
	v10 =	vld [tilespmem:s23+$0x8A30];
	v9 =	vadd.f32 v12, v9  }
0x155: {  	v7 =	vadd.f32 v11, v7;
	v11 =	vld [tilespmem:s23+$0x8A60];
	v8 =	vadd.f32 v13, v8  }
0x156: {  	v4 =	vadd.f32 v4, v6;
	v6 =	vld [tilespmem:s23+$0x8A70];
	v9 =	vadd.f32 v14, v9  }
0x157: {  	v5 =	vadd.f32 v5, v7;
	v7 =	vadd.f32 v15, v8  }
0x158: {  	v2 =	vadd.f32 v2, v4;
	v4 =	vadd.f32 v16, v9  }
0x159: {  	v3 =	vadd.f32 v3, v5;
	v5 =	vadd.f32 v10, v7  }
0x15a: {  	v0 =	vadd.f32 v0, v2;
	v2 =	vadd.f32 v11, v4  }
0x15b: {  	v1 =	vadd.f32 v1, v3;
	v3 =	vadd.f32 v6, v5  }
0x15c: {  	v0 =	vadd.f32 v2, v0  }
0x15d: {  	v1 =	vadd.f32 v3, v1  }
0x15e: {  	v0 =	vmul.f32 $4.999999890e-03, v0  }
0x15f: {  	v1 =	vmul.f32 $4.999999890e-03, v1  }
0x160: {  	[tilespmem:$0x19D20] =	vst v0  }
0x161: {  	s23 =	simm.s32 $0x0;
	[tilespmem:$0x19D30] =	vst v1  }
0x162: {  	v0 =	vld [tilespmem:s23+$0xA340]  }
0x163: {  	v1 =	vld [tilespmem:s23+$0xA350]  }
0x164: {  	v2 =	vld [tilespmem:s23+$0xA300]  }
0x165: {  	v3 =	vld [tilespmem:s23+$0xA310]  }
0x166: {  	v4 =	vld [tilespmem:s23+$0xA2C0]  }
0x167: {  	v5 =	vld [tilespmem:s23+$0xA2D0]  }
0x168: {  	v10 =	vld [tilespmem:s23+$0xA280]  }
0x169: {  	v8 =	vimm.f32 $0.0e+00;
	v11 =	vld [tilespmem:s23+$0xA290]  }
0x16a: {  	s24 =	simm.s32 $0x400;
	v9 =	vimm.f32 $0.0e+00;
	v7 =	vimm.f32 $0.0e+00;
	v6 =	vimm.f32 $0.0e+00;
	v12 =	vld [tilespmem:s23+$0xA2A0]  }
.LBB2_15:
0x16b: {  	p0 =	sne.s32 s24, $0x6000;
	v13 =	vld [tilespmem:s23+$0xA2B0]  }
0x16c: {  	v14 =	vld [tilespmem:s23+$0xA2E0]  }
0x16d: {  	v15 =	vld [tilespmem:s23+$0xA2F0]  }
0x16e: {  	v16 =	vld [tilespmem:s23+$0xA320]  }
0x16f: {  	v6 =	vadd.f32 v10, v6;
	v7 =	vadd.f32 v11, v7;
	v10 =	vld [tilespmem:s23+$0xA330]  }
0x170: {  	v9 =	vadd.f32 v12, v9;
	v8 =	vadd.f32 v13, v8;
	v11 =	vld [tilespmem:s23+$0xA360]  }
0x171: {  	v4 =	vadd.f32 v4, v6;
	v5 =	vadd.f32 v5, v7;
	v12 =	vld [tilespmem:s23+$0xA370];
	s23 =	sshra.s32 s24, $0x2  }
0x172: {  	v6 =	vadd.f32 v14, v9;
	v13 =	vld [tilespmem:s23+$0xA340];
	v7 =	vadd.f32 v15, v8  }
0x173: {  	v4 =	vadd.f32 v2, v4;
	v5 =	vadd.f32 v3, v5;
	v14 =	vld [tilespmem:s23+$0xA350]  }
0x174: {  	v8 =	vadd.f32 v16, v6;
	v2 =	vld [tilespmem:s23+$0xA300];
	v10 =	vadd.f32 v10, v7  }
0x175: {  	v6 =	vadd.f32 v0, v4;
	v7 =	vadd.f32 v1, v5;
	v3 =	vld [tilespmem:s23+$0xA310]  }
.Ltmp6:
0x176: {  	v9 =	vadd.f32 v11, v8;
	v4 =	vld [tilespmem:s23+$0xA2C0];
	v8 =	vadd.f32 v12, v10;
	(pc) =	sbr.rel @p0 .LBB2_15-.Ltmp6, $4  }
0x177: {  	v5 =	vld [tilespmem:s23+$0xA2D0];
	v0 =	vmov v13  }
0x178: {  	v10 =	vld [tilespmem:s23+$0xA280];
	v1 =	vmov v14  }
0x179: {  	v11 =	vld [tilespmem:s23+$0xA290]  }
0x17a: {  	s24 =	sadd.s32 $0x400, s24;
	v12 =	vld [tilespmem:s23+$0xA2A0]  }
0x17b: {  	v13 =	vld [tilespmem:s23+$0xA2B0]  }
0x17c: {  	v14 =	vld [tilespmem:s23+$0xA2E0]  }
0x17d: {  	v15 =	vld [tilespmem:s23+$0xA2F0]  }
0x17e: {  	v16 =	vld [tilespmem:s23+$0xA320]  }
0x17f: {  	v6 =	vadd.f32 v10, v6;
	v10 =	vld [tilespmem:s23+$0xA330];
	v9 =	vadd.f32 v12, v9  }
0x180: {  	v7 =	vadd.f32 v11, v7;
	v11 =	vld [tilespmem:s23+$0xA360];
	v8 =	vadd.f32 v13, v8  }
0x181: {  	v4 =	vadd.f32 v4, v6;
	v6 =	vld [tilespmem:s23+$0xA370];
	v9 =	vadd.f32 v14, v9  }
0x182: {  	v5 =	vadd.f32 v5, v7;
	v7 =	vadd.f32 v15, v8  }
0x183: {  	v2 =	vadd.f32 v2, v4;
	v4 =	vadd.f32 v16, v9  }
0x184: {  	v3 =	vadd.f32 v3, v5;
	v5 =	vadd.f32 v10, v7  }
0x185: {  	v0 =	vadd.f32 v0, v2;
	v2 =	vadd.f32 v11, v4  }
0x186: {  	v1 =	vadd.f32 v1, v3;
	v3 =	vadd.f32 v6, v5  }
0x187: {  	v0 =	vadd.f32 v2, v0  }
0x188: {  	v1 =	vadd.f32 v3, v1  }
0x189: {  	v0 =	vmul.f32 $4.999999890e-03, v0  }
0x18a: {  	v1 =	vmul.f32 $4.999999890e-03, v1  }
0x18b: {  	[tilespmem:$0x19D40] =	vst v0  }
0x18c: {  	s23 =	simm.s32 $0x0;
	[tilespmem:$0x19D50] =	vst v1  }
0x18d: {  	v0 =	vld [tilespmem:s23+$0xBC40]  }
0x18e: {  	v1 =	vld [tilespmem:s23+$0xBC50]  }
0x18f: {  	v2 =	vld [tilespmem:s23+$0xBC00]  }
0x190: {  	v3 =	vld [tilespmem:s23+$0xBC10]  }
0x191: {  	v4 =	vld [tilespmem:s23+$0xBBC0]  }
0x192: {  	v5 =	vld [tilespmem:s23+$0xBBD0]  }
0x193: {  	v10 =	vld [tilespmem:s23+$0xBB80]  }
0x194: {  	v8 =	vimm.f32 $0.0e+00;
	v11 =	vld [tilespmem:s23+$0xBB90]  }
0x195: {  	s24 =	simm.s32 $0x400;
	v9 =	vimm.f32 $0.0e+00;
	v7 =	vimm.f32 $0.0e+00;
	v6 =	vimm.f32 $0.0e+00;
	v12 =	vld [tilespmem:s23+$0xBBA0]  }
.LBB2_17:
0x196: {  	p0 =	sne.s32 s24, $0x6000;
	v13 =	vld [tilespmem:s23+$0xBBB0]  }
0x197: {  	v14 =	vld [tilespmem:s23+$0xBBE0]  }
0x198: {  	v15 =	vld [tilespmem:s23+$0xBBF0]  }
0x199: {  	v16 =	vld [tilespmem:s23+$0xBC20]  }
0x19a: {  	v6 =	vadd.f32 v10, v6;
	v7 =	vadd.f32 v11, v7;
	v10 =	vld [tilespmem:s23+$0xBC30]  }
0x19b: {  	v9 =	vadd.f32 v12, v9;
	v8 =	vadd.f32 v13, v8;
	v11 =	vld [tilespmem:s23+$0xBC60]  }
0x19c: {  	v4 =	vadd.f32 v4, v6;
	v5 =	vadd.f32 v5, v7;
	v12 =	vld [tilespmem:s23+$0xBC70];
	s23 =	sshra.s32 s24, $0x2  }
0x19d: {  	v6 =	vadd.f32 v14, v9;
	v13 =	vld [tilespmem:s23+$0xBC40];
	v7 =	vadd.f32 v15, v8  }
0x19e: {  	v4 =	vadd.f32 v2, v4;
	v5 =	vadd.f32 v3, v5;
	v14 =	vld [tilespmem:s23+$0xBC50]  }
0x19f: {  	v8 =	vadd.f32 v16, v6;
	v2 =	vld [tilespmem:s23+$0xBC00];
	v10 =	vadd.f32 v10, v7  }
0x1a0: {  	v6 =	vadd.f32 v0, v4;
	v7 =	vadd.f32 v1, v5;
	v3 =	vld [tilespmem:s23+$0xBC10]  }
.Ltmp7:
0x1a1: {  	v9 =	vadd.f32 v11, v8;
	v4 =	vld [tilespmem:s23+$0xBBC0];
	v8 =	vadd.f32 v12, v10;
	(pc) =	sbr.rel @p0 .LBB2_17-.Ltmp7, $4  }
0x1a2: {  	v5 =	vld [tilespmem:s23+$0xBBD0];
	v0 =	vmov v13  }
0x1a3: {  	v10 =	vld [tilespmem:s23+$0xBB80];
	v1 =	vmov v14  }
0x1a4: {  	v11 =	vld [tilespmem:s23+$0xBB90]  }
0x1a5: {  	s24 =	sadd.s32 $0x400, s24;
	v12 =	vld [tilespmem:s23+$0xBBA0]  }
0x1a6: {  	v13 =	vld [tilespmem:s23+$0xBBB0]  }
0x1a7: {  	v14 =	vld [tilespmem:s23+$0xBBE0]  }
0x1a8: {  	v15 =	vld [tilespmem:s23+$0xBBF0]  }
0x1a9: {  	v16 =	vld [tilespmem:s23+$0xBC20]  }
0x1aa: {  	v6 =	vadd.f32 v10, v6;
	v10 =	vld [tilespmem:s23+$0xBC30];
	v9 =	vadd.f32 v12, v9  }
0x1ab: {  	v7 =	vadd.f32 v11, v7;
	v11 =	vld [tilespmem:s23+$0xBC60];
	v8 =	vadd.f32 v13, v8  }
0x1ac: {  	v4 =	vadd.f32 v4, v6;
	v6 =	vld [tilespmem:s23+$0xBC70];
	v9 =	vadd.f32 v14, v9  }
0x1ad: {  	v5 =	vadd.f32 v5, v7;
	v7 =	vadd.f32 v15, v8  }
0x1ae: {  	v2 =	vadd.f32 v2, v4;
	v4 =	vadd.f32 v16, v9  }
0x1af: {  	v3 =	vadd.f32 v3, v5;
	v5 =	vadd.f32 v10, v7  }
0x1b0: {  	v0 =	vadd.f32 v0, v2;
	v2 =	vadd.f32 v11, v4  }
0x1b1: {  	v1 =	vadd.f32 v1, v3;
	v3 =	vadd.f32 v6, v5  }
0x1b2: {  	v0 =	vadd.f32 v2, v0  }
0x1b3: {  	v1 =	vadd.f32 v3, v1  }
0x1b4: {  	v0 =	vmul.f32 $4.999999890e-03, v0  }
0x1b5: {  	v1 =	vmul.f32 $4.999999890e-03, v1  }
0x1b6: {  	s24 =	sshll.u32 s20, $0x6;
	p0 =	seq.s32 s20, $0x1F;
	[tilespmem:$0x19D60] =	vst v0  }
0x1b7: {  	s22 =	sadd.s32 @!p0 s22, s8;
	s23 =	sadd.s32 s24, s7;
	[tilespmem:$0x19D70] =	vst v1  }
0x1b8: {  	[hbm4b:s23+s3] =	stream.linear.scatter [tilespmem:s18], [sflag:$0x3], $0x100, $0x38;
	[tilespmem:$0x19D80] =	vst v63  }
0x1b9: {  	s22 =	smul.u32 @!p0 $0x19, s22;
	_ =	swait.ge [sflag:s11], $0x100  }
0x1ba: {  	[sflag:s11] =	ssyncset.done $0x0  }
0x1bb: {  	s22 =	sadd.s32 @!p0 s5, s22;
	s23 =	simm.s32 @!p0 $0x0;
	[sflag:s11] =	ssyncadd.s32 $0xFFFFFF00  }
0x1bc: {  	[tilespmem:s23], [sflag:$0x3] =	stream.linear.gather @!p0 [hbm4b:s22+s23], $0x640, $0x38;
	[tilespmem:$0x19D80] =	vst v63  }
0x1bd: {  	s22 =	simm.s32 @!p0 $0x3  }
0x1be: {  	_ =	swait.ge @!p0 [sflag:s22], $0x640  }
0x1bf: {  	[sflag:s22] =	ssyncset.done @!p0 $0x0  }
0x1c0: {  	s24 =	simm.s32 @!p0 $0xC80;
	[sflag:s22] =	ssyncadd.s32 @!p0 $0xFFFFF9C0;
	s22 =	simm.s32 @!p0 $0x68  }
0x1c1: {  	[tilespmem:s24], [sflag:$0x1] =	stream.indirect.gather @!p0 [hbm4b:s4+s22], $0x20, s23, s22, $0xb8;
	[tilespmem:$0x19D80] =	vst v63  }
0x1c2: {  	s23 =	simm.s32 @!p0 $0x60;
	s24 =	simm.s32 @!p0 $0x1980  }
0x1c3: {  	[tilespmem:s24], [sflag:$0x1] =	stream.indirect.gather @!p0 [hbm4b:s4+s23], $0x20, s22, s23, $0xb8;
	[tilespmem:$0x19D80] =	vst v63  }
0x1c4: {  	s6 =	simm.s32 @!p0 $0x2580;
	s24 =	simm.s32 @!p0 $0xC8  }
0x1c5: {  	[tilespmem:s6], [sflag:$0x1] =	stream.indirect.gather @!p0 [hbm4b:s4+s22], $0x20, s24, s22, $0xb8;
	[tilespmem:$0x19D80] =	vst v63  }
0x1c6: {  	s6 =	simm.s32 @!p0 $0x130;
	s24 =	simm.s32 @!p0 $0x3280  }
0x1c7: {  	[tilespmem:s24], [sflag:$0x1] =	stream.indirect.gather @!p0 [hbm4b:s4+s23], $0x20, s6, s23, $0xb8;
	[tilespmem:$0x19D80] =	vst v63  }
0x1c8: {  	s6 =	simm.s32 @!p0 $0x190;
	s24 =	simm.s32 @!p0 $0x3E80  }
0x1c9: {  	[tilespmem:s24], [sflag:$0x1] =	stream.indirect.gather @!p0 [hbm4b:s4+s22], $0x20, s6, s22, $0xb8;
	[tilespmem:$0x19D80] =	vst v63  }
0x1ca: {  	s6 =	simm.s32 @!p0 $0x1F8;
	s24 =	simm.s32 @!p0 $0x4B80  }
0x1cb: {  	[tilespmem:s24], [sflag:$0x1] =	stream.indirect.gather @!p0 [hbm4b:s4+s23], $0x20, s6, s23, $0xb8;
	[tilespmem:$0x19D80] =	vst v63  }
0x1cc: {  	s6 =	simm.s32 @!p0 $0x258;
	s24 =	simm.s32 @!p0 $0x5780  }
0x1cd: {  	[tilespmem:s24], [sflag:$0x1] =	stream.indirect.gather @!p0 [hbm4b:s4+s22], $0x20, s6, s22, $0xb8;
	[tilespmem:$0x19D80] =	vst v63  }
0x1ce: {  	s6 =	simm.s32 @!p0 $0x2C0;
	s24 =	simm.s32 @!p0 $0x6480  }
0x1cf: {  	[tilespmem:s24], [sflag:$0x1] =	stream.indirect.gather @!p0 [hbm4b:s4+s23], $0x20, s6, s23, $0xb8;
	[tilespmem:$0x19D80] =	vst v63  }
0x1d0: {  	s6 =	simm.s32 @!p0 $0x320;
	s24 =	simm.s32 @!p0 $0x7080  }
0x1d1: {  	[tilespmem:s24], [sflag:$0x1] =	stream.indirect.gather @!p0 [hbm4b:s4+s22], $0x20, s6, s22, $0xb8;
	[tilespmem:$0x19D80] =	vst v63  }
0x1d2: {  	s6 =	simm.s32 @!p0 $0x388;
	s24 =	simm.s32 @!p0 $0x7D80  }
0x1d3: {  	[tilespmem:s24], [sflag:$0x1] =	stream.indirect.gather @!p0 [hbm4b:s4+s23], $0x20, s6, s23, $0xb8;
	[tilespmem:$0x19D80] =	vst v63  }
0x1d4: {  	s6 =	simm.s32 @!p0 $0x3E8;
	s24 =	simm.s32 @!p0 $0x8980  }
0x1d5: {  	[tilespmem:s24], [sflag:$0x1] =	stream.indirect.gather @!p0 [hbm4b:s4+s22], $0x20, s6, s22, $0xb8;
	[tilespmem:$0x19D80] =	vst v63  }
0x1d6: {  	s6 =	simm.s32 @!p0 $0x450;
	s24 =	simm.s32 @!p0 $0x9680  }
0x1d7: {  	[tilespmem:s24], [sflag:$0x1] =	stream.indirect.gather @!p0 [hbm4b:s4+s23], $0x20, s6, s23, $0xb8;
	[tilespmem:$0x19D80] =	vst v63  }
0x1d8: {  	s6 =	simm.s32 @!p0 $0x4B0;
	s24 =	simm.s32 @!p0 $0xA280  }
0x1d9: {  	[tilespmem:s24], [sflag:$0x1] =	stream.indirect.gather @!p0 [hbm4b:s4+s22], $0x20, s6, s22, $0xb8;
	[tilespmem:$0x19D80] =	vst v63  }
0x1da: {  	s6 =	simm.s32 @!p0 $0x518;
	s24 =	simm.s32 @!p0 $0xAF80  }
0x1db: {  	[tilespmem:s24], [sflag:$0x1] =	stream.indirect.gather @!p0 [hbm4b:s4+s23], $0x20, s6, s23, $0xb8;
	[tilespmem:$0x19D80] =	vst v63  }
0x1dc: {  	s6 =	simm.s32 @!p0 $0x578;
	s24 =	simm.s32 @!p0 $0xBB80  }
0x1dd: {  	[tilespmem:s24], [sflag:$0x1] =	stream.indirect.gather @!p0 [hbm4b:s4+s22], $0x20, s6, s22, $0xb8;
	[tilespmem:$0x19D80] =	vst v63  }
0x1de: {  	s6 =	simm.s32 @!p0 $0x5E0;
	s22 =	simm.s32 @!p0 $0xC880  }
0x1df: {  	[tilespmem:s22], [sflag:$0x1] =	stream.indirect.gather @!p0 [hbm4b:s4+s23], $0x20, s6, s23, $0xb8;
	[tilespmem:$0x19D80] =	vst v63  }
0x1e0: {  	_ =	swait.ge [sflag:s19], $0xC800  }
0x1e1: {  	[sflag:s19] =	ssyncset.done $0x0  }
0x1e2: {  	s22 =	simm.s32 $0x0;
	[sflag:s19] =	ssyncadd.s32 $0xFFFF3800  }
0x1e3: {  	v0 =	vld [tilespmem:s22+$0xD540]  }
0x1e4: {  	v1 =	vld [tilespmem:s22+$0xD550]  }
0x1e5: {  	v2 =	vld [tilespmem:s22+$0xD500]  }
0x1e6: {  	v3 =	vld [tilespmem:s22+$0xD510]  }
0x1e7: {  	v4 =	vld [tilespmem:s22+$0xD4C0]  }
0x1e8: {  	v5 =	vld [tilespmem:s22+$0xD4D0]  }
0x1e9: {  	v10 =	vld [tilespmem:s22+$0xD480]  }
0x1ea: {  	v8 =	vimm.f32 $0.0e+00;
	v11 =	vld [tilespmem:s22+$0xD490]  }
0x1eb: {  	v9 =	vimm.f32 $0.0e+00;
	v7 =	vimm.f32 $0.0e+00;
	v6 =	vimm.f32 $0.0e+00;
	s23 =	simm.s32 $0x400;
	v12 =	vld [tilespmem:s22+$0xD4A0]  }
.LBB2_19:
0x1ec: {  	p0 =	sne.s32 s23, $0x6000;
	v13 =	vld [tilespmem:s22+$0xD4B0]  }
0x1ed: {  	v14 =	vld [tilespmem:s22+$0xD4E0]  }
0x1ee: {  	v15 =	vld [tilespmem:s22+$0xD4F0]  }
0x1ef: {  	v16 =	vld [tilespmem:s22+$0xD520]  }
0x1f0: {  	v6 =	vadd.f32 v10, v6;
	v7 =	vadd.f32 v11, v7;
	v10 =	vld [tilespmem:s22+$0xD530]  }
0x1f1: {  	v9 =	vadd.f32 v12, v9;
	v8 =	vadd.f32 v13, v8;
	v11 =	vld [tilespmem:s22+$0xD560]  }
0x1f2: {  	v4 =	vadd.f32 v4, v6;
	v5 =	vadd.f32 v5, v7;
	v12 =	vld [tilespmem:s22+$0xD570];
	s22 =	sshra.s32 s23, $0x2  }
0x1f3: {  	v6 =	vadd.f32 v14, v9;
	v13 =	vld [tilespmem:s22+$0xD540];
	v7 =	vadd.f32 v15, v8  }
0x1f4: {  	v4 =	vadd.f32 v2, v4;
	v5 =	vadd.f32 v3, v5;
	v14 =	vld [tilespmem:s22+$0xD550]  }
0x1f5: {  	v8 =	vadd.f32 v16, v6;
	v2 =	vld [tilespmem:s22+$0xD500];
	v10 =	vadd.f32 v10, v7  }
0x1f6: {  	v6 =	vadd.f32 v0, v4;
	v7 =	vadd.f32 v1, v5;
	v3 =	vld [tilespmem:s22+$0xD510]  }
.Ltmp8:
0x1f7: {  	v9 =	vadd.f32 v11, v8;
	v4 =	vld [tilespmem:s22+$0xD4C0];
	v8 =	vadd.f32 v12, v10;
	(pc) =	sbr.rel @p0 .LBB2_19-.Ltmp8, $4  }
0x1f8: {  	v5 =	vld [tilespmem:s22+$0xD4D0];
	v0 =	vmov v13  }
0x1f9: {  	v10 =	vld [tilespmem:s22+$0xD480];
	v1 =	vmov v14  }
0x1fa: {  	v11 =	vld [tilespmem:s22+$0xD490]  }
0x1fb: {  	s23 =	sadd.s32 $0x400, s23;
	v12 =	vld [tilespmem:s22+$0xD4A0]  }
0x1fc: {  	v13 =	vld [tilespmem:s22+$0xD4B0]  }
0x1fd: {  	v14 =	vld [tilespmem:s22+$0xD4E0]  }
0x1fe: {  	v15 =	vld [tilespmem:s22+$0xD4F0]  }
0x1ff: {  	v16 =	vld [tilespmem:s22+$0xD520]  }
0x200: {  	v6 =	vadd.f32 v10, v6;
	v10 =	vld [tilespmem:s22+$0xD530];
	v9 =	vadd.f32 v12, v9  }
0x201: {  	v7 =	vadd.f32 v11, v7;
	v11 =	vld [tilespmem:s22+$0xD560];
	v8 =	vadd.f32 v13, v8  }
0x202: {  	v4 =	vadd.f32 v4, v6;
	v6 =	vld [tilespmem:s22+$0xD570];
	v9 =	vadd.f32 v14, v9  }
0x203: {  	v5 =	vadd.f32 v5, v7;
	v7 =	vadd.f32 v15, v8  }
0x204: {  	v2 =	vadd.f32 v2, v4;
	v4 =	vadd.f32 v16, v9  }
0x205: {  	v3 =	vadd.f32 v3, v5;
	v5 =	vadd.f32 v10, v7  }
0x206: {  	v0 =	vadd.f32 v0, v2;
	v2 =	vadd.f32 v11, v4  }
0x207: {  	v1 =	vadd.f32 v1, v3;
	v3 =	vadd.f32 v6, v5  }
0x208: {  	v0 =	vadd.f32 v2, v0  }
0x209: {  	v1 =	vadd.f32 v3, v1  }
0x20a: {  	v0 =	vmul.f32 $4.999999890e-03, v0  }
0x20b: {  	v1 =	vmul.f32 $4.999999890e-03, v1  }
0x20c: {  	[tilespmem:$0x19C80] =	vst v0  }
0x20d: {  	s22 =	simm.s32 $0x0;
	[tilespmem:$0x19C90] =	vst v1  }
0x20e: {  	v0 =	vld [tilespmem:s22+$0xEE40]  }
0x20f: {  	v1 =	vld [tilespmem:s22+$0xEE50]  }
0x210: {  	v2 =	vld [tilespmem:s22+$0xEE00]  }
0x211: {  	v3 =	vld [tilespmem:s22+$0xEE10]  }
0x212: {  	v4 =	vld [tilespmem:s22+$0xEDC0]  }
0x213: {  	v5 =	vld [tilespmem:s22+$0xEDD0]  }
0x214: {  	v10 =	vld [tilespmem:s22+$0xED80]  }
0x215: {  	v8 =	vimm.f32 $0.0e+00;
	v11 =	vld [tilespmem:s22+$0xED90]  }
0x216: {  	s23 =	simm.s32 $0x400;
	v9 =	vimm.f32 $0.0e+00;
	v7 =	vimm.f32 $0.0e+00;
	v6 =	vimm.f32 $0.0e+00;
	v12 =	vld [tilespmem:s22+$0xEDA0]  }
.LBB2_21:
0x217: {  	p0 =	sne.s32 s23, $0x6000;
	v13 =	vld [tilespmem:s22+$0xEDB0]  }
0x218: {  	v14 =	vld [tilespmem:s22+$0xEDE0]  }
0x219: {  	v15 =	vld [tilespmem:s22+$0xEDF0]  }
0x21a: {  	v16 =	vld [tilespmem:s22+$0xEE20]  }
0x21b: {  	v6 =	vadd.f32 v10, v6;
	v7 =	vadd.f32 v11, v7;
	v10 =	vld [tilespmem:s22+$0xEE30]  }
0x21c: {  	v9 =	vadd.f32 v12, v9;
	v8 =	vadd.f32 v13, v8;
	v11 =	vld [tilespmem:s22+$0xEE60]  }
0x21d: {  	v4 =	vadd.f32 v4, v6;
	v5 =	vadd.f32 v5, v7;
	v12 =	vld [tilespmem:s22+$0xEE70];
	s22 =	sshra.s32 s23, $0x2  }
0x21e: {  	v6 =	vadd.f32 v14, v9;
	v13 =	vld [tilespmem:s22+$0xEE40];
	v7 =	vadd.f32 v15, v8  }
0x21f: {  	v4 =	vadd.f32 v2, v4;
	v5 =	vadd.f32 v3, v5;
	v14 =	vld [tilespmem:s22+$0xEE50]  }
0x220: {  	v8 =	vadd.f32 v16, v6;
	v2 =	vld [tilespmem:s22+$0xEE00];
	v10 =	vadd.f32 v10, v7  }
0x221: {  	v6 =	vadd.f32 v0, v4;
	v7 =	vadd.f32 v1, v5;
	v3 =	vld [tilespmem:s22+$0xEE10]  }
.Ltmp9:
0x222: {  	v9 =	vadd.f32 v11, v8;
	v4 =	vld [tilespmem:s22+$0xEDC0];
	v8 =	vadd.f32 v12, v10;
	(pc) =	sbr.rel @p0 .LBB2_21-.Ltmp9, $4  }
0x223: {  	v5 =	vld [tilespmem:s22+$0xEDD0];
	v0 =	vmov v13  }
0x224: {  	v10 =	vld [tilespmem:s22+$0xED80];
	v1 =	vmov v14  }
0x225: {  	v11 =	vld [tilespmem:s22+$0xED90]  }
0x226: {  	s23 =	sadd.s32 $0x400, s23;
	v12 =	vld [tilespmem:s22+$0xEDA0]  }
0x227: {  	v13 =	vld [tilespmem:s22+$0xEDB0]  }
0x228: {  	v14 =	vld [tilespmem:s22+$0xEDE0]  }
0x229: {  	v15 =	vld [tilespmem:s22+$0xEDF0]  }
0x22a: {  	v16 =	vld [tilespmem:s22+$0xEE20]  }
0x22b: {  	v6 =	vadd.f32 v10, v6;
	v10 =	vld [tilespmem:s22+$0xEE30];
	v9 =	vadd.f32 v12, v9  }
0x22c: {  	v7 =	vadd.f32 v11, v7;
	v11 =	vld [tilespmem:s22+$0xEE60];
	v8 =	vadd.f32 v13, v8  }
0x22d: {  	v4 =	vadd.f32 v4, v6;
	v6 =	vld [tilespmem:s22+$0xEE70];
	v9 =	vadd.f32 v14, v9  }
0x22e: {  	v5 =	vadd.f32 v5, v7;
	v7 =	vadd.f32 v15, v8  }
0x22f: {  	v2 =	vadd.f32 v2, v4;
	v4 =	vadd.f32 v16, v9  }
0x230: {  	v3 =	vadd.f32 v3, v5;
	v5 =	vadd.f32 v10, v7  }
0x231: {  	v0 =	vadd.f32 v0, v2;
	v2 =	vadd.f32 v11, v4  }
0x232: {  	v1 =	vadd.f32 v1, v3;
	v3 =	vadd.f32 v6, v5  }
0x233: {  	v0 =	vadd.f32 v2, v0  }
0x234: {  	v1 =	vadd.f32 v3, v1  }
0x235: {  	v0 =	vmul.f32 $4.999999890e-03, v0  }
0x236: {  	v1 =	vmul.f32 $4.999999890e-03, v1  }
0x237: {  	[tilespmem:$0x19CA0] =	vst v0  }
0x238: {  	s22 =	simm.s32 $0x0;
	[tilespmem:$0x19CB0] =	vst v1  }
0x239: {  	v0 =	vld [tilespmem:s22+$0x10740]  }
0x23a: {  	v1 =	vld [tilespmem:s22+$0x10750]  }
0x23b: {  	v2 =	vld [tilespmem:s22+$0x10700]  }
0x23c: {  	v3 =	vld [tilespmem:s22+$0x10710]  }
0x23d: {  	v4 =	vld [tilespmem:s22+$0x106C0]  }
0x23e: {  	v5 =	vld [tilespmem:s22+$0x106D0]  }
0x23f: {  	v10 =	vld [tilespmem:s22+$0x10680]  }
0x240: {  	v8 =	vimm.f32 $0.0e+00;
	v11 =	vld [tilespmem:s22+$0x10690]  }
0x241: {  	s23 =	simm.s32 $0x400;
	v9 =	vimm.f32 $0.0e+00;
	v7 =	vimm.f32 $0.0e+00;
	v6 =	vimm.f32 $0.0e+00;
	v12 =	vld [tilespmem:s22+$0x106A0]  }
.LBB2_23:
0x242: {  	p0 =	sne.s32 s23, $0x6000;
	v13 =	vld [tilespmem:s22+$0x106B0]  }
0x243: {  	v14 =	vld [tilespmem:s22+$0x106E0]  }
0x244: {  	v15 =	vld [tilespmem:s22+$0x106F0]  }
0x245: {  	v16 =	vld [tilespmem:s22+$0x10720]  }
0x246: {  	v6 =	vadd.f32 v10, v6;
	v7 =	vadd.f32 v11, v7;
	v10 =	vld [tilespmem:s22+$0x10730]  }
0x247: {  	v9 =	vadd.f32 v12, v9;
	v8 =	vadd.f32 v13, v8;
	v11 =	vld [tilespmem:s22+$0x10760]  }
0x248: {  	v4 =	vadd.f32 v4, v6;
	v5 =	vadd.f32 v5, v7;
	v12 =	vld [tilespmem:s22+$0x10770];
	s22 =	sshra.s32 s23, $0x2  }
0x249: {  	v6 =	vadd.f32 v14, v9;
	v13 =	vld [tilespmem:s22+$0x10740];
	v7 =	vadd.f32 v15, v8  }
0x24a: {  	v4 =	vadd.f32 v2, v4;
	v5 =	vadd.f32 v3, v5;
	v14 =	vld [tilespmem:s22+$0x10750]  }
0x24b: {  	v8 =	vadd.f32 v16, v6;
	v2 =	vld [tilespmem:s22+$0x10700];
	v10 =	vadd.f32 v10, v7  }
0x24c: {  	v6 =	vadd.f32 v0, v4;
	v7 =	vadd.f32 v1, v5;
	v3 =	vld [tilespmem:s22+$0x10710]  }
.Ltmp10:
0x24d: {  	v9 =	vadd.f32 v11, v8;
	v4 =	vld [tilespmem:s22+$0x106C0];
	v8 =	vadd.f32 v12, v10;
	(pc) =	sbr.rel @p0 .LBB2_23-.Ltmp10, $4  }
0x24e: {  	v5 =	vld [tilespmem:s22+$0x106D0];
	v0 =	vmov v13  }
0x24f: {  	v10 =	vld [tilespmem:s22+$0x10680];
	v1 =	vmov v14  }
0x250: {  	v11 =	vld [tilespmem:s22+$0x10690]  }
0x251: {  	s23 =	sadd.s32 $0x400, s23;
	v12 =	vld [tilespmem:s22+$0x106A0]  }
0x252: {  	v13 =	vld [tilespmem:s22+$0x106B0]  }
0x253: {  	v14 =	vld [tilespmem:s22+$0x106E0]  }
0x254: {  	v15 =	vld [tilespmem:s22+$0x106F0]  }
0x255: {  	v16 =	vld [tilespmem:s22+$0x10720]  }
0x256: {  	v6 =	vadd.f32 v10, v6;
	v10 =	vld [tilespmem:s22+$0x10730];
	v9 =	vadd.f32 v12, v9  }
0x257: {  	v7 =	vadd.f32 v11, v7;
	v11 =	vld [tilespmem:s22+$0x10760];
	v8 =	vadd.f32 v13, v8  }
0x258: {  	v4 =	vadd.f32 v4, v6;
	v6 =	vld [tilespmem:s22+$0x10770];
	v9 =	vadd.f32 v14, v9  }
0x259: {  	v5 =	vadd.f32 v5, v7;
	v7 =	vadd.f32 v15, v8  }
0x25a: {  	v2 =	vadd.f32 v2, v4;
	v4 =	vadd.f32 v16, v9  }
0x25b: {  	v3 =	vadd.f32 v3, v5;
	v5 =	vadd.f32 v10, v7  }
0x25c: {  	v0 =	vadd.f32 v0, v2;
	v2 =	vadd.f32 v11, v4  }
0x25d: {  	v1 =	vadd.f32 v1, v3;
	v3 =	vadd.f32 v6, v5  }
0x25e: {  	v0 =	vadd.f32 v2, v0  }
0x25f: {  	v1 =	vadd.f32 v3, v1  }
0x260: {  	v0 =	vmul.f32 $4.999999890e-03, v0  }
0x261: {  	v1 =	vmul.f32 $4.999999890e-03, v1  }
0x262: {  	[tilespmem:$0x19CC0] =	vst v0  }
0x263: {  	s22 =	simm.s32 $0x0;
	[tilespmem:$0x19CD0] =	vst v1  }
0x264: {  	v0 =	vld [tilespmem:s22+$0x12040]  }
0x265: {  	v1 =	vld [tilespmem:s22+$0x12050]  }
0x266: {  	v2 =	vld [tilespmem:s22+$0x12000]  }
0x267: {  	v3 =	vld [tilespmem:s22+$0x12010]  }
0x268: {  	v4 =	vld [tilespmem:s22+$0x11FC0]  }
0x269: {  	v5 =	vld [tilespmem:s22+$0x11FD0]  }
0x26a: {  	v10 =	vld [tilespmem:s22+$0x11F80]  }
0x26b: {  	v8 =	vimm.f32 $0.0e+00;
	v11 =	vld [tilespmem:s22+$0x11F90]  }
0x26c: {  	s23 =	simm.s32 $0x400;
	v9 =	vimm.f32 $0.0e+00;
	v7 =	vimm.f32 $0.0e+00;
	v6 =	vimm.f32 $0.0e+00;
	v12 =	vld [tilespmem:s22+$0x11FA0]  }
.LBB2_25:
0x26d: {  	p0 =	sne.s32 s23, $0x6000;
	v13 =	vld [tilespmem:s22+$0x11FB0]  }
0x26e: {  	v14 =	vld [tilespmem:s22+$0x11FE0]  }
0x26f: {  	v15 =	vld [tilespmem:s22+$0x11FF0]  }
0x270: {  	v16 =	vld [tilespmem:s22+$0x12020]  }
0x271: {  	v6 =	vadd.f32 v10, v6;
	v7 =	vadd.f32 v11, v7;
	v10 =	vld [tilespmem:s22+$0x12030]  }
0x272: {  	v9 =	vadd.f32 v12, v9;
	v8 =	vadd.f32 v13, v8;
	v11 =	vld [tilespmem:s22+$0x12060]  }
0x273: {  	v4 =	vadd.f32 v4, v6;
	v5 =	vadd.f32 v5, v7;
	v12 =	vld [tilespmem:s22+$0x12070];
	s22 =	sshra.s32 s23, $0x2  }
0x274: {  	v6 =	vadd.f32 v14, v9;
	v13 =	vld [tilespmem:s22+$0x12040];
	v7 =	vadd.f32 v15, v8  }
0x275: {  	v4 =	vadd.f32 v2, v4;
	v5 =	vadd.f32 v3, v5;
	v14 =	vld [tilespmem:s22+$0x12050]  }
0x276: {  	v8 =	vadd.f32 v16, v6;
	v2 =	vld [tilespmem:s22+$0x12000];
	v10 =	vadd.f32 v10, v7  }
0x277: {  	v6 =	vadd.f32 v0, v4;
	v7 =	vadd.f32 v1, v5;
	v3 =	vld [tilespmem:s22+$0x12010]  }
.Ltmp11:
0x278: {  	v9 =	vadd.f32 v11, v8;
	v4 =	vld [tilespmem:s22+$0x11FC0];
	v8 =	vadd.f32 v12, v10;
	(pc) =	sbr.rel @p0 .LBB2_25-.Ltmp11, $4  }
0x279: {  	v5 =	vld [tilespmem:s22+$0x11FD0];
	v0 =	vmov v13  }
0x27a: {  	v10 =	vld [tilespmem:s22+$0x11F80];
	v1 =	vmov v14  }
0x27b: {  	v11 =	vld [tilespmem:s22+$0x11F90]  }
0x27c: {  	s23 =	sadd.s32 $0x400, s23;
	v12 =	vld [tilespmem:s22+$0x11FA0]  }
0x27d: {  	v13 =	vld [tilespmem:s22+$0x11FB0]  }
0x27e: {  	v14 =	vld [tilespmem:s22+$0x11FE0]  }
0x27f: {  	v15 =	vld [tilespmem:s22+$0x11FF0]  }
0x280: {  	v16 =	vld [tilespmem:s22+$0x12020]  }
0x281: {  	v6 =	vadd.f32 v10, v6;
	v10 =	vld [tilespmem:s22+$0x12030];
	v9 =	vadd.f32 v12, v9  }
0x282: {  	v7 =	vadd.f32 v11, v7;
	v11 =	vld [tilespmem:s22+$0x12060];
	v8 =	vadd.f32 v13, v8  }
0x283: {  	v4 =	vadd.f32 v4, v6;
	v6 =	vld [tilespmem:s22+$0x12070];
	v9 =	vadd.f32 v14, v9  }
0x284: {  	v5 =	vadd.f32 v5, v7;
	v7 =	vadd.f32 v15, v8  }
0x285: {  	v2 =	vadd.f32 v2, v4;
	v4 =	vadd.f32 v16, v9  }
0x286: {  	v3 =	vadd.f32 v3, v5;
	v5 =	vadd.f32 v10, v7  }
0x287: {  	v0 =	vadd.f32 v0, v2;
	v2 =	vadd.f32 v11, v4  }
0x288: {  	v1 =	vadd.f32 v1, v3;
	v3 =	vadd.f32 v6, v5  }
0x289: {  	v0 =	vadd.f32 v2, v0  }
0x28a: {  	v1 =	vadd.f32 v3, v1  }
0x28b: {  	v0 =	vmul.f32 $4.999999890e-03, v0  }
0x28c: {  	v1 =	vmul.f32 $4.999999890e-03, v1  }
0x28d: {  	[tilespmem:$0x19CE0] =	vst v0  }
0x28e: {  	s22 =	simm.s32 $0x0;
	[tilespmem:$0x19CF0] =	vst v1  }
0x28f: {  	v0 =	vld [tilespmem:s22+$0x13940]  }
0x290: {  	v1 =	vld [tilespmem:s22+$0x13950]  }
0x291: {  	v2 =	vld [tilespmem:s22+$0x13900]  }
0x292: {  	v3 =	vld [tilespmem:s22+$0x13910]  }
0x293: {  	v4 =	vld [tilespmem:s22+$0x138C0]  }
0x294: {  	v5 =	vld [tilespmem:s22+$0x138D0]  }
0x295: {  	v10 =	vld [tilespmem:s22+$0x13880]  }
0x296: {  	v8 =	vimm.f32 $0.0e+00;
	v11 =	vld [tilespmem:s22+$0x13890]  }
0x297: {  	s23 =	simm.s32 $0x400;
	v9 =	vimm.f32 $0.0e+00;
	v7 =	vimm.f32 $0.0e+00;
	v6 =	vimm.f32 $0.0e+00;
	v12 =	vld [tilespmem:s22+$0x138A0]  }
.LBB2_27:
0x298: {  	p0 =	sne.s32 s23, $0x6000;
	v13 =	vld [tilespmem:s22+$0x138B0]  }
0x299: {  	v14 =	vld [tilespmem:s22+$0x138E0]  }
0x29a: {  	v15 =	vld [tilespmem:s22+$0x138F0]  }
0x29b: {  	v16 =	vld [tilespmem:s22+$0x13920]  }
0x29c: {  	v6 =	vadd.f32 v10, v6;
	v7 =	vadd.f32 v11, v7;
	v10 =	vld [tilespmem:s22+$0x13930]  }
0x29d: {  	v9 =	vadd.f32 v12, v9;
	v8 =	vadd.f32 v13, v8;
	v11 =	vld [tilespmem:s22+$0x13960]  }
0x29e: {  	v4 =	vadd.f32 v4, v6;
	v5 =	vadd.f32 v5, v7;
	v12 =	vld [tilespmem:s22+$0x13970];
	s22 =	sshra.s32 s23, $0x2  }
0x29f: {  	v6 =	vadd.f32 v14, v9;
	v13 =	vld [tilespmem:s22+$0x13940];
	v7 =	vadd.f32 v15, v8  }
0x2a0: {  	v4 =	vadd.f32 v2, v4;
	v5 =	vadd.f32 v3, v5;
	v14 =	vld [tilespmem:s22+$0x13950]  }
0x2a1: {  	v8 =	vadd.f32 v16, v6;
	v2 =	vld [tilespmem:s22+$0x13900];
	v10 =	vadd.f32 v10, v7  }
0x2a2: {  	v6 =	vadd.f32 v0, v4;
	v7 =	vadd.f32 v1, v5;
	v3 =	vld [tilespmem:s22+$0x13910]  }
.Ltmp12:
0x2a3: {  	v9 =	vadd.f32 v11, v8;
	v4 =	vld [tilespmem:s22+$0x138C0];
	v8 =	vadd.f32 v12, v10;
	(pc) =	sbr.rel @p0 .LBB2_27-.Ltmp12, $4  }
0x2a4: {  	v5 =	vld [tilespmem:s22+$0x138D0];
	v0 =	vmov v13  }
0x2a5: {  	v10 =	vld [tilespmem:s22+$0x13880];
	v1 =	vmov v14  }
0x2a6: {  	v11 =	vld [tilespmem:s22+$0x13890]  }
0x2a7: {  	s23 =	sadd.s32 $0x400, s23;
	v12 =	vld [tilespmem:s22+$0x138A0]  }
0x2a8: {  	v13 =	vld [tilespmem:s22+$0x138B0]  }
0x2a9: {  	v14 =	vld [tilespmem:s22+$0x138E0]  }
0x2aa: {  	v15 =	vld [tilespmem:s22+$0x138F0]  }
0x2ab: {  	v16 =	vld [tilespmem:s22+$0x13920]  }
0x2ac: {  	v6 =	vadd.f32 v10, v6;
	v10 =	vld [tilespmem:s22+$0x13930];
	v9 =	vadd.f32 v12, v9  }
0x2ad: {  	v7 =	vadd.f32 v11, v7;
	v11 =	vld [tilespmem:s22+$0x13960];
	v8 =	vadd.f32 v13, v8  }
0x2ae: {  	v4 =	vadd.f32 v4, v6;
	v6 =	vld [tilespmem:s22+$0x13970];
	v9 =	vadd.f32 v14, v9  }
0x2af: {  	v5 =	vadd.f32 v5, v7;
	v7 =	vadd.f32 v15, v8  }
0x2b0: {  	v2 =	vadd.f32 v2, v4;
	v4 =	vadd.f32 v16, v9  }
0x2b1: {  	v3 =	vadd.f32 v3, v5;
	v5 =	vadd.f32 v10, v7  }
0x2b2: {  	v0 =	vadd.f32 v0, v2;
	v2 =	vadd.f32 v11, v4  }
0x2b3: {  	v1 =	vadd.f32 v1, v3;
	v3 =	vadd.f32 v6, v5  }
0x2b4: {  	v0 =	vadd.f32 v2, v0  }
0x2b5: {  	v1 =	vadd.f32 v3, v1  }
0x2b6: {  	v0 =	vmul.f32 $4.999999890e-03, v0  }
0x2b7: {  	v1 =	vmul.f32 $4.999999890e-03, v1  }
0x2b8: {  	[tilespmem:$0x19D00] =	vst v0  }
0x2b9: {  	s22 =	simm.s32 $0x0;
	[tilespmem:$0x19D10] =	vst v1  }
0x2ba: {  	v0 =	vld [tilespmem:s22+$0x15240]  }
0x2bb: {  	v1 =	vld [tilespmem:s22+$0x15250]  }
0x2bc: {  	v2 =	vld [tilespmem:s22+$0x15200]  }
0x2bd: {  	v3 =	vld [tilespmem:s22+$0x15210]  }
0x2be: {  	v4 =	vld [tilespmem:s22+$0x151C0]  }
0x2bf: {  	v5 =	vld [tilespmem:s22+$0x151D0]  }
0x2c0: {  	v10 =	vld [tilespmem:s22+$0x15180]  }
0x2c1: {  	v8 =	vimm.f32 $0.0e+00;
	v11 =	vld [tilespmem:s22+$0x15190]  }
0x2c2: {  	s23 =	simm.s32 $0x400;
	v9 =	vimm.f32 $0.0e+00;
	v7 =	vimm.f32 $0.0e+00;
	v6 =	vimm.f32 $0.0e+00;
	v12 =	vld [tilespmem:s22+$0x151A0]  }
.LBB2_29:
0x2c3: {  	p0 =	sne.s32 s23, $0x6000;
	v13 =	vld [tilespmem:s22+$0x151B0]  }
0x2c4: {  	v14 =	vld [tilespmem:s22+$0x151E0]  }
0x2c5: {  	v15 =	vld [tilespmem:s22+$0x151F0]  }
0x2c6: {  	v16 =	vld [tilespmem:s22+$0x15220]  }
0x2c7: {  	v6 =	vadd.f32 v10, v6;
	v7 =	vadd.f32 v11, v7;
	v10 =	vld [tilespmem:s22+$0x15230]  }
0x2c8: {  	v9 =	vadd.f32 v12, v9;
	v8 =	vadd.f32 v13, v8;
	v11 =	vld [tilespmem:s22+$0x15260]  }
0x2c9: {  	v4 =	vadd.f32 v4, v6;
	v5 =	vadd.f32 v5, v7;
	v12 =	vld [tilespmem:s22+$0x15270];
	s22 =	sshra.s32 s23, $0x2  }
0x2ca: {  	v6 =	vadd.f32 v14, v9;
	v13 =	vld [tilespmem:s22+$0x15240];
	v7 =	vadd.f32 v15, v8  }
0x2cb: {  	v4 =	vadd.f32 v2, v4;
	v5 =	vadd.f32 v3, v5;
	v14 =	vld [tilespmem:s22+$0x15250]  }
0x2cc: {  	v8 =	vadd.f32 v16, v6;
	v2 =	vld [tilespmem:s22+$0x15200];
	v10 =	vadd.f32 v10, v7  }
0x2cd: {  	v6 =	vadd.f32 v0, v4;
	v7 =	vadd.f32 v1, v5;
	v3 =	vld [tilespmem:s22+$0x15210]  }
.Ltmp13:
0x2ce: {  	v9 =	vadd.f32 v11, v8;
	v4 =	vld [tilespmem:s22+$0x151C0];
	v8 =	vadd.f32 v12, v10;
	(pc) =	sbr.rel @p0 .LBB2_29-.Ltmp13, $4  }
0x2cf: {  	v5 =	vld [tilespmem:s22+$0x151D0];
	v0 =	vmov v13  }
0x2d0: {  	v10 =	vld [tilespmem:s22+$0x15180];
	v1 =	vmov v14  }
0x2d1: {  	v11 =	vld [tilespmem:s22+$0x15190]  }
0x2d2: {  	s23 =	sadd.s32 $0x400, s23;
	v12 =	vld [tilespmem:s22+$0x151A0]  }
0x2d3: {  	v13 =	vld [tilespmem:s22+$0x151B0]  }
0x2d4: {  	v14 =	vld [tilespmem:s22+$0x151E0]  }
0x2d5: {  	v15 =	vld [tilespmem:s22+$0x151F0]  }
0x2d6: {  	v16 =	vld [tilespmem:s22+$0x15220]  }
0x2d7: {  	v6 =	vadd.f32 v10, v6;
	v10 =	vld [tilespmem:s22+$0x15230];
	v9 =	vadd.f32 v12, v9  }
0x2d8: {  	v7 =	vadd.f32 v11, v7;
	v11 =	vld [tilespmem:s22+$0x15260];
	v8 =	vadd.f32 v13, v8  }
0x2d9: {  	v4 =	vadd.f32 v4, v6;
	v6 =	vld [tilespmem:s22+$0x15270];
	v9 =	vadd.f32 v14, v9  }
0x2da: {  	v5 =	vadd.f32 v5, v7;
	v7 =	vadd.f32 v15, v8  }
0x2db: {  	v2 =	vadd.f32 v2, v4;
	v4 =	vadd.f32 v16, v9  }
0x2dc: {  	v3 =	vadd.f32 v3, v5;
	v5 =	vadd.f32 v10, v7  }
0x2dd: {  	v0 =	vadd.f32 v0, v2;
	v2 =	vadd.f32 v11, v4  }
0x2de: {  	v1 =	vadd.f32 v1, v3;
	v3 =	vadd.f32 v6, v5  }
0x2df: {  	v0 =	vadd.f32 v2, v0  }
0x2e0: {  	v1 =	vadd.f32 v3, v1  }
0x2e1: {  	v0 =	vmul.f32 $4.999999890e-03, v0  }
0x2e2: {  	v1 =	vmul.f32 $4.999999890e-03, v1  }
0x2e3: {  	[tilespmem:$0x19D20] =	vst v0  }
0x2e4: {  	s22 =	simm.s32 $0x0;
	[tilespmem:$0x19D30] =	vst v1  }
0x2e5: {  	v0 =	vld [tilespmem:s22+$0x16B40]  }
0x2e6: {  	v1 =	vld [tilespmem:s22+$0x16B50]  }
0x2e7: {  	v2 =	vld [tilespmem:s22+$0x16B00]  }
0x2e8: {  	v3 =	vld [tilespmem:s22+$0x16B10]  }
0x2e9: {  	v4 =	vld [tilespmem:s22+$0x16AC0]  }
0x2ea: {  	v5 =	vld [tilespmem:s22+$0x16AD0]  }
0x2eb: {  	v10 =	vld [tilespmem:s22+$0x16A80]  }
0x2ec: {  	v8 =	vimm.f32 $0.0e+00;
	v11 =	vld [tilespmem:s22+$0x16A90]  }
0x2ed: {  	s23 =	simm.s32 $0x400;
	v9 =	vimm.f32 $0.0e+00;
	v7 =	vimm.f32 $0.0e+00;
	v6 =	vimm.f32 $0.0e+00;
	v12 =	vld [tilespmem:s22+$0x16AA0]  }
.LBB2_31:
0x2ee: {  	p0 =	sne.s32 s23, $0x6000;
	v13 =	vld [tilespmem:s22+$0x16AB0]  }
0x2ef: {  	v14 =	vld [tilespmem:s22+$0x16AE0]  }
0x2f0: {  	v15 =	vld [tilespmem:s22+$0x16AF0]  }
0x2f1: {  	v16 =	vld [tilespmem:s22+$0x16B20]  }
0x2f2: {  	v6 =	vadd.f32 v10, v6;
	v7 =	vadd.f32 v11, v7;
	v10 =	vld [tilespmem:s22+$0x16B30]  }
0x2f3: {  	v9 =	vadd.f32 v12, v9;
	v8 =	vadd.f32 v13, v8;
	v11 =	vld [tilespmem:s22+$0x16B60]  }
0x2f4: {  	v4 =	vadd.f32 v4, v6;
	v5 =	vadd.f32 v5, v7;
	v12 =	vld [tilespmem:s22+$0x16B70];
	s22 =	sshra.s32 s23, $0x2  }
0x2f5: {  	v6 =	vadd.f32 v14, v9;
	v13 =	vld [tilespmem:s22+$0x16B40];
	v7 =	vadd.f32 v15, v8  }
0x2f6: {  	v4 =	vadd.f32 v2, v4;
	v5 =	vadd.f32 v3, v5;
	v14 =	vld [tilespmem:s22+$0x16B50]  }
0x2f7: {  	v8 =	vadd.f32 v16, v6;
	v2 =	vld [tilespmem:s22+$0x16B00];
	v10 =	vadd.f32 v10, v7  }
0x2f8: {  	v6 =	vadd.f32 v0, v4;
	v7 =	vadd.f32 v1, v5;
	v3 =	vld [tilespmem:s22+$0x16B10]  }
.Ltmp14:
0x2f9: {  	v9 =	vadd.f32 v11, v8;
	v4 =	vld [tilespmem:s22+$0x16AC0];
	v8 =	vadd.f32 v12, v10;
	(pc) =	sbr.rel @p0 .LBB2_31-.Ltmp14, $4  }
0x2fa: {  	v5 =	vld [tilespmem:s22+$0x16AD0];
	v0 =	vmov v13  }
0x2fb: {  	v10 =	vld [tilespmem:s22+$0x16A80];
	v1 =	vmov v14  }
0x2fc: {  	v11 =	vld [tilespmem:s22+$0x16A90]  }
0x2fd: {  	s23 =	sadd.s32 $0x400, s23;
	v12 =	vld [tilespmem:s22+$0x16AA0]  }
0x2fe: {  	v13 =	vld [tilespmem:s22+$0x16AB0]  }
0x2ff: {  	v14 =	vld [tilespmem:s22+$0x16AE0]  }
0x300: {  	v15 =	vld [tilespmem:s22+$0x16AF0]  }
0x301: {  	v16 =	vld [tilespmem:s22+$0x16B20]  }
0x302: {  	v6 =	vadd.f32 v10, v6;
	v10 =	vld [tilespmem:s22+$0x16B30];
	v9 =	vadd.f32 v12, v9  }
0x303: {  	v7 =	vadd.f32 v11, v7;
	v11 =	vld [tilespmem:s22+$0x16B60];
	v8 =	vadd.f32 v13, v8  }
0x304: {  	v4 =	vadd.f32 v4, v6;
	v6 =	vld [tilespmem:s22+$0x16B70];
	v9 =	vadd.f32 v14, v9  }
0x305: {  	v5 =	vadd.f32 v5, v7;
	v7 =	vadd.f32 v15, v8  }
0x306: {  	v2 =	vadd.f32 v2, v4;
	v4 =	vadd.f32 v16, v9  }
0x307: {  	v3 =	vadd.f32 v3, v5;
	v5 =	vadd.f32 v10, v7  }
0x308: {  	v0 =	vadd.f32 v0, v2;
	v2 =	vadd.f32 v11, v4  }
0x309: {  	v1 =	vadd.f32 v1, v3;
	v3 =	vadd.f32 v6, v5  }
0x30a: {  	v0 =	vadd.f32 v2, v0  }
0x30b: {  	v1 =	vadd.f32 v3, v1  }
0x30c: {  	v0 =	vmul.f32 $4.999999890e-03, v0  }
0x30d: {  	v1 =	vmul.f32 $4.999999890e-03, v1  }
0x30e: {  	[tilespmem:$0x19D40] =	vst v0  }
0x30f: {  	s22 =	simm.s32 $0x0;
	[tilespmem:$0x19D50] =	vst v1  }
0x310: {  	v0 =	vld [tilespmem:s22+$0x18440]  }
0x311: {  	v1 =	vld [tilespmem:s22+$0x18450]  }
0x312: {  	v2 =	vld [tilespmem:s22+$0x18400]  }
0x313: {  	v3 =	vld [tilespmem:s22+$0x18410]  }
0x314: {  	v4 =	vld [tilespmem:s22+$0x183C0]  }
0x315: {  	v5 =	vld [tilespmem:s22+$0x183D0]  }
0x316: {  	v10 =	vld [tilespmem:s22+$0x18380]  }
0x317: {  	v8 =	vimm.f32 $0.0e+00;
	v11 =	vld [tilespmem:s22+$0x18390]  }
0x318: {  	s23 =	simm.s32 $0x400;
	v9 =	vimm.f32 $0.0e+00;
	v7 =	vimm.f32 $0.0e+00;
	v6 =	vimm.f32 $0.0e+00;
	v12 =	vld [tilespmem:s22+$0x183A0]  }
.LBB2_33:
0x319: {  	p0 =	sne.s32 s23, $0x6000;
	v13 =	vld [tilespmem:s22+$0x183B0]  }
0x31a: {  	v14 =	vld [tilespmem:s22+$0x183E0]  }
0x31b: {  	v15 =	vld [tilespmem:s22+$0x183F0]  }
0x31c: {  	v16 =	vld [tilespmem:s22+$0x18420]  }
0x31d: {  	v6 =	vadd.f32 v10, v6;
	v7 =	vadd.f32 v11, v7;
	v10 =	vld [tilespmem:s22+$0x18430]  }
0x31e: {  	v9 =	vadd.f32 v12, v9;
	v8 =	vadd.f32 v13, v8;
	v11 =	vld [tilespmem:s22+$0x18460]  }
0x31f: {  	v4 =	vadd.f32 v4, v6;
	v5 =	vadd.f32 v5, v7;
	v12 =	vld [tilespmem:s22+$0x18470];
	s22 =	sshra.s32 s23, $0x2  }
0x320: {  	v6 =	vadd.f32 v14, v9;
	v13 =	vld [tilespmem:s22+$0x18440];
	v7 =	vadd.f32 v15, v8  }
0x321: {  	v4 =	vadd.f32 v2, v4;
	v5 =	vadd.f32 v3, v5;
	v14 =	vld [tilespmem:s22+$0x18450]  }
0x322: {  	v8 =	vadd.f32 v16, v6;
	v2 =	vld [tilespmem:s22+$0x18400];
	v10 =	vadd.f32 v10, v7  }
0x323: {  	v6 =	vadd.f32 v0, v4;
	v7 =	vadd.f32 v1, v5;
	v3 =	vld [tilespmem:s22+$0x18410]  }
.Ltmp15:
0x324: {  	v9 =	vadd.f32 v11, v8;
	v4 =	vld [tilespmem:s22+$0x183C0];
	v8 =	vadd.f32 v12, v10;
	(pc) =	sbr.rel @p0 .LBB2_33-.Ltmp15, $4  }
0x325: {  	v5 =	vld [tilespmem:s22+$0x183D0];
	v0 =	vmov v13  }
0x326: {  	v10 =	vld [tilespmem:s22+$0x18380];
	v1 =	vmov v14  }
0x327: {  	v11 =	vld [tilespmem:s22+$0x18390]  }
0x328: {  	s23 =	sadd.s32 $0x400, s23;
	v12 =	vld [tilespmem:s22+$0x183A0]  }
0x329: {  	v13 =	vld [tilespmem:s22+$0x183B0]  }
0x32a: {  	v14 =	vld [tilespmem:s22+$0x183E0]  }
0x32b: {  	v15 =	vld [tilespmem:s22+$0x183F0]  }
0x32c: {  	v16 =	vld [tilespmem:s22+$0x18420]  }
0x32d: {  	v56 =	vld [tilespmem:s22+$0x18430];
	v6 =	vadd.f32 v10, v6;
	v9 =	vadd.f32 v12, v9  }
0x32e: {  	v57 =	vld [tilespmem:s22+$0x18460];
	v7 =	vadd.f32 v11, v7;
	v8 =	vadd.f32 v13, v8  }
0x32f: {  	v58 =	vld [tilespmem:s22+$0x18470];
	v4 =	vadd.f32 v4, v6;
	v9 =	vadd.f32 v14, v9  }
0x330: {  	v5 =	vadd.f32 v5, v7;
	v59 =	vadd.f32 v15, v8  }
0x331: {  	v2 =	vadd.f32 v2, v4;
	v60 =	vadd.f32 v16, v9  }
0x332: {  	v3 =	vadd.f32 v3, v5;
	v61 =	vadd.f32 v56, v59  }
0x333: {  	v0 =	vadd.f32 v0, v2;
	v62 =	vadd.f32 v57, v60  }
0x334: {  	v1 =	vadd.f32 v1, v3;
	v63 =	vadd.f32 v58, v61  }
0x335: {  	v0 =	vadd.f32 v62, v0  }
0x336: {  	v1 =	vadd.f32 v63, v1  }
0x337: {  	v0 =	vmul.f32 $4.999999890e-03, v0  }
0x338: {  	s20 =	sadd.s32 $0x1, s20;
	v1 =	vmul.f32 $4.999999890e-03, v1  }
0x339: {  	s6 =	sshll.u32 s21, $0x2;
	s24 =	rddreg [dreg:$0x1];
	p0 =	sne.s32 s20, $0x20;
	[tilespmem:$0x19D60] =	vst v0  }
.Ltmp16:
0x33a: {  	s6 =	sadd.s32 s24, s6;
	[tilespmem:$0x19D70] =	vst v1;
	(pc) =	sbr.rel @p0 .LBB2_2-.Ltmp16, $4  }
0x33b: {  	[hbm4b:s6+s3] =	stream.linear.scatter [tilespmem:s18], [sflag:$0x3], $0x100, $0x38;
	[tilespmem:$0x19D80] =	vst v63  }
0x33c: {  	_ =	swait.ge [sflag:s11], $0x100  }
0x33d: {  	[sflag:s11] =	ssyncset.done $0x0  }
0x33e: {  	[sflag:s11] =	ssyncadd.s32 $0xFFFFFF00  }
0x33f: {  	s20 =	rddreg [dreg:$0x5]  }
0x340: {  	s6 =	rddreg [dreg:$0x4];
	s20 =	sadd.s32 $0x1, s20  }
0x341: {  	p0 =	sne.s32 s20, s6  }
.Ltmp17:
0x342: {  	_ = 	snop;
	(pc) =	sbr.rel @p0 .LBB2_1-.Ltmp17, $1  }
0x343: {  	_ =	sdelay $0x3  }
0x344: {  	_ =	sfence.sel $0x180000  }
0x345: {  	[bflag:$0x0] =	sbarrier.arrive $0xFFFF  }
0x346: {  	_ =	strace $0x90000047  }
0x347: {  	s0 =	stileid.u32;
	[bflag:$0x2] =	sbarrier.arrive $0xFFFF  }
0x348: {  	p0 =	sne.s32 s0, $0x0;
	s0 =	rddreg [dreg:$0x2]  }
0x349: {  	s0 =	sadd.s32 @!p0 $0x100000, s0  }
0x34a: {  	[sflag:s0] =	ssyncadd.tile.s32 @!p0 $0x1;
	_ =	shalt  }
.Lfunc_end2:
_tile_overlayer_lowered:
.L_overlay_start_2:
0x34b: {  	(tag) =	ssettag $0x2  }
0x34c: {  	s0 =	rddreg [dreg:$0x0];
	s2 =	stileid.u32  }
0x34d: {  	s1 =	rddreg [dreg:$0x1];
	p0 =	sne.s32 s2, $0x0  }
0x34e: {  	s3 =	rddreg [dreg:$0x2];
	[bflag:$0x3] =	sbarrier.arrive $0xFFFF;
	s2 =	simm.s32 @!p0 $0x1C03  }
0x34f: {  	[timem:s3], [sflag:s2] =	dma.local @!p0 [hbm:s0], s1  }
0x350: {  	s0 =	simm.s32 @!p0 $0x3  }
0x351: {  	_ =	swait.ge @!p0 [sflag:s0], s1  }
0x352: {  	s1 =	ssub.s32 @!p0 $0x0, s1;
	[sflag:s0] =	ssyncset.done @!p0 $0x0  }
0x353: {  	[sflag:s0] =	ssyncadd.s32 @!p0 s1  }
0x354: {  	[bflag:$0x3] =	sbarrier.arrive $0xFFFF  }
0x355: {  	_ =	shalt  }

</sc_bundles>
